<compile_context>
chip_gen: v7x
topology: tpu7x:2x2x1
jax: 0.10.2.dev20260603
libtpu: 0.0.44.dev20260713+nightly
codegen_flags: <defaults>
</compile_context>

<pallas_src>
import jax
import jax.numpy as jnp
from jax import lax
from jax.experimental import pallas as pl
from jax.experimental.pallas import tpu as pltpu
from jax.experimental.pallas import tpu_sc as plsc

B, T, D = 32, 2047, 1024
NC, NS = 2, 16
NW = NC * NS
TT = 8
NG = B // 8
SC_ROWS = 2040
NTC = SC_ROWS // TT
NUNITS = NTC * NG
KMAX = (NUNITS + NW - 1) // NW


def _sc_body(cache_t_hbm, order_hbm, out_hbm, ord_v, slab, gsem, osem):
    wid = lax.axis_index("s") * NC + lax.axis_index("c")

    pltpu.sync_copy(order_hbm, ord_v)
    lanes = lax.iota(jnp.int32, 16)
    zero = jnp.zeros((16,), jnp.int32)
    lo = ord_v[pl.ds(0, 16)]
    hi = ord_v[pl.ds(16, 16)]
    srcs = [
        jnp.max(jnp.where(lanes == i, lo, zero)) if i < 16
        else jnp.max(jnp.where(lanes == i - 16, hi, zero))
        for i in range(B)
    ]

    def unit(k, carry):
        u = wid + NW * k
        valid = u < NUNITS
        g = u % NG
        tc = u // NG
        t0 = pl.multiple_of(tc * TT, TT)
        b0 = pl.multiple_of(g * 8, 8)

        conds = [valid & (srcs[i] // 8 == g) for i in range(B)]
        any_hit = conds[0]
        for i in range(1, B):
            any_hit = any_hit | conds[i]

        @pl.when(any_hit)
        def _():
            for tt in range(TT):
                pltpu.make_async_copy(
                    cache_t_hbm.at[t0 + tt, pl.ds(b0, 8)],
                    slab.at[:, tt],
                    gsem,
                ).start()
            for tt in range(TT):
                pltpu.make_async_copy(
                    cache_t_hbm.at[t0 + tt, pl.ds(b0, 8)],
                    slab.at[:, tt],
                    gsem,
                ).wait()
            for i in range(B):
                @pl.when(conds[i])
                def _(i=i):
                    pltpu.make_async_copy(
                        slab.at[srcs[i] % 8],
                        out_hbm.at[i, pl.ds(t0, TT)],
                        osem,
                    ).start()
            for i in range(B):
                @pl.when(conds[i])
                def _(i=i):
                    pltpu.make_async_copy(
                        slab.at[srcs[i] % 8],
                        out_hbm.at[i, pl.ds(t0, TT)],
                        osem,
                    ).wait()

        return carry

    lax.fori_loop(0, KMAX, unit, 0)


def _sc_bulk(cache_t, order):
    mesh = plsc.VectorSubcoreMesh(
        core_axis_name="c", subcore_axis_name="s", num_cores=NC, num_subcores=NS
    )
    return pl.kernel(
        _sc_body,
        out_type=jax.ShapeDtypeStruct((B, T + 1, D), jnp.float32),
        mesh=mesh,
        compiler_params=pltpu.CompilerParams(needs_layout_passes=False),
        scratch_types=[
            pltpu.VMEM((B,), jnp.int32),
            pltpu.VMEM((8, TT, D), jnp.float32),
            pltpu.SemaphoreType.DMA,
            pltpu.SemaphoreType.DMA,
        ],
    )(cache_t, order)


def _tc_tail_body(order_ref, cache_t_ref, s_ref, prev_ref, out_ref):
    del prev_ref
    i = pl.program_id(0)
    src = order_ref[i]
    blk = cache_t_ref[:, pl.ds(src, 1), :]
    out_ref[0, :7] = blk[:7, 0, :]
    out_ref[0, 7:8] = s_ref[0]


def _tc_tail(cache_t, s, order, prev):
    grid_spec = pltpu.PrefetchScalarGridSpec(
        num_scalar_prefetch=1,
        grid=(B,),
        in_specs=[
            pl.BlockSpec((8, B, D), lambda i, ord_ref: (T // 8, 0, 0)),
            pl.BlockSpec((1, 1, D), lambda i, ord_ref: (ord_ref[i], 0, 0)),
            pl.BlockSpec(memory_space=pl.ANY),
        ],
        out_specs=pl.BlockSpec((1, 8, D), lambda i, ord_ref: (i, T // 8, 0)),
    )
    return pl.pallas_call(
        _tc_tail_body,
        grid_spec=grid_spec,
        out_shape=jax.ShapeDtypeStruct((B, T + 1, D), jnp.float32),
        input_output_aliases={3: 0},
    )(order, cache_t, s, prev)


@jax.jit
def kernel(cache, s, order):
    cache_t = jnp.transpose(cache, (1, 0, 2))
    return _tc_tail(cache_t, s, order, _sc_bulk(cache_t, order))

# --- scband reference (transcript-rebuilt; emitter-appended) ---
"""Pipeline reference for scband-dynamic-state-3384434230180 (READ-ONLY COPY).

The authoritative reference and input builder live on the scoring server;
editing this copy changes nothing except your own understanding.
"""

import jax, jax.numpy as jnp
import numpy as np


def setup_inputs(seed: int = 0) -> dict:
    key = jax.random.key(seed)
    k1, k2, k3 = jax.random.split(key, 3)
    cache = jax.random.normal(k1, (32, 2047, 1024), dtype=jnp.float32)
    s = jax.random.normal(k2, (32, 1, 1024), dtype=jnp.float32)
    order = jax.random.randint(k3, (32,), 0, 32, dtype=jnp.int32)
    return {"cache": cache, "s": s, "order": order}


def reference(cache, s, order):
    # DynamicState.full: append current step state s to the cache along time_dim=1
    full = jnp.concatenate([cache, s], axis=1)
    # DynamicState.reorder: gather along dim 0 with broadcasted indices
    # torch.gather with an index expanded over trailing dims along dim 0
    # is equivalent to row-wise take on axis 0
    reordered = jnp.take(full, order, axis=0)
    return reordered

if __name__ == "__main__":
    import jax
    _d = setup_inputs()
    print(jax.jit(kernel)(*tuple(_d.values())))

</pallas_src>

<mosaic_0001>
#map = affine_map<(d0, d1) -> (0, 0, 0)>
#map1 = affine_map<(d0, d1) -> (0)>
module attributes {stable_mosaic.version = 14 : i64} {
  func.func @_sc_body(%arg0: i32, %arg1: i32, %arg2: memref<2047x32x1024xf32, #tpu.memory_space<hbm>>, %arg3: memref<32xi32, #tpu.memory_space<hbm>>, %arg4: memref<32x2048x1024xf32, #tpu.memory_space<hbm>>, %arg5: memref<32xi32, #tpu.memory_space<vmem>>, %arg6: memref<8x8x1024xf32, #tpu.memory_space<vmem>>, %arg7: memref<!tpu.dma_semaphore, #tpu.memory_space<semaphore_mem>>, %arg8: memref<!tpu.dma_semaphore, #tpu.memory_space<semaphore_mem>>) attributes {dimension_semantics = [#tpu.dimension_semantics<core_parallel>, #tpu.dimension_semantics<subcore_parallel>], iteration_bounds = array<i64: 2, 16>, scalar_prefetch = 0 : i64, scratch_operands = 4 : i64, tpu.core_type = #tpu.core_type<sc_vector_subcore>, window_params = [{transform_indices = #map}, {transform_indices = #map1}, {transform_indices = #map}]} {
    %mul3A = arith.constant 2 : i32
    %mul3A_0 = arith.muli %arg1, %mul3A : i32
    %add3A = arith.addi %mul3A_0, %arg0 : i32
    "tpu.region"() ({
      %run_scoped3A = tpu.sem_alloc : memref<!tpu.dma_semaphore, #tpu.memory_space<semaphore_mem>>
      tpu.enqueue_dma source(%arg3 : memref<32xi32, #tpu.memory_space<hbm>>) target(%arg5 : memref<32xi32, #tpu.memory_space<vmem>>) target_semaphore(%run_scoped3A : memref<!tpu.dma_semaphore, #tpu.memory_space<semaphore_mem>>)
      tpu.wait_dma2 semaphore(%run_scoped3A : memref<!tpu.dma_semaphore, #tpu.memory_space<semaphore_mem>>) src(%arg3 : memref<32xi32, #tpu.memory_space<hbm>>) dst(%arg5 : memref<32xi32, #tpu.memory_space<vmem>>)
      tpu.yield
    }) : () -> ()
    %iota3A = tpu.iota {dimensions = array<i32: 0>} : vector<16xi32>
    %broadcast_in_dim3A = arith.constant 0 : i32
    %broadcast_in_dim3A_1 = vector.broadcast %broadcast_in_dim3A : i32 to vector<16xi32>
    %get3A = arith.constant 0 : index
    %get3A_2 = tpu.vector_load %arg5[%get3A] {strides = array<i32>} : memref<32xi32, #tpu.memory_space<vmem>>, vector<16xi32>,
    %get3A_3 = arith.constant 16 : index
    %get3A_4 = tpu.vector_load %arg5[%get3A_3] {strides = array<i32>} : memref<32xi32, #tpu.memory_space<vmem>>, vector<16xi32>,
    %eq3A = arith.constant 0 : i32
    %eq3A_5 = vector.broadcast %eq3A : i32 to vector<16xi32>
    %eq3A_6 = arith.cmpi eq, %iota3A, %eq3A_5 : vector<16xi32>
    %select_n3A = arith.select %eq3A_6, %get3A_2, %broadcast_in_dim3A_1 : vector<16xi1>, vector<16xi32>
    %reduce_max3A = arith.constant true
    %reduce_max3A_7 = vector.broadcast %reduce_max3A : i1 to vector<16xi1>
    %reduce_max3A_8 = arith.constant -2147483648 : i32
    %reduce_max3A_9 = vector.broadcast %reduce_max3A_8 : i32 to vector<16xi32>
    %reduce_max3A_10 = arith.xori %select_n3A, %reduce_max3A_9 : vector<16xi32>
    %reduce_max3A_11 = tpu.scan <max>, %reduce_max3A_10 masked %reduce_max3A_7 : vector<16xi32>, vector<16xi1> -> vector<16xi32>
    %reduce_max3A_12 = arith.xori %reduce_max3A_11, %reduce_max3A_9 : vector<16xi32>
    %reduce_max3A_13 = vector.extract %reduce_max3A_12[15] : i32 from vector<16xi32>
    %eq3A_14 = arith.constant 1 : i32
    %eq3A_15 = vector.broadcast %eq3A_14 : i32 to vector<16xi32>
    %eq3A_16 = arith.cmpi eq, %iota3A, %eq3A_15 : vector<16xi32>
    %select_n3A_17 = arith.select %eq3A_16, %get3A_2, %broadcast_in_dim3A_1 : vector<16xi1>, vector<16xi32>
    %reduce_max3A_18 = arith.constant true
    %reduce_max3A_19 = vector.broadcast %reduce_max3A_18 : i1 to vector<16xi1>
    %reduce_max3A_20 = arith.constant -2147483648 : i32
    %reduce_max3A_21 = vector.broadcast %reduce_max3A_20 : i32 to vector<16xi32>
    %reduce_max3A_22 = arith.xori %select_n3A_17, %reduce_max3A_21 : vector<16xi32>
    %reduce_max3A_23 = tpu.scan <max>, %reduce_max3A_22 masked %reduce_max3A_19 : vector<16xi32>, vector<16xi1> -> vector<16xi32>
    %reduce_max3A_24 = arith.xori %reduce_max3A_23, %reduce_max3A_21 : vector<16xi32>
    %reduce_max3A_25 = vector.extract %reduce_max3A_24[15] : i32 from vector<16xi32>
    %eq3A_26 = arith.constant 2 : i32
    %eq3A_27 = vector.broadcast %eq3A_26 : i32 to vector<16xi32>
    %eq3A_28 = arith.cmpi eq, %iota3A, %eq3A_27 : vector<16xi32>
    %select_n3A_29 = arith.select %eq3A_28, %get3A_2, %broadcast_in_dim3A_1 : vector<16xi1>, vector<16xi32>
    %reduce_max3A_30 = arith.constant true
    %reduce_max3A_31 = vector.broadcast %reduce_max3A_30 : i1 to vector<16xi1>
    %reduce_max3A_32 = arith.constant -2147483648 : i32
    %reduce_max3A_33 = vector.broadcast %reduce_max3A_32 : i32 to vector<16xi32>
    %reduce_max3A_34 = arith.xori %select_n3A_29, %reduce_max3A_33 : vector<16xi32>
    %reduce_max3A_35 = tpu.scan <max>, %reduce_max3A_34 masked %reduce_max3A_31 : vector<16xi32>, vector<16xi1> -> vector<16xi32>
    %reduce_max3A_36 = arith.xori %reduce_max3A_35, %reduce_max3A_33 : vector<16xi32>
    %reduce_max3A_37 = vector.extract %reduce_max3A_36[15] : i32 from vector<16xi32>
    %eq3A_38 = arith.constant 3 : i32
    %eq3A_39 = vector.broadcast %eq3A_38 : i32 to vector<16xi32>
    %eq3A_40 = arith.cmpi eq, %iota3A, %eq3A_39 : vector<16xi32>
    %select_n3A_41 = arith.select %eq3A_40, %get3A_2, %broadcast_in_dim3A_1 : vector<16xi1>, vector<16xi32>
    %reduce_max3A_42 = arith.constant true
    %reduce_max3A_43 = vector.broadcast %reduce_max3A_42 : i1 to vector<16xi1>
    %reduce_max3A_44 = arith.constant -2147483648 : i32
    %reduce_max3A_45 = vector.broadcast %reduce_max3A_44 : i32 to vector<16xi32>
    %reduce_max3A_46 = arith.xori %select_n3A_41, %reduce_max3A_45 : vector<16xi32>
    %reduce_max3A_47 = tpu.scan <max>, %reduce_max3A_46 masked %reduce_max3A_43 : vector<16xi32>, vector<16xi1> -> vector<16xi32>
    %reduce_max3A_48 = arith.xori %reduce_max3A_47, %reduce_max3A_45 : vector<16xi32>
    %reduce_max3A_49 = vector.extract %reduce_max3A_48[15] : i32 from vector<16xi32>
    %eq3A_50 = arith.constant 4 : i32
    %eq3A_51 = vector.broadcast %eq3A_50 : i32 to vector<16xi32>
    %eq3A_52 = arith.cmpi eq, %iota3A, %eq3A_51 : vector<16xi32>
    %select_n3A_53 = arith.select %eq3A_52, %get3A_2, %broadcast_in_dim3A_1 : vector<16xi1>, vector<16xi32>
    %reduce_max3A_54 = arith.constant true
    %reduce_max3A_55 = vector.broadcast %reduce_max3A_54 : i1 to vector<16xi1>
    %reduce_max3A_56 = arith.constant -2147483648 : i32
    %reduce_max3A_57 = vector.broadcast %reduce_max3A_56 : i32 to vector<16xi32>
    %reduce_max3A_58 = arith.xori %select_n3A_53, %reduce_max3A_57 : vector<16xi32>
    %reduce_max3A_59 = tpu.scan <max>, %reduce_max3A_58 masked %reduce_max3A_55 : vector<16xi32>, vector<16xi1> -> vector<16xi32>
    %reduce_max3A_60 = arith.xori %reduce_max3A_59, %reduce_max3A_57 : vector<16xi32>
    %reduce_max3A_61 = vector.extract %reduce_max3A_60[15] : i32 from vector<16xi32>
    %eq3A_62 = arith.constant 5 : i32
    %eq3A_63 = vector.broadcast %eq3A_62 : i32 to vector<16xi32>
    %eq3A_64 = arith.cmpi eq, %iota3A, %eq3A_63 : vector<16xi32>
    %select_n3A_65 = arith.select %eq3A_64, %get3A_2, %broadcast_in_dim3A_1 : vector<16xi1>, vector<16xi32>
    %reduce_max3A_66 = arith.constant true
    %reduce_max3A_67 = vector.broadcast %reduce_max3A_66 : i1 to vector<16xi1>
    %reduce_max3A_68 = arith.constant -2147483648 : i32
    %reduce_max3A_69 = vector.broadcast %reduce_max3A_68 : i32 to vector<16xi32>
    %reduce_max3A_70 = arith.xori %select_n3A_65, %reduce_max3A_69 : vector<16xi32>
    %reduce_max3A_71 = tpu.scan <max>, %reduce_max3A_70 masked %reduce_max3A_67 : vector<16xi32>, vector<16xi1> -> vector<16xi32>
    %reduce_max3A_72 = arith.xori %reduce_max3A_71, %reduce_max3A_69 : vector<16xi32>
    %reduce_max3A_73 = vector.extract %reduce_max3A_72[15] : i32 from vector<16xi32>
    %eq3A_74 = arith.constant 6 : i32
    %eq3A_75 = vector.broadcast %eq3A_74 : i32 to vector<16xi32>
    %eq3A_76 = arith.cmpi eq, %iota3A, %eq3A_75 : vector<16xi32>
    %select_n3A_77 = arith.select %eq3A_76, %get3A_2, %broadcast_in_dim3A_1 : vector<16xi1>, vector<16xi32>
    %reduce_max3A_78 = arith.constant true
    %reduce_max3A_79 = vector.broadcast %reduce_max3A_78 : i1 to vector<16xi1>
    %reduce_max3A_80 = arith.constant -2147483648 : i32
    %reduce_max3A_81 = vector.broadcast %reduce_max3A_80 : i32 to vector<16xi32>
    %reduce_max3A_82 = arith.xori %select_n3A_77, %reduce_max3A_81 : vector<16xi32>
    %reduce_max3A_83 = tpu.scan <max>, %reduce_max3A_82 masked %reduce_max3A_79 : vector<16xi32>, vector<16xi1> -> vector<16xi32>
    %reduce_max3A_84 = arith.xori %reduce_max3A_83, %reduce_max3A_81 : vector<16xi32>
    %reduce_max3A_85 = vector.extract %reduce_max3A_84[15] : i32 from vector<16xi32>
    %eq3A_86 = arith.constant 7 : i32
    %eq3A_87 = vector.broadcast %eq3A_86 : i32 to vector<16xi32>
    %eq3A_88 = arith.cmpi eq, %iota3A, %eq3A_87 : vector<16xi32>
    %select_n3A_89 = arith.select %eq3A_88, %get3A_2, %broadcast_in_dim3A_1 : vector<16xi1>, vector<16xi32>
    %reduce_max3A_90 = arith.constant true
    %reduce_max3A_91 = vector.broadcast %reduce_max3A_90 : i1 to vector<16xi1>
    %reduce_max3A_92 = arith.constant -2147483648 : i32
    %reduce_max3A_93 = vector.broadcast %reduce_max3A_92 : i32 to vector<16xi32>
    %reduce_max3A_94 = arith.xori %select_n3A_89, %reduce_max3A_93 : vector<16xi32>
    %reduce_max3A_95 = tpu.scan <max>, %reduce_max3A_94 masked %reduce_max3A_91 : vector<16xi32>, vector<16xi1> -> vector<16xi32>
    %reduce_max3A_96 = arith.xori %reduce_max3A_95, %reduce_max3A_93 : vector<16xi32>
    %reduce_max3A_97 = vector.extract %reduce_max3A_96[15] : i32 from vector<16xi32>
    %eq3A_98 = arith.constant 8 : i32
    %eq3A_99 = vector.broadcast %eq3A_98 : i32 to vector<16xi32>
    %eq3A_100 = arith.cmpi eq, %iota3A, %eq3A_99 : vector<16xi32>
    %select_n3A_101 = arith.select %eq3A_100, %get3A_2, %broadcast_in_dim3A_1 : vector<16xi1>, vector<16xi32>
    %reduce_max3A_102 = arith.constant true
    %reduce_max3A_103 = vector.broadcast %reduce_max3A_102 : i1 to vector<16xi1>
    %reduce_max3A_104 = arith.constant -2147483648 : i32
    %reduce_max3A_105 = vector.broadcast %reduce_max3A_104 : i32 to vector<16xi32>
    %reduce_max3A_106 = arith.xori %select_n3A_101, %reduce_max3A_105 : vector<16xi32>
    %reduce_max3A_107 = tpu.scan <max>, %reduce_max3A_106 masked %reduce_max3A_103 : vector<16xi32>, vector<16xi1> -> vector<16xi32>
    %reduce_max3A_108 = arith.xori %reduce_max3A_107, %reduce_max3A_105 : vector<16xi32>
    %reduce_max3A_109 = vector.extract %reduce_max3A_108[15] : i32 from vector<16xi32>
    %eq3A_110 = arith.constant 9 : i32
    %eq3A_111 = vector.broadcast %eq3A_110 : i32 to vector<16xi32>
    %eq3A_112 = arith.cmpi eq, %iota3A, %eq3A_111 : vector<16xi32>
    %select_n3A_113 = arith.select %eq3A_112, %get3A_2, %broadcast_in_dim3A_1 : vector<16xi1>, vector<16xi32>
    %reduce_max3A_114 = arith.constant true
    %reduce_max3A_115 = vector.broadcast %reduce_max3A_114 : i1 to vector<16xi1>
    %reduce_max3A_116 = arith.constant -2147483648 : i32
    %reduce_max3A_117 = vector.broadcast %reduce_max3A_116 : i32 to vector<16xi32>
    %reduce_max3A_118 = arith.xori %select_n3A_113, %reduce_max3A_117 : vector<16xi32>
    %reduce_max3A_119 = tpu.scan <max>, %reduce_max3A_118 masked %reduce_max3A_115 : vector<16xi32>, vector<16xi1> -> vector<16xi32>
    %reduce_max3A_120 = arith.xori %reduce_max3A_119, %reduce_max3A_117 : vector<16xi32>
    %reduce_max3A_121 = vector.extract %reduce_max3A_120[15] : i32 from vector<16xi32>
    %eq3A_122 = arith.constant 10 : i32
    %eq3A_123 = vector.broadcast %eq3A_122 : i32 to vector<16xi32>
    %eq3A_124 = arith.cmpi eq, %iota3A, %eq3A_123 : vector<16xi32>
    %select_n3A_125 = arith.select %eq3A_124, %get3A_2, %broadcast_in_dim3A_1 : vector<16xi1>, vector<16xi32>
    %reduce_max3A_126 = arith.constant true
    %reduce_max3A_127 = vector.broadcast %reduce_max3A_126 : i1 to vector<16xi1>
    %reduce_max3A_128 = arith.constant -2147483648 : i32
    %reduce_max3A_129 = vector.broadcast %reduce_max3A_128 : i32 to vector<16xi32>
    %reduce_max3A_130 = arith.xori %select_n3A_125, %reduce_max3A_129 : vector<16xi32>
    %reduce_max3A_131 = tpu.scan <max>, %reduce_max3A_130 masked %reduce_max3A_127 : vector<16xi32>, vector<16xi1> -> vector<16xi32>
    %reduce_max3A_132 = arith.xori %reduce_max3A_131, %reduce_max3A_129 : vector<16xi32>
    %reduce_max3A_133 = vector.extract %reduce_max3A_132[15] : i32 from vector<16xi32>
    %eq3A_134 = arith.constant 11 : i32
    %eq3A_135 = vector.broadcast %eq3A_134 : i32 to vector<16xi32>
    %eq3A_136 = arith.cmpi eq, %iota3A, %eq3A_135 : vector<16xi32>
    %select_n3A_137 = arith.select %eq3A_136, %get3A_2, %broadcast_in_dim3A_1 : vector<16xi1>, vector<16xi32>
    %reduce_max3A_138 = arith.constant true
    %reduce_max3A_139 = vector.broadcast %reduce_max3A_138 : i1 to vector<16xi1>
    %reduce_max3A_140 = arith.constant -2147483648 : i32
    %reduce_max3A_141 = vector.broadcast %reduce_max3A_140 : i32 to vector<16xi32>
    %reduce_max3A_142 = arith.xori %select_n3A_137, %reduce_max3A_141 : vector<16xi32>
    %reduce_max3A_143 = tpu.scan <max>, %reduce_max3A_142 masked %reduce_max3A_139 : vector<16xi32>, vector<16xi1> -> vector<16xi32>
    %reduce_max3A_144 = arith.xori %reduce_max3A_143, %reduce_max3A_141 : vector<16xi32>
    %reduce_max3A_145 = vector.extract %reduce_max3A_144[15] : i32 from vector<16xi32>
    %eq3A_146 = arith.constant 12 : i32
    %eq3A_147 = vector.broadcast %eq3A_146 : i32 to vector<16xi32>
    %eq3A_148 = arith.cmpi eq, %iota3A, %eq3A_147 : vector<16xi32>
    %select_n3A_149 = arith.select %eq3A_148, %get3A_2, %broadcast_in_dim3A_1 : vector<16xi1>, vector<16xi32>
    %reduce_max3A_150 = arith.constant true
    %reduce_max3A_151 = vector.broadcast %reduce_max3A_150 : i1 to vector<16xi1>
    %reduce_max3A_152 = arith.constant -2147483648 : i32
    %reduce_max3A_153 = vector.broadcast %reduce_max3A_152 : i32 to vector<16xi32>
    %reduce_max3A_154 = arith.xori %select_n3A_149, %reduce_max3A_153 : vector<16xi32>
    %reduce_max3A_155 = tpu.scan <max>, %reduce_max3A_154 masked %reduce_max3A_151 : vector<16xi32>, vector<16xi1> -> vector<16xi32>
    %reduce_max3A_156 = arith.xori %reduce_max3A_155, %reduce_max3A_153 : vector<16xi32>
    %reduce_max3A_157 = vector.extract %reduce_max3A_156[15] : i32 from vector<16xi32>
    %eq3A_158 = arith.constant 13 : i32
    %eq3A_159 = vector.broadcast %eq3A_158 : i32 to vector<16xi32>
    %eq3A_160 = arith.cmpi eq, %iota3A, %eq3A_159 : vector<16xi32>
    %select_n3A_161 = arith.select %eq3A_160, %get3A_2, %broadcast_in_dim3A_1 : vector<16xi1>, vector<16xi32>
    %reduce_max3A_162 = arith.constant true
    %reduce_max3A_163 = vector.broadcast %reduce_max3A_162 : i1 to vector<16xi1>
    %reduce_max3A_164 = arith.constant -2147483648 : i32
    %reduce_max3A_165 = vector.broadcast %reduce_max3A_164 : i32 to vector<16xi32>
    %reduce_max3A_166 = arith.xori %select_n3A_161, %reduce_max3A_165 : vector<16xi32>
    %reduce_max3A_167 = tpu.scan <max>, %reduce_max3A_166 masked %reduce_max3A_163 : vector<16xi32>, vector<16xi1> -> vector<16xi32>
    %reduce_max3A_168 = arith.xori %reduce_max3A_167, %reduce_max3A_165 : vector<16xi32>
    %reduce_max3A_169 = vector.extract %reduce_max3A_168[15] : i32 from vector<16xi32>
    %eq3A_170 = arith.constant 14 : i32
    %eq3A_171 = vector.broadcast %eq3A_170 : i32 to vector<16xi32>
    %eq3A_172 = arith.cmpi eq, %iota3A, %eq3A_171 : vector<16xi32>
    %select_n3A_173 = arith.select %eq3A_172, %get3A_2, %broadcast_in_dim3A_1 : vector<16xi1>, vector<16xi32>
    %reduce_max3A_174 = arith.constant true
    %reduce_max3A_175 = vector.broadcast %reduce_max3A_174 : i1 to vector<16xi1>
    %reduce_max3A_176 = arith.constant -2147483648 : i32
    %reduce_max3A_177 = vector.broadcast %reduce_max3A_176 : i32 to vector<16xi32>
    %reduce_max3A_178 = arith.xori %select_n3A_173, %reduce_max3A_177 : vector<16xi32>
    %reduce_max3A_179 = tpu.scan <max>, %reduce_max3A_178 masked %reduce_max3A_175 : vector<16xi32>, vector<16xi1> -> vector<16xi32>
    %reduce_max3A_180 = arith.xori %reduce_max3A_179, %reduce_max3A_177 : vector<16xi32>
    %reduce_max3A_181 = vector.extract %reduce_max3A_180[15] : i32 from vector<16xi32>
    %eq3A_182 = arith.constant 15 : i32
    %eq3A_183 = vector.broadcast %eq3A_182 : i32 to vector<16xi32>
    %eq3A_184 = arith.cmpi eq, %iota3A, %eq3A_183 : vector<16xi32>
    %select_n3A_185 = arith.select %eq3A_184, %get3A_2, %broadcast_in_dim3A_1 : vector<16xi1>, vector<16xi32>
    %reduce_max3A_186 = arith.constant true
    %reduce_max3A_187 = vector.broadcast %reduce_max3A_186 : i1 to vector<16xi1>
    %reduce_max3A_188 = arith.constant -2147483648 : i32
    %reduce_max3A_189 = vector.broadcast %reduce_max3A_188 : i32 to vector<16xi32>
    %reduce_max3A_190 = arith.xori %select_n3A_185, %reduce_max3A_189 : vector<16xi32>
    %reduce_max3A_191 = tpu.scan <max>, %reduce_max3A_190 masked %reduce_max3A_187 : vector<16xi32>, vector<16xi1> -> vector<16xi32>
    %reduce_max3A_192 = arith.xori %reduce_max3A_191, %reduce_max3A_189 : vector<16xi32>
    %reduce_max3A_193 = vector.extract %reduce_max3A_192[15] : i32 from vector<16xi32>
    %eq3A_194 = arith.constant 0 : i32
    %eq3A_195 = vector.broadcast %eq3A_194 : i32 to vector<16xi32>
    %eq3A_196 = arith.cmpi eq, %iota3A, %eq3A_195 : vector<16xi32>
    %select_n3A_197 = arith.select %eq3A_196, %get3A_4, %broadcast_in_dim3A_1 : vector<16xi1>, vector<16xi32>
    %reduce_max3A_198 = arith.constant true
    %reduce_max3A_199 = vector.broadcast %reduce_max3A_198 : i1 to vector<16xi1>
    %reduce_max3A_200 = arith.constant -2147483648 : i32
    %reduce_max3A_201 = vector.broadcast %reduce_max3A_200 : i32 to vector<16xi32>
    %reduce_max3A_202 = arith.xori %select_n3A_197, %reduce_max3A_201 : vector<16xi32>
    %reduce_max3A_203 = tpu.scan <max>, %reduce_max3A_202 masked %reduce_max3A_199 : vector<16xi32>, vector<16xi1> -> vector<16xi32>
    %reduce_max3A_204 = arith.xori %reduce_max3A_203, %reduce_max3A_201 : vector<16xi32>
    %reduce_max3A_205 = vector.extract %reduce_max3A_204[15] : i32 from vector<16xi32>
    %eq3A_206 = arith.constant 1 : i32
    %eq3A_207 = vector.broadcast %eq3A_206 : i32 to vector<16xi32>
    %eq3A_208 = arith.cmpi eq, %iota3A, %eq3A_207 : vector<16xi32>
    %select_n3A_209 = arith.select %eq3A_208, %get3A_4, %broadcast_in_dim3A_1 : vector<16xi1>, vector<16xi32>
    %reduce_max3A_210 = arith.constant true
    %reduce_max3A_211 = vector.broadcast %reduce_max3A_210 : i1 to vector<16xi1>
    %reduce_max3A_212 = arith.constant -2147483648 : i32
    %reduce_max3A_213 = vector.broadcast %reduce_max3A_212 : i32 to vector<16xi32>
    %reduce_max3A_214 = arith.xori %select_n3A_209, %reduce_max3A_213 : vector<16xi32>
    %reduce_max3A_215 = tpu.scan <max>, %reduce_max3A_214 masked %reduce_max3A_211 : vector<16xi32>, vector<16xi1> -> vector<16xi32>
    %reduce_max3A_216 = arith.xori %reduce_max3A_215, %reduce_max3A_213 : vector<16xi32>
    %reduce_max3A_217 = vector.extract %reduce_max3A_216[15] : i32 from vector<16xi32>
    %eq3A_218 = arith.constant 2 : i32
    %eq3A_219 = vector.broadcast %eq3A_218 : i32 to vector<16xi32>
    %eq3A_220 = arith.cmpi eq, %iota3A, %eq3A_219 : vector<16xi32>
    %select_n3A_221 = arith.select %eq3A_220, %get3A_4, %broadcast_in_dim3A_1 : vector<16xi1>, vector<16xi32>
    %reduce_max3A_222 = arith.constant true
    %reduce_max3A_223 = vector.broadcast %reduce_max3A_222 : i1 to vector<16xi1>
    %reduce_max3A_224 = arith.constant -2147483648 : i32
    %reduce_max3A_225 = vector.broadcast %reduce_max3A_224 : i32 to vector<16xi32>
    %reduce_max3A_226 = arith.xori %select_n3A_221, %reduce_max3A_225 : vector<16xi32>
    %reduce_max3A_227 = tpu.scan <max>, %reduce_max3A_226 masked %reduce_max3A_223 : vector<16xi32>, vector<16xi1> -> vector<16xi32>
    %reduce_max3A_228 = arith.xori %reduce_max3A_227, %reduce_max3A_225 : vector<16xi32>
    %reduce_max3A_229 = vector.extract %reduce_max3A_228[15] : i32 from vector<16xi32>
    %eq3A_230 = arith.constant 3 : i32
    %eq3A_231 = vector.broadcast %eq3A_230 : i32 to vector<16xi32>
    %eq3A_232 = arith.cmpi eq, %iota3A, %eq3A_231 : vector<16xi32>
    %select_n3A_233 = arith.select %eq3A_232, %get3A_4, %broadcast_in_dim3A_1 : vector<16xi1>, vector<16xi32>
    %reduce_max3A_234 = arith.constant true
    %reduce_max3A_235 = vector.broadcast %reduce_max3A_234 : i1 to vector<16xi1>
    %reduce_max3A_236 = arith.constant -2147483648 : i32
    %reduce_max3A_237 = vector.broadcast %reduce_max3A_236 : i32 to vector<16xi32>
    %reduce_max3A_238 = arith.xori %select_n3A_233, %reduce_max3A_237 : vector<16xi32>
    %reduce_max3A_239 = tpu.scan <max>, %reduce_max3A_238 masked %reduce_max3A_235 : vector<16xi32>, vector<16xi1> -> vector<16xi32>
    %reduce_max3A_240 = arith.xori %reduce_max3A_239, %reduce_max3A_237 : vector<16xi32>
    %reduce_max3A_241 = vector.extract %reduce_max3A_240[15] : i32 from vector<16xi32>
    %eq3A_242 = arith.constant 4 : i32
    %eq3A_243 = vector.broadcast %eq3A_242 : i32 to vector<16xi32>
    %eq3A_244 = arith.cmpi eq, %iota3A, %eq3A_243 : vector<16xi32>
    %select_n3A_245 = arith.select %eq3A_244, %get3A_4, %broadcast_in_dim3A_1 : vector<16xi1>, vector<16xi32>
    %reduce_max3A_246 = arith.constant true
    %reduce_max3A_247 = vector.broadcast %reduce_max3A_246 : i1 to vector<16xi1>
    %reduce_max3A_248 = arith.constant -2147483648 : i32
    %reduce_max3A_249 = vector.broadcast %reduce_max3A_248 : i32 to vector<16xi32>
    %reduce_max3A_250 = arith.xori %select_n3A_245, %reduce_max3A_249 : vector<16xi32>
    %reduce_max3A_251 = tpu.scan <max>, %reduce_max3A_250 masked %reduce_max3A_247 : vector<16xi32>, vector<16xi1> -> vector<16xi32>
    %reduce_max3A_252 = arith.xori %reduce_max3A_251, %reduce_max3A_249 : vector<16xi32>
    %reduce_max3A_253 = vector.extract %reduce_max3A_252[15] : i32 from vector<16xi32>
    %eq3A_254 = arith.constant 5 : i32
    %eq3A_255 = vector.broadcast %eq3A_254 : i32 to vector<16xi32>
    %eq3A_256 = arith.cmpi eq, %iota3A, %eq3A_255 : vector<16xi32>
    %select_n3A_257 = arith.select %eq3A_256, %get3A_4, %broadcast_in_dim3A_1 : vector<16xi1>, vector<16xi32>
    %reduce_max3A_258 = arith.constant true
    %reduce_max3A_259 = vector.broadcast %reduce_max3A_258 : i1 to vector<16xi1>
    %reduce_max3A_260 = arith.constant -2147483648 : i32
    %reduce_max3A_261 = vector.broadcast %reduce_max3A_260 : i32 to vector<16xi32>
    %reduce_max3A_262 = arith.xori %select_n3A_257, %reduce_max3A_261 : vector<16xi32>
    %reduce_max3A_263 = tpu.scan <max>, %reduce_max3A_262 masked %reduce_max3A_259 : vector<16xi32>, vector<16xi1> -> vector<16xi32>
    %reduce_max3A_264 = arith.xori %reduce_max3A_263, %reduce_max3A_261 : vector<16xi32>
    %reduce_max3A_265 = vector.extract %reduce_max3A_264[15] : i32 from vector<16xi32>
    %eq3A_266 = arith.constant 6 : i32
    %eq3A_267 = vector.broadcast %eq3A_266 : i32 to vector<16xi32>
    %eq3A_268 = arith.cmpi eq, %iota3A, %eq3A_267 : vector<16xi32>
    %select_n3A_269 = arith.select %eq3A_268, %get3A_4, %broadcast_in_dim3A_1 : vector<16xi1>, vector<16xi32>
    %reduce_max3A_270 = arith.constant true
    %reduce_max3A_271 = vector.broadcast %reduce_max3A_270 : i1 to vector<16xi1>
    %reduce_max3A_272 = arith.constant -2147483648 : i32
    %reduce_max3A_273 = vector.broadcast %reduce_max3A_272 : i32 to vector<16xi32>
    %reduce_max3A_274 = arith.xori %select_n3A_269, %reduce_max3A_273 : vector<16xi32>
    %reduce_max3A_275 = tpu.scan <max>, %reduce_max3A_274 masked %reduce_max3A_271 : vector<16xi32>, vector<16xi1> -> vector<16xi32>
    %reduce_max3A_276 = arith.xori %reduce_max3A_275, %reduce_max3A_273 : vector<16xi32>
    %reduce_max3A_277 = vector.extract %reduce_max3A_276[15] : i32 from vector<16xi32>
    %eq3A_278 = arith.constant 7 : i32
    %eq3A_279 = vector.broadcast %eq3A_278 : i32 to vector<16xi32>
    %eq3A_280 = arith.cmpi eq, %iota3A, %eq3A_279 : vector<16xi32>
    %select_n3A_281 = arith.select %eq3A_280, %get3A_4, %broadcast_in_dim3A_1 : vector<16xi1>, vector<16xi32>
    %reduce_max3A_282 = arith.constant true
    %reduce_max3A_283 = vector.broadcast %reduce_max3A_282 : i1 to vector<16xi1>
    %reduce_max3A_284 = arith.constant -2147483648 : i32
    %reduce_max3A_285 = vector.broadcast %reduce_max3A_284 : i32 to vector<16xi32>
    %reduce_max3A_286 = arith.xori %select_n3A_281, %reduce_max3A_285 : vector<16xi32>
    %reduce_max3A_287 = tpu.scan <max>, %reduce_max3A_286 masked %reduce_max3A_283 : vector<16xi32>, vector<16xi1> -> vector<16xi32>
    %reduce_max3A_288 = arith.xori %reduce_max3A_287, %reduce_max3A_285 : vector<16xi32>
    %reduce_max3A_289 = vector.extract %reduce_max3A_288[15] : i32 from vector<16xi32>
    %eq3A_290 = arith.constant 8 : i32
    %eq3A_291 = vector.broadcast %eq3A_290 : i32 to vector<16xi32>
    %eq3A_292 = arith.cmpi eq, %iota3A, %eq3A_291 : vector<16xi32>
    %select_n3A_293 = arith.select %eq3A_292, %get3A_4, %broadcast_in_dim3A_1 : vector<16xi1>, vector<16xi32>
    %reduce_max3A_294 = arith.constant true
    %reduce_max3A_295 = vector.broadcast %reduce_max3A_294 : i1 to vector<16xi1>
    %reduce_max3A_296 = arith.constant -2147483648 : i32
    %reduce_max3A_297 = vector.broadcast %reduce_max3A_296 : i32 to vector<16xi32>
    %reduce_max3A_298 = arith.xori %select_n3A_293, %reduce_max3A_297 : vector<16xi32>
    %reduce_max3A_299 = tpu.scan <max>, %reduce_max3A_298 masked %reduce_max3A_295 : vector<16xi32>, vector<16xi1> -> vector<16xi32>
    %reduce_max3A_300 = arith.xori %reduce_max3A_299, %reduce_max3A_297 : vector<16xi32>
    %reduce_max3A_301 = vector.extract %reduce_max3A_300[15] : i32 from vector<16xi32>
    %eq3A_302 = arith.constant 9 : i32
    %eq3A_303 = vector.broadcast %eq3A_302 : i32 to vector<16xi32>
    %eq3A_304 = arith.cmpi eq, %iota3A, %eq3A_303 : vector<16xi32>
    %select_n3A_305 = arith.select %eq3A_304, %get3A_4, %broadcast_in_dim3A_1 : vector<16xi1>, vector<16xi32>
    %reduce_max3A_306 = arith.constant true
    %reduce_max3A_307 = vector.broadcast %reduce_max3A_306 : i1 to vector<16xi1>
    %reduce_max3A_308 = arith.constant -2147483648 : i32
    %reduce_max3A_309 = vector.broadcast %reduce_max3A_308 : i32 to vector<16xi32>
    %reduce_max3A_310 = arith.xori %select_n3A_305, %reduce_max3A_309 : vector<16xi32>
    %reduce_max3A_311 = tpu.scan <max>, %reduce_max3A_310 masked %reduce_max3A_307 : vector<16xi32>, vector<16xi1> -> vector<16xi32>
    %reduce_max3A_312 = arith.xori %reduce_max3A_311, %reduce_max3A_309 : vector<16xi32>
    %reduce_max3A_313 = vector.extract %reduce_max3A_312[15] : i32 from vector<16xi32>
    %eq3A_314 = arith.constant 10 : i32
    %eq3A_315 = vector.broadcast %eq3A_314 : i32 to vector<16xi32>
    %eq3A_316 = arith.cmpi eq, %iota3A, %eq3A_315 : vector<16xi32>
    %select_n3A_317 = arith.select %eq3A_316, %get3A_4, %broadcast_in_dim3A_1 : vector<16xi1>, vector<16xi32>
    %reduce_max3A_318 = arith.constant true
    %reduce_max3A_319 = vector.broadcast %reduce_max3A_318 : i1 to vector<16xi1>
    %reduce_max3A_320 = arith.constant -2147483648 : i32
    %reduce_max3A_321 = vector.broadcast %reduce_max3A_320 : i32 to vector<16xi32>
    %reduce_max3A_322 = arith.xori %select_n3A_317, %reduce_max3A_321 : vector<16xi32>
    %reduce_max3A_323 = tpu.scan <max>, %reduce_max3A_322 masked %reduce_max3A_319 : vector<16xi32>, vector<16xi1> -> vector<16xi32>
    %reduce_max3A_324 = arith.xori %reduce_max3A_323, %reduce_max3A_321 : vector<16xi32>
    %reduce_max3A_325 = vector.extract %reduce_max3A_324[15] : i32 from vector<16xi32>
    %eq3A_326 = arith.constant 11 : i32
    %eq3A_327 = vector.broadcast %eq3A_326 : i32 to vector<16xi32>
    %eq3A_328 = arith.cmpi eq, %iota3A, %eq3A_327 : vector<16xi32>
    %select_n3A_329 = arith.select %eq3A_328, %get3A_4, %broadcast_in_dim3A_1 : vector<16xi1>, vector<16xi32>
    %reduce_max3A_330 = arith.constant true
    %reduce_max3A_331 = vector.broadcast %reduce_max3A_330 : i1 to vector<16xi1>
    %reduce_max3A_332 = arith.constant -2147483648 : i32
    %reduce_max3A_333 = vector.broadcast %reduce_max3A_332 : i32 to vector<16xi32>
    %reduce_max3A_334 = arith.xori %select_n3A_329, %reduce_max3A_333 : vector<16xi32>
    %reduce_max3A_335 = tpu.scan <max>, %reduce_max3A_334 masked %reduce_max3A_331 : vector<16xi32>, vector<16xi1> -> vector<16xi32>
    %reduce_max3A_336 = arith.xori %reduce_max3A_335, %reduce_max3A_333 : vector<16xi32>
    %reduce_max3A_337 = vector.extract %reduce_max3A_336[15] : i32 from vector<16xi32>
    %eq3A_338 = arith.constant 12 : i32
    %eq3A_339 = vector.broadcast %eq3A_338 : i32 to vector<16xi32>
    %eq3A_340 = arith.cmpi eq, %iota3A, %eq3A_339 : vector<16xi32>
    %select_n3A_341 = arith.select %eq3A_340, %get3A_4, %broadcast_in_dim3A_1 : vector<16xi1>, vector<16xi32>
    %reduce_max3A_342 = arith.constant true
    %reduce_max3A_343 = vector.broadcast %reduce_max3A_342 : i1 to vector<16xi1>
    %reduce_max3A_344 = arith.constant -2147483648 : i32
    %reduce_max3A_345 = vector.broadcast %reduce_max3A_344 : i32 to vector<16xi32>
    %reduce_max3A_346 = arith.xori %select_n3A_341, %reduce_max3A_345 : vector<16xi32>
    %reduce_max3A_347 = tpu.scan <max>, %reduce_max3A_346 masked %reduce_max3A_343 : vector<16xi32>, vector<16xi1> -> vector<16xi32>
    %reduce_max3A_348 = arith.xori %reduce_max3A_347, %reduce_max3A_345 : vector<16xi32>
    %reduce_max3A_349 = vector.extract %reduce_max3A_348[15] : i32 from vector<16xi32>
    %eq3A_350 = arith.constant 13 : i32
    %eq3A_351 = vector.broadcast %eq3A_350 : i32 to vector<16xi32>
    %eq3A_352 = arith.cmpi eq, %iota3A, %eq3A_351 : vector<16xi32>
    %select_n3A_353 = arith.select %eq3A_352, %get3A_4, %broadcast_in_dim3A_1 : vector<16xi1>, vector<16xi32>
    %reduce_max3A_354 = arith.constant true
    %reduce_max3A_355 = vector.broadcast %reduce_max3A_354 : i1 to vector<16xi1>
    %reduce_max3A_356 = arith.constant -2147483648 : i32
    %reduce_max3A_357 = vector.broadcast %reduce_max3A_356 : i32 to vector<16xi32>
    %reduce_max3A_358 = arith.xori %select_n3A_353, %reduce_max3A_357 : vector<16xi32>
    %reduce_max3A_359 = tpu.scan <max>, %reduce_max3A_358 masked %reduce_max3A_355 : vector<16xi32>, vector<16xi1> -> vector<16xi32>
    %reduce_max3A_360 = arith.xori %reduce_max3A_359, %reduce_max3A_357 : vector<16xi32>
    %reduce_max3A_361 = vector.extract %reduce_max3A_360[15] : i32 from vector<16xi32>
    %eq3A_362 = arith.constant 14 : i32
    %eq3A_363 = vector.broadcast %eq3A_362 : i32 to vector<16xi32>
    %eq3A_364 = arith.cmpi eq, %iota3A, %eq3A_363 : vector<16xi32>
    %select_n3A_365 = arith.select %eq3A_364, %get3A_4, %broadcast_in_dim3A_1 : vector<16xi1>, vector<16xi32>
    %reduce_max3A_366 = arith.constant true
    %reduce_max3A_367 = vector.broadcast %reduce_max3A_366 : i1 to vector<16xi1>
    %reduce_max3A_368 = arith.constant -2147483648 : i32
    %reduce_max3A_369 = vector.broadcast %reduce_max3A_368 : i32 to vector<16xi32>
    %reduce_max3A_370 = arith.xori %select_n3A_365, %reduce_max3A_369 : vector<16xi32>
    %reduce_max3A_371 = tpu.scan <max>, %reduce_max3A_370 masked %reduce_max3A_367 : vector<16xi32>, vector<16xi1> -> vector<16xi32>
    %reduce_max3A_372 = arith.xori %reduce_max3A_371, %reduce_max3A_369 : vector<16xi32>
    %reduce_max3A_373 = vector.extract %reduce_max3A_372[15] : i32 from vector<16xi32>
    %eq3A_374 = arith.constant 15 : i32
    %eq3A_375 = vector.broadcast %eq3A_374 : i32 to vector<16xi32>
    %eq3A_376 = arith.cmpi eq, %iota3A, %eq3A_375 : vector<16xi32>
    %select_n3A_377 = arith.select %eq3A_376, %get3A_4, %broadcast_in_dim3A_1 : vector<16xi1>, vector<16xi32>
    %reduce_max3A_378 = arith.constant true
    %reduce_max3A_379 = vector.broadcast %reduce_max3A_378 : i1 to vector<16xi1>
    %reduce_max3A_380 = arith.constant -2147483648 : i32
    %reduce_max3A_381 = vector.broadcast %reduce_max3A_380 : i32 to vector<16xi32>
    %reduce_max3A_382 = arith.xori %select_n3A_377, %reduce_max3A_381 : vector<16xi32>
    %reduce_max3A_383 = tpu.scan <max>, %reduce_max3A_382 masked %reduce_max3A_379 : vector<16xi32>, vector<16xi1> -> vector<16xi32>
    %reduce_max3A_384 = arith.xori %reduce_max3A_383, %reduce_max3A_381 : vector<16xi32>
    %reduce_max3A_385 = vector.extract %reduce_max3A_384[15] : i32 from vector<16xi32>
    %scan3A = arith.constant 0 : i32
    %scan3A_386 = arith.constant 0 : i32
    %scan3A_387 = arith.constant 32 : i32
    %scan3A_388 = arith.addi %scan3A_386, %scan3A_387 : i32
    %scan3A_389 = arith.constant 1 : i32
    scf.for %scan3A_391 = %scan3A_386 to %scan3A_388 step %scan3A_389  : i32 {
      %mul3A_392 = arith.constant 32 : i32
      %mul3A_393 = arith.muli %mul3A_392, %scan3A_391 : i32
      %add3A_394 = arith.addi %add3A, %mul3A_393 : i32
      %lt3A = arith.constant 1020 : i32
      %lt3A_395 = arith.cmpi slt, %add3A_394, %lt3A : i32
      %jit3A = arith.constant 4 : i32
      %eq3A_396 = arith.constant 0 : i32
      %eq3A_397 = arith.cmpi eq, %jit3A, %eq3A_396 : i32
      %jit3A_398 = arith.constant 1 : i32
      %select_n3A_399 = arith.select %eq3A_397, %jit3A_398, %jit3A : i32
      %rem3A = arith.remsi %add3A_394, %select_n3A_399 : i32
      %ne3A = arith.constant 0 : i32
      %ne3A_400 = arith.cmpi ne, %rem3A, %ne3A : i32
      %lt3A_401 = arith.constant 0 : i32
      %lt3A_402 = arith.cmpi slt, %rem3A, %lt3A_401 : i32
      %lt3A_403 = arith.constant 0 : i32
      %lt3A_404 = arith.cmpi slt, %select_n3A_399, %lt3A_403 : i32
      %ne3A_405 = arith.xori %lt3A_402, %lt3A_404 : i1
      %and3A = arith.andi %ne3A_405, %ne3A_400 : i1
      %add3A_406 = arith.addi %rem3A, %select_n3A_399 : i32
      %select_n3A_407 = arith.select %and3A, %add3A_406, %rem3A : i32
      %jit3A_408 = arith.constant 4 : i32
      %div3A = arith.divsi %add3A_394, %jit3A_408 : i32
      %sign3A = arith.constant 0 : i32
      %sign3A_409 = arith.cmpi sgt, %add3A_394, %sign3A : i32
      %sign3A_410 = arith.extui %sign3A_409 : i1 to i32
      %sign3A_411 = arith.constant 0 : i32
      %sign3A_412 = arith.cmpi slt, %add3A_394, %sign3A_411 : i32
      %sign3A_413 = arith.extui %sign3A_412 : i1 to i32
      %sign3A_414 = arith.subi %sign3A_410, %sign3A_413 : i32
      %sign3A_415 = arith.constant 0 : i32
      %sign3A_416 = arith.cmpi sgt, %jit3A_408, %sign3A_415 : i32
      %sign3A_417 = arith.extui %sign3A_416 : i1 to i32
      %sign3A_418 = arith.constant 0 : i32
      %sign3A_419 = arith.cmpi slt, %jit3A_408, %sign3A_418 : i32
      %sign3A_420 = arith.extui %sign3A_419 : i1 to i32
      %sign3A_421 = arith.subi %sign3A_417, %sign3A_420 : i32
      %ne3A_422 = arith.cmpi ne, %sign3A_414, %sign3A_421 : i32
      %rem3A_423 = arith.remsi %add3A_394, %jit3A_408 : i32
      %ne3A_424 = arith.constant 0 : i32
      %ne3A_425 = arith.cmpi ne, %rem3A_423, %ne3A_424 : i32
      %and3A_426 = arith.andi %ne3A_422, %ne3A_425 : i1
      %sub3A = arith.constant 1 : i32
      %sub3A_427 = arith.subi %div3A, %sub3A : i32
      %select_n3A_428 = arith.select %and3A_426, %sub3A_427, %div3A : i32
      %mul3A_429 = arith.constant 8 : i32
      %mul3A_430 = arith.muli %select_n3A_428, %mul3A_429 : i32
      %multiple_of3A = tpu.assume_multiple %mul3A_430, 8 : i32
      %mul3A_431 = arith.constant 8 : i32
      %mul3A_432 = arith.muli %select_n3A_407, %mul3A_431 : i32
      %multiple_of3A_433 = tpu.assume_multiple %mul3A_432, 8 : i32
      %jit3A_434 = arith.constant 8 : i32
      %div3A_435 = arith.divsi %reduce_max3A_13, %jit3A_434 : i32
      %sign3A_436 = arith.constant 0 : i32
      %sign3A_437 = arith.cmpi sgt, %reduce_max3A_13, %sign3A_436 : i32
      %sign3A_438 = arith.extui %sign3A_437 : i1 to i32
      %sign3A_439 = arith.constant 0 : i32
      %sign3A_440 = arith.cmpi slt, %reduce_max3A_13, %sign3A_439 : i32
      %sign3A_441 = arith.extui %sign3A_440 : i1 to i32
      %sign3A_442 = arith.subi %sign3A_438, %sign3A_441 : i32
      %sign3A_443 = arith.constant 0 : i32
      %sign3A_444 = arith.cmpi sgt, %jit3A_434, %sign3A_443 : i32
      %sign3A_445 = arith.extui %sign3A_444 : i1 to i32
      %sign3A_446 = arith.constant 0 : i32
      %sign3A_447 = arith.cmpi slt, %jit3A_434, %sign3A_446 : i32
      %sign3A_448 = arith.extui %sign3A_447 : i1 to i32
      %sign3A_449 = arith.subi %sign3A_445, %sign3A_448 : i32
      %ne3A_450 = arith.cmpi ne, %sign3A_442, %sign3A_449 : i32
      %rem3A_451 = arith.remsi %reduce_max3A_13, %jit3A_434 : i32
      %ne3A_452 = arith.constant 0 : i32
      %ne3A_453 = arith.cmpi ne, %rem3A_451, %ne3A_452 : i32
      %and3A_454 = arith.andi %ne3A_450, %ne3A_453 : i1
      %sub3A_455 = arith.constant 1 : i32
      %sub3A_456 = arith.subi %div3A_435, %sub3A_455 : i32
      %select_n3A_457 = arith.select %and3A_454, %sub3A_456, %div3A_435 : i32
      %eq3A_458 = arith.cmpi eq, %select_n3A_457, %select_n3A_407 : i32
      %and3A_459 = arith.andi %lt3A_395, %eq3A_458 : i1
      %jit3A_460 = arith.constant 8 : i32
      %div3A_461 = arith.divsi %reduce_max3A_25, %jit3A_460 : i32
      %sign3A_462 = arith.constant 0 : i32
      %sign3A_463 = arith.cmpi sgt, %reduce_max3A_25, %sign3A_462 : i32
      %sign3A_464 = arith.extui %sign3A_463 : i1 to i32
      %sign3A_465 = arith.constant 0 : i32
      %sign3A_466 = arith.cmpi slt, %reduce_max3A_25, %sign3A_465 : i32
      %sign3A_467 = arith.extui %sign3A_466 : i1 to i32
      %sign3A_468 = arith.subi %sign3A_464, %sign3A_467 : i32
      %sign3A_469 = arith.constant 0 : i32
      %sign3A_470 = arith.cmpi sgt, %jit3A_460, %sign3A_469 : i32
      %sign3A_471 = arith.extui %sign3A_470 : i1 to i32
      %sign3A_472 = arith.constant 0 : i32
      %sign3A_473 = arith.cmpi slt, %jit3A_460, %sign3A_472 : i32
      %sign3A_474 = arith.extui %sign3A_473 : i1 to i32
      %sign3A_475 = arith.subi %sign3A_471, %sign3A_474 : i32
      %ne3A_476 = arith.cmpi ne, %sign3A_468, %sign3A_475 : i32
      %rem3A_477 = arith.remsi %reduce_max3A_25, %jit3A_460 : i32
      %ne3A_478 = arith.constant 0 : i32
      %ne3A_479 = arith.cmpi ne, %rem3A_477, %ne3A_478 : i32
      %and3A_480 = arith.andi %ne3A_476, %ne3A_479 : i1
      %sub3A_481 = arith.constant 1 : i32
      %sub3A_482 = arith.subi %div3A_461, %sub3A_481 : i32
      %select_n3A_483 = arith.select %and3A_480, %sub3A_482, %div3A_461 : i32
      %eq3A_484 = arith.cmpi eq, %select_n3A_483, %select_n3A_407 : i32
      %and3A_485 = arith.andi %lt3A_395, %eq3A_484 : i1
      %jit3A_486 = arith.constant 8 : i32
      %div3A_487 = arith.divsi %reduce_max3A_37, %jit3A_486 : i32
      %sign3A_488 = arith.constant 0 : i32
      %sign3A_489 = arith.cmpi sgt, %reduce_max3A_37, %sign3A_488 : i32
      %sign3A_490 = arith.extui %sign3A_489 : i1 to i32
      %sign3A_491 = arith.constant 0 : i32
      %sign3A_492 = arith.cmpi slt, %reduce_max3A_37, %sign3A_491 : i32
      %sign3A_493 = arith.extui %sign3A_492 : i1 to i32
      %sign3A_494 = arith.subi %sign3A_490, %sign3A_493 : i32
      %sign3A_495 = arith.constant 0 : i32
      %sign3A_496 = arith.cmpi sgt, %jit3A_486, %sign3A_495 : i32
      %sign3A_497 = arith.extui %sign3A_496 : i1 to i32
      %sign3A_498 = arith.constant 0 : i32
      %sign3A_499 = arith.cmpi slt, %jit3A_486, %sign3A_498 : i32
      %sign3A_500 = arith.extui %sign3A_499 : i1 to i32
      %sign3A_501 = arith.subi %sign3A_497, %sign3A_500 : i32
      %ne3A_502 = arith.cmpi ne, %sign3A_494, %sign3A_501 : i32
      %rem3A_503 = arith.remsi %reduce_max3A_37, %jit3A_486 : i32
      %ne3A_504 = arith.constant 0 : i32
      %ne3A_505 = arith.cmpi ne, %rem3A_503, %ne3A_504 : i32
      %and3A_506 = arith.andi %ne3A_502, %ne3A_505 : i1
      %sub3A_507 = arith.constant 1 : i32
      %sub3A_508 = arith.subi %div3A_487, %sub3A_507 : i32
      %select_n3A_509 = arith.select %and3A_506, %sub3A_508, %div3A_487 : i32
      %eq3A_510 = arith.cmpi eq, %select_n3A_509, %select_n3A_407 : i32
      %and3A_511 = arith.andi %lt3A_395, %eq3A_510 : i1
      %jit3A_512 = arith.constant 8 : i32
      %div3A_513 = arith.divsi %reduce_max3A_49, %jit3A_512 : i32
      %sign3A_514 = arith.constant 0 : i32
      %sign3A_515 = arith.cmpi sgt, %reduce_max3A_49, %sign3A_514 : i32
      %sign3A_516 = arith.extui %sign3A_515 : i1 to i32
      %sign3A_517 = arith.constant 0 : i32
      %sign3A_518 = arith.cmpi slt, %reduce_max3A_49, %sign3A_517 : i32
      %sign3A_519 = arith.extui %sign3A_518 : i1 to i32
      %sign3A_520 = arith.subi %sign3A_516, %sign3A_519 : i32
      %sign3A_521 = arith.constant 0 : i32
      %sign3A_522 = arith.cmpi sgt, %jit3A_512, %sign3A_521 : i32
      %sign3A_523 = arith.extui %sign3A_522 : i1 to i32
      %sign3A_524 = arith.constant 0 : i32
      %sign3A_525 = arith.cmpi slt, %jit3A_512, %sign3A_524 : i32
      %sign3A_526 = arith.extui %sign3A_525 : i1 to i32
      %sign3A_527 = arith.subi %sign3A_523, %sign3A_526 : i32
      %ne3A_528 = arith.cmpi ne, %sign3A_520, %sign3A_527 : i32
      %rem3A_529 = arith.remsi %reduce_max3A_49, %jit3A_512 : i32
      %ne3A_530 = arith.constant 0 : i32
      %ne3A_531 = arith.cmpi ne, %rem3A_529, %ne3A_530 : i32
      %and3A_532 = arith.andi %ne3A_528, %ne3A_531 : i1
      %sub3A_533 = arith.constant 1 : i32
      %sub3A_534 = arith.subi %div3A_513, %sub3A_533 : i32
      %select_n3A_535 = arith.select %and3A_532, %sub3A_534, %div3A_513 : i32
      %eq3A_536 = arith.cmpi eq, %select_n3A_535, %select_n3A_407 : i32
      %and3A_537 = arith.andi %lt3A_395, %eq3A_536 : i1
      %jit3A_538 = arith.constant 8 : i32
      %div3A_539 = arith.divsi %reduce_max3A_61, %jit3A_538 : i32
      %sign3A_540 = arith.constant 0 : i32
      %sign3A_541 = arith.cmpi sgt, %reduce_max3A_61, %sign3A_540 : i32
      %sign3A_542 = arith.extui %sign3A_541 : i1 to i32
      %sign3A_543 = arith.constant 0 : i32
      %sign3A_544 = arith.cmpi slt, %reduce_max3A_61, %sign3A_543 : i32
      %sign3A_545 = arith.extui %sign3A_544 : i1 to i32
      %sign3A_546 = arith.subi %sign3A_542, %sign3A_545 : i32
      %sign3A_547 = arith.constant 0 : i32
      %sign3A_548 = arith.cmpi sgt, %jit3A_538, %sign3A_547 : i32
      %sign3A_549 = arith.extui %sign3A_548 : i1 to i32
      %sign3A_550 = arith.constant 0 : i32
      %sign3A_551 = arith.cmpi slt, %jit3A_538, %sign3A_550 : i32
      %sign3A_552 = arith.extui %sign3A_551 : i1 to i32
      %sign3A_553 = arith.subi %sign3A_549, %sign3A_552 : i32
      %ne3A_554 = arith.cmpi ne, %sign3A_546, %sign3A_553 : i32
      %rem3A_555 = arith.remsi %reduce_max3A_61, %jit3A_538 : i32
      %ne3A_556 = arith.constant 0 : i32
      %ne3A_557 = arith.cmpi ne, %rem3A_555, %ne3A_556 : i32
      %and3A_558 = arith.andi %ne3A_554, %ne3A_557 : i1
      %sub3A_559 = arith.constant 1 : i32
      %sub3A_560 = arith.subi %div3A_539, %sub3A_559 : i32
      %select_n3A_561 = arith.select %and3A_558, %sub3A_560, %div3A_539 : i32
      %eq3A_562 = arith.cmpi eq, %select_n3A_561, %select_n3A_407 : i32
      %and3A_563 = arith.andi %lt3A_395, %eq3A_562 : i1
      %jit3A_564 = arith.constant 8 : i32
      %div3A_565 = arith.divsi %reduce_max3A_73, %jit3A_564 : i32
      %sign3A_566 = arith.constant 0 : i32
      %sign3A_567 = arith.cmpi sgt, %reduce_max3A_73, %sign3A_566 : i32
      %sign3A_568 = arith.extui %sign3A_567 : i1 to i32
      %sign3A_569 = arith.constant 0 : i32
      %sign3A_570 = arith.cmpi slt, %reduce_max3A_73, %sign3A_569 : i32
      %sign3A_571 = arith.extui %sign3A_570 : i1 to i32
      %sign3A_572 = arith.subi %sign3A_568, %sign3A_571 : i32
      %sign3A_573 = arith.constant 0 : i32
      %sign3A_574 = arith.cmpi sgt, %jit3A_564, %sign3A_573 : i32
      %sign3A_575 = arith.extui %sign3A_574 : i1 to i32
      %sign3A_576 = arith.constant 0 : i32
      %sign3A_577 = arith.cmpi slt, %jit3A_564, %sign3A_576 : i32
      %sign3A_578 = arith.extui %sign3A_577 : i1 to i32
      %sign3A_579 = arith.subi %sign3A_575, %sign3A_578 : i32
      %ne3A_580 = arith.cmpi ne, %sign3A_572, %sign3A_579 : i32
      %rem3A_581 = arith.remsi %reduce_max3A_73, %jit3A_564 : i32
      %ne3A_582 = arith.constant 0 : i32
      %ne3A_583 = arith.cmpi ne, %rem3A_581, %ne3A_582 : i32
      %and3A_584 = arith.andi %ne3A_580, %ne3A_583 : i1
      %sub3A_585 = arith.constant 1 : i32
      %sub3A_586 = arith.subi %div3A_565, %sub3A_585 : i32
      %select_n3A_587 = arith.select %and3A_584, %sub3A_586, %div3A_565 : i32
      %eq3A_588 = arith.cmpi eq, %select_n3A_587, %select_n3A_407 : i32
      %and3A_589 = arith.andi %lt3A_395, %eq3A_588 : i1
      %jit3A_590 = arith.constant 8 : i32
      %div3A_591 = arith.divsi %reduce_max3A_85, %jit3A_590 : i32
      %sign3A_592 = arith.constant 0 : i32
      %sign3A_593 = arith.cmpi sgt, %reduce_max3A_85, %sign3A_592 : i32
      %sign3A_594 = arith.extui %sign3A_593 : i1 to i32
      %sign3A_595 = arith.constant 0 : i32
      %sign3A_596 = arith.cmpi slt, %reduce_max3A_85, %sign3A_595 : i32
      %sign3A_597 = arith.extui %sign3A_596 : i1 to i32
      %sign3A_598 = arith.subi %sign3A_594, %sign3A_597 : i32
      %sign3A_599 = arith.constant 0 : i32
      %sign3A_600 = arith.cmpi sgt, %jit3A_590, %sign3A_599 : i32
      %sign3A_601 = arith.extui %sign3A_600 : i1 to i32
      %sign3A_602 = arith.constant 0 : i32
      %sign3A_603 = arith.cmpi slt, %jit3A_590, %sign3A_602 : i32
      %sign3A_604 = arith.extui %sign3A_603 : i1 to i32
      %sign3A_605 = arith.subi %sign3A_601, %sign3A_604 : i32
      %ne3A_606 = arith.cmpi ne, %sign3A_598, %sign3A_605 : i32
      %rem3A_607 = arith.remsi %reduce_max3A_85, %jit3A_590 : i32
      %ne3A_608 = arith.constant 0 : i32
      %ne3A_609 = arith.cmpi ne, %rem3A_607, %ne3A_608 : i32
      %and3A_610 = arith.andi %ne3A_606, %ne3A_609 : i1
      %sub3A_611 = arith.constant 1 : i32
      %sub3A_612 = arith.subi %div3A_591, %sub3A_611 : i32
      %select_n3A_613 = arith.select %and3A_610, %sub3A_612, %div3A_591 : i32
      %eq3A_614 = arith.cmpi eq, %select_n3A_613, %select_n3A_407 : i32
      %and3A_615 = arith.andi %lt3A_395, %eq3A_614 : i1
      %jit3A_616 = arith.constant 8 : i32
      %div3A_617 = arith.divsi %reduce_max3A_97, %jit3A_616 : i32
      %sign3A_618 = arith.constant 0 : i32
      %sign3A_619 = arith.cmpi sgt, %reduce_max3A_97, %sign3A_618 : i32
      %sign3A_620 = arith.extui %sign3A_619 : i1 to i32
      %sign3A_621 = arith.constant 0 : i32
      %sign3A_622 = arith.cmpi slt, %reduce_max3A_97, %sign3A_621 : i32
      %sign3A_623 = arith.extui %sign3A_622 : i1 to i32
      %sign3A_624 = arith.subi %sign3A_620, %sign3A_623 : i32
      %sign3A_625 = arith.constant 0 : i32
      %sign3A_626 = arith.cmpi sgt, %jit3A_616, %sign3A_625 : i32
      %sign3A_627 = arith.extui %sign3A_626 : i1 to i32
      %sign3A_628 = arith.constant 0 : i32
      %sign3A_629 = arith.cmpi slt, %jit3A_616, %sign3A_628 : i32
      %sign3A_630 = arith.extui %sign3A_629 : i1 to i32
      %sign3A_631 = arith.subi %sign3A_627, %sign3A_630 : i32
      %ne3A_632 = arith.cmpi ne, %sign3A_624, %sign3A_631 : i32
      %rem3A_633 = arith.remsi %reduce_max3A_97, %jit3A_616 : i32
      %ne3A_634 = arith.constant 0 : i32
      %ne3A_635 = arith.cmpi ne, %rem3A_633, %ne3A_634 : i32
      %and3A_636 = arith.andi %ne3A_632, %ne3A_635 : i1
      %sub3A_637 = arith.constant 1 : i32
      %sub3A_638 = arith.subi %div3A_617, %sub3A_637 : i32
      %select_n3A_639 = arith.select %and3A_636, %sub3A_638, %div3A_617 : i32
      %eq3A_640 = arith.cmpi eq, %select_n3A_639, %select_n3A_407 : i32
      %and3A_641 = arith.andi %lt3A_395, %eq3A_640 : i1
      %jit3A_642 = arith.constant 8 : i32
      %div3A_643 = arith.divsi %reduce_max3A_109, %jit3A_642 : i32
      %sign3A_644 = arith.constant 0 : i32
      %sign3A_645 = arith.cmpi sgt, %reduce_max3A_109, %sign3A_644 : i32
      %sign3A_646 = arith.extui %sign3A_645 : i1 to i32
      %sign3A_647 = arith.constant 0 : i32
      %sign3A_648 = arith.cmpi slt, %reduce_max3A_109, %sign3A_647 : i32
      %sign3A_649 = arith.extui %sign3A_648 : i1 to i32
      %sign3A_650 = arith.subi %sign3A_646, %sign3A_649 : i32
      %sign3A_651 = arith.constant 0 : i32
      %sign3A_652 = arith.cmpi sgt, %jit3A_642, %sign3A_651 : i32
      %sign3A_653 = arith.extui %sign3A_652 : i1 to i32
      %sign3A_654 = arith.constant 0 : i32
      %sign3A_655 = arith.cmpi slt, %jit3A_642, %sign3A_654 : i32
      %sign3A_656 = arith.extui %sign3A_655 : i1 to i32
      %sign3A_657 = arith.subi %sign3A_653, %sign3A_656 : i32
      %ne3A_658 = arith.cmpi ne, %sign3A_650, %sign3A_657 : i32
      %rem3A_659 = arith.remsi %reduce_max3A_109, %jit3A_642 : i32
      %ne3A_660 = arith.constant 0 : i32
      %ne3A_661 = arith.cmpi ne, %rem3A_659, %ne3A_660 : i32
      %and3A_662 = arith.andi %ne3A_658, %ne3A_661 : i1
      %sub3A_663 = arith.constant 1 : i32
      %sub3A_664 = arith.subi %div3A_643, %sub3A_663 : i32
      %select_n3A_665 = arith.select %and3A_662, %sub3A_664, %div3A_643 : i32
      %eq3A_666 = arith.cmpi eq, %select_n3A_665, %select_n3A_407 : i32
      %and3A_667 = arith.andi %lt3A_395, %eq3A_666 : i1
      %jit3A_668 = arith.constant 8 : i32
      %div3A_669 = arith.divsi %reduce_max3A_121, %jit3A_668 : i32
      %sign3A_670 = arith.constant 0 : i32
      %sign3A_671 = arith.cmpi sgt, %reduce_max3A_121, %sign3A_670 : i32
      %sign3A_672 = arith.extui %sign3A_671 : i1 to i32
      %sign3A_673 = arith.constant 0 : i32
      %sign3A_674 = arith.cmpi slt, %reduce_max3A_121, %sign3A_673 : i32
      %sign3A_675 = arith.extui %sign3A_674 : i1 to i32
      %sign3A_676 = arith.subi %sign3A_672, %sign3A_675 : i32
      %sign3A_677 = arith.constant 0 : i32
      %sign3A_678 = arith.cmpi sgt, %jit3A_668, %sign3A_677 : i32
      %sign3A_679 = arith.extui %sign3A_678 : i1 to i32
      %sign3A_680 = arith.constant 0 : i32
      %sign3A_681 = arith.cmpi slt, %jit3A_668, %sign3A_680 : i32
      %sign3A_682 = arith.extui %sign3A_681 : i1 to i32
      %sign3A_683 = arith.subi %sign3A_679, %sign3A_682 : i32
      %ne3A_684 = arith.cmpi ne, %sign3A_676, %sign3A_683 : i32
      %rem3A_685 = arith.remsi %reduce_max3A_121, %jit3A_668 : i32
      %ne3A_686 = arith.constant 0 : i32
      %ne3A_687 = arith.cmpi ne, %rem3A_685, %ne3A_686 : i32
      %and3A_688 = arith.andi %ne3A_684, %ne3A_687 : i1
      %sub3A_689 = arith.constant 1 : i32
      %sub3A_690 = arith.subi %div3A_669, %sub3A_689 : i32
      %select_n3A_691 = arith.select %and3A_688, %sub3A_690, %div3A_669 : i32
      %eq3A_692 = arith.cmpi eq, %select_n3A_691, %select_n3A_407 : i32
      %and3A_693 = arith.andi %lt3A_395, %eq3A_692 : i1
      %jit3A_694 = arith.constant 8 : i32
      %div3A_695 = arith.divsi %reduce_max3A_133, %jit3A_694 : i32
      %sign3A_696 = arith.constant 0 : i32
      %sign3A_697 = arith.cmpi sgt, %reduce_max3A_133, %sign3A_696 : i32
      %sign3A_698 = arith.extui %sign3A_697 : i1 to i32
      %sign3A_699 = arith.constant 0 : i32
      %sign3A_700 = arith.cmpi slt, %reduce_max3A_133, %sign3A_699 : i32
      %sign3A_701 = arith.extui %sign3A_700 : i1 to i32
      %sign3A_702 = arith.subi %sign3A_698, %sign3A_701 : i32
      %sign3A_703 = arith.constant 0 : i32
      %sign3A_704 = arith.cmpi sgt, %jit3A_694, %sign3A_703 : i32
      %sign3A_705 = arith.extui %sign3A_704 : i1 to i32
      %sign3A_706 = arith.constant 0 : i32
      %sign3A_707 = arith.cmpi slt, %jit3A_694, %sign3A_706 : i32
      %sign3A_708 = arith.extui %sign3A_707 : i1 to i32
      %sign3A_709 = arith.subi %sign3A_705, %sign3A_708 : i32
      %ne3A_710 = arith.cmpi ne, %sign3A_702, %sign3A_709 : i32
      %rem3A_711 = arith.remsi %reduce_max3A_133, %jit3A_694 : i32
      %ne3A_712 = arith.constant 0 : i32
      %ne3A_713 = arith.cmpi ne, %rem3A_711, %ne3A_712 : i32
      %and3A_714 = arith.andi %ne3A_710, %ne3A_713 : i1
      %sub3A_715 = arith.constant 1 : i32
      %sub3A_716 = arith.subi %div3A_695, %sub3A_715 : i32
      %select_n3A_717 = arith.select %and3A_714, %sub3A_716, %div3A_695 : i32
      %eq3A_718 = arith.cmpi eq, %select_n3A_717, %select_n3A_407 : i32
      %and3A_719 = arith.andi %lt3A_395, %eq3A_718 : i1
      %jit3A_720 = arith.constant 8 : i32
      %div3A_721 = arith.divsi %reduce_max3A_145, %jit3A_720 : i32
      %sign3A_722 = arith.constant 0 : i32
      %sign3A_723 = arith.cmpi sgt, %reduce_max3A_145, %sign3A_722 : i32
      %sign3A_724 = arith.extui %sign3A_723 : i1 to i32
      %sign3A_725 = arith.constant 0 : i32
      %sign3A_726 = arith.cmpi slt, %reduce_max3A_145, %sign3A_725 : i32
      %sign3A_727 = arith.extui %sign3A_726 : i1 to i32
      %sign3A_728 = arith.subi %sign3A_724, %sign3A_727 : i32
      %sign3A_729 = arith.constant 0 : i32
      %sign3A_730 = arith.cmpi sgt, %jit3A_720, %sign3A_729 : i32
      %sign3A_731 = arith.extui %sign3A_730 : i1 to i32
      %sign3A_732 = arith.constant 0 : i32
      %sign3A_733 = arith.cmpi slt, %jit3A_720, %sign3A_732 : i32
      %sign3A_734 = arith.extui %sign3A_733 : i1 to i32
      %sign3A_735 = arith.subi %sign3A_731, %sign3A_734 : i32
      %ne3A_736 = arith.cmpi ne, %sign3A_728, %sign3A_735 : i32
      %rem3A_737 = arith.remsi %reduce_max3A_145, %jit3A_720 : i32
      %ne3A_738 = arith.constant 0 : i32
      %ne3A_739 = arith.cmpi ne, %rem3A_737, %ne3A_738 : i32
      %and3A_740 = arith.andi %ne3A_736, %ne3A_739 : i1
      %sub3A_741 = arith.constant 1 : i32
      %sub3A_742 = arith.subi %div3A_721, %sub3A_741 : i32
      %select_n3A_743 = arith.select %and3A_740, %sub3A_742, %div3A_721 : i32
      %eq3A_744 = arith.cmpi eq, %select_n3A_743, %select_n3A_407 : i32
      %and3A_745 = arith.andi %lt3A_395, %eq3A_744 : i1
      %jit3A_746 = arith.constant 8 : i32
      %div3A_747 = arith.divsi %reduce_max3A_157, %jit3A_746 : i32
      %sign3A_748 = arith.constant 0 : i32
      %sign3A_749 = arith.cmpi sgt, %reduce_max3A_157, %sign3A_748 : i32
      %sign3A_750 = arith.extui %sign3A_749 : i1 to i32
      %sign3A_751 = arith.constant 0 : i32
      %sign3A_752 = arith.cmpi slt, %reduce_max3A_157, %sign3A_751 : i32
      %sign3A_753 = arith.extui %sign3A_752 : i1 to i32
      %sign3A_754 = arith.subi %sign3A_750, %sign3A_753 : i32
      %sign3A_755 = arith.constant 0 : i32
      %sign3A_756 = arith.cmpi sgt, %jit3A_746, %sign3A_755 : i32
      %sign3A_757 = arith.extui %sign3A_756 : i1 to i32
      %sign3A_758 = arith.constant 0 : i32
      %sign3A_759 = arith.cmpi slt, %jit3A_746, %sign3A_758 : i32
      %sign3A_760 = arith.extui %sign3A_759 : i1 to i32
      %sign3A_761 = arith.subi %sign3A_757, %sign3A_760 : i32
      %ne3A_762 = arith.cmpi ne, %sign3A_754, %sign3A_761 : i32
      %rem3A_763 = arith.remsi %reduce_max3A_157, %jit3A_746 : i32
      %ne3A_764 = arith.constant 0 : i32
      %ne3A_765 = arith.cmpi ne, %rem3A_763, %ne3A_764 : i32
      %and3A_766 = arith.andi %ne3A_762, %ne3A_765 : i1
      %sub3A_767 = arith.constant 1 : i32
      %sub3A_768 = arith.subi %div3A_747, %sub3A_767 : i32
      %select_n3A_769 = arith.select %and3A_766, %sub3A_768, %div3A_747 : i32
      %eq3A_770 = arith.cmpi eq, %select_n3A_769, %select_n3A_407 : i32
      %and3A_771 = arith.andi %lt3A_395, %eq3A_770 : i1
      %jit3A_772 = arith.constant 8 : i32
      %div3A_773 = arith.divsi %reduce_max3A_169, %jit3A_772 : i32
      %sign3A_774 = arith.constant 0 : i32
      %sign3A_775 = arith.cmpi sgt, %reduce_max3A_169, %sign3A_774 : i32
      %sign3A_776 = arith.extui %sign3A_775 : i1 to i32
      %sign3A_777 = arith.constant 0 : i32
      %sign3A_778 = arith.cmpi slt, %reduce_max3A_169, %sign3A_777 : i32
      %sign3A_779 = arith.extui %sign3A_778 : i1 to i32
      %sign3A_780 = arith.subi %sign3A_776, %sign3A_779 : i32
      %sign3A_781 = arith.constant 0 : i32
      %sign3A_782 = arith.cmpi sgt, %jit3A_772, %sign3A_781 : i32
      %sign3A_783 = arith.extui %sign3A_782 : i1 to i32
      %sign3A_784 = arith.constant 0 : i32
      %sign3A_785 = arith.cmpi slt, %jit3A_772, %sign3A_784 : i32
      %sign3A_786 = arith.extui %sign3A_785 : i1 to i32
      %sign3A_787 = arith.subi %sign3A_783, %sign3A_786 : i32
      %ne3A_788 = arith.cmpi ne, %sign3A_780, %sign3A_787 : i32
      %rem3A_789 = arith.remsi %reduce_max3A_169, %jit3A_772 : i32
      %ne3A_790 = arith.constant 0 : i32
      %ne3A_791 = arith.cmpi ne, %rem3A_789, %ne3A_790 : i32
      %and3A_792 = arith.andi %ne3A_788, %ne3A_791 : i1
      %sub3A_793 = arith.constant 1 : i32
      %sub3A_794 = arith.subi %div3A_773, %sub3A_793 : i32
      %select_n3A_795 = arith.select %and3A_792, %sub3A_794, %div3A_773 : i32
      %eq3A_796 = arith.cmpi eq, %select_n3A_795, %select_n3A_407 : i32
      %and3A_797 = arith.andi %lt3A_395, %eq3A_796 : i1
      %jit3A_798 = arith.constant 8 : i32
      %div3A_799 = arith.divsi %reduce_max3A_181, %jit3A_798 : i32
      %sign3A_800 = arith.constant 0 : i32
      %sign3A_801 = arith.cmpi sgt, %reduce_max3A_181, %sign3A_800 : i32
      %sign3A_802 = arith.extui %sign3A_801 : i1 to i32
      %sign3A_803 = arith.constant 0 : i32
      %sign3A_804 = arith.cmpi slt, %reduce_max3A_181, %sign3A_803 : i32
      %sign3A_805 = arith.extui %sign3A_804 : i1 to i32
      %sign3A_806 = arith.subi %sign3A_802, %sign3A_805 : i32
      %sign3A_807 = arith.constant 0 : i32
      %sign3A_808 = arith.cmpi sgt, %jit3A_798, %sign3A_807 : i32
      %sign3A_809 = arith.extui %sign3A_808 : i1 to i32
      %sign3A_810 = arith.constant 0 : i32
      %sign3A_811 = arith.cmpi slt, %jit3A_798, %sign3A_810 : i32
      %sign3A_812 = arith.extui %sign3A_811 : i1 to i32
      %sign3A_813 = arith.subi %sign3A_809, %sign3A_812 : i32
      %ne3A_814 = arith.cmpi ne, %sign3A_806, %sign3A_813 : i32
      %rem3A_815 = arith.remsi %reduce_max3A_181, %jit3A_798 : i32
      %ne3A_816 = arith.constant 0 : i32
      %ne3A_817 = arith.cmpi ne, %rem3A_815, %ne3A_816 : i32
      %and3A_818 = arith.andi %ne3A_814, %ne3A_817 : i1
      %sub3A_819 = arith.constant 1 : i32
      %sub3A_820 = arith.subi %div3A_799, %sub3A_819 : i32
      %select_n3A_821 = arith.select %and3A_818, %sub3A_820, %div3A_799 : i32
      %eq3A_822 = arith.cmpi eq, %select_n3A_821, %select_n3A_407 : i32
      %and3A_823 = arith.andi %lt3A_395, %eq3A_822 : i1
      %jit3A_824 = arith.constant 8 : i32
      %div3A_825 = arith.divsi %reduce_max3A_193, %jit3A_824 : i32
      %sign3A_826 = arith.constant 0 : i32
      %sign3A_827 = arith.cmpi sgt, %reduce_max3A_193, %sign3A_826 : i32
      %sign3A_828 = arith.extui %sign3A_827 : i1 to i32
      %sign3A_829 = arith.constant 0 : i32
      %sign3A_830 = arith.cmpi slt, %reduce_max3A_193, %sign3A_829 : i32
      %sign3A_831 = arith.extui %sign3A_830 : i1 to i32
      %sign3A_832 = arith.subi %sign3A_828, %sign3A_831 : i32
      %sign3A_833 = arith.constant 0 : i32
      %sign3A_834 = arith.cmpi sgt, %jit3A_824, %sign3A_833 : i32
      %sign3A_835 = arith.extui %sign3A_834 : i1 to i32
      %sign3A_836 = arith.constant 0 : i32
      %sign3A_837 = arith.cmpi slt, %jit3A_824, %sign3A_836 : i32
      %sign3A_838 = arith.extui %sign3A_837 : i1 to i32
      %sign3A_839 = arith.subi %sign3A_835, %sign3A_838 : i32
      %ne3A_840 = arith.cmpi ne, %sign3A_832, %sign3A_839 : i32
      %rem3A_841 = arith.remsi %reduce_max3A_193, %jit3A_824 : i32
      %ne3A_842 = arith.constant 0 : i32
      %ne3A_843 = arith.cmpi ne, %rem3A_841, %ne3A_842 : i32
      %and3A_844 = arith.andi %ne3A_840, %ne3A_843 : i1
      %sub3A_845 = arith.constant 1 : i32
      %sub3A_846 = arith.subi %div3A_825, %sub3A_845 : i32
      %select_n3A_847 = arith.select %and3A_844, %sub3A_846, %div3A_825 : i32
      %eq3A_848 = arith.cmpi eq, %select_n3A_847, %select_n3A_407 : i32
      %and3A_849 = arith.andi %lt3A_395, %eq3A_848 : i1
      %jit3A_850 = arith.constant 8 : i32
      %div3A_851 = arith.divsi %reduce_max3A_205, %jit3A_850 : i32
      %sign3A_852 = arith.constant 0 : i32
      %sign3A_853 = arith.cmpi sgt, %reduce_max3A_205, %sign3A_852 : i32
      %sign3A_854 = arith.extui %sign3A_853 : i1 to i32
      %sign3A_855 = arith.constant 0 : i32
      %sign3A_856 = arith.cmpi slt, %reduce_max3A_205, %sign3A_855 : i32
      %sign3A_857 = arith.extui %sign3A_856 : i1 to i32
      %sign3A_858 = arith.subi %sign3A_854, %sign3A_857 : i32
      %sign3A_859 = arith.constant 0 : i32
      %sign3A_860 = arith.cmpi sgt, %jit3A_850, %sign3A_859 : i32
      %sign3A_861 = arith.extui %sign3A_860 : i1 to i32
      %sign3A_862 = arith.constant 0 : i32
      %sign3A_863 = arith.cmpi slt, %jit3A_850, %sign3A_862 : i32
      %sign3A_864 = arith.extui %sign3A_863 : i1 to i32
      %sign3A_865 = arith.subi %sign3A_861, %sign3A_864 : i32
      %ne3A_866 = arith.cmpi ne, %sign3A_858, %sign3A_865 : i32
      %rem3A_867 = arith.remsi %reduce_max3A_205, %jit3A_850 : i32
      %ne3A_868 = arith.constant 0 : i32
      %ne3A_869 = arith.cmpi ne, %rem3A_867, %ne3A_868 : i32
      %and3A_870 = arith.andi %ne3A_866, %ne3A_869 : i1
      %sub3A_871 = arith.constant 1 : i32
      %sub3A_872 = arith.subi %div3A_851, %sub3A_871 : i32
      %select_n3A_873 = arith.select %and3A_870, %sub3A_872, %div3A_851 : i32
      %eq3A_874 = arith.cmpi eq, %select_n3A_873, %select_n3A_407 : i32
      %and3A_875 = arith.andi %lt3A_395, %eq3A_874 : i1
      %jit3A_876 = arith.constant 8 : i32
      %div3A_877 = arith.divsi %reduce_max3A_217, %jit3A_876 : i32
      %sign3A_878 = arith.constant 0 : i32
      %sign3A_879 = arith.cmpi sgt, %reduce_max3A_217, %sign3A_878 : i32
      %sign3A_880 = arith.extui %sign3A_879 : i1 to i32
      %sign3A_881 = arith.constant 0 : i32
      %sign3A_882 = arith.cmpi slt, %reduce_max3A_217, %sign3A_881 : i32
      %sign3A_883 = arith.extui %sign3A_882 : i1 to i32
      %sign3A_884 = arith.subi %sign3A_880, %sign3A_883 : i32
      %sign3A_885 = arith.constant 0 : i32
      %sign3A_886 = arith.cmpi sgt, %jit3A_876, %sign3A_885 : i32
      %sign3A_887 = arith.extui %sign3A_886 : i1 to i32
      %sign3A_888 = arith.constant 0 : i32
      %sign3A_889 = arith.cmpi slt, %jit3A_876, %sign3A_888 : i32
      %sign3A_890 = arith.extui %sign3A_889 : i1 to i32
      %sign3A_891 = arith.subi %sign3A_887, %sign3A_890 : i32
      %ne3A_892 = arith.cmpi ne, %sign3A_884, %sign3A_891 : i32
      %rem3A_893 = arith.remsi %reduce_max3A_217, %jit3A_876 : i32
      %ne3A_894 = arith.constant 0 : i32
      %ne3A_895 = arith.cmpi ne, %rem3A_893, %ne3A_894 : i32
      %and3A_896 = arith.andi %ne3A_892, %ne3A_895 : i1
      %sub3A_897 = arith.constant 1 : i32
      %sub3A_898 = arith.subi %div3A_877, %sub3A_897 : i32
      %select_n3A_899 = arith.select %and3A_896, %sub3A_898, %div3A_877 : i32
      %eq3A_900 = arith.cmpi eq, %select_n3A_899, %select_n3A_407 : i32
      %and3A_901 = arith.andi %lt3A_395, %eq3A_900 : i1
      %jit3A_902 = arith.constant 8 : i32
      %div3A_903 = arith.divsi %reduce_max3A_229, %jit3A_902 : i32
      %sign3A_904 = arith.constant 0 : i32
      %sign3A_905 = arith.cmpi sgt, %reduce_max3A_229, %sign3A_904 : i32
      %sign3A_906 = arith.extui %sign3A_905 : i1 to i32
      %sign3A_907 = arith.constant 0 : i32
      %sign3A_908 = arith.cmpi slt, %reduce_max3A_229, %sign3A_907 : i32
      %sign3A_909 = arith.extui %sign3A_908 : i1 to i32
      %sign3A_910 = arith.subi %sign3A_906, %sign3A_909 : i32
      %sign3A_911 = arith.constant 0 : i32
      %sign3A_912 = arith.cmpi sgt, %jit3A_902, %sign3A_911 : i32
      %sign3A_913 = arith.extui %sign3A_912 : i1 to i32
      %sign3A_914 = arith.constant 0 : i32
      %sign3A_915 = arith.cmpi slt, %jit3A_902, %sign3A_914 : i32
      %sign3A_916 = arith.extui %sign3A_915 : i1 to i32
      %sign3A_917 = arith.subi %sign3A_913, %sign3A_916 : i32
      %ne3A_918 = arith.cmpi ne, %sign3A_910, %sign3A_917 : i32
      %rem3A_919 = arith.remsi %reduce_max3A_229, %jit3A_902 : i32
      %ne3A_920 = arith.constant 0 : i32
      %ne3A_921 = arith.cmpi ne, %rem3A_919, %ne3A_920 : i32
      %and3A_922 = arith.andi %ne3A_918, %ne3A_921 : i1
      %sub3A_923 = arith.constant 1 : i32
      %sub3A_924 = arith.subi %div3A_903, %sub3A_923 : i32
      %select_n3A_925 = arith.select %and3A_922, %sub3A_924, %div3A_903 : i32
      %eq3A_926 = arith.cmpi eq, %select_n3A_925, %select_n3A_407 : i32
      %and3A_927 = arith.andi %lt3A_395, %eq3A_926 : i1
      %jit3A_928 = arith.constant 8 : i32
      %div3A_929 = arith.divsi %reduce_max3A_241, %jit3A_928 : i32
      %sign3A_930 = arith.constant 0 : i32
      %sign3A_931 = arith.cmpi sgt, %reduce_max3A_241, %sign3A_930 : i32
      %sign3A_932 = arith.extui %sign3A_931 : i1 to i32
      %sign3A_933 = arith.constant 0 : i32
      %sign3A_934 = arith.cmpi slt, %reduce_max3A_241, %sign3A_933 : i32
      %sign3A_935 = arith.extui %sign3A_934 : i1 to i32
      %sign3A_936 = arith.subi %sign3A_932, %sign3A_935 : i32
      %sign3A_937 = arith.constant 0 : i32
      %sign3A_938 = arith.cmpi sgt, %jit3A_928, %sign3A_937 : i32
      %sign3A_939 = arith.extui %sign3A_938 : i1 to i32
      %sign3A_940 = arith.constant 0 : i32
      %sign3A_941 = arith.cmpi slt, %jit3A_928, %sign3A_940 : i32
      %sign3A_942 = arith.extui %sign3A_941 : i1 to i32
      %sign3A_943 = arith.subi %sign3A_939, %sign3A_942 : i32
      %ne3A_944 = arith.cmpi ne, %sign3A_936, %sign3A_943 : i32
      %rem3A_945 = arith.remsi %reduce_max3A_241, %jit3A_928 : i32
      %ne3A_946 = arith.constant 0 : i32
      %ne3A_947 = arith.cmpi ne, %rem3A_945, %ne3A_946 : i32
      %and3A_948 = arith.andi %ne3A_944, %ne3A_947 : i1
      %sub3A_949 = arith.constant 1 : i32
      %sub3A_950 = arith.subi %div3A_929, %sub3A_949 : i32
      %select_n3A_951 = arith.select %and3A_948, %sub3A_950, %div3A_929 : i32
      %eq3A_952 = arith.cmpi eq, %select_n3A_951, %select_n3A_407 : i32
      %and3A_953 = arith.andi %lt3A_395, %eq3A_952 : i1
      %jit3A_954 = arith.constant 8 : i32
      %div3A_955 = arith.divsi %reduce_max3A_253, %jit3A_954 : i32
      %sign3A_956 = arith.constant 0 : i32
      %sign3A_957 = arith.cmpi sgt, %reduce_max3A_253, %sign3A_956 : i32
      %sign3A_958 = arith.extui %sign3A_957 : i1 to i32
      %sign3A_959 = arith.constant 0 : i32
      %sign3A_960 = arith.cmpi slt, %reduce_max3A_253, %sign3A_959 : i32
      %sign3A_961 = arith.extui %sign3A_960 : i1 to i32
      %sign3A_962 = arith.subi %sign3A_958, %sign3A_961 : i32
      %sign3A_963 = arith.constant 0 : i32
      %sign3A_964 = arith.cmpi sgt, %jit3A_954, %sign3A_963 : i32
      %sign3A_965 = arith.extui %sign3A_964 : i1 to i32
      %sign3A_966 = arith.constant 0 : i32
      %sign3A_967 = arith.cmpi slt, %jit3A_954, %sign3A_966 : i32
      %sign3A_968 = arith.extui %sign3A_967 : i1 to i32
      %sign3A_969 = arith.subi %sign3A_965, %sign3A_968 : i32
      %ne3A_970 = arith.cmpi ne, %sign3A_962, %sign3A_969 : i32
      %rem3A_971 = arith.remsi %reduce_max3A_253, %jit3A_954 : i32
      %ne3A_972 = arith.constant 0 : i32
      %ne3A_973 = arith.cmpi ne, %rem3A_971, %ne3A_972 : i32
      %and3A_974 = arith.andi %ne3A_970, %ne3A_973 : i1
      %sub3A_975 = arith.constant 1 : i32
      %sub3A_976 = arith.subi %div3A_955, %sub3A_975 : i32
      %select_n3A_977 = arith.select %and3A_974, %sub3A_976, %div3A_955 : i32
      %eq3A_978 = arith.cmpi eq, %select_n3A_977, %select_n3A_407 : i32
      %and3A_979 = arith.andi %lt3A_395, %eq3A_978 : i1
      %jit3A_980 = arith.constant 8 : i32
      %div3A_981 = arith.divsi %reduce_max3A_265, %jit3A_980 : i32
      %sign3A_982 = arith.constant 0 : i32
      %sign3A_983 = arith.cmpi sgt, %reduce_max3A_265, %sign3A_982 : i32
      %sign3A_984 = arith.extui %sign3A_983 : i1 to i32
      %sign3A_985 = arith.constant 0 : i32
      %sign3A_986 = arith.cmpi slt, %reduce_max3A_265, %sign3A_985 : i32
      %sign3A_987 = arith.extui %sign3A_986 : i1 to i32
      %sign3A_988 = arith.subi %sign3A_984, %sign3A_987 : i32
      %sign3A_989 = arith.constant 0 : i32
      %sign3A_990 = arith.cmpi sgt, %jit3A_980, %sign3A_989 : i32
      %sign3A_991 = arith.extui %sign3A_990 : i1 to i32
      %sign3A_992 = arith.constant 0 : i32
      %sign3A_993 = arith.cmpi slt, %jit3A_980, %sign3A_992 : i32
      %sign3A_994 = arith.extui %sign3A_993 : i1 to i32
      %sign3A_995 = arith.subi %sign3A_991, %sign3A_994 : i32
      %ne3A_996 = arith.cmpi ne, %sign3A_988, %sign3A_995 : i32
      %rem3A_997 = arith.remsi %reduce_max3A_265, %jit3A_980 : i32
      %ne3A_998 = arith.constant 0 : i32
      %ne3A_999 = arith.cmpi ne, %rem3A_997, %ne3A_998 : i32
      %and3A_1000 = arith.andi %ne3A_996, %ne3A_999 : i1
      %sub3A_1001 = arith.constant 1 : i32
      %sub3A_1002 = arith.subi %div3A_981, %sub3A_1001 : i32
      %select_n3A_1003 = arith.select %and3A_1000, %sub3A_1002, %div3A_981 : i32
      %eq3A_1004 = arith.cmpi eq, %select_n3A_1003, %select_n3A_407 : i32
      %and3A_1005 = arith.andi %lt3A_395, %eq3A_1004 : i1
      %jit3A_1006 = arith.constant 8 : i32
      %div3A_1007 = arith.divsi %reduce_max3A_277, %jit3A_1006 : i32
      %sign3A_1008 = arith.constant 0 : i32
      %sign3A_1009 = arith.cmpi sgt, %reduce_max3A_277, %sign3A_1008 : i32
      %sign3A_1010 = arith.extui %sign3A_1009 : i1 to i32
      %sign3A_1011 = arith.constant 0 : i32
      %sign3A_1012 = arith.cmpi slt, %reduce_max3A_277, %sign3A_1011 : i32
      %sign3A_1013 = arith.extui %sign3A_1012 : i1 to i32
      %sign3A_1014 = arith.subi %sign3A_1010, %sign3A_1013 : i32
      %sign3A_1015 = arith.constant 0 : i32
      %sign3A_1016 = arith.cmpi sgt, %jit3A_1006, %sign3A_1015 : i32
      %sign3A_1017 = arith.extui %sign3A_1016 : i1 to i32
      %sign3A_1018 = arith.constant 0 : i32
      %sign3A_1019 = arith.cmpi slt, %jit3A_1006, %sign3A_1018 : i32
      %sign3A_1020 = arith.extui %sign3A_1019 : i1 to i32
      %sign3A_1021 = arith.subi %sign3A_1017, %sign3A_1020 : i32
      %ne3A_1022 = arith.cmpi ne, %sign3A_1014, %sign3A_1021 : i32
      %rem3A_1023 = arith.remsi %reduce_max3A_277, %jit3A_1006 : i32
      %ne3A_1024 = arith.constant 0 : i32
      %ne3A_1025 = arith.cmpi ne, %rem3A_1023, %ne3A_1024 : i32
      %and3A_1026 = arith.andi %ne3A_1022, %ne3A_1025 : i1
      %sub3A_1027 = arith.constant 1 : i32
      %sub3A_1028 = arith.subi %div3A_1007, %sub3A_1027 : i32
      %select_n3A_1029 = arith.select %and3A_1026, %sub3A_1028, %div3A_1007 : i32
      %eq3A_1030 = arith.cmpi eq, %select_n3A_1029, %select_n3A_407 : i32
      %and3A_1031 = arith.andi %lt3A_395, %eq3A_1030 : i1
      %jit3A_1032 = arith.constant 8 : i32
      %div3A_1033 = arith.divsi %reduce_max3A_289, %jit3A_1032 : i32
      %sign3A_1034 = arith.constant 0 : i32
      %sign3A_1035 = arith.cmpi sgt, %reduce_max3A_289, %sign3A_1034 : i32
      %sign3A_1036 = arith.extui %sign3A_1035 : i1 to i32
      %sign3A_1037 = arith.constant 0 : i32
      %sign3A_1038 = arith.cmpi slt, %reduce_max3A_289, %sign3A_1037 : i32
      %sign3A_1039 = arith.extui %sign3A_1038 : i1 to i32
      %sign3A_1040 = arith.subi %sign3A_1036, %sign3A_1039 : i32
      %sign3A_1041 = arith.constant 0 : i32
      %sign3A_1042 = arith.cmpi sgt, %jit3A_1032, %sign3A_1041 : i32
      %sign3A_1043 = arith.extui %sign3A_1042 : i1 to i32
      %sign3A_1044 = arith.constant 0 : i32
      %sign3A_1045 = arith.cmpi slt, %jit3A_1032, %sign3A_1044 : i32
      %sign3A_1046 = arith.extui %sign3A_1045 : i1 to i32
      %sign3A_1047 = arith.subi %sign3A_1043, %sign3A_1046 : i32
      %ne3A_1048 = arith.cmpi ne, %sign3A_1040, %sign3A_1047 : i32
      %rem3A_1049 = arith.remsi %reduce_max3A_289, %jit3A_1032 : i32
      %ne3A_1050 = arith.constant 0 : i32
      %ne3A_1051 = arith.cmpi ne, %rem3A_1049, %ne3A_1050 : i32
      %and3A_1052 = arith.andi %ne3A_1048, %ne3A_1051 : i1
      %sub3A_1053 = arith.constant 1 : i32
      %sub3A_1054 = arith.subi %div3A_1033, %sub3A_1053 : i32
      %select_n3A_1055 = arith.select %and3A_1052, %sub3A_1054, %div3A_1033 : i32
      %eq3A_1056 = arith.cmpi eq, %select_n3A_1055, %select_n3A_407 : i32
      %and3A_1057 = arith.andi %lt3A_395, %eq3A_1056 : i1
      %jit3A_1058 = arith.constant 8 : i32
      %div3A_1059 = arith.divsi %reduce_max3A_301, %jit3A_1058 : i32
      %sign3A_1060 = arith.constant 0 : i32
      %sign3A_1061 = arith.cmpi sgt, %reduce_max3A_301, %sign3A_1060 : i32
      %sign3A_1062 = arith.extui %sign3A_1061 : i1 to i32
      %sign3A_1063 = arith.constant 0 : i32
      %sign3A_1064 = arith.cmpi slt, %reduce_max3A_301, %sign3A_1063 : i32
      %sign3A_1065 = arith.extui %sign3A_1064 : i1 to i32
      %sign3A_1066 = arith.subi %sign3A_1062, %sign3A_1065 : i32
      %sign3A_1067 = arith.constant 0 : i32
      %sign3A_1068 = arith.cmpi sgt, %jit3A_1058, %sign3A_1067 : i32
      %sign3A_1069 = arith.extui %sign3A_1068 : i1 to i32
      %sign3A_1070 = arith.constant 0 : i32
      %sign3A_1071 = arith.cmpi slt, %jit3A_1058, %sign3A_1070 : i32
      %sign3A_1072 = arith.extui %sign3A_1071 : i1 to i32
      %sign3A_1073 = arith.subi %sign3A_1069, %sign3A_1072 : i32
      %ne3A_1074 = arith.cmpi ne, %sign3A_1066, %sign3A_1073 : i32
      %rem3A_1075 = arith.remsi %reduce_max3A_301, %jit3A_1058 : i32
      %ne3A_1076 = arith.constant 0 : i32
      %ne3A_1077 = arith.cmpi ne, %rem3A_1075, %ne3A_1076 : i32
      %and3A_1078 = arith.andi %ne3A_1074, %ne3A_1077 : i1
      %sub3A_1079 = arith.constant 1 : i32
      %sub3A_1080 = arith.subi %div3A_1059, %sub3A_1079 : i32
      %select_n3A_1081 = arith.select %and3A_1078, %sub3A_1080, %div3A_1059 : i32
      %eq3A_1082 = arith.cmpi eq, %select_n3A_1081, %select_n3A_407 : i32
      %and3A_1083 = arith.andi %lt3A_395, %eq3A_1082 : i1
      %jit3A_1084 = arith.constant 8 : i32
      %div3A_1085 = arith.divsi %reduce_max3A_313, %jit3A_1084 : i32
      %sign3A_1086 = arith.constant 0 : i32
      %sign3A_1087 = arith.cmpi sgt, %reduce_max3A_313, %sign3A_1086 : i32
      %sign3A_1088 = arith.extui %sign3A_1087 : i1 to i32
      %sign3A_1089 = arith.constant 0 : i32
      %sign3A_1090 = arith.cmpi slt, %reduce_max3A_313, %sign3A_1089 : i32
      %sign3A_1091 = arith.extui %sign3A_1090 : i1 to i32
      %sign3A_1092 = arith.subi %sign3A_1088, %sign3A_1091 : i32
      %sign3A_1093 = arith.constant 0 : i32
      %sign3A_1094 = arith.cmpi sgt, %jit3A_1084, %sign3A_1093 : i32
      %sign3A_1095 = arith.extui %sign3A_1094 : i1 to i32
      %sign3A_1096 = arith.constant 0 : i32
      %sign3A_1097 = arith.cmpi slt, %jit3A_1084, %sign3A_1096 : i32
      %sign3A_1098 = arith.extui %sign3A_1097 : i1 to i32
      %sign3A_1099 = arith.subi %sign3A_1095, %sign3A_1098 : i32
      %ne3A_1100 = arith.cmpi ne, %sign3A_1092, %sign3A_1099 : i32
      %rem3A_1101 = arith.remsi %reduce_max3A_313, %jit3A_1084 : i32
      %ne3A_1102 = arith.constant 0 : i32
      %ne3A_1103 = arith.cmpi ne, %rem3A_1101, %ne3A_1102 : i32
      %and3A_1104 = arith.andi %ne3A_1100, %ne3A_1103 : i1
      %sub3A_1105 = arith.constant 1 : i32
      %sub3A_1106 = arith.subi %div3A_1085, %sub3A_1105 : i32
      %select_n3A_1107 = arith.select %and3A_1104, %sub3A_1106, %div3A_1085 : i32
      %eq3A_1108 = arith.cmpi eq, %select_n3A_1107, %select_n3A_407 : i32
      %and3A_1109 = arith.andi %lt3A_395, %eq3A_1108 : i1
      %jit3A_1110 = arith.constant 8 : i32
      %div3A_1111 = arith.divsi %reduce_max3A_325, %jit3A_1110 : i32
      %sign3A_1112 = arith.constant 0 : i32
      %sign3A_1113 = arith.cmpi sgt, %reduce_max3A_325, %sign3A_1112 : i32
      %sign3A_1114 = arith.extui %sign3A_1113 : i1 to i32
      %sign3A_1115 = arith.constant 0 : i32
      %sign3A_1116 = arith.cmpi slt, %reduce_max3A_325, %sign3A_1115 : i32
      %sign3A_1117 = arith.extui %sign3A_1116 : i1 to i32
      %sign3A_1118 = arith.subi %sign3A_1114, %sign3A_1117 : i32
      %sign3A_1119 = arith.constant 0 : i32
      %sign3A_1120 = arith.cmpi sgt, %jit3A_1110, %sign3A_1119 : i32
      %sign3A_1121 = arith.extui %sign3A_1120 : i1 to i32
      %sign3A_1122 = arith.constant 0 : i32
      %sign3A_1123 = arith.cmpi slt, %jit3A_1110, %sign3A_1122 : i32
      %sign3A_1124 = arith.extui %sign3A_1123 : i1 to i32
      %sign3A_1125 = arith.subi %sign3A_1121, %sign3A_1124 : i32
      %ne3A_1126 = arith.cmpi ne, %sign3A_1118, %sign3A_1125 : i32
      %rem3A_1127 = arith.remsi %reduce_max3A_325, %jit3A_1110 : i32
      %ne3A_1128 = arith.constant 0 : i32
      %ne3A_1129 = arith.cmpi ne, %rem3A_1127, %ne3A_1128 : i32
      %and3A_1130 = arith.andi %ne3A_1126, %ne3A_1129 : i1
      %sub3A_1131 = arith.constant 1 : i32
      %sub3A_1132 = arith.subi %div3A_1111, %sub3A_1131 : i32
      %select_n3A_1133 = arith.select %and3A_1130, %sub3A_1132, %div3A_1111 : i32
      %eq3A_1134 = arith.cmpi eq, %select_n3A_1133, %select_n3A_407 : i32
      %and3A_1135 = arith.andi %lt3A_395, %eq3A_1134 : i1
      %jit3A_1136 = arith.constant 8 : i32
      %div3A_1137 = arith.divsi %reduce_max3A_337, %jit3A_1136 : i32
      %sign3A_1138 = arith.constant 0 : i32
      %sign3A_1139 = arith.cmpi sgt, %reduce_max3A_337, %sign3A_1138 : i32
      %sign3A_1140 = arith.extui %sign3A_1139 : i1 to i32
      %sign3A_1141 = arith.constant 0 : i32
      %sign3A_1142 = arith.cmpi slt, %reduce_max3A_337, %sign3A_1141 : i32
      %sign3A_1143 = arith.extui %sign3A_1142 : i1 to i32
      %sign3A_1144 = arith.subi %sign3A_1140, %sign3A_1143 : i32
      %sign3A_1145 = arith.constant 0 : i32
      %sign3A_1146 = arith.cmpi sgt, %jit3A_1136, %sign3A_1145 : i32
      %sign3A_1147 = arith.extui %sign3A_1146 : i1 to i32
      %sign3A_1148 = arith.constant 0 : i32
      %sign3A_1149 = arith.cmpi slt, %jit3A_1136, %sign3A_1148 : i32
      %sign3A_1150 = arith.extui %sign3A_1149 : i1 to i32
      %sign3A_1151 = arith.subi %sign3A_1147, %sign3A_1150 : i32
      %ne3A_1152 = arith.cmpi ne, %sign3A_1144, %sign3A_1151 : i32
      %rem3A_1153 = arith.remsi %reduce_max3A_337, %jit3A_1136 : i32
      %ne3A_1154 = arith.constant 0 : i32
      %ne3A_1155 = arith.cmpi ne, %rem3A_1153, %ne3A_1154 : i32
      %and3A_1156 = arith.andi %ne3A_1152, %ne3A_1155 : i1
      %sub3A_1157 = arith.constant 1 : i32
      %sub3A_1158 = arith.subi %div3A_1137, %sub3A_1157 : i32
      %select_n3A_1159 = arith.select %and3A_1156, %sub3A_1158, %div3A_1137 : i32
      %eq3A_1160 = arith.cmpi eq, %select_n3A_1159, %select_n3A_407 : i32
      %and3A_1161 = arith.andi %lt3A_395, %eq3A_1160 : i1
      %jit3A_1162 = arith.constant 8 : i32
      %div3A_1163 = arith.divsi %reduce_max3A_349, %jit3A_1162 : i32
      %sign3A_1164 = arith.constant 0 : i32
      %sign3A_1165 = arith.cmpi sgt, %reduce_max3A_349, %sign3A_1164 : i32
      %sign3A_1166 = arith.extui %sign3A_1165 : i1 to i32
      %sign3A_1167 = arith.constant 0 : i32
      %sign3A_1168 = arith.cmpi slt, %reduce_max3A_349, %sign3A_1167 : i32
      %sign3A_1169 = arith.extui %sign3A_1168 : i1 to i32
      %sign3A_1170 = arith.subi %sign3A_1166, %sign3A_1169 : i32
      %sign3A_1171 = arith.constant 0 : i32
      %sign3A_1172 = arith.cmpi sgt, %jit3A_1162, %sign3A_1171 : i32
      %sign3A_1173 = arith.extui %sign3A_1172 : i1 to i32
      %sign3A_1174 = arith.constant 0 : i32
      %sign3A_1175 = arith.cmpi slt, %jit3A_1162, %sign3A_1174 : i32
      %sign3A_1176 = arith.extui %sign3A_1175 : i1 to i32
      %sign3A_1177 = arith.subi %sign3A_1173, %sign3A_1176 : i32
      %ne3A_1178 = arith.cmpi ne, %sign3A_1170, %sign3A_1177 : i32
      %rem3A_1179 = arith.remsi %reduce_max3A_349, %jit3A_1162 : i32
      %ne3A_1180 = arith.constant 0 : i32
      %ne3A_1181 = arith.cmpi ne, %rem3A_1179, %ne3A_1180 : i32
      %and3A_1182 = arith.andi %ne3A_1178, %ne3A_1181 : i1
      %sub3A_1183 = arith.constant 1 : i32
      %sub3A_1184 = arith.subi %div3A_1163, %sub3A_1183 : i32
      %select_n3A_1185 = arith.select %and3A_1182, %sub3A_1184, %div3A_1163 : i32
      %eq3A_1186 = arith.cmpi eq, %select_n3A_1185, %select_n3A_407 : i32
      %and3A_1187 = arith.andi %lt3A_395, %eq3A_1186 : i1
      %jit3A_1188 = arith.constant 8 : i32
      %div3A_1189 = arith.divsi %reduce_max3A_361, %jit3A_1188 : i32
      %sign3A_1190 = arith.constant 0 : i32
      %sign3A_1191 = arith.cmpi sgt, %reduce_max3A_361, %sign3A_1190 : i32
      %sign3A_1192 = arith.extui %sign3A_1191 : i1 to i32
      %sign3A_1193 = arith.constant 0 : i32
      %sign3A_1194 = arith.cmpi slt, %reduce_max3A_361, %sign3A_1193 : i32
      %sign3A_1195 = arith.extui %sign3A_1194 : i1 to i32
      %sign3A_1196 = arith.subi %sign3A_1192, %sign3A_1195 : i32
      %sign3A_1197 = arith.constant 0 : i32
      %sign3A_1198 = arith.cmpi sgt, %jit3A_1188, %sign3A_1197 : i32
      %sign3A_1199 = arith.extui %sign3A_1198 : i1 to i32
      %sign3A_1200 = arith.constant 0 : i32
      %sign3A_1201 = arith.cmpi slt, %jit3A_1188, %sign3A_1200 : i32
      %sign3A_1202 = arith.extui %sign3A_1201 : i1 to i32
      %sign3A_1203 = arith.subi %sign3A_1199, %sign3A_1202 : i32
      %ne3A_1204 = arith.cmpi ne, %sign3A_1196, %sign3A_1203 : i32
      %rem3A_1205 = arith.remsi %reduce_max3A_361, %jit3A_1188 : i32
      %ne3A_1206 = arith.constant 0 : i32
      %ne3A_1207 = arith.cmpi ne, %rem3A_1205, %ne3A_1206 : i32
      %and3A_1208 = arith.andi %ne3A_1204, %ne3A_1207 : i1
      %sub3A_1209 = arith.constant 1 : i32
      %sub3A_1210 = arith.subi %div3A_1189, %sub3A_1209 : i32
      %select_n3A_1211 = arith.select %and3A_1208, %sub3A_1210, %div3A_1189 : i32
      %eq3A_1212 = arith.cmpi eq, %select_n3A_1211, %select_n3A_407 : i32
      %and3A_1213 = arith.andi %lt3A_395, %eq3A_1212 : i1
      %jit3A_1214 = arith.constant 8 : i32
      %div3A_1215 = arith.divsi %reduce_max3A_373, %jit3A_1214 : i32
      %sign3A_1216 = arith.constant 0 : i32
      %sign3A_1217 = arith.cmpi sgt, %reduce_max3A_373, %sign3A_1216 : i32
      %sign3A_1218 = arith.extui %sign3A_1217 : i1 to i32
      %sign3A_1219 = arith.constant 0 : i32
      %sign3A_1220 = arith.cmpi slt, %reduce_max3A_373, %sign3A_1219 : i32
      %sign3A_1221 = arith.extui %sign3A_1220 : i1 to i32
      %sign3A_1222 = arith.subi %sign3A_1218, %sign3A_1221 : i32
      %sign3A_1223 = arith.constant 0 : i32
      %sign3A_1224 = arith.cmpi sgt, %jit3A_1214, %sign3A_1223 : i32
      %sign3A_1225 = arith.extui %sign3A_1224 : i1 to i32
      %sign3A_1226 = arith.constant 0 : i32
      %sign3A_1227 = arith.cmpi slt, %jit3A_1214, %sign3A_1226 : i32
      %sign3A_1228 = arith.extui %sign3A_1227 : i1 to i32
      %sign3A_1229 = arith.subi %sign3A_1225, %sign3A_1228 : i32
      %ne3A_1230 = arith.cmpi ne, %sign3A_1222, %sign3A_1229 : i32
      %rem3A_1231 = arith.remsi %reduce_max3A_373, %jit3A_1214 : i32
      %ne3A_1232 = arith.constant 0 : i32
      %ne3A_1233 = arith.cmpi ne, %rem3A_1231, %ne3A_1232 : i32
      %and3A_1234 = arith.andi %ne3A_1230, %ne3A_1233 : i1
      %sub3A_1235 = arith.constant 1 : i32
      %sub3A_1236 = arith.subi %div3A_1215, %sub3A_1235 : i32
      %select_n3A_1237 = arith.select %and3A_1234, %sub3A_1236, %div3A_1215 : i32
      %eq3A_1238 = arith.cmpi eq, %select_n3A_1237, %select_n3A_407 : i32
      %and3A_1239 = arith.andi %lt3A_395, %eq3A_1238 : i1
      %jit3A_1240 = arith.constant 8 : i32
      %div3A_1241 = arith.divsi %reduce_max3A_385, %jit3A_1240 : i32
      %sign3A_1242 = arith.constant 0 : i32
      %sign3A_1243 = arith.cmpi sgt, %reduce_max3A_385, %sign3A_1242 : i32
      %sign3A_1244 = arith.extui %sign3A_1243 : i1 to i32
      %sign3A_1245 = arith.constant 0 : i32
      %sign3A_1246 = arith.cmpi slt, %reduce_max3A_385, %sign3A_1245 : i32
      %sign3A_1247 = arith.extui %sign3A_1246 : i1 to i32
      %sign3A_1248 = arith.subi %sign3A_1244, %sign3A_1247 : i32
      %sign3A_1249 = arith.constant 0 : i32
      %sign3A_1250 = arith.cmpi sgt, %jit3A_1240, %sign3A_1249 : i32
      %sign3A_1251 = arith.extui %sign3A_1250 : i1 to i32
      %sign3A_1252 = arith.constant 0 : i32
      %sign3A_1253 = arith.cmpi slt, %jit3A_1240, %sign3A_1252 : i32
      %sign3A_1254 = arith.extui %sign3A_1253 : i1 to i32
      %sign3A_1255 = arith.subi %sign3A_1251, %sign3A_1254 : i32
      %ne3A_1256 = arith.cmpi ne, %sign3A_1248, %sign3A_1255 : i32
      %rem3A_1257 = arith.remsi %reduce_max3A_385, %jit3A_1240 : i32
      %ne3A_1258 = arith.constant 0 : i32
      %ne3A_1259 = arith.cmpi ne, %rem3A_1257, %ne3A_1258 : i32
      %and3A_1260 = arith.andi %ne3A_1256, %ne3A_1259 : i1
      %sub3A_1261 = arith.constant 1 : i32
      %sub3A_1262 = arith.subi %div3A_1241, %sub3A_1261 : i32
      %select_n3A_1263 = arith.select %and3A_1260, %sub3A_1262, %div3A_1241 : i32
      %eq3A_1264 = arith.cmpi eq, %select_n3A_1263, %select_n3A_407 : i32
      %and3A_1265 = arith.andi %lt3A_395, %eq3A_1264 : i1
      %or3A = arith.ori %and3A_459, %and3A_485 : i1
      %or3A_1266 = arith.ori %or3A, %and3A_511 : i1
      %or3A_1267 = arith.ori %or3A_1266, %and3A_537 : i1
      %or3A_1268 = arith.ori %or3A_1267, %and3A_563 : i1
      %or3A_1269 = arith.ori %or3A_1268, %and3A_589 : i1
      %or3A_1270 = arith.ori %or3A_1269, %and3A_615 : i1
      %or3A_1271 = arith.ori %or3A_1270, %and3A_641 : i1
      %or3A_1272 = arith.ori %or3A_1271, %and3A_667 : i1
      %or3A_1273 = arith.ori %or3A_1272, %and3A_693 : i1
      %or3A_1274 = arith.ori %or3A_1273, %and3A_719 : i1
      %or3A_1275 = arith.ori %or3A_1274, %and3A_745 : i1
      %or3A_1276 = arith.ori %or3A_1275, %and3A_771 : i1
      %or3A_1277 = arith.ori %or3A_1276, %and3A_797 : i1
      %or3A_1278 = arith.ori %or3A_1277, %and3A_823 : i1
      %or3A_1279 = arith.ori %or3A_1278, %and3A_849 : i1
      %or3A_1280 = arith.ori %or3A_1279, %and3A_875 : i1
      %or3A_1281 = arith.ori %or3A_1280, %and3A_901 : i1
      %or3A_1282 = arith.ori %or3A_1281, %and3A_927 : i1
      %or3A_1283 = arith.ori %or3A_1282, %and3A_953 : i1
      %or3A_1284 = arith.ori %or3A_1283, %and3A_979 : i1
      %or3A_1285 = arith.ori %or3A_1284, %and3A_1005 : i1
      %or3A_1286 = arith.ori %or3A_1285, %and3A_1031 : i1
      %or3A_1287 = arith.ori %or3A_1286, %and3A_1057 : i1
      %or3A_1288 = arith.ori %or3A_1287, %and3A_1083 : i1
      %or3A_1289 = arith.ori %or3A_1288, %and3A_1109 : i1
      %or3A_1290 = arith.ori %or3A_1289, %and3A_1135 : i1
      %or3A_1291 = arith.ori %or3A_1290, %and3A_1161 : i1
      %or3A_1292 = arith.ori %or3A_1291, %and3A_1187 : i1
      %or3A_1293 = arith.ori %or3A_1292, %and3A_1213 : i1
      %or3A_1294 = arith.ori %or3A_1293, %and3A_1239 : i1
      %or3A_1295 = arith.ori %or3A_1294, %and3A_1265 : i1
      %convert_element_type3A = arith.extui %or3A_1295 : i1 to i32
      %cond3A = arith.constant 0 : i32
      %cond3A_1296 = arith.cmpi ne, %convert_element_type3A, %cond3A : i32
      scf.if %cond3A_1296 {
        %add3A_1297 = arith.constant 0 : i32
        %add3A_1298 = arith.addi %multiple_of3A, %add3A_1297 : i32
        %dma_start3A = arith.constant 0 : i32
        %dma_start3A_1299 = arith.constant 0 : i32
        %dma_start3A_1300 = arith.constant 0 : i32
        %dma_start3A_1301 = tpu.memref_slice %arg6[%dma_start3A_1299, %dma_start3A, %dma_start3A_1300] : memref<8x8x1024xf32, #tpu.memory_space<vmem>> -> memref<8x1x1024xf32, #tpu.memory_space<vmem>>
        %dma_start3A_1302 = tpu.memref_squeeze %dma_start3A_1301 : memref<8x1x1024xf32, #tpu.memory_space<vmem>> -> memref<8x1024xf32, #tpu.memory_space<vmem>>
        %dma_start3A_1303 = arith.constant 0 : i32
        %dma_start3A_1304 = tpu.memref_slice %arg2[%add3A_1298, %multiple_of3A_433, %dma_start3A_1303] : memref<2047x32x1024xf32, #tpu.memory_space<hbm>> -> memref<1x8x1024xf32, #tpu.memory_space<hbm>>
        %dma_start3A_1305 = tpu.memref_squeeze %dma_start3A_1304 : memref<1x8x1024xf32, #tpu.memory_space<hbm>> -> memref<8x1024xf32, #tpu.memory_space<hbm>>
        %dma_start3A_1306 = arith.constant 0 : i32
        %dma_start3A_1307 = arith.constant 0 : i32
        %dma_start3A_1308 = tpu.memref_slice %arg6[%dma_start3A_1306, %dma_start3A, %dma_start3A_1307] : memref<8x8x1024xf32, #tpu.memory_space<vmem>> -> memref<8x1x1024xf32, #tpu.memory_space<vmem>>
        %dma_start3A_1309 = tpu.memref_squeeze %dma_start3A_1308 : memref<8x1x1024xf32, #tpu.memory_space<vmem>> -> memref<8x1024xf32, #tpu.memory_space<vmem>>
        %dma_start3A_1310 = arith.constant 0 : i32
        %dma_start3A_1311 = tpu.memref_slice %arg2[%add3A_1298, %multiple_of3A_433, %dma_start3A_1310] : memref<2047x32x1024xf32, #tpu.memory_space<hbm>> -> memref<1x8x1024xf32, #tpu.memory_space<hbm>>
        %dma_start3A_1312 = tpu.memref_squeeze %dma_start3A_1311 : memref<1x8x1024xf32, #tpu.memory_space<hbm>> -> memref<8x1024xf32, #tpu.memory_space<hbm>>
        tpu.enqueue_dma source(%dma_start3A_1312 : memref<8x1024xf32, #tpu.memory_space<hbm>>) target(%dma_start3A_1309 : memref<8x1024xf32, #tpu.memory_space<vmem>>) target_semaphore(%arg7 : memref<!tpu.dma_semaphore, #tpu.memory_space<semaphore_mem>>)
        %add3A_1313 = arith.constant 1 : i32
        %add3A_1314 = arith.addi %multiple_of3A, %add3A_1313 : i32
        %dma_start3A_1315 = arith.constant 1 : i32
        %dma_start3A_1316 = arith.constant 0 : i32
        %dma_start3A_1317 = arith.constant 0 : i32
        %dma_start3A_1318 = tpu.memref_slice %arg6[%dma_start3A_1316, %dma_start3A_1315, %dma_start3A_1317] : memref<8x8x1024xf32, #tpu.memory_space<vmem>> -> memref<8x1x1024xf32, #tpu.memory_space<vmem>>
        %dma_start3A_1319 = tpu.memref_squeeze %dma_start3A_1318 : memref<8x1x1024xf32, #tpu.memory_space<vmem>> -> memref<8x1024xf32, #tpu.memory_space<vmem>>
        %dma_start3A_1320 = arith.constant 0 : i32
        %dma_start3A_1321 = tpu.memref_slice %arg2[%add3A_1314, %multiple_of3A_433, %dma_start3A_1320] : memref<2047x32x1024xf32, #tpu.memory_space<hbm>> -> memref<1x8x1024xf32, #tpu.memory_space<hbm>>
        %dma_start3A_1322 = tpu.memref_squeeze %dma_start3A_1321 : memref<1x8x1024xf32, #tpu.memory_space<hbm>> -> memref<8x1024xf32, #tpu.memory_space<hbm>>
        %dma_start3A_1323 = arith.constant 0 : i32
        %dma_start3A_1324 = arith.constant 0 : i32
        %dma_start3A_1325 = tpu.memref_slice %arg6[%dma_start3A_1323, %dma_start3A_1315, %dma_start3A_1324] : memref<8x8x1024xf32, #tpu.memory_space<vmem>> -> memref<8x1x1024xf32, #tpu.memory_space<vmem>>
        %dma_start3A_1326 = tpu.memref_squeeze %dma_start3A_1325 : memref<8x1x1024xf32, #tpu.memory_space<vmem>> -> memref<8x1024xf32, #tpu.memory_space<vmem>>
        %dma_start3A_1327 = arith.constant 0 : i32
        %dma_start3A_1328 = tpu.memref_slice %arg2[%add3A_1314, %multiple_of3A_433, %dma_start3A_1327] : memref<2047x32x1024xf32, #tpu.memory_space<hbm>> -> memref<1x8x1024xf32, #tpu.memory_space<hbm>>
        %dma_start3A_1329 = tpu.memref_squeeze %dma_start3A_1328 : memref<1x8x1024xf32, #tpu.memory_space<hbm>> -> memref<8x1024xf32, #tpu.memory_space<hbm>>
        tpu.enqueue_dma source(%dma_start3A_1329 : memref<8x1024xf32, #tpu.memory_space<hbm>>) target(%dma_start3A_1326 : memref<8x1024xf32, #tpu.memory_space<vmem>>) target_semaphore(%arg7 : memref<!tpu.dma_semaphore, #tpu.memory_space<semaphore_mem>>)
        %add3A_1330 = arith.constant 2 : i32
        %add3A_1331 = arith.addi %multiple_of3A, %add3A_1330 : i32
        %dma_start3A_1332 = arith.constant 2 : i32
        %dma_start3A_1333 = arith.constant 0 : i32
        %dma_start3A_1334 = arith.constant 0 : i32
        %dma_start3A_1335 = tpu.memref_slice %arg6[%dma_start3A_1333, %dma_start3A_1332, %dma_start3A_1334] : memref<8x8x1024xf32, #tpu.memory_space<vmem>> -> memref<8x1x1024xf32, #tpu.memory_space<vmem>>
        %dma_start3A_1336 = tpu.memref_squeeze %dma_start3A_1335 : memref<8x1x1024xf32, #tpu.memory_space<vmem>> -> memref<8x1024xf32, #tpu.memory_space<vmem>>
        %dma_start3A_1337 = arith.constant 0 : i32
        %dma_start3A_1338 = tpu.memref_slice %arg2[%add3A_1331, %multiple_of3A_433, %dma_start3A_1337] : memref<2047x32x1024xf32, #tpu.memory_space<hbm>> -> memref<1x8x1024xf32, #tpu.memory_space<hbm>>
        %dma_start3A_1339 = tpu.memref_squeeze %dma_start3A_1338 : memref<1x8x1024xf32, #tpu.memory_space<hbm>> -> memref<8x1024xf32, #tpu.memory_space<hbm>>
        %dma_start3A_1340 = arith.constant 0 : i32
        %dma_start3A_1341 = arith.constant 0 : i32
        %dma_start3A_1342 = tpu.memref_slice %arg6[%dma_start3A_1340, %dma_start3A_1332, %dma_start3A_1341] : memref<8x8x1024xf32, #tpu.memory_space<vmem>> -> memref<8x1x1024xf32, #tpu.memory_space<vmem>>
        %dma_start3A_1343 = tpu.memref_squeeze %dma_start3A_1342 : memref<8x1x1024xf32, #tpu.memory_space<vmem>> -> memref<8x1024xf32, #tpu.memory_space<vmem>>
        %dma_start3A_1344 = arith.constant 0 : i32
        %dma_start3A_1345 = tpu.memref_slice %arg2[%add3A_1331, %multiple_of3A_433, %dma_start3A_1344] : memref<2047x32x1024xf32, #tpu.memory_space<hbm>> -> memref<1x8x1024xf32, #tpu.memory_space<hbm>>
        %dma_start3A_1346 = tpu.memref_squeeze %dma_start3A_1345 : memref<1x8x1024xf32, #tpu.memory_space<hbm>> -> memref<8x1024xf32, #tpu.memory_space<hbm>>
        tpu.enqueue_dma source(%dma_start3A_1346 : memref<8x1024xf32, #tpu.memory_space<hbm>>) target(%dma_start3A_1343 : memref<8x1024xf32, #tpu.memory_space<vmem>>) target_semaphore(%arg7 : memref<!tpu.dma_semaphore, #tpu.memory_space<semaphore_mem>>)
        %add3A_1347 = arith.constant 3 : i32
        %add3A_1348 = arith.addi %multiple_of3A, %add3A_1347 : i32
        %dma_start3A_1349 = arith.constant 3 : i32
        %dma_start3A_1350 = arith.constant 0 : i32
        %dma_start3A_1351 = arith.constant 0 : i32
        %dma_start3A_1352 = tpu.memref_slice %arg6[%dma_start3A_1350, %dma_start3A_1349, %dma_start3A_1351] : memref<8x8x1024xf32, #tpu.memory_space<vmem>> -> memref<8x1x1024xf32, #tpu.memory_space<vmem>>
        %dma_start3A_1353 = tpu.memref_squeeze %dma_start3A_1352 : memref<8x1x1024xf32, #tpu.memory_space<vmem>> -> memref<8x1024xf32, #tpu.memory_space<vmem>>
        %dma_start3A_1354 = arith.constant 0 : i32
        %dma_start3A_1355 = tpu.memref_slice %arg2[%add3A_1348, %multiple_of3A_433, %dma_start3A_1354] : memref<2047x32x1024xf32, #tpu.memory_space<hbm>> -> memref<1x8x1024xf32, #tpu.memory_space<hbm>>
        %dma_start3A_1356 = tpu.memref_squeeze %dma_start3A_1355 : memref<1x8x1024xf32, #tpu.memory_space<hbm>> -> memref<8x1024xf32, #tpu.memory_space<hbm>>
        %dma_start3A_1357 = arith.constant 0 : i32
        %dma_start3A_1358 = arith.constant 0 : i32
        %dma_start3A_1359 = tpu.memref_slice %arg6[%dma_start3A_1357, %dma_start3A_1349, %dma_start3A_1358] : memref<8x8x1024xf32, #tpu.memory_space<vmem>> -> memref<8x1x1024xf32, #tpu.memory_space<vmem>>
        %dma_start3A_1360 = tpu.memref_squeeze %dma_start3A_1359 : memref<8x1x1024xf32, #tpu.memory_space<vmem>> -> memref<8x1024xf32, #tpu.memory_space<vmem>>
        %dma_start3A_1361 = arith.constant 0 : i32
        %dma_start3A_1362 = tpu.memref_slice %arg2[%add3A_1348, %multiple_of3A_433, %dma_start3A_1361] : memref<2047x32x1024xf32, #tpu.memory_space<hbm>> -> memref<1x8x1024xf32, #tpu.memory_space<hbm>>
        %dma_start3A_1363 = tpu.memref_squeeze %dma_start3A_1362 : memref<1x8x1024xf32, #tpu.memory_space<hbm>> -> memref<8x1024xf32, #tpu.memory_space<hbm>>
        tpu.enqueue_dma source(%dma_start3A_1363 : memref<8x1024xf32, #tpu.memory_space<hbm>>) target(%dma_start3A_1360 : memref<8x1024xf32, #tpu.memory_space<vmem>>) target_semaphore(%arg7 : memref<!tpu.dma_semaphore, #tpu.memory_space<semaphore_mem>>)
        %add3A_1364 = arith.constant 4 : i32
        %add3A_1365 = arith.addi %multiple_of3A, %add3A_1364 : i32
        %dma_start3A_1366 = arith.constant 4 : i32
        %dma_start3A_1367 = arith.constant 0 : i32
        %dma_start3A_1368 = arith.constant 0 : i32
        %dma_start3A_1369 = tpu.memref_slice %arg6[%dma_start3A_1367, %dma_start3A_1366, %dma_start3A_1368] : memref<8x8x1024xf32, #tpu.memory_space<vmem>> -> memref<8x1x1024xf32, #tpu.memory_space<vmem>>
        %dma_start3A_1370 = tpu.memref_squeeze %dma_start3A_1369 : memref<8x1x1024xf32, #tpu.memory_space<vmem>> -> memref<8x1024xf32, #tpu.memory_space<vmem>>
        %dma_start3A_1371 = arith.constant 0 : i32
        %dma_start3A_1372 = tpu.memref_slice %arg2[%add3A_1365, %multiple_of3A_433, %dma_start3A_1371] : memref<2047x32x1024xf32, #tpu.memory_space<hbm>> -> memref<1x8x1024xf32, #tpu.memory_space<hbm>>
        %dma_start3A_1373 = tpu.memref_squeeze %dma_start3A_1372 : memref<1x8x1024xf32, #tpu.memory_space<hbm>> -> memref<8x1024xf32, #tpu.memory_space<hbm>>
        %dma_start3A_1374 = arith.constant 0 : i32
        %dma_start3A_1375 = arith.constant 0 : i32
        %dma_start3A_1376 = tpu.memref_slice %arg6[%dma_start3A_1374, %dma_start3A_1366, %dma_start3A_1375] : memref<8x8x1024xf32, #tpu.memory_space<vmem>> -> memref<8x1x1024xf32, #tpu.memory_space<vmem>>
        %dma_start3A_1377 = tpu.memref_squeeze %dma_start3A_1376 : memref<8x1x1024xf32, #tpu.memory_space<vmem>> -> memref<8x1024xf32, #tpu.memory_space<vmem>>
        %dma_start3A_1378 = arith.constant 0 : i32
        %dma_start3A_1379 = tpu.memref_slice %arg2[%add3A_1365, %multiple_of3A_433, %dma_start3A_1378] : memref<2047x32x1024xf32, #tpu.memory_space<hbm>> -> memref<1x8x1024xf32, #tpu.memory_space<hbm>>
        %dma_start3A_1380 = tpu.memref_squeeze %dma_start3A_1379 : memref<1x8x1024xf32, #tpu.memory_space<hbm>> -> memref<8x1024xf32, #tpu.memory_space<hbm>>
        tpu.enqueue_dma source(%dma_start3A_1380 : memref<8x1024xf32, #tpu.memory_space<hbm>>) target(%dma_start3A_1377 : memref<8x1024xf32, #tpu.memory_space<vmem>>) target_semaphore(%arg7 : memref<!tpu.dma_semaphore, #tpu.memory_space<semaphore_mem>>)
        %add3A_1381 = arith.constant 5 : i32
        %add3A_1382 = arith.addi %multiple_of3A, %add3A_1381 : i32
        %dma_start3A_1383 = arith.constant 5 : i32
        %dma_start3A_1384 = arith.constant 0 : i32
        %dma_start3A_1385 = arith.constant 0 : i32
        %dma_start3A_1386 = tpu.memref_slice %arg6[%dma_start3A_1384, %dma_start3A_1383, %dma_start3A_1385] : memref<8x8x1024xf32, #tpu.memory_space<vmem>> -> memref<8x1x1024xf32, #tpu.memory_space<vmem>>
        %dma_start3A_1387 = tpu.memref_squeeze %dma_start3A_1386 : memref<8x1x1024xf32, #tpu.memory_space<vmem>> -> memref<8x1024xf32, #tpu.memory_space<vmem>>
        %dma_start3A_1388 = arith.constant 0 : i32
        %dma_start3A_1389 = tpu.memref_slice %arg2[%add3A_1382, %multiple_of3A_433, %dma_start3A_1388] : memref<2047x32x1024xf32, #tpu.memory_space<hbm>> -> memref<1x8x1024xf32, #tpu.memory_space<hbm>>
        %dma_start3A_1390 = tpu.memref_squeeze %dma_start3A_1389 : memref<1x8x1024xf32, #tpu.memory_space<hbm>> -> memref<8x1024xf32, #tpu.memory_space<hbm>>
        %dma_start3A_1391 = arith.constant 0 : i32
        %dma_start3A_1392 = arith.constant 0 : i32
        %dma_start3A_1393 = tpu.memref_slice %arg6[%dma_start3A_1391, %dma_start3A_1383, %dma_start3A_1392] : memref<8x8x1024xf32, #tpu.memory_space<vmem>> -> memref<8x1x1024xf32, #tpu.memory_space<vmem>>
        %dma_start3A_1394 = tpu.memref_squeeze %dma_start3A_1393 : memref<8x1x1024xf32, #tpu.memory_space<vmem>> -> memref<8x1024xf32, #tpu.memory_space<vmem>>
        %dma_start3A_1395 = arith.constant 0 : i32
        %dma_start3A_1396 = tpu.memref_slice %arg2[%add3A_1382, %multiple_of3A_433, %dma_start3A_1395] : memref<2047x32x1024xf32, #tpu.memory_space<hbm>> -> memref<1x8x1024xf32, #tpu.memory_space<hbm>>
        %dma_start3A_1397 = tpu.memref_squeeze %dma_start3A_1396 : memref<1x8x1024xf32, #tpu.memory_space<hbm>> -> memref<8x1024xf32, #tpu.memory_space<hbm>>
        tpu.enqueue_dma source(%dma_start3A_1397 : memref<8x1024xf32, #tpu.memory_space<hbm>>) target(%dma_start3A_1394 : memref<8x1024xf32, #tpu.memory_space<vmem>>) target_semaphore(%arg7 : memref<!tpu.dma_semaphore, #tpu.memory_space<semaphore_mem>>)
        %add3A_1398 = arith.constant 6 : i32
        %add3A_1399 = arith.addi %multiple_of3A, %add3A_1398 : i32
        %dma_start3A_1400 = arith.constant 6 : i32
        %dma_start3A_1401 = arith.constant 0 : i32
        %dma_start3A_1402 = arith.constant 0 : i32
        %dma_start3A_1403 = tpu.memref_slice %arg6[%dma_start3A_1401, %dma_start3A_1400, %dma_start3A_1402] : memref<8x8x1024xf32, #tpu.memory_space<vmem>> -> memref<8x1x1024xf32, #tpu.memory_space<vmem>>
        %dma_start3A_1404 = tpu.memref_squeeze %dma_start3A_1403 : memref<8x1x1024xf32, #tpu.memory_space<vmem>> -> memref<8x1024xf32, #tpu.memory_space<vmem>>
        %dma_start3A_1405 = arith.constant 0 : i32
        %dma_start3A_1406 = tpu.memref_slice %arg2[%add3A_1399, %multiple_of3A_433, %dma_start3A_1405] : memref<2047x32x1024xf32, #tpu.memory_space<hbm>> -> memref<1x8x1024xf32, #tpu.memory_space<hbm>>
        %dma_start3A_1407 = tpu.memref_squeeze %dma_start3A_1406 : memref<1x8x1024xf32, #tpu.memory_space<hbm>> -> memref<8x1024xf32, #tpu.memory_space<hbm>>
        %dma_start3A_1408 = arith.constant 0 : i32
        %dma_start3A_1409 = arith.constant 0 : i32
        %dma_start3A_1410 = tpu.memref_slice %arg6[%dma_start3A_1408, %dma_start3A_1400, %dma_start3A_1409] : memref<8x8x1024xf32, #tpu.memory_space<vmem>> -> memref<8x1x1024xf32, #tpu.memory_space<vmem>>
        %dma_start3A_1411 = tpu.memref_squeeze %dma_start3A_1410 : memref<8x1x1024xf32, #tpu.memory_space<vmem>> -> memref<8x1024xf32, #tpu.memory_space<vmem>>
        %dma_start3A_1412 = arith.constant 0 : i32
        %dma_start3A_1413 = tpu.memref_slice %arg2[%add3A_1399, %multiple_of3A_433, %dma_start3A_1412] : memref<2047x32x1024xf32, #tpu.memory_space<hbm>> -> memref<1x8x1024xf32, #tpu.memory_space<hbm>>
        %dma_start3A_1414 = tpu.memref_squeeze %dma_start3A_1413 : memref<1x8x1024xf32, #tpu.memory_space<hbm>> -> memref<8x1024xf32, #tpu.memory_space<hbm>>
        tpu.enqueue_dma source(%dma_start3A_1414 : memref<8x1024xf32, #tpu.memory_space<hbm>>) target(%dma_start3A_1411 : memref<8x1024xf32, #tpu.memory_space<vmem>>) target_semaphore(%arg7 : memref<!tpu.dma_semaphore, #tpu.memory_space<semaphore_mem>>)
        %add3A_1415 = arith.constant 7 : i32
        %add3A_1416 = arith.addi %multiple_of3A, %add3A_1415 : i32
        %dma_start3A_1417 = arith.constant 7 : i32
        %dma_start3A_1418 = arith.constant 0 : i32
        %dma_start3A_1419 = arith.constant 0 : i32
        %dma_start3A_1420 = tpu.memref_slice %arg6[%dma_start3A_1418, %dma_start3A_1417, %dma_start3A_1419] : memref<8x8x1024xf32, #tpu.memory_space<vmem>> -> memref<8x1x1024xf32, #tpu.memory_space<vmem>>
        %dma_start3A_1421 = tpu.memref_squeeze %dma_start3A_1420 : memref<8x1x1024xf32, #tpu.memory_space<vmem>> -> memref<8x1024xf32, #tpu.memory_space<vmem>>
        %dma_start3A_1422 = arith.constant 0 : i32
        %dma_start3A_1423 = tpu.memref_slice %arg2[%add3A_1416, %multiple_of3A_433, %dma_start3A_1422] : memref<2047x32x1024xf32, #tpu.memory_space<hbm>> -> memref<1x8x1024xf32, #tpu.memory_space<hbm>>
        %dma_start3A_1424 = tpu.memref_squeeze %dma_start3A_1423 : memref<1x8x1024xf32, #tpu.memory_space<hbm>> -> memref<8x1024xf32, #tpu.memory_space<hbm>>
        %dma_start3A_1425 = arith.constant 0 : i32
        %dma_start3A_1426 = arith.constant 0 : i32
        %dma_start3A_1427 = tpu.memref_slice %arg6[%dma_start3A_1425, %dma_start3A_1417, %dma_start3A_1426] : memref<8x8x1024xf32, #tpu.memory_space<vmem>> -> memref<8x1x1024xf32, #tpu.memory_space<vmem>>
        %dma_start3A_1428 = tpu.memref_squeeze %dma_start3A_1427 : memref<8x1x1024xf32, #tpu.memory_space<vmem>> -> memref<8x1024xf32, #tpu.memory_space<vmem>>
        %dma_start3A_1429 = arith.constant 0 : i32
        %dma_start3A_1430 = tpu.memref_slice %arg2[%add3A_1416, %multiple_of3A_433, %dma_start3A_1429] : memref<2047x32x1024xf32, #tpu.memory_space<hbm>> -> memref<1x8x1024xf32, #tpu.memory_space<hbm>>
        %dma_start3A_1431 = tpu.memref_squeeze %dma_start3A_1430 : memref<1x8x1024xf32, #tpu.memory_space<hbm>> -> memref<8x1024xf32, #tpu.memory_space<hbm>>
        tpu.enqueue_dma source(%dma_start3A_1431 : memref<8x1024xf32, #tpu.memory_space<hbm>>) target(%dma_start3A_1428 : memref<8x1024xf32, #tpu.memory_space<vmem>>) target_semaphore(%arg7 : memref<!tpu.dma_semaphore, #tpu.memory_space<semaphore_mem>>)
        %add3A_1432 = arith.constant 0 : i32
        %add3A_1433 = arith.addi %multiple_of3A, %add3A_1432 : i32
        %dma_wait3A = arith.constant 0 : i32
        %dma_wait3A_1434 = arith.constant 0 : i32
        %dma_wait3A_1435 = arith.constant 0 : i32
        %dma_wait3A_1436 = tpu.memref_slice %arg6[%dma_wait3A_1434, %dma_wait3A, %dma_wait3A_1435] : memref<8x8x1024xf32, #tpu.memory_space<vmem>> -> memref<8x1x1024xf32, #tpu.memory_space<vmem>>
        %dma_wait3A_1437 = tpu.memref_squeeze %dma_wait3A_1436 : memref<8x1x1024xf32, #tpu.memory_space<vmem>> -> memref<8x1024xf32, #tpu.memory_space<vmem>>
        %dma_wait3A_1438 = arith.constant 0 : i32
        %dma_wait3A_1439 = tpu.memref_slice %arg2[%add3A_1433, %multiple_of3A_433, %dma_wait3A_1438] : memref<2047x32x1024xf32, #tpu.memory_space<hbm>> -> memref<1x8x1024xf32, #tpu.memory_space<hbm>>
        %dma_wait3A_1440 = tpu.memref_squeeze %dma_wait3A_1439 : memref<1x8x1024xf32, #tpu.memory_space<hbm>> -> memref<8x1024xf32, #tpu.memory_space<hbm>>
        %dma_wait3A_1441 = arith.constant 0 : i32
        %dma_wait3A_1442 = arith.constant 0 : i32
        %dma_wait3A_1443 = tpu.memref_slice %arg6[%dma_wait3A_1441, %dma_wait3A, %dma_wait3A_1442] : memref<8x8x1024xf32, #tpu.memory_space<vmem>> -> memref<8x1x1024xf32, #tpu.memory_space<vmem>>
        %dma_wait3A_1444 = tpu.memref_squeeze %dma_wait3A_1443 : memref<8x1x1024xf32, #tpu.memory_space<vmem>> -> memref<8x1024xf32, #tpu.memory_space<vmem>>
        %dma_wait3A_1445 = arith.constant 0 : i32
        %dma_wait3A_1446 = tpu.memref_slice %arg2[%add3A_1433, %multiple_of3A_433, %dma_wait3A_1445] : memref<2047x32x1024xf32, #tpu.memory_space<hbm>> -> memref<1x8x1024xf32, #tpu.memory_space<hbm>>
        %dma_wait3A_1447 = tpu.memref_squeeze %dma_wait3A_1446 : memref<1x8x1024xf32, #tpu.memory_space<hbm>> -> memref<8x1024xf32, #tpu.memory_space<hbm>>
        tpu.wait_dma2 semaphore(%arg7 : memref<!tpu.dma_semaphore, #tpu.memory_space<semaphore_mem>>) src(%dma_wait3A_1447 : memref<8x1024xf32, #tpu.memory_space<hbm>>) dst(%dma_wait3A_1444 : memref<8x1024xf32, #tpu.memory_space<vmem>>)
        %add3A_1448 = arith.constant 1 : i32
        %add3A_1449 = arith.addi %multiple_of3A, %add3A_1448 : i32
        %dma_wait3A_1450 = arith.constant 1 : i32
        %dma_wait3A_1451 = arith.constant 0 : i32
        %dma_wait3A_1452 = arith.constant 0 : i32
        %dma_wait3A_1453 = tpu.memref_slice %arg6[%dma_wait3A_1451, %dma_wait3A_1450, %dma_wait3A_1452] : memref<8x8x1024xf32, #tpu.memory_space<vmem>> -> memref<8x1x1024xf32, #tpu.memory_space<vmem>>
        %dma_wait3A_1454 = tpu.memref_squeeze %dma_wait3A_1453 : memref<8x1x1024xf32, #tpu.memory_space<vmem>> -> memref<8x1024xf32, #tpu.memory_space<vmem>>
        %dma_wait3A_1455 = arith.constant 0 : i32
        %dma_wait3A_1456 = tpu.memref_slice %arg2[%add3A_1449, %multiple_of3A_433, %dma_wait3A_1455] : memref<2047x32x1024xf32, #tpu.memory_space<hbm>> -> memref<1x8x1024xf32, #tpu.memory_space<hbm>>
        %dma_wait3A_1457 = tpu.memref_squeeze %dma_wait3A_1456 : memref<1x8x1024xf32, #tpu.memory_space<hbm>> -> memref<8x1024xf32, #tpu.memory_space<hbm>>
        %dma_wait3A_1458 = arith.constant 0 : i32
        %dma_wait3A_1459 = arith.constant 0 : i32
        %dma_wait3A_1460 = tpu.memref_slice %arg6[%dma_wait3A_1458, %dma_wait3A_1450, %dma_wait3A_1459] : memref<8x8x1024xf32, #tpu.memory_space<vmem>> -> memref<8x1x1024xf32, #tpu.memory_space<vmem>>
        %dma_wait3A_1461 = tpu.memref_squeeze %dma_wait3A_1460 : memref<8x1x1024xf32, #tpu.memory_space<vmem>> -> memref<8x1024xf32, #tpu.memory_space<vmem>>
        %dma_wait3A_1462 = arith.constant 0 : i32
        %dma_wait3A_1463 = tpu.memref_slice %arg2[%add3A_1449, %multiple_of3A_433, %dma_wait3A_1462] : memref<2047x32x1024xf32, #tpu.memory_space<hbm>> -> memref<1x8x1024xf32, #tpu.memory_space<hbm>>
        %dma_wait3A_1464 = tpu.memref_squeeze %dma_wait3A_1463 : memref<1x8x1024xf32, #tpu.memory_space<hbm>> -> memref<8x1024xf32, #tpu.memory_space<hbm>>
        tpu.wait_dma2 semaphore(%arg7 : memref<!tpu.dma_semaphore, #tpu.memory_space<semaphore_mem>>) src(%dma_wait3A_1464 : memref<8x1024xf32, #tpu.memory_space<hbm>>) dst(%dma_wait3A_1461 : memref<8x1024xf32, #tpu.memory_space<vmem>>)
        %add3A_1465 = arith.constant 2 : i32
        %add3A_1466 = arith.addi %multiple_of3A, %add3A_1465 : i32
        %dma_wait3A_1467 = arith.constant 2 : i32
        %dma_wait3A_1468 = arith.constant 0 : i32
        %dma_wait3A_1469 = arith.constant 0 : i32
        %dma_wait3A_1470 = tpu.memref_slice %arg6[%dma_wait3A_1468, %dma_wait3A_1467, %dma_wait3A_1469] : memref<8x8x1024xf32, #tpu.memory_space<vmem>> -> memref<8x1x1024xf32, #tpu.memory_space<vmem>>
        %dma_wait3A_1471 = tpu.memref_squeeze %dma_wait3A_1470 : memref<8x1x1024xf32, #tpu.memory_space<vmem>> -> memref<8x1024xf32, #tpu.memory_space<vmem>>
        %dma_wait3A_1472 = arith.constant 0 : i32
        %dma_wait3A_1473 = tpu.memref_slice %arg2[%add3A_1466, %multiple_of3A_433, %dma_wait3A_1472] : memref<2047x32x1024xf32, #tpu.memory_space<hbm>> -> memref<1x8x1024xf32, #tpu.memory_space<hbm>>
        %dma_wait3A_1474 = tpu.memref_squeeze %dma_wait3A_1473 : memref<1x8x1024xf32, #tpu.memory_space<hbm>> -> memref<8x1024xf32, #tpu.memory_space<hbm>>
        %dma_wait3A_1475 = arith.constant 0 : i32
        %dma_wait3A_1476 = arith.constant 0 : i32
        %dma_wait3A_1477 = tpu.memref_slice %arg6[%dma_wait3A_1475, %dma_wait3A_1467, %dma_wait3A_1476] : memref<8x8x1024xf32, #tpu.memory_space<vmem>> -> memref<8x1x1024xf32, #tpu.memory_space<vmem>>
        %dma_wait3A_1478 = tpu.memref_squeeze %dma_wait3A_1477 : memref<8x1x1024xf32, #tpu.memory_space<vmem>> -> memref<8x1024xf32, #tpu.memory_space<vmem>>
        %dma_wait3A_1479 = arith.constant 0 : i32
        %dma_wait3A_1480 = tpu.memref_slice %arg2[%add3A_1466, %multiple_of3A_433, %dma_wait3A_1479] : memref<2047x32x1024xf32, #tpu.memory_space<hbm>> -> memref<1x8x1024xf32, #tpu.memory_space<hbm>>
        %dma_wait3A_1481 = tpu.memref_squeeze %dma_wait3A_1480 : memref<1x8x1024xf32, #tpu.memory_space<hbm>> -> memref<8x1024xf32, #tpu.memory_space<hbm>>
        tpu.wait_dma2 semaphore(%arg7 : memref<!tpu.dma_semaphore, #tpu.memory_space<semaphore_mem>>) src(%dma_wait3A_1481 : memref<8x1024xf32, #tpu.memory_space<hbm>>) dst(%dma_wait3A_1478 : memref<8x1024xf32, #tpu.memory_space<vmem>>)
        %add3A_1482 = arith.constant 3 : i32
        %add3A_1483 = arith.addi %multiple_of3A, %add3A_1482 : i32
        %dma_wait3A_1484 = arith.constant 3 : i32
        %dma_wait3A_1485 = arith.constant 0 : i32
        %dma_wait3A_1486 = arith.constant 0 : i32
        %dma_wait3A_1487 = tpu.memref_slice %arg6[%dma_wait3A_1485, %dma_wait3A_1484, %dma_wait3A_1486] : memref<8x8x1024xf32, #tpu.memory_space<vmem>> -> memref<8x1x1024xf32, #tpu.memory_space<vmem>>
        %dma_wait3A_1488 = tpu.memref_squeeze %dma_wait3A_1487 : memref<8x1x1024xf32, #tpu.memory_space<vmem>> -> memref<8x1024xf32, #tpu.memory_space<vmem>>
        %dma_wait3A_1489 = arith.constant 0 : i32
        %dma_wait3A_1490 = tpu.memref_slice %arg2[%add3A_1483, %multiple_of3A_433, %dma_wait3A_1489] : memref<2047x32x1024xf32, #tpu.memory_space<hbm>> -> memref<1x8x1024xf32, #tpu.memory_space<hbm>>
        %dma_wait3A_1491 = tpu.memref_squeeze %dma_wait3A_1490 : memref<1x8x1024xf32, #tpu.memory_space<hbm>> -> memref<8x1024xf32, #tpu.memory_space<hbm>>
        %dma_wait3A_1492 = arith.constant 0 : i32
        %dma_wait3A_1493 = arith.constant 0 : i32
        %dma_wait3A_1494 = tpu.memref_slice %arg6[%dma_wait3A_1492, %dma_wait3A_1484, %dma_wait3A_1493] : memref<8x8x1024xf32, #tpu.memory_space<vmem>> -> memref<8x1x1024xf32, #tpu.memory_space<vmem>>
        %dma_wait3A_1495 = tpu.memref_squeeze %dma_wait3A_1494 : memref<8x1x1024xf32, #tpu.memory_space<vmem>> -> memref<8x1024xf32, #tpu.memory_space<vmem>>
        %dma_wait3A_1496 = arith.constant 0 : i32
        %dma_wait3A_1497 = tpu.memref_slice %arg2[%add3A_1483, %multiple_of3A_433, %dma_wait3A_1496] : memref<2047x32x1024xf32, #tpu.memory_space<hbm>> -> memref<1x8x1024xf32, #tpu.memory_space<hbm>>
        %dma_wait3A_1498 = tpu.memref_squeeze %dma_wait3A_1497 : memref<1x8x1024xf32, #tpu.memory_space<hbm>> -> memref<8x1024xf32, #tpu.memory_space<hbm>>
        tpu.wait_dma2 semaphore(%arg7 : memref<!tpu.dma_semaphore, #tpu.memory_space<semaphore_mem>>) src(%dma_wait3A_1498 : memref<8x1024xf32, #tpu.memory_space<hbm>>) dst(%dma_wait3A_1495 : memref<8x1024xf32, #tpu.memory_space<vmem>>)
        %add3A_1499 = arith.constant 4 : i32
        %add3A_1500 = arith.addi %multiple_of3A, %add3A_1499 : i32
        %dma_wait3A_1501 = arith.constant 4 : i32
        %dma_wait3A_1502 = arith.constant 0 : i32
        %dma_wait3A_1503 = arith.constant 0 : i32
        %dma_wait3A_1504 = tpu.memref_slice %arg6[%dma_wait3A_1502, %dma_wait3A_1501, %dma_wait3A_1503] : memref<8x8x1024xf32, #tpu.memory_space<vmem>> -> memref<8x1x1024xf32, #tpu.memory_space<vmem>>
        %dma_wait3A_1505 = tpu.memref_squeeze %dma_wait3A_1504 : memref<8x1x1024xf32, #tpu.memory_space<vmem>> -> memref<8x1024xf32, #tpu.memory_space<vmem>>
        %dma_wait3A_1506 = arith.constant 0 : i32
        %dma_wait3A_1507 = tpu.memref_slice %arg2[%add3A_1500, %multiple_of3A_433, %dma_wait3A_1506] : memref<2047x32x1024xf32, #tpu.memory_space<hbm>> -> memref<1x8x1024xf32, #tpu.memory_space<hbm>>
        %dma_wait3A_1508 = tpu.memref_squeeze %dma_wait3A_1507 : memref<1x8x1024xf32, #tpu.memory_space<hbm>> -> memref<8x1024xf32, #tpu.memory_space<hbm>>
        %dma_wait3A_1509 = arith.constant 0 : i32
        %dma_wait3A_1510 = arith.constant 0 : i32
        %dma_wait3A_1511 = tpu.memref_slice %arg6[%dma_wait3A_1509, %dma_wait3A_1501, %dma_wait3A_1510] : memref<8x8x1024xf32, #tpu.memory_space<vmem>> -> memref<8x1x1024xf32, #tpu.memory_space<vmem>>
        %dma_wait3A_1512 = tpu.memref_squeeze %dma_wait3A_1511 : memref<8x1x1024xf32, #tpu.memory_space<vmem>> -> memref<8x1024xf32, #tpu.memory_space<vmem>>
        %dma_wait3A_1513 = arith.constant 0 : i32
        %dma_wait3A_1514 = tpu.memref_slice %arg2[%add3A_1500, %multiple_of3A_433, %dma_wait3A_1513] : memref<2047x32x1024xf32, #tpu.memory_space<hbm>> -> memref<1x8x1024xf32, #tpu.memory_space<hbm>>
        %dma_wait3A_1515 = tpu.memref_squeeze %dma_wait3A_1514 : memref<1x8x1024xf32, #tpu.memory_space<hbm>> -> memref<8x1024xf32, #tpu.memory_space<hbm>>
        tpu.wait_dma2 semaphore(%arg7 : memref<!tpu.dma_semaphore, #tpu.memory_space<semaphore_mem>>) src(%dma_wait3A_1515 : memref<8x1024xf32, #tpu.memory_space<hbm>>) dst(%dma_wait3A_1512 : memref<8x1024xf32, #tpu.memory_space<vmem>>)
        %add3A_1516 = arith.constant 5 : i32
        %add3A_1517 = arith.addi %multiple_of3A, %add3A_1516 : i32
        %dma_wait3A_1518 = arith.constant 5 : i32
        %dma_wait3A_1519 = arith.constant 0 : i32
        %dma_wait3A_1520 = arith.constant 0 : i32
        %dma_wait3A_1521 = tpu.memref_slice %arg6[%dma_wait3A_1519, %dma_wait3A_1518, %dma_wait3A_1520] : memref<8x8x1024xf32, #tpu.memory_space<vmem>> -> memref<8x1x1024xf32, #tpu.memory_space<vmem>>
        %dma_wait3A_1522 = tpu.memref_squeeze %dma_wait3A_1521 : memref<8x1x1024xf32, #tpu.memory_space<vmem>> -> memref<8x1024xf32, #tpu.memory_space<vmem>>
        %dma_wait3A_1523 = arith.constant 0 : i32
        %dma_wait3A_1524 = tpu.memref_slice %arg2[%add3A_1517, %multiple_of3A_433, %dma_wait3A_1523] : memref<2047x32x1024xf32, #tpu.memory_space<hbm>> -> memref<1x8x1024xf32, #tpu.memory_space<hbm>>
        %dma_wait3A_1525 = tpu.memref_squeeze %dma_wait3A_1524 : memref<1x8x1024xf32, #tpu.memory_space<hbm>> -> memref<8x1024xf32, #tpu.memory_space<hbm>>
        %dma_wait3A_1526 = arith.constant 0 : i32
        %dma_wait3A_1527 = arith.constant 0 : i32
        %dma_wait3A_1528 = tpu.memref_slice %arg6[%dma_wait3A_1526, %dma_wait3A_1518, %dma_wait3A_1527] : memref<8x8x1024xf32, #tpu.memory_space<vmem>> -> memref<8x1x1024xf32, #tpu.memory_space<vmem>>
        %dma_wait3A_1529 = tpu.memref_squeeze %dma_wait3A_1528 : memref<8x1x1024xf32, #tpu.memory_space<vmem>> -> memref<8x1024xf32, #tpu.memory_space<vmem>>
        %dma_wait3A_1530 = arith.constant 0 : i32
        %dma_wait3A_1531 = tpu.memref_slice %arg2[%add3A_1517, %multiple_of3A_433, %dma_wait3A_1530] : memref<2047x32x1024xf32, #tpu.memory_space<hbm>> -> memref<1x8x1024xf32, #tpu.memory_space<hbm>>
        %dma_wait3A_1532 = tpu.memref_squeeze %dma_wait3A_1531 : memref<1x8x1024xf32, #tpu.memory_space<hbm>> -> memref<8x1024xf32, #tpu.memory_space<hbm>>
        tpu.wait_dma2 semaphore(%arg7 : memref<!tpu.dma_semaphore, #tpu.memory_space<semaphore_mem>>) src(%dma_wait3A_1532 : memref<8x1024xf32, #tpu.memory_space<hbm>>) dst(%dma_wait3A_1529 : memref<8x1024xf32, #tpu.memory_space<vmem>>)
        %add3A_1533 = arith.constant 6 : i32
        %add3A_1534 = arith.addi %multiple_of3A, %add3A_1533 : i32
        %dma_wait3A_1535 = arith.constant 6 : i32
        %dma_wait3A_1536 = arith.constant 0 : i32
        %dma_wait3A_1537 = arith.constant 0 : i32
        %dma_wait3A_1538 = tpu.memref_slice %arg6[%dma_wait3A_1536, %dma_wait3A_1535, %dma_wait3A_1537] : memref<8x8x1024xf32, #tpu.memory_space<vmem>> -> memref<8x1x1024xf32, #tpu.memory_space<vmem>>
        %dma_wait3A_1539 = tpu.memref_squeeze %dma_wait3A_1538 : memref<8x1x1024xf32, #tpu.memory_space<vmem>> -> memref<8x1024xf32, #tpu.memory_space<vmem>>
        %dma_wait3A_1540 = arith.constant 0 : i32
        %dma_wait3A_1541 = tpu.memref_slice %arg2[%add3A_1534, %multiple_of3A_433, %dma_wait3A_1540] : memref<2047x32x1024xf32, #tpu.memory_space<hbm>> -> memref<1x8x1024xf32, #tpu.memory_space<hbm>>
        %dma_wait3A_1542 = tpu.memref_squeeze %dma_wait3A_1541 : memref<1x8x1024xf32, #tpu.memory_space<hbm>> -> memref<8x1024xf32, #tpu.memory_space<hbm>>
        %dma_wait3A_1543 = arith.constant 0 : i32
        %dma_wait3A_1544 = arith.constant 0 : i32
        %dma_wait3A_1545 = tpu.memref_slice %arg6[%dma_wait3A_1543, %dma_wait3A_1535, %dma_wait3A_1544] : memref<8x8x1024xf32, #tpu.memory_space<vmem>> -> memref<8x1x1024xf32, #tpu.memory_space<vmem>>
        %dma_wait3A_1546 = tpu.memref_squeeze %dma_wait3A_1545 : memref<8x1x1024xf32, #tpu.memory_space<vmem>> -> memref<8x1024xf32, #tpu.memory_space<vmem>>
        %dma_wait3A_1547 = arith.constant 0 : i32
        %dma_wait3A_1548 = tpu.memref_slice %arg2[%add3A_1534, %multiple_of3A_433, %dma_wait3A_1547] : memref<2047x32x1024xf32, #tpu.memory_space<hbm>> -> memref<1x8x1024xf32, #tpu.memory_space<hbm>>
        %dma_wait3A_1549 = tpu.memref_squeeze %dma_wait3A_1548 : memref<1x8x1024xf32, #tpu.memory_space<hbm>> -> memref<8x1024xf32, #tpu.memory_space<hbm>>
        tpu.wait_dma2 semaphore(%arg7 : memref<!tpu.dma_semaphore, #tpu.memory_space<semaphore_mem>>) src(%dma_wait3A_1549 : memref<8x1024xf32, #tpu.memory_space<hbm>>) dst(%dma_wait3A_1546 : memref<8x1024xf32, #tpu.memory_space<vmem>>)
        %add3A_1550 = arith.constant 7 : i32
        %add3A_1551 = arith.addi %multiple_of3A, %add3A_1550 : i32
        %dma_wait3A_1552 = arith.constant 7 : i32
        %dma_wait3A_1553 = arith.constant 0 : i32
        %dma_wait3A_1554 = arith.constant 0 : i32
        %dma_wait3A_1555 = tpu.memref_slice %arg6[%dma_wait3A_1553, %dma_wait3A_1552, %dma_wait3A_1554] : memref<8x8x1024xf32, #tpu.memory_space<vmem>> -> memref<8x1x1024xf32, #tpu.memory_space<vmem>>
        %dma_wait3A_1556 = tpu.memref_squeeze %dma_wait3A_1555 : memref<8x1x1024xf32, #tpu.memory_space<vmem>> -> memref<8x1024xf32, #tpu.memory_space<vmem>>
        %dma_wait3A_1557 = arith.constant 0 : i32
        %dma_wait3A_1558 = tpu.memref_slice %arg2[%add3A_1551, %multiple_of3A_433, %dma_wait3A_1557] : memref<2047x32x1024xf32, #tpu.memory_space<hbm>> -> memref<1x8x1024xf32, #tpu.memory_space<hbm>>
        %dma_wait3A_1559 = tpu.memref_squeeze %dma_wait3A_1558 : memref<1x8x1024xf32, #tpu.memory_space<hbm>> -> memref<8x1024xf32, #tpu.memory_space<hbm>>
        %dma_wait3A_1560 = arith.constant 0 : i32
        %dma_wait3A_1561 = arith.constant 0 : i32
        %dma_wait3A_1562 = tpu.memref_slice %arg6[%dma_wait3A_1560, %dma_wait3A_1552, %dma_wait3A_1561] : memref<8x8x1024xf32, #tpu.memory_space<vmem>> -> memref<8x1x1024xf32, #tpu.memory_space<vmem>>
        %dma_wait3A_1563 = tpu.memref_squeeze %dma_wait3A_1562 : memref<8x1x1024xf32, #tpu.memory_space<vmem>> -> memref<8x1024xf32, #tpu.memory_space<vmem>>
        %dma_wait3A_1564 = arith.constant 0 : i32
        %dma_wait3A_1565 = tpu.memref_slice %arg2[%add3A_1551, %multiple_of3A_433, %dma_wait3A_1564] : memref<2047x32x1024xf32, #tpu.memory_space<hbm>> -> memref<1x8x1024xf32, #tpu.memory_space<hbm>>
        %dma_wait3A_1566 = tpu.memref_squeeze %dma_wait3A_1565 : memref<1x8x1024xf32, #tpu.memory_space<hbm>> -> memref<8x1024xf32, #tpu.memory_space<hbm>>
        tpu.wait_dma2 semaphore(%arg7 : memref<!tpu.dma_semaphore, #tpu.memory_space<semaphore_mem>>) src(%dma_wait3A_1566 : memref<8x1024xf32, #tpu.memory_space<hbm>>) dst(%dma_wait3A_1563 : memref<8x1024xf32, #tpu.memory_space<vmem>>)
        %convert_element_type3A_1567 = arith.extui %and3A_459 : i1 to i32
        %cond3A_1568 = arith.constant 0 : i32
        %cond3A_1569 = arith.cmpi ne, %convert_element_type3A_1567, %cond3A_1568 : i32
        scf.if %cond3A_1569 {
          %jit3A_1759 = arith.constant 8 : i32
          %eq3A_1760 = arith.constant 0 : i32
          %eq3A_1761 = arith.cmpi eq, %jit3A_1759, %eq3A_1760 : i32
          %jit3A_1762 = arith.constant 1 : i32
          %select_n3A_1763 = arith.select %eq3A_1761, %jit3A_1762, %jit3A_1759 : i32
          %rem3A_1764 = arith.remsi %reduce_max3A_13, %select_n3A_1763 : i32
          %ne3A_1765 = arith.constant 0 : i32
          %ne3A_1766 = arith.cmpi ne, %rem3A_1764, %ne3A_1765 : i32
          %lt3A_1767 = arith.constant 0 : i32
          %lt3A_1768 = arith.cmpi slt, %rem3A_1764, %lt3A_1767 : i32
          %lt3A_1769 = arith.constant 0 : i32
          %lt3A_1770 = arith.cmpi slt, %select_n3A_1763, %lt3A_1769 : i32
          %ne3A_1771 = arith.xori %lt3A_1768, %lt3A_1770 : i1
          %and3A_1772 = arith.andi %ne3A_1771, %ne3A_1766 : i1
          %add3A_1773 = arith.addi %rem3A_1764, %select_n3A_1763 : i32
          %select_n3A_1774 = arith.select %and3A_1772, %add3A_1773, %rem3A_1764 : i32
          %dma_start3A_1775 = arith.constant 0 : i32
          %dma_start3A_1776 = arith.constant 0 : i32
          %dma_start3A_1777 = arith.constant 0 : i32
          %dma_start3A_1778 = tpu.memref_slice %arg6[%select_n3A_1774, %dma_start3A_1776, %dma_start3A_1777] : memref<8x8x1024xf32, #tpu.memory_space<vmem>> -> memref<1x8x1024xf32, #tpu.memory_space<vmem>>
          %dma_start3A_1779 = tpu.memref_squeeze %dma_start3A_1778 : memref<1x8x1024xf32, #tpu.memory_space<vmem>> -> memref<8x1024xf32, #tpu.memory_space<vmem>>
          %dma_start3A_1780 = arith.constant 0 : i32
          %dma_start3A_1781 = tpu.memref_slice %arg4[%dma_start3A_1775, %multiple_of3A, %dma_start3A_1780] : memref<32x2048x1024xf32, #tpu.memory_space<hbm>> -> memref<1x8x1024xf32, #tpu.memory_space<hbm>>
          %dma_start3A_1782 = tpu.memref_squeeze %dma_start3A_1781 : memref<1x8x1024xf32, #tpu.memory_space<hbm>> -> memref<8x1024xf32, #tpu.memory_space<hbm>>
          %dma_start3A_1783 = arith.constant 0 : i32
          %dma_start3A_1784 = tpu.memref_slice %arg4[%dma_start3A_1775, %multiple_of3A, %dma_start3A_1783] : memref<32x2048x1024xf32, #tpu.memory_space<hbm>> -> memref<1x8x1024xf32, #tpu.memory_space<hbm>>
          %dma_start3A_1785 = tpu.memref_squeeze %dma_start3A_1784 : memref<1x8x1024xf32, #tpu.memory_space<hbm>> -> memref<8x1024xf32, #tpu.memory_space<hbm>>
          %dma_start3A_1786 = arith.constant 0 : i32
          %dma_start3A_1787 = arith.constant 0 : i32
          %dma_start3A_1788 = tpu.memref_slice %arg6[%select_n3A_1774, %dma_start3A_1786, %dma_start3A_1787] : memref<8x8x1024xf32, #tpu.memory_space<vmem>> -> memref<1x8x1024xf32, #tpu.memory_space<vmem>>
          %dma_start3A_1789 = tpu.memref_squeeze %dma_start3A_1788 : memref<1x8x1024xf32, #tpu.memory_space<vmem>> -> memref<8x1024xf32, #tpu.memory_space<vmem>>
          tpu.enqueue_dma source(%dma_start3A_1789 : memref<8x1024xf32, #tpu.memory_space<vmem>>) target(%dma_start3A_1785 : memref<8x1024xf32, #tpu.memory_space<hbm>>) target_semaphore(%arg8 : memref<!tpu.dma_semaphore, #tpu.memory_space<semaphore_mem>>)
        } else {
        }
        %convert_element_type3A_1570 = arith.extui %and3A_485 : i1 to i32
        %cond3A_1571 = arith.constant 0 : i32
        %cond3A_1572 = arith.cmpi ne, %convert_element_type3A_1570, %cond3A_1571 : i32
        scf.if %cond3A_1572 {
          %jit3A_1759 = arith.constant 8 : i32
          %eq3A_1760 = arith.constant 0 : i32
          %eq3A_1761 = arith.cmpi eq, %jit3A_1759, %eq3A_1760 : i32
          %jit3A_1762 = arith.constant 1 : i32
          %select_n3A_1763 = arith.select %eq3A_1761, %jit3A_1762, %jit3A_1759 : i32
          %rem3A_1764 = arith.remsi %reduce_max3A_25, %select_n3A_1763 : i32
          %ne3A_1765 = arith.constant 0 : i32
          %ne3A_1766 = arith.cmpi ne, %rem3A_1764, %ne3A_1765 : i32
          %lt3A_1767 = arith.constant 0 : i32
          %lt3A_1768 = arith.cmpi slt, %rem3A_1764, %lt3A_1767 : i32
          %lt3A_1769 = arith.constant 0 : i32
          %lt3A_1770 = arith.cmpi slt, %select_n3A_1763, %lt3A_1769 : i32
          %ne3A_1771 = arith.xori %lt3A_1768, %lt3A_1770 : i1
          %and3A_1772 = arith.andi %ne3A_1771, %ne3A_1766 : i1
          %add3A_1773 = arith.addi %rem3A_1764, %select_n3A_1763 : i32
          %select_n3A_1774 = arith.select %and3A_1772, %add3A_1773, %rem3A_1764 : i32
          %dma_start3A_1775 = arith.constant 1 : i32
          %dma_start3A_1776 = arith.constant 0 : i32
          %dma_start3A_1777 = arith.constant 0 : i32
          %dma_start3A_1778 = tpu.memref_slice %arg6[%select_n3A_1774, %dma_start3A_1776, %dma_start3A_1777] : memref<8x8x1024xf32, #tpu.memory_space<vmem>> -> memref<1x8x1024xf32, #tpu.memory_space<vmem>>
          %dma_start3A_1779 = tpu.memref_squeeze %dma_start3A_1778 : memref<1x8x1024xf32, #tpu.memory_space<vmem>> -> memref<8x1024xf32, #tpu.memory_space<vmem>>
          %dma_start3A_1780 = arith.constant 0 : i32
          %dma_start3A_1781 = tpu.memref_slice %arg4[%dma_start3A_1775, %multiple_of3A, %dma_start3A_1780] : memref<32x2048x1024xf32, #tpu.memory_space<hbm>> -> memref<1x8x1024xf32, #tpu.memory_space<hbm>>
          %dma_start3A_1782 = tpu.memref_squeeze %dma_start3A_1781 : memref<1x8x1024xf32, #tpu.memory_space<hbm>> -> memref<8x1024xf32, #tpu.memory_space<hbm>>
          %dma_start3A_1783 = arith.constant 0 : i32
          %dma_start3A_1784 = tpu.memref_slice %arg4[%dma_start3A_1775, %multiple_of3A, %dma_start3A_1783] : memref<32x2048x1024xf32, #tpu.memory_space<hbm>> -> memref<1x8x1024xf32, #tpu.memory_space<hbm>>
          %dma_start3A_1785 = tpu.memref_squeeze %dma_start3A_1784 : memref<1x8x1024xf32, #tpu.memory_space<hbm>> -> memref<8x1024xf32, #tpu.memory_space<hbm>>
          %dma_start3A_1786 = arith.constant 0 : i32
          %dma_start3A_1787 = arith.constant 0 : i32
          %dma_start3A_1788 = tpu.memref_slice %arg6[%select_n3A_1774, %dma_start3A_1786, %dma_start3A_1787] : memref<8x8x1024xf32, #tpu.memory_space<vmem>> -> memref<1x8x1024xf32, #tpu.memory_space<vmem>>
          %dma_start3A_1789 = tpu.memref_squeeze %dma_start3A_1788 : memref<1x8x1024xf32, #tpu.memory_space<vmem>> -> memref<8x1024xf32, #tpu.memory_space<vmem>>
          tpu.enqueue_dma source(%dma_start3A_1789 : memref<8x1024xf32, #tpu.memory_space<vmem>>) target(%dma_start3A_1785 : memref<8x1024xf32, #tpu.memory_space<hbm>>) target_semaphore(%arg8 : memref<!tpu.dma_semaphore, #tpu.memory_space<semaphore_mem>>)
        } else {
        }
        %convert_element_type3A_1573 = arith.extui %and3A_511 : i1 to i32
        %cond3A_1574 = arith.constant 0 : i32
        %cond3A_1575 = arith.cmpi ne, %convert_element_type3A_1573, %cond3A_1574 : i32
        scf.if %cond3A_1575 {
          %jit3A_1759 = arith.constant 8 : i32
          %eq3A_1760 = arith.constant 0 : i32
          %eq3A_1761 = arith.cmpi eq, %jit3A_1759, %eq3A_1760 : i32
          %jit3A_1762 = arith.constant 1 : i32
          %select_n3A_1763 = arith.select %eq3A_1761, %jit3A_1762, %jit3A_1759 : i32
          %rem3A_1764 = arith.remsi %reduce_max3A_37, %select_n3A_1763 : i32
          %ne3A_1765 = arith.constant 0 : i32
          %ne3A_1766 = arith.cmpi ne, %rem3A_1764, %ne3A_1765 : i32
          %lt3A_1767 = arith.constant 0 : i32
          %lt3A_1768 = arith.cmpi slt, %rem3A_1764, %lt3A_1767 : i32
          %lt3A_1769 = arith.constant 0 : i32
          %lt3A_1770 = arith.cmpi slt, %select_n3A_1763, %lt3A_1769 : i32
          %ne3A_1771 = arith.xori %lt3A_1768, %lt3A_1770 : i1
          %and3A_1772 = arith.andi %ne3A_1771, %ne3A_1766 : i1
          %add3A_1773 = arith.addi %rem3A_1764, %select_n3A_1763 : i32
          %select_n3A_1774 = arith.select %and3A_1772, %add3A_1773, %rem3A_1764 : i32
          %dma_start3A_1775 = arith.constant 2 : i32
          %dma_start3A_1776 = arith.constant 0 : i32
          %dma_start3A_1777 = arith.constant 0 : i32
          %dma_start3A_1778 = tpu.memref_slice %arg6[%select_n3A_1774, %dma_start3A_1776, %dma_start3A_1777] : memref<8x8x1024xf32, #tpu.memory_space<vmem>> -> memref<1x8x1024xf32, #tpu.memory_space<vmem>>
          %dma_start3A_1779 = tpu.memref_squeeze %dma_start3A_1778 : memref<1x8x1024xf32, #tpu.memory_space<vmem>> -> memref<8x1024xf32, #tpu.memory_space<vmem>>
          %dma_start3A_1780 = arith.constant 0 : i32
          %dma_start3A_1781 = tpu.memref_slice %arg4[%dma_start3A_1775, %multiple_of3A, %dma_start3A_1780] : memref<32x2048x1024xf32, #tpu.memory_space<hbm>> -> memref<1x8x1024xf32, #tpu.memory_space<hbm>>
          %dma_start3A_1782 = tpu.memref_squeeze %dma_start3A_1781 : memref<1x8x1024xf32, #tpu.memory_space<hbm>> -> memref<8x1024xf32, #tpu.memory_space<hbm>>
          %dma_start3A_1783 = arith.constant 0 : i32
          %dma_start3A_1784 = tpu.memref_slice %arg4[%dma_start3A_1775, %multiple_of3A, %dma_start3A_1783] : memref<32x2048x1024xf32, #tpu.memory_space<hbm>> -> memref<1x8x1024xf32, #tpu.memory_space<hbm>>
          %dma_start3A_1785 = tpu.memref_squeeze %dma_start3A_1784 : memref<1x8x1024xf32, #tpu.memory_space<hbm>> -> memref<8x1024xf32, #tpu.memory_space<hbm>>
          %dma_start3A_1786 = arith.constant 0 : i32
          %dma_start3A_1787 = arith.constant 0 : i32
          %dma_start3A_1788 = tpu.memref_slice %arg6[%select_n3A_1774, %dma_start3A_1786, %dma_start3A_1787] : memref<8x8x1024xf32, #tpu.memory_space<vmem>> -> memref<1x8x1024xf32, #tpu.memory_space<vmem>>
          %dma_start3A_1789 = tpu.memref_squeeze %dma_start3A_1788 : memref<1x8x1024xf32, #tpu.memory_space<vmem>> -> memref<8x1024xf32, #tpu.memory_space<vmem>>
          tpu.enqueue_dma source(%dma_start3A_1789 : memref<8x1024xf32, #tpu.memory_space<vmem>>) target(%dma_start3A_1785 : memref<8x1024xf32, #tpu.memory_space<hbm>>) target_semaphore(%arg8 : memref<!tpu.dma_semaphore, #tpu.memory_space<semaphore_mem>>)
        } else {
        }
        %convert_element_type3A_1576 = arith.extui %and3A_537 : i1 to i32
        %cond3A_1577 = arith.constant 0 : i32
        %cond3A_1578 = arith.cmpi ne, %convert_element_type3A_1576, %cond3A_1577 : i32
        scf.if %cond3A_1578 {
          %jit3A_1759 = arith.constant 8 : i32
          %eq3A_1760 = arith.constant 0 : i32
          %eq3A_1761 = arith.cmpi eq, %jit3A_1759, %eq3A_1760 : i32
          %jit3A_1762 = arith.constant 1 : i32
          %select_n3A_1763 = arith.select %eq3A_1761, %jit3A_1762, %jit3A_1759 : i32
          %rem3A_1764 = arith.remsi %reduce_max3A_49, %select_n3A_1763 : i32
          %ne3A_1765 = arith.constant 0 : i32
          %ne3A_1766 = arith.cmpi ne, %rem3A_1764, %ne3A_1765 : i32
          %lt3A_1767 = arith.constant 0 : i32
          %lt3A_1768 = arith.cmpi slt, %rem3A_1764, %lt3A_1767 : i32
          %lt3A_1769 = arith.constant 0 : i32
          %lt3A_1770 = arith.cmpi slt, %select_n3A_1763, %lt3A_1769 : i32
          %ne3A_1771 = arith.xori %lt3A_1768, %lt3A_1770 : i1
          %and3A_1772 = arith.andi %ne3A_1771, %ne3A_1766 : i1
          %add3A_1773 = arith.addi %rem3A_1764, %select_n3A_1763 : i32
          %select_n3A_1774 = arith.select %and3A_1772, %add3A_1773, %rem3A_1764 : i32
          %dma_start3A_1775 = arith.constant 3 : i32
          %dma_start3A_1776 = arith.constant 0 : i32
          %dma_start3A_1777 = arith.constant 0 : i32
          %dma_start3A_1778 = tpu.memref_slice %arg6[%select_n3A_1774, %dma_start3A_1776, %dma_start3A_1777] : memref<8x8x1024xf32, #tpu.memory_space<vmem>> -> memref<1x8x1024xf32, #tpu.memory_space<vmem>>
          %dma_start3A_1779 = tpu.memref_squeeze %dma_start3A_1778 : memref<1x8x1024xf32, #tpu.memory_space<vmem>> -> memref<8x1024xf32, #tpu.memory_space<vmem>>
          %dma_start3A_1780 = arith.constant 0 : i32
          %dma_start3A_1781 = tpu.memref_slice %arg4[%dma_start3A_1775, %multiple_of3A, %dma_start3A_1780] : memref<32x2048x1024xf32, #tpu.memory_space<hbm>> -> memref<1x8x1024xf32, #tpu.memory_space<hbm>>
          %dma_start3A_1782 = tpu.memref_squeeze %dma_start3A_1781 : memref<1x8x1024xf32, #tpu.memory_space<hbm>> -> memref<8x1024xf32, #tpu.memory_space<hbm>>
          %dma_start3A_1783 = arith.constant 0 : i32
          %dma_start3A_1784 = tpu.memref_slice %arg4[%dma_start3A_1775, %multiple_of3A, %dma_start3A_1783] : memref<32x2048x1024xf32, #tpu.memory_space<hbm>> -> memref<1x8x1024xf32, #tpu.memory_space<hbm>>
          %dma_start3A_1785 = tpu.memref_squeeze %dma_start3A_1784 : memref<1x8x1024xf32, #tpu.memory_space<hbm>> -> memref<8x1024xf32, #tpu.memory_space<hbm>>
          %dma_start3A_1786 = arith.constant 0 : i32
          %dma_start3A_1787 = arith.constant 0 : i32
          %dma_start3A_1788 = tpu.memref_slice %arg6[%select_n3A_1774, %dma_start3A_1786, %dma_start3A_1787] : memref<8x8x1024xf32, #tpu.memory_space<vmem>> -> memref<1x8x1024xf32, #tpu.memory_space<vmem>>
          %dma_start3A_1789 = tpu.memref_squeeze %dma_start3A_1788 : memref<1x8x1024xf32, #tpu.memory_space<vmem>> -> memref<8x1024xf32, #tpu.memory_space<vmem>>
          tpu.enqueue_dma source(%dma_start3A_1789 : memref<8x1024xf32, #tpu.memory_space<vmem>>) target(%dma_start3A_1785 : memref<8x1024xf32, #tpu.memory_space<hbm>>) target_semaphore(%arg8 : memref<!tpu.dma_semaphore, #tpu.memory_space<semaphore_mem>>)
        } else {
        }
        %convert_element_type3A_1579 = arith.extui %and3A_563 : i1 to i32
        %cond3A_1580 = arith.constant 0 : i32
        %cond3A_1581 = arith.cmpi ne, %convert_element_type3A_1579, %cond3A_1580 : i32
        scf.if %cond3A_1581 {
          %jit3A_1759 = arith.constant 8 : i32
          %eq3A_1760 = arith.constant 0 : i32
          %eq3A_1761 = arith.cmpi eq, %jit3A_1759, %eq3A_1760 : i32
          %jit3A_1762 = arith.constant 1 : i32
          %select_n3A_1763 = arith.select %eq3A_1761, %jit3A_1762, %jit3A_1759 : i32
          %rem3A_1764 = arith.remsi %reduce_max3A_61, %select_n3A_1763 : i32
          %ne3A_1765 = arith.constant 0 : i32
          %ne3A_1766 = arith.cmpi ne, %rem3A_1764, %ne3A_1765 : i32
          %lt3A_1767 = arith.constant 0 : i32
          %lt3A_1768 = arith.cmpi slt, %rem3A_1764, %lt3A_1767 : i32
          %lt3A_1769 = arith.constant 0 : i32
          %lt3A_1770 = arith.cmpi slt, %select_n3A_1763, %lt3A_1769 : i32
          %ne3A_1771 = arith.xori %lt3A_1768, %lt3A_1770 : i1
          %and3A_1772 = arith.andi %ne3A_1771, %ne3A_1766 : i1
          %add3A_1773 = arith.addi %rem3A_1764, %select_n3A_1763 : i32
          %select_n3A_1774 = arith.select %and3A_1772, %add3A_1773, %rem3A_1764 : i32
          %dma_start3A_1775 = arith.constant 4 : i32
          %dma_start3A_1776 = arith.constant 0 : i32
          %dma_start3A_1777 = arith.constant 0 : i32
          %dma_start3A_1778 = tpu.memref_slice %arg6[%select_n3A_1774, %dma_start3A_1776, %dma_start3A_1777] : memref<8x8x1024xf32, #tpu.memory_space<vmem>> -> memref<1x8x1024xf32, #tpu.memory_space<vmem>>
          %dma_start3A_1779 = tpu.memref_squeeze %dma_start3A_1778 : memref<1x8x1024xf32, #tpu.memory_space<vmem>> -> memref<8x1024xf32, #tpu.memory_space<vmem>>
          %dma_start3A_1780 = arith.constant 0 : i32
          %dma_start3A_1781 = tpu.memref_slice %arg4[%dma_start3A_1775, %multiple_of3A, %dma_start3A_1780] : memref<32x2048x1024xf32, #tpu.memory_space<hbm>> -> memref<1x8x1024xf32, #tpu.memory_space<hbm>>
          %dma_start3A_1782 = tpu.memref_squeeze %dma_start3A_1781 : memref<1x8x1024xf32, #tpu.memory_space<hbm>> -> memref<8x1024xf32, #tpu.memory_space<hbm>>
          %dma_start3A_1783 = arith.constant 0 : i32
          %dma_start3A_1784 = tpu.memref_slice %arg4[%dma_start3A_1775, %multiple_of3A, %dma_start3A_1783] : memref<32x2048x1024xf32, #tpu.memory_space<hbm>> -> memref<1x8x1024xf32, #tpu.memory_space<hbm>>
          %dma_start3A_1785 = tpu.memref_squeeze %dma_start3A_1784 : memref<1x8x1024xf32, #tpu.memory_space<hbm>> -> memref<8x1024xf32, #tpu.memory_space<hbm>>
          %dma_start3A_1786 = arith.constant 0 : i32
          %dma_start3A_1787 = arith.constant 0 : i32
          %dma_start3A_1788 = tpu.memref_slice %arg6[%select_n3A_1774, %dma_start3A_1786, %dma_start3A_1787] : memref<8x8x1024xf32, #tpu.memory_space<vmem>> -> memref<1x8x1024xf32, #tpu.memory_space<vmem>>
          %dma_start3A_1789 = tpu.memref_squeeze %dma_start3A_1788 : memref<1x8x1024xf32, #tpu.memory_space<vmem>> -> memref<8x1024xf32, #tpu.memory_space<vmem>>
          tpu.enqueue_dma source(%dma_start3A_1789 : memref<8x1024xf32, #tpu.memory_space<vmem>>) target(%dma_start3A_1785 : memref<8x1024xf32, #tpu.memory_space<hbm>>) target_semaphore(%arg8 : memref<!tpu.dma_semaphore, #tpu.memory_space<semaphore_mem>>)
        } else {
        }
        %convert_element_type3A_1582 = arith.extui %and3A_589 : i1 to i32
        %cond3A_1583 = arith.constant 0 : i32
        %cond3A_1584 = arith.cmpi ne, %convert_element_type3A_1582, %cond3A_1583 : i32
        scf.if %cond3A_1584 {
          %jit3A_1759 = arith.constant 8 : i32
          %eq3A_1760 = arith.constant 0 : i32
          %eq3A_1761 = arith.cmpi eq, %jit3A_1759, %eq3A_1760 : i32
          %jit3A_1762 = arith.constant 1 : i32
          %select_n3A_1763 = arith.select %eq3A_1761, %jit3A_1762, %jit3A_1759 : i32
          %rem3A_1764 = arith.remsi %reduce_max3A_73, %select_n3A_1763 : i32
          %ne3A_1765 = arith.constant 0 : i32
          %ne3A_1766 = arith.cmpi ne, %rem3A_1764, %ne3A_1765 : i32
          %lt3A_1767 = arith.constant 0 : i32
          %lt3A_1768 = arith.cmpi slt, %rem3A_1764, %lt3A_1767 : i32
          %lt3A_1769 = arith.constant 0 : i32
          %lt3A_1770 = arith.cmpi slt, %select_n3A_1763, %lt3A_1769 : i32
          %ne3A_1771 = arith.xori %lt3A_1768, %lt3A_1770 : i1
          %and3A_1772 = arith.andi %ne3A_1771, %ne3A_1766 : i1
          %add3A_1773 = arith.addi %rem3A_1764, %select_n3A_1763 : i32
          %select_n3A_1774 = arith.select %and3A_1772, %add3A_1773, %rem3A_1764 : i32
          %dma_start3A_1775 = arith.constant 5 : i32
          %dma_start3A_1776 = arith.constant 0 : i32
          %dma_start3A_1777 = arith.constant 0 : i32
          %dma_start3A_1778 = tpu.memref_slice %arg6[%select_n3A_1774, %dma_start3A_1776, %dma_start3A_1777] : memref<8x8x1024xf32, #tpu.memory_space<vmem>> -> memref<1x8x1024xf32, #tpu.memory_space<vmem>>
          %dma_start3A_1779 = tpu.memref_squeeze %dma_start3A_1778 : memref<1x8x1024xf32, #tpu.memory_space<vmem>> -> memref<8x1024xf32, #tpu.memory_space<vmem>>
          %dma_start3A_1780 = arith.constant 0 : i32
          %dma_start3A_1781 = tpu.memref_slice %arg4[%dma_start3A_1775, %multiple_of3A, %dma_start3A_1780] : memref<32x2048x1024xf32, #tpu.memory_space<hbm>> -> memref<1x8x1024xf32, #tpu.memory_space<hbm>>
          %dma_start3A_1782 = tpu.memref_squeeze %dma_start3A_1781 : memref<1x8x1024xf32, #tpu.memory_space<hbm>> -> memref<8x1024xf32, #tpu.memory_space<hbm>>
          %dma_start3A_1783 = arith.constant 0 : i32
          %dma_start3A_1784 = tpu.memref_slice %arg4[%dma_start3A_1775, %multiple_of3A, %dma_start3A_1783] : memref<32x2048x1024xf32, #tpu.memory_space<hbm>> -> memref<1x8x1024xf32, #tpu.memory_space<hbm>>
          %dma_start3A_1785 = tpu.memref_squeeze %dma_start3A_1784 : memref<1x8x1024xf32, #tpu.memory_space<hbm>> -> memref<8x1024xf32, #tpu.memory_space<hbm>>
          %dma_start3A_1786 = arith.constant 0 : i32
          %dma_start3A_1787 = arith.constant 0 : i32
          %dma_start3A_1788 = tpu.memref_slice %arg6[%select_n3A_1774, %dma_start3A_1786, %dma_start3A_1787] : memref<8x8x1024xf32, #tpu.memory_space<vmem>> -> memref<1x8x1024xf32, #tpu.memory_space<vmem>>
          %dma_start3A_1789 = tpu.memref_squeeze %dma_start3A_1788 : memref<1x8x1024xf32, #tpu.memory_space<vmem>> -> memref<8x1024xf32, #tpu.memory_space<vmem>>
          tpu.enqueue_dma source(%dma_start3A_1789 : memref<8x1024xf32, #tpu.memory_space<vmem>>) target(%dma_start3A_1785 : memref<8x1024xf32, #tpu.memory_space<hbm>>) target_semaphore(%arg8 : memref<!tpu.dma_semaphore, #tpu.memory_space<semaphore_mem>>)
        } else {
        }
        %convert_element_type3A_1585 = arith.extui %and3A_615 : i1 to i32
        %cond3A_1586 = arith.constant 0 : i32
        %cond3A_1587 = arith.cmpi ne, %convert_element_type3A_1585, %cond3A_1586 : i32
        scf.if %cond3A_1587 {
          %jit3A_1759 = arith.constant 8 : i32
          %eq3A_1760 = arith.constant 0 : i32
          %eq3A_1761 = arith.cmpi eq, %jit3A_1759, %eq3A_1760 : i32
          %jit3A_1762 = arith.constant 1 : i32
          %select_n3A_1763 = arith.select %eq3A_1761, %jit3A_1762, %jit3A_1759 : i32
          %rem3A_1764 = arith.remsi %reduce_max3A_85, %select_n3A_1763 : i32
          %ne3A_1765 = arith.constant 0 : i32
          %ne3A_1766 = arith.cmpi ne, %rem3A_1764, %ne3A_1765 : i32
          %lt3A_1767 = arith.constant 0 : i32
          %lt3A_1768 = arith.cmpi slt, %rem3A_1764, %lt3A_1767 : i32
          %lt3A_1769 = arith.constant 0 : i32
          %lt3A_1770 = arith.cmpi slt, %select_n3A_1763, %lt3A_1769 : i32
          %ne3A_1771 = arith.xori %lt3A_1768, %lt3A_1770 : i1
          %and3A_1772 = arith.andi %ne3A_1771, %ne3A_1766 : i1
          %add3A_1773 = arith.addi %rem3A_1764, %select_n3A_1763 : i32
          %select_n3A_1774 = arith.select %and3A_1772, %add3A_1773, %rem3A_1764 : i32
          %dma_start3A_1775 = arith.constant 6 : i32
          %dma_start3A_1776 = arith.constant 0 : i32
          %dma_start3A_1777 = arith.constant 0 : i32
          %dma_start3A_1778 = tpu.memref_slice %arg6[%select_n3A_1774, %dma_start3A_1776, %dma_start3A_1777] : memref<8x8x1024xf32, #tpu.memory_space<vmem>> -> memref<1x8x1024xf32, #tpu.memory_space<vmem>>
          %dma_start3A_1779 = tpu.memref_squeeze %dma_start3A_1778 : memref<1x8x1024xf32, #tpu.memory_space<vmem>> -> memref<8x1024xf32, #tpu.memory_space<vmem>>
          %dma_start3A_1780 = arith.constant 0 : i32
          %dma_start3A_1781 = tpu.memref_slice %arg4[%dma_start3A_1775, %multiple_of3A, %dma_start3A_1780] : memref<32x2048x1024xf32, #tpu.memory_space<hbm>> -> memref<1x8x1024xf32, #tpu.memory_space<hbm>>
          %dma_start3A_1782 = tpu.memref_squeeze %dma_start3A_1781 : memref<1x8x1024xf32, #tpu.memory_space<hbm>> -> memref<8x1024xf32, #tpu.memory_space<hbm>>
          %dma_start3A_1783 = arith.constant 0 : i32
          %dma_start3A_1784 = tpu.memref_slice %arg4[%dma_start3A_1775, %multiple_of3A, %dma_start3A_1783] : memref<32x2048x1024xf32, #tpu.memory_space<hbm>> -> memref<1x8x1024xf32, #tpu.memory_space<hbm>>
          %dma_start3A_1785 = tpu.memref_squeeze %dma_start3A_1784 : memref<1x8x1024xf32, #tpu.memory_space<hbm>> -> memref<8x1024xf32, #tpu.memory_space<hbm>>
          %dma_start3A_1786 = arith.constant 0 : i32
          %dma_start3A_1787 = arith.constant 0 : i32
          %dma_start3A_1788 = tpu.memref_slice %arg6[%select_n3A_1774, %dma_start3A_1786, %dma_start3A_1787] : memref<8x8x1024xf32, #tpu.memory_space<vmem>> -> memref<1x8x1024xf32, #tpu.memory_space<vmem>>
          %dma_start3A_1789 = tpu.memref_squeeze %dma_start3A_1788 : memref<1x8x1024xf32, #tpu.memory_space<vmem>> -> memref<8x1024xf32, #tpu.memory_space<vmem>>
          tpu.enqueue_dma source(%dma_start3A_1789 : memref<8x1024xf32, #tpu.memory_space<vmem>>) target(%dma_start3A_1785 : memref<8x1024xf32, #tpu.memory_space<hbm>>) target_semaphore(%arg8 : memref<!tpu.dma_semaphore, #tpu.memory_space<semaphore_mem>>)
        } else {
        }
        %convert_element_type3A_1588 = arith.extui %and3A_641 : i1 to i32
        %cond3A_1589 = arith.constant 0 : i32
        %cond3A_1590 = arith.cmpi ne, %convert_element_type3A_1588, %cond3A_1589 : i32
        scf.if %cond3A_1590 {
          %jit3A_1759 = arith.constant 8 : i32
          %eq3A_1760 = arith.constant 0 : i32
          %eq3A_1761 = arith.cmpi eq, %jit3A_1759, %eq3A_1760 : i32
          %jit3A_1762 = arith.constant 1 : i32
          %select_n3A_1763 = arith.select %eq3A_1761, %jit3A_1762, %jit3A_1759 : i32
          %rem3A_1764 = arith.remsi %reduce_max3A_97, %select_n3A_1763 : i32
          %ne3A_1765 = arith.constant 0 : i32
          %ne3A_1766 = arith.cmpi ne, %rem3A_1764, %ne3A_1765 : i32
          %lt3A_1767 = arith.constant 0 : i32
          %lt3A_1768 = arith.cmpi slt, %rem3A_1764, %lt3A_1767 : i32
          %lt3A_1769 = arith.constant 0 : i32
          %lt3A_1770 = arith.cmpi slt, %select_n3A_1763, %lt3A_1769 : i32
          %ne3A_1771 = arith.xori %lt3A_1768, %lt3A_1770 : i1
          %and3A_1772 = arith.andi %ne3A_1771, %ne3A_1766 : i1
          %add3A_1773 = arith.addi %rem3A_1764, %select_n3A_1763 : i32
          %select_n3A_1774 = arith.select %and3A_1772, %add3A_1773, %rem3A_1764 : i32
          %dma_start3A_1775 = arith.constant 7 : i32
          %dma_start3A_1776 = arith.constant 0 : i32
          %dma_start3A_1777 = arith.constant 0 : i32
          %dma_start3A_1778 = tpu.memref_slice %arg6[%select_n3A_1774, %dma_start3A_1776, %dma_start3A_1777] : memref<8x8x1024xf32, #tpu.memory_space<vmem>> -> memref<1x8x1024xf32, #tpu.memory_space<vmem>>
          %dma_start3A_1779 = tpu.memref_squeeze %dma_start3A_1778 : memref<1x8x1024xf32, #tpu.memory_space<vmem>> -> memref<8x1024xf32, #tpu.memory_space<vmem>>
          %dma_start3A_1780 = arith.constant 0 : i32
          %dma_start3A_1781 = tpu.memref_slice %arg4[%dma_start3A_1775, %multiple_of3A, %dma_start3A_1780] : memref<32x2048x1024xf32, #tpu.memory_space<hbm>> -> memref<1x8x1024xf32, #tpu.memory_space<hbm>>
          %dma_start3A_1782 = tpu.memref_squeeze %dma_start3A_1781 : memref<1x8x1024xf32, #tpu.memory_space<hbm>> -> memref<8x1024xf32, #tpu.memory_space<hbm>>
          %dma_start3A_1783 = arith.constant 0 : i32
          %dma_start3A_1784 = tpu.memref_slice %arg4[%dma_start3A_1775, %multiple_of3A, %dma_start3A_1783] : memref<32x2048x1024xf32, #tpu.memory_space<hbm>> -> memref<1x8x1024xf32, #tpu.memory_space<hbm>>
          %dma_start3A_1785 = tpu.memref_squeeze %dma_start3A_1784 : memref<1x8x1024xf32, #tpu.memory_space<hbm>> -> memref<8x1024xf32, #tpu.memory_space<hbm>>
          %dma_start3A_1786 = arith.constant 0 : i32
          %dma_start3A_1787 = arith.constant 0 : i32
          %dma_start3A_1788 = tpu.memref_slice %arg6[%select_n3A_1774, %dma_start3A_1786, %dma_start3A_1787] : memref<8x8x1024xf32, #tpu.memory_space<vmem>> -> memref<1x8x1024xf32, #tpu.memory_space<vmem>>
          %dma_start3A_1789 = tpu.memref_squeeze %dma_start3A_1788 : memref<1x8x1024xf32, #tpu.memory_space<vmem>> -> memref<8x1024xf32, #tpu.memory_space<vmem>>
          tpu.enqueue_dma source(%dma_start3A_1789 : memref<8x1024xf32, #tpu.memory_space<vmem>>) target(%dma_start3A_1785 : memref<8x1024xf32, #tpu.memory_space<hbm>>) target_semaphore(%arg8 : memref<!tpu.dma_semaphore, #tpu.memory_space<semaphore_mem>>)
        } else {
        }
        %convert_element_type3A_1591 = arith.extui %and3A_667 : i1 to i32
        %cond3A_1592 = arith.constant 0 : i32
        %cond3A_1593 = arith.cmpi ne, %convert_element_type3A_1591, %cond3A_1592 : i32
        scf.if %cond3A_1593 {
          %jit3A_1759 = arith.constant 8 : i32
          %eq3A_1760 = arith.constant 0 : i32
          %eq3A_1761 = arith.cmpi eq, %jit3A_1759, %eq3A_1760 : i32
          %jit3A_1762 = arith.constant 1 : i32
          %select_n3A_1763 = arith.select %eq3A_1761, %jit3A_1762, %jit3A_1759 : i32
          %rem3A_1764 = arith.remsi %reduce_max3A_109, %select_n3A_1763 : i32
          %ne3A_1765 = arith.constant 0 : i32
          %ne3A_1766 = arith.cmpi ne, %rem3A_1764, %ne3A_1765 : i32
          %lt3A_1767 = arith.constant 0 : i32
          %lt3A_1768 = arith.cmpi slt, %rem3A_1764, %lt3A_1767 : i32
          %lt3A_1769 = arith.constant 0 : i32
          %lt3A_1770 = arith.cmpi slt, %select_n3A_1763, %lt3A_1769 : i32
          %ne3A_1771 = arith.xori %lt3A_1768, %lt3A_1770 : i1
          %and3A_1772 = arith.andi %ne3A_1771, %ne3A_1766 : i1
          %add3A_1773 = arith.addi %rem3A_1764, %select_n3A_1763 : i32
          %select_n3A_1774 = arith.select %and3A_1772, %add3A_1773, %rem3A_1764 : i32
          %dma_start3A_1775 = arith.constant 8 : i32
          %dma_start3A_1776 = arith.constant 0 : i32
          %dma_start3A_1777 = arith.constant 0 : i32
          %dma_start3A_1778 = tpu.memref_slice %arg6[%select_n3A_1774, %dma_start3A_1776, %dma_start3A_1777] : memref<8x8x1024xf32, #tpu.memory_space<vmem>> -> memref<1x8x1024xf32, #tpu.memory_space<vmem>>
          %dma_start3A_1779 = tpu.memref_squeeze %dma_start3A_1778 : memref<1x8x1024xf32, #tpu.memory_space<vmem>> -> memref<8x1024xf32, #tpu.memory_space<vmem>>
          %dma_start3A_1780 = arith.constant 0 : i32
          %dma_start3A_1781 = tpu.memref_slice %arg4[%dma_start3A_1775, %multiple_of3A, %dma_start3A_1780] : memref<32x2048x1024xf32, #tpu.memory_space<hbm>> -> memref<1x8x1024xf32, #tpu.memory_space<hbm>>
          %dma_start3A_1782 = tpu.memref_squeeze %dma_start3A_1781 : memref<1x8x1024xf32, #tpu.memory_space<hbm>> -> memref<8x1024xf32, #tpu.memory_space<hbm>>
          %dma_start3A_1783 = arith.constant 0 : i32
          %dma_start3A_1784 = tpu.memref_slice %arg4[%dma_start3A_1775, %multiple_of3A, %dma_start3A_1783] : memref<32x2048x1024xf32, #tpu.memory_space<hbm>> -> memref<1x8x1024xf32, #tpu.memory_space<hbm>>
          %dma_start3A_1785 = tpu.memref_squeeze %dma_start3A_1784 : memref<1x8x1024xf32, #tpu.memory_space<hbm>> -> memref<8x1024xf32, #tpu.memory_space<hbm>>
          %dma_start3A_1786 = arith.constant 0 : i32
          %dma_start3A_1787 = arith.constant 0 : i32
          %dma_start3A_1788 = tpu.memref_slice %arg6[%select_n3A_1774, %dma_start3A_1786, %dma_start3A_1787] : memref<8x8x1024xf32, #tpu.memory_space<vmem>> -> memref<1x8x1024xf32, #tpu.memory_space<vmem>>
          %dma_start3A_1789 = tpu.memref_squeeze %dma_start3A_1788 : memref<1x8x1024xf32, #tpu.memory_space<vmem>> -> memref<8x1024xf32, #tpu.memory_space<vmem>>
          tpu.enqueue_dma source(%dma_start3A_1789 : memref<8x1024xf32, #tpu.memory_space<vmem>>) target(%dma_start3A_1785 : memref<8x1024xf32, #tpu.memory_space<hbm>>) target_semaphore(%arg8 : memref<!tpu.dma_semaphore, #tpu.memory_space<semaphore_mem>>)
        } else {
        }
        %convert_element_type3A_1594 = arith.extui %and3A_693 : i1 to i32
        %cond3A_1595 = arith.constant 0 : i32
        %cond3A_1596 = arith.cmpi ne, %convert_element_type3A_1594, %cond3A_1595 : i32
        scf.if %cond3A_1596 {
          %jit3A_1759 = arith.constant 8 : i32
          %eq3A_1760 = arith.constant 0 : i32
          %eq3A_1761 = arith.cmpi eq, %jit3A_1759, %eq3A_1760 : i32
          %jit3A_1762 = arith.constant 1 : i32
          %select_n3A_1763 = arith.select %eq3A_1761, %jit3A_1762, %jit3A_1759 : i32
          %rem3A_1764 = arith.remsi %reduce_max3A_121, %select_n3A_1763 : i32
          %ne3A_1765 = arith.constant 0 : i32
          %ne3A_1766 = arith.cmpi ne, %rem3A_1764, %ne3A_1765 : i32
          %lt3A_1767 = arith.constant 0 : i32
          %lt3A_1768 = arith.cmpi slt, %rem3A_1764, %lt3A_1767 : i32
          %lt3A_1769 = arith.constant 0 : i32
          %lt3A_1770 = arith.cmpi slt, %select_n3A_1763, %lt3A_1769 : i32
          %ne3A_1771 = arith.xori %lt3A_1768, %lt3A_1770 : i1
          %and3A_1772 = arith.andi %ne3A_1771, %ne3A_1766 : i1
          %add3A_1773 = arith.addi %rem3A_1764, %select_n3A_1763 : i32
          %select_n3A_1774 = arith.select %and3A_1772, %add3A_1773, %rem3A_1764 : i32
          %dma_start3A_1775 = arith.constant 9 : i32
          %dma_start3A_1776 = arith.constant 0 : i32
          %dma_start3A_1777 = arith.constant 0 : i32
          %dma_start3A_1778 = tpu.memref_slice %arg6[%select_n3A_1774, %dma_start3A_1776, %dma_start3A_1777] : memref<8x8x1024xf32, #tpu.memory_space<vmem>> -> memref<1x8x1024xf32, #tpu.memory_space<vmem>>
          %dma_start3A_1779 = tpu.memref_squeeze %dma_start3A_1778 : memref<1x8x1024xf32, #tpu.memory_space<vmem>> -> memref<8x1024xf32, #tpu.memory_space<vmem>>
          %dma_start3A_1780 = arith.constant 0 : i32
          %dma_start3A_1781 = tpu.memref_slice %arg4[%dma_start3A_1775, %multiple_of3A, %dma_start3A_1780] : memref<32x2048x1024xf32, #tpu.memory_space<hbm>> -> memref<1x8x1024xf32, #tpu.memory_space<hbm>>
          %dma_start3A_1782 = tpu.memref_squeeze %dma_start3A_1781 : memref<1x8x1024xf32, #tpu.memory_space<hbm>> -> memref<8x1024xf32, #tpu.memory_space<hbm>>
          %dma_start3A_1783 = arith.constant 0 : i32
          %dma_start3A_1784 = tpu.memref_slice %arg4[%dma_start3A_1775, %multiple_of3A, %dma_start3A_1783] : memref<32x2048x1024xf32, #tpu.memory_space<hbm>> -> memref<1x8x1024xf32, #tpu.memory_space<hbm>>
          %dma_start3A_1785 = tpu.memref_squeeze %dma_start3A_1784 : memref<1x8x1024xf32, #tpu.memory_space<hbm>> -> memref<8x1024xf32, #tpu.memory_space<hbm>>
          %dma_start3A_1786 = arith.constant 0 : i32
          %dma_start3A_1787 = arith.constant 0 : i32
          %dma_start3A_1788 = tpu.memref_slice %arg6[%select_n3A_1774, %dma_start3A_1786, %dma_start3A_1787] : memref<8x8x1024xf32, #tpu.memory_space<vmem>> -> memref<1x8x1024xf32, #tpu.memory_space<vmem>>
          %dma_start3A_1789 = tpu.memref_squeeze %dma_start3A_1788 : memref<1x8x1024xf32, #tpu.memory_space<vmem>> -> memref<8x1024xf32, #tpu.memory_space<vmem>>
          tpu.enqueue_dma source(%dma_start3A_1789 : memref<8x1024xf32, #tpu.memory_space<vmem>>) target(%dma_start3A_1785 : memref<8x1024xf32, #tpu.memory_space<hbm>>) target_semaphore(%arg8 : memref<!tpu.dma_semaphore, #tpu.memory_space<semaphore_mem>>)
        } else {
        }
        %convert_element_type3A_1597 = arith.extui %and3A_719 : i1 to i32
        %cond3A_1598 = arith.constant 0 : i32
        %cond3A_1599 = arith.cmpi ne, %convert_element_type3A_1597, %cond3A_1598 : i32
        scf.if %cond3A_1599 {
          %jit3A_1759 = arith.constant 8 : i32
          %eq3A_1760 = arith.constant 0 : i32
          %eq3A_1761 = arith.cmpi eq, %jit3A_1759, %eq3A_1760 : i32
          %jit3A_1762 = arith.constant 1 : i32
          %select_n3A_1763 = arith.select %eq3A_1761, %jit3A_1762, %jit3A_1759 : i32
          %rem3A_1764 = arith.remsi %reduce_max3A_133, %select_n3A_1763 : i32
          %ne3A_1765 = arith.constant 0 : i32
          %ne3A_1766 = arith.cmpi ne, %rem3A_1764, %ne3A_1765 : i32
          %lt3A_1767 = arith.constant 0 : i32
          %lt3A_1768 = arith.cmpi slt, %rem3A_1764, %lt3A_1767 : i32
          %lt3A_1769 = arith.constant 0 : i32
          %lt3A_1770 = arith.cmpi slt, %select_n3A_1763, %lt3A_1769 : i32
          %ne3A_1771 = arith.xori %lt3A_1768, %lt3A_1770 : i1
          %and3A_1772 = arith.andi %ne3A_1771, %ne3A_1766 : i1
          %add3A_1773 = arith.addi %rem3A_1764, %select_n3A_1763 : i32
          %select_n3A_1774 = arith.select %and3A_1772, %add3A_1773, %rem3A_1764 : i32
          %dma_start3A_1775 = arith.constant 10 : i32
          %dma_start3A_1776 = arith.constant 0 : i32
          %dma_start3A_1777 = arith.constant 0 : i32
          %dma_start3A_1778 = tpu.memref_slice %arg6[%select_n3A_1774, %dma_start3A_1776, %dma_start3A_1777] : memref<8x8x1024xf32, #tpu.memory_space<vmem>> -> memref<1x8x1024xf32, #tpu.memory_space<vmem>>
          %dma_start3A_1779 = tpu.memref_squeeze %dma_start3A_1778 : memref<1x8x1024xf32, #tpu.memory_space<vmem>> -> memref<8x1024xf32, #tpu.memory_space<vmem>>
          %dma_start3A_1780 = arith.constant 0 : i32
          %dma_start3A_1781 = tpu.memref_slice %arg4[%dma_start3A_1775, %multiple_of3A, %dma_start3A_1780] : memref<32x2048x1024xf32, #tpu.memory_space<hbm>> -> memref<1x8x1024xf32, #tpu.memory_space<hbm>>
          %dma_start3A_1782 = tpu.memref_squeeze %dma_start3A_1781 : memref<1x8x1024xf32, #tpu.memory_space<hbm>> -> memref<8x1024xf32, #tpu.memory_space<hbm>>
          %dma_start3A_1783 = arith.constant 0 : i32
          %dma_start3A_1784 = tpu.memref_slice %arg4[%dma_start3A_1775, %multiple_of3A, %dma_start3A_1783] : memref<32x2048x1024xf32, #tpu.memory_space<hbm>> -> memref<1x8x1024xf32, #tpu.memory_space<hbm>>
          %dma_start3A_1785 = tpu.memref_squeeze %dma_start3A_1784 : memref<1x8x1024xf32, #tpu.memory_space<hbm>> -> memref<8x1024xf32, #tpu.memory_space<hbm>>
          %dma_start3A_1786 = arith.constant 0 : i32
          %dma_start3A_1787 = arith.constant 0 : i32
          %dma_start3A_1788 = tpu.memref_slice %arg6[%select_n3A_1774, %dma_start3A_1786, %dma_start3A_1787] : memref<8x8x1024xf32, #tpu.memory_space<vmem>> -> memref<1x8x1024xf32, #tpu.memory_space<vmem>>
          %dma_start3A_1789 = tpu.memref_squeeze %dma_start3A_1788 : memref<1x8x1024xf32, #tpu.memory_space<vmem>> -> memref<8x1024xf32, #tpu.memory_space<vmem>>
          tpu.enqueue_dma source(%dma_start3A_1789 : memref<8x1024xf32, #tpu.memory_space<vmem>>) target(%dma_start3A_1785 : memref<8x1024xf32, #tpu.memory_space<hbm>>) target_semaphore(%arg8 : memref<!tpu.dma_semaphore, #tpu.memory_space<semaphore_mem>>)
        } else {
        }
        %convert_element_type3A_1600 = arith.extui %and3A_745 : i1 to i32
        %cond3A_1601 = arith.constant 0 : i32
        %cond3A_1602 = arith.cmpi ne, %convert_element_type3A_1600, %cond3A_1601 : i32
        scf.if %cond3A_1602 {
          %jit3A_1759 = arith.constant 8 : i32
          %eq3A_1760 = arith.constant 0 : i32
          %eq3A_1761 = arith.cmpi eq, %jit3A_1759, %eq3A_1760 : i32
          %jit3A_1762 = arith.constant 1 : i32
          %select_n3A_1763 = arith.select %eq3A_1761, %jit3A_1762, %jit3A_1759 : i32
          %rem3A_1764 = arith.remsi %reduce_max3A_145, %select_n3A_1763 : i32
          %ne3A_1765 = arith.constant 0 : i32
          %ne3A_1766 = arith.cmpi ne, %rem3A_1764, %ne3A_1765 : i32
          %lt3A_1767 = arith.constant 0 : i32
          %lt3A_1768 = arith.cmpi slt, %rem3A_1764, %lt3A_1767 : i32
          %lt3A_1769 = arith.constant 0 : i32
          %lt3A_1770 = arith.cmpi slt, %select_n3A_1763, %lt3A_1769 : i32
          %ne3A_1771 = arith.xori %lt3A_1768, %lt3A_1770 : i1
          %and3A_1772 = arith.andi %ne3A_1771, %ne3A_1766 : i1
          %add3A_1773 = arith.addi %rem3A_1764, %select_n3A_1763 : i32
          %select_n3A_1774 = arith.select %and3A_1772, %add3A_1773, %rem3A_1764 : i32
          %dma_start3A_1775 = arith.constant 11 : i32
          %dma_start3A_1776 = arith.constant 0 : i32
          %dma_start3A_1777 = arith.constant 0 : i32
          %dma_start3A_1778 = tpu.memref_slice %arg6[%select_n3A_1774, %dma_start3A_1776, %dma_start3A_1777] : memref<8x8x1024xf32, #tpu.memory_space<vmem>> -> memref<1x8x1024xf32, #tpu.memory_space<vmem>>
          %dma_start3A_1779 = tpu.memref_squeeze %dma_start3A_1778 : memref<1x8x1024xf32, #tpu.memory_space<vmem>> -> memref<8x1024xf32, #tpu.memory_space<vmem>>
          %dma_start3A_1780 = arith.constant 0 : i32
          %dma_start3A_1781 = tpu.memref_slice %arg4[%dma_start3A_1775, %multiple_of3A, %dma_start3A_1780] : memref<32x2048x1024xf32, #tpu.memory_space<hbm>> -> memref<1x8x1024xf32, #tpu.memory_space<hbm>>
          %dma_start3A_1782 = tpu.memref_squeeze %dma_start3A_1781 : memref<1x8x1024xf32, #tpu.memory_space<hbm>> -> memref<8x1024xf32, #tpu.memory_space<hbm>>
          %dma_start3A_1783 = arith.constant 0 : i32
          %dma_start3A_1784 = tpu.memref_slice %arg4[%dma_start3A_1775, %multiple_of3A, %dma_start3A_1783] : memref<32x2048x1024xf32, #tpu.memory_space<hbm>> -> memref<1x8x1024xf32, #tpu.memory_space<hbm>>
          %dma_start3A_1785 = tpu.memref_squeeze %dma_start3A_1784 : memref<1x8x1024xf32, #tpu.memory_space<hbm>> -> memref<8x1024xf32, #tpu.memory_space<hbm>>
          %dma_start3A_1786 = arith.constant 0 : i32
          %dma_start3A_1787 = arith.constant 0 : i32
          %dma_start3A_1788 = tpu.memref_slice %arg6[%select_n3A_1774, %dma_start3A_1786, %dma_start3A_1787] : memref<8x8x1024xf32, #tpu.memory_space<vmem>> -> memref<1x8x1024xf32, #tpu.memory_space<vmem>>
          %dma_start3A_1789 = tpu.memref_squeeze %dma_start3A_1788 : memref<1x8x1024xf32, #tpu.memory_space<vmem>> -> memref<8x1024xf32, #tpu.memory_space<vmem>>
          tpu.enqueue_dma source(%dma_start3A_1789 : memref<8x1024xf32, #tpu.memory_space<vmem>>) target(%dma_start3A_1785 : memref<8x1024xf32, #tpu.memory_space<hbm>>) target_semaphore(%arg8 : memref<!tpu.dma_semaphore, #tpu.memory_space<semaphore_mem>>)
        } else {
        }
        %convert_element_type3A_1603 = arith.extui %and3A_771 : i1 to i32
        %cond3A_1604 = arith.constant 0 : i32
        %cond3A_1605 = arith.cmpi ne, %convert_element_type3A_1603, %cond3A_1604 : i32
        scf.if %cond3A_1605 {
          %jit3A_1759 = arith.constant 8 : i32
          %eq3A_1760 = arith.constant 0 : i32
          %eq3A_1761 = arith.cmpi eq, %jit3A_1759, %eq3A_1760 : i32
          %jit3A_1762 = arith.constant 1 : i32
          %select_n3A_1763 = arith.select %eq3A_1761, %jit3A_1762, %jit3A_1759 : i32
          %rem3A_1764 = arith.remsi %reduce_max3A_157, %select_n3A_1763 : i32
          %ne3A_1765 = arith.constant 0 : i32
          %ne3A_1766 = arith.cmpi ne, %rem3A_1764, %ne3A_1765 : i32
          %lt3A_1767 = arith.constant 0 : i32
          %lt3A_1768 = arith.cmpi slt, %rem3A_1764, %lt3A_1767 : i32
          %lt3A_1769 = arith.constant 0 : i32
          %lt3A_1770 = arith.cmpi slt, %select_n3A_1763, %lt3A_1769 : i32
          %ne3A_1771 = arith.xori %lt3A_1768, %lt3A_1770 : i1
          %and3A_1772 = arith.andi %ne3A_1771, %ne3A_1766 : i1
          %add3A_1773 = arith.addi %rem3A_1764, %select_n3A_1763 : i32
          %select_n3A_1774 = arith.select %and3A_1772, %add3A_1773, %rem3A_1764 : i32
          %dma_start3A_1775 = arith.constant 12 : i32
          %dma_start3A_1776 = arith.constant 0 : i32
          %dma_start3A_1777 = arith.constant 0 : i32
          %dma_start3A_1778 = tpu.memref_slice %arg6[%select_n3A_1774, %dma_start3A_1776, %dma_start3A_1777] : memref<8x8x1024xf32, #tpu.memory_space<vmem>> -> memref<1x8x1024xf32, #tpu.memory_space<vmem>>
          %dma_start3A_1779 = tpu.memref_squeeze %dma_start3A_1778 : memref<1x8x1024xf32, #tpu.memory_space<vmem>> -> memref<8x1024xf32, #tpu.memory_space<vmem>>
          %dma_start3A_1780 = arith.constant 0 : i32
          %dma_start3A_1781 = tpu.memref_slice %arg4[%dma_start3A_1775, %multiple_of3A, %dma_start3A_1780] : memref<32x2048x1024xf32, #tpu.memory_space<hbm>> -> memref<1x8x1024xf32, #tpu.memory_space<hbm>>
          %dma_start3A_1782 = tpu.memref_squeeze %dma_start3A_1781 : memref<1x8x1024xf32, #tpu.memory_space<hbm>> -> memref<8x1024xf32, #tpu.memory_space<hbm>>
          %dma_start3A_1783 = arith.constant 0 : i32
          %dma_start3A_1784 = tpu.memref_slice %arg4[%dma_start3A_1775, %multiple_of3A, %dma_start3A_1783] : memref<32x2048x1024xf32, #tpu.memory_space<hbm>> -> memref<1x8x1024xf32, #tpu.memory_space<hbm>>
          %dma_start3A_1785 = tpu.memref_squeeze %dma_start3A_1784 : memref<1x8x1024xf32, #tpu.memory_space<hbm>> -> memref<8x1024xf32, #tpu.memory_space<hbm>>
          %dma_start3A_1786 = arith.constant 0 : i32
          %dma_start3A_1787 = arith.constant 0 : i32
          %dma_start3A_1788 = tpu.memref_slice %arg6[%select_n3A_1774, %dma_start3A_1786, %dma_start3A_1787] : memref<8x8x1024xf32, #tpu.memory_space<vmem>> -> memref<1x8x1024xf32, #tpu.memory_space<vmem>>
          %dma_start3A_1789 = tpu.memref_squeeze %dma_start3A_1788 : memref<1x8x1024xf32, #tpu.memory_space<vmem>> -> memref<8x1024xf32, #tpu.memory_space<vmem>>
          tpu.enqueue_dma source(%dma_start3A_1789 : memref<8x1024xf32, #tpu.memory_space<vmem>>) target(%dma_start3A_1785 : memref<8x1024xf32, #tpu.memory_space<hbm>>) target_semaphore(%arg8 : memref<!tpu.dma_semaphore, #tpu.memory_space<semaphore_mem>>)
        } else {
        }
        %convert_element_type3A_1606 = arith.extui %and3A_797 : i1 to i32
        %cond3A_1607 = arith.constant 0 : i32
        %cond3A_1608 = arith.cmpi ne, %convert_element_type3A_1606, %cond3A_1607 : i32
        scf.if %cond3A_1608 {
          %jit3A_1759 = arith.constant 8 : i32
          %eq3A_1760 = arith.constant 0 : i32
          %eq3A_1761 = arith.cmpi eq, %jit3A_1759, %eq3A_1760 : i32
          %jit3A_1762 = arith.constant 1 : i32
          %select_n3A_1763 = arith.select %eq3A_1761, %jit3A_1762, %jit3A_1759 : i32
          %rem3A_1764 = arith.remsi %reduce_max3A_169, %select_n3A_1763 : i32
          %ne3A_1765 = arith.constant 0 : i32
          %ne3A_1766 = arith.cmpi ne, %rem3A_1764, %ne3A_1765 : i32
          %lt3A_1767 = arith.constant 0 : i32
          %lt3A_1768 = arith.cmpi slt, %rem3A_1764, %lt3A_1767 : i32
          %lt3A_1769 = arith.constant 0 : i32
          %lt3A_1770 = arith.cmpi slt, %select_n3A_1763, %lt3A_1769 : i32
          %ne3A_1771 = arith.xori %lt3A_1768, %lt3A_1770 : i1
          %and3A_1772 = arith.andi %ne3A_1771, %ne3A_1766 : i1
          %add3A_1773 = arith.addi %rem3A_1764, %select_n3A_1763 : i32
          %select_n3A_1774 = arith.select %and3A_1772, %add3A_1773, %rem3A_1764 : i32
          %dma_start3A_1775 = arith.constant 13 : i32
          %dma_start3A_1776 = arith.constant 0 : i32
          %dma_start3A_1777 = arith.constant 0 : i32
          %dma_start3A_1778 = tpu.memref_slice %arg6[%select_n3A_1774, %dma_start3A_1776, %dma_start3A_1777] : memref<8x8x1024xf32, #tpu.memory_space<vmem>> -> memref<1x8x1024xf32, #tpu.memory_space<vmem>>
          %dma_start3A_1779 = tpu.memref_squeeze %dma_start3A_1778 : memref<1x8x1024xf32, #tpu.memory_space<vmem>> -> memref<8x1024xf32, #tpu.memory_space<vmem>>
          %dma_start3A_1780 = arith.constant 0 : i32
          %dma_start3A_1781 = tpu.memref_slice %arg4[%dma_start3A_1775, %multiple_of3A, %dma_start3A_1780] : memref<32x2048x1024xf32, #tpu.memory_space<hbm>> -> memref<1x8x1024xf32, #tpu.memory_space<hbm>>
          %dma_start3A_1782 = tpu.memref_squeeze %dma_start3A_1781 : memref<1x8x1024xf32, #tpu.memory_space<hbm>> -> memref<8x1024xf32, #tpu.memory_space<hbm>>
          %dma_start3A_1783 = arith.constant 0 : i32
          %dma_start3A_1784 = tpu.memref_slice %arg4[%dma_start3A_1775, %multiple_of3A, %dma_start3A_1783] : memref<32x2048x1024xf32, #tpu.memory_space<hbm>> -> memref<1x8x1024xf32, #tpu.memory_space<hbm>>
          %dma_start3A_1785 = tpu.memref_squeeze %dma_start3A_1784 : memref<1x8x1024xf32, #tpu.memory_space<hbm>> -> memref<8x1024xf32, #tpu.memory_space<hbm>>
          %dma_start3A_1786 = arith.constant 0 : i32
          %dma_start3A_1787 = arith.constant 0 : i32
          %dma_start3A_1788 = tpu.memref_slice %arg6[%select_n3A_1774, %dma_start3A_1786, %dma_start3A_1787] : memref<8x8x1024xf32, #tpu.memory_space<vmem>> -> memref<1x8x1024xf32, #tpu.memory_space<vmem>>
          %dma_start3A_1789 = tpu.memref_squeeze %dma_start3A_1788 : memref<1x8x1024xf32, #tpu.memory_space<vmem>> -> memref<8x1024xf32, #tpu.memory_space<vmem>>
          tpu.enqueue_dma source(%dma_start3A_1789 : memref<8x1024xf32, #tpu.memory_space<vmem>>) target(%dma_start3A_1785 : memref<8x1024xf32, #tpu.memory_space<hbm>>) target_semaphore(%arg8 : memref<!tpu.dma_semaphore, #tpu.memory_space<semaphore_mem>>)
        } else {
        }
        %convert_element_type3A_1609 = arith.extui %and3A_823 : i1 to i32
        %cond3A_1610 = arith.constant 0 : i32
        %cond3A_1611 = arith.cmpi ne, %convert_element_type3A_1609, %cond3A_1610 : i32
        scf.if %cond3A_1611 {
          %jit3A_1759 = arith.constant 8 : i32
          %eq3A_1760 = arith.constant 0 : i32
          %eq3A_1761 = arith.cmpi eq, %jit3A_1759, %eq3A_1760 : i32
          %jit3A_1762 = arith.constant 1 : i32
          %select_n3A_1763 = arith.select %eq3A_1761, %jit3A_1762, %jit3A_1759 : i32
          %rem3A_1764 = arith.remsi %reduce_max3A_181, %select_n3A_1763 : i32
          %ne3A_1765 = arith.constant 0 : i32
          %ne3A_1766 = arith.cmpi ne, %rem3A_1764, %ne3A_1765 : i32
          %lt3A_1767 = arith.constant 0 : i32
          %lt3A_1768 = arith.cmpi slt, %rem3A_1764, %lt3A_1767 : i32
          %lt3A_1769 = arith.constant 0 : i32
          %lt3A_1770 = arith.cmpi slt, %select_n3A_1763, %lt3A_1769 : i32
          %ne3A_1771 = arith.xori %lt3A_1768, %lt3A_1770 : i1
          %and3A_1772 = arith.andi %ne3A_1771, %ne3A_1766 : i1
          %add3A_1773 = arith.addi %rem3A_1764, %select_n3A_1763 : i32
          %select_n3A_1774 = arith.select %and3A_1772, %add3A_1773, %rem3A_1764 : i32
          %dma_start3A_1775 = arith.constant 14 : i32
          %dma_start3A_1776 = arith.constant 0 : i32
          %dma_start3A_1777 = arith.constant 0 : i32
          %dma_start3A_1778 = tpu.memref_slice %arg6[%select_n3A_1774, %dma_start3A_1776, %dma_start3A_1777] : memref<8x8x1024xf32, #tpu.memory_space<vmem>> -> memref<1x8x1024xf32, #tpu.memory_space<vmem>>
          %dma_start3A_1779 = tpu.memref_squeeze %dma_start3A_1778 : memref<1x8x1024xf32, #tpu.memory_space<vmem>> -> memref<8x1024xf32, #tpu.memory_space<vmem>>
          %dma_start3A_1780 = arith.constant 0 : i32
          %dma_start3A_1781 = tpu.memref_slice %arg4[%dma_start3A_1775, %multiple_of3A, %dma_start3A_1780] : memref<32x2048x1024xf32, #tpu.memory_space<hbm>> -> memref<1x8x1024xf32, #tpu.memory_space<hbm>>
          %dma_start3A_1782 = tpu.memref_squeeze %dma_start3A_1781 : memref<1x8x1024xf32, #tpu.memory_space<hbm>> -> memref<8x1024xf32, #tpu.memory_space<hbm>>
          %dma_start3A_1783 = arith.constant 0 : i32
          %dma_start3A_1784 = tpu.memref_slice %arg4[%dma_start3A_1775, %multiple_of3A, %dma_start3A_1783] : memref<32x2048x1024xf32, #tpu.memory_space<hbm>> -> memref<1x8x1024xf32, #tpu.memory_space<hbm>>
          %dma_start3A_1785 = tpu.memref_squeeze %dma_start3A_1784 : memref<1x8x1024xf32, #tpu.memory_space<hbm>> -> memref<8x1024xf32, #tpu.memory_space<hbm>>
          %dma_start3A_1786 = arith.constant 0 : i32
          %dma_start3A_1787 = arith.constant 0 : i32
          %dma_start3A_1788 = tpu.memref_slice %arg6[%select_n3A_1774, %dma_start3A_1786, %dma_start3A_1787] : memref<8x8x1024xf32, #tpu.memory_space<vmem>> -> memref<1x8x1024xf32, #tpu.memory_space<vmem>>
          %dma_start3A_1789 = tpu.memref_squeeze %dma_start3A_1788 : memref<1x8x1024xf32, #tpu.memory_space<vmem>> -> memref<8x1024xf32, #tpu.memory_space<vmem>>
          tpu.enqueue_dma source(%dma_start3A_1789 : memref<8x1024xf32, #tpu.memory_space<vmem>>) target(%dma_start3A_1785 : memref<8x1024xf32, #tpu.memory_space<hbm>>) target_semaphore(%arg8 : memref<!tpu.dma_semaphore, #tpu.memory_space<semaphore_mem>>)
        } else {
        }
        %convert_element_type3A_1612 = arith.extui %and3A_849 : i1 to i32
        %cond3A_1613 = arith.constant 0 : i32
        %cond3A_1614 = arith.cmpi ne, %convert_element_type3A_1612, %cond3A_1613 : i32
        scf.if %cond3A_1614 {
          %jit3A_1759 = arith.constant 8 : i32
          %eq3A_1760 = arith.constant 0 : i32
          %eq3A_1761 = arith.cmpi eq, %jit3A_1759, %eq3A_1760 : i32
          %jit3A_1762 = arith.constant 1 : i32
          %select_n3A_1763 = arith.select %eq3A_1761, %jit3A_1762, %jit3A_1759 : i32
          %rem3A_1764 = arith.remsi %reduce_max3A_193, %select_n3A_1763 : i32
          %ne3A_1765 = arith.constant 0 : i32
          %ne3A_1766 = arith.cmpi ne, %rem3A_1764, %ne3A_1765 : i32
          %lt3A_1767 = arith.constant 0 : i32
          %lt3A_1768 = arith.cmpi slt, %rem3A_1764, %lt3A_1767 : i32
          %lt3A_1769 = arith.constant 0 : i32
          %lt3A_1770 = arith.cmpi slt, %select_n3A_1763, %lt3A_1769 : i32
          %ne3A_1771 = arith.xori %lt3A_1768, %lt3A_1770 : i1
          %and3A_1772 = arith.andi %ne3A_1771, %ne3A_1766 : i1
          %add3A_1773 = arith.addi %rem3A_1764, %select_n3A_1763 : i32
          %select_n3A_1774 = arith.select %and3A_1772, %add3A_1773, %rem3A_1764 : i32
          %dma_start3A_1775 = arith.constant 15 : i32
          %dma_start3A_1776 = arith.constant 0 : i32
          %dma_start3A_1777 = arith.constant 0 : i32
          %dma_start3A_1778 = tpu.memref_slice %arg6[%select_n3A_1774, %dma_start3A_1776, %dma_start3A_1777] : memref<8x8x1024xf32, #tpu.memory_space<vmem>> -> memref<1x8x1024xf32, #tpu.memory_space<vmem>>
          %dma_start3A_1779 = tpu.memref_squeeze %dma_start3A_1778 : memref<1x8x1024xf32, #tpu.memory_space<vmem>> -> memref<8x1024xf32, #tpu.memory_space<vmem>>
          %dma_start3A_1780 = arith.constant 0 : i32
          %dma_start3A_1781 = tpu.memref_slice %arg4[%dma_start3A_1775, %multiple_of3A, %dma_start3A_1780] : memref<32x2048x1024xf32, #tpu.memory_space<hbm>> -> memref<1x8x1024xf32, #tpu.memory_space<hbm>>
          %dma_start3A_1782 = tpu.memref_squeeze %dma_start3A_1781 : memref<1x8x1024xf32, #tpu.memory_space<hbm>> -> memref<8x1024xf32, #tpu.memory_space<hbm>>
          %dma_start3A_1783 = arith.constant 0 : i32
          %dma_start3A_1784 = tpu.memref_slice %arg4[%dma_start3A_1775, %multiple_of3A, %dma_start3A_1783] : memref<32x2048x1024xf32, #tpu.memory_space<hbm>> -> memref<1x8x1024xf32, #tpu.memory_space<hbm>>
          %dma_start3A_1785 = tpu.memref_squeeze %dma_start3A_1784 : memref<1x8x1024xf32, #tpu.memory_space<hbm>> -> memref<8x1024xf32, #tpu.memory_space<hbm>>
          %dma_start3A_1786 = arith.constant 0 : i32
          %dma_start3A_1787 = arith.constant 0 : i32
          %dma_start3A_1788 = tpu.memref_slice %arg6[%select_n3A_1774, %dma_start3A_1786, %dma_start3A_1787] : memref<8x8x1024xf32, #tpu.memory_space<vmem>> -> memref<1x8x1024xf32, #tpu.memory_space<vmem>>
          %dma_start3A_1789 = tpu.memref_squeeze %dma_start3A_1788 : memref<1x8x1024xf32, #tpu.memory_space<vmem>> -> memref<8x1024xf32, #tpu.memory_space<vmem>>
          tpu.enqueue_dma source(%dma_start3A_1789 : memref<8x1024xf32, #tpu.memory_space<vmem>>) target(%dma_start3A_1785 : memref<8x1024xf32, #tpu.memory_space<hbm>>) target_semaphore(%arg8 : memref<!tpu.dma_semaphore, #tpu.memory_space<semaphore_mem>>)
        } else {
        }
        %convert_element_type3A_1615 = arith.extui %and3A_875 : i1 to i32
        %cond3A_1616 = arith.constant 0 : i32
        %cond3A_1617 = arith.cmpi ne, %convert_element_type3A_1615, %cond3A_1616 : i32
        scf.if %cond3A_1617 {
          %jit3A_1759 = arith.constant 8 : i32
          %eq3A_1760 = arith.constant 0 : i32
          %eq3A_1761 = arith.cmpi eq, %jit3A_1759, %eq3A_1760 : i32
          %jit3A_1762 = arith.constant 1 : i32
          %select_n3A_1763 = arith.select %eq3A_1761, %jit3A_1762, %jit3A_1759 : i32
          %rem3A_1764 = arith.remsi %reduce_max3A_205, %select_n3A_1763 : i32
          %ne3A_1765 = arith.constant 0 : i32
          %ne3A_1766 = arith.cmpi ne, %rem3A_1764, %ne3A_1765 : i32
          %lt3A_1767 = arith.constant 0 : i32
          %lt3A_1768 = arith.cmpi slt, %rem3A_1764, %lt3A_1767 : i32
          %lt3A_1769 = arith.constant 0 : i32
          %lt3A_1770 = arith.cmpi slt, %select_n3A_1763, %lt3A_1769 : i32
          %ne3A_1771 = arith.xori %lt3A_1768, %lt3A_1770 : i1
          %and3A_1772 = arith.andi %ne3A_1771, %ne3A_1766 : i1
          %add3A_1773 = arith.addi %rem3A_1764, %select_n3A_1763 : i32
          %select_n3A_1774 = arith.select %and3A_1772, %add3A_1773, %rem3A_1764 : i32
          %dma_start3A_1775 = arith.constant 16 : i32
          %dma_start3A_1776 = arith.constant 0 : i32
          %dma_start3A_1777 = arith.constant 0 : i32
          %dma_start3A_1778 = tpu.memref_slice %arg6[%select_n3A_1774, %dma_start3A_1776, %dma_start3A_1777] : memref<8x8x1024xf32, #tpu.memory_space<vmem>> -> memref<1x8x1024xf32, #tpu.memory_space<vmem>>
          %dma_start3A_1779 = tpu.memref_squeeze %dma_start3A_1778 : memref<1x8x1024xf32, #tpu.memory_space<vmem>> -> memref<8x1024xf32, #tpu.memory_space<vmem>>
          %dma_start3A_1780 = arith.constant 0 : i32
          %dma_start3A_1781 = tpu.memref_slice %arg4[%dma_start3A_1775, %multiple_of3A, %dma_start3A_1780] : memref<32x2048x1024xf32, #tpu.memory_space<hbm>> -> memref<1x8x1024xf32, #tpu.memory_space<hbm>>
          %dma_start3A_1782 = tpu.memref_squeeze %dma_start3A_1781 : memref<1x8x1024xf32, #tpu.memory_space<hbm>> -> memref<8x1024xf32, #tpu.memory_space<hbm>>
          %dma_start3A_1783 = arith.constant 0 : i32
          %dma_start3A_1784 = tpu.memref_slice %arg4[%dma_start3A_1775, %multiple_of3A, %dma_start3A_1783] : memref<32x2048x1024xf32, #tpu.memory_space<hbm>> -> memref<1x8x1024xf32, #tpu.memory_space<hbm>>
          %dma_start3A_1785 = tpu.memref_squeeze %dma_start3A_1784 : memref<1x8x1024xf32, #tpu.memory_space<hbm>> -> memref<8x1024xf32, #tpu.memory_space<hbm>>
          %dma_start3A_1786 = arith.constant 0 : i32
          %dma_start3A_1787 = arith.constant 0 : i32
          %dma_start3A_1788 = tpu.memref_slice %arg6[%select_n3A_1774, %dma_start3A_1786, %dma_start3A_1787] : memref<8x8x1024xf32, #tpu.memory_space<vmem>> -> memref<1x8x1024xf32, #tpu.memory_space<vmem>>
          %dma_start3A_1789 = tpu.memref_squeeze %dma_start3A_1788 : memref<1x8x1024xf32, #tpu.memory_space<vmem>> -> memref<8x1024xf32, #tpu.memory_space<vmem>>
          tpu.enqueue_dma source(%dma_start3A_1789 : memref<8x1024xf32, #tpu.memory_space<vmem>>) target(%dma_start3A_1785 : memref<8x1024xf32, #tpu.memory_space<hbm>>) target_semaphore(%arg8 : memref<!tpu.dma_semaphore, #tpu.memory_space<semaphore_mem>>)
        } else {
        }
        %convert_element_type3A_1618 = arith.extui %and3A_901 : i1 to i32
        %cond3A_1619 = arith.constant 0 : i32
        %cond3A_1620 = arith.cmpi ne, %convert_element_type3A_1618, %cond3A_1619 : i32
        scf.if %cond3A_1620 {
          %jit3A_1759 = arith.constant 8 : i32
          %eq3A_1760 = arith.constant 0 : i32
          %eq3A_1761 = arith.cmpi eq, %jit3A_1759, %eq3A_1760 : i32
          %jit3A_1762 = arith.constant 1 : i32
          %select_n3A_1763 = arith.select %eq3A_1761, %jit3A_1762, %jit3A_1759 : i32
          %rem3A_1764 = arith.remsi %reduce_max3A_217, %select_n3A_1763 : i32
          %ne3A_1765 = arith.constant 0 : i32
          %ne3A_1766 = arith.cmpi ne, %rem3A_1764, %ne3A_1765 : i32
          %lt3A_1767 = arith.constant 0 : i32
          %lt3A_1768 = arith.cmpi slt, %rem3A_1764, %lt3A_1767 : i32
          %lt3A_1769 = arith.constant 0 : i32
          %lt3A_1770 = arith.cmpi slt, %select_n3A_1763, %lt3A_1769 : i32
          %ne3A_1771 = arith.xori %lt3A_1768, %lt3A_1770 : i1
          %and3A_1772 = arith.andi %ne3A_1771, %ne3A_1766 : i1
          %add3A_1773 = arith.addi %rem3A_1764, %select_n3A_1763 : i32
          %select_n3A_1774 = arith.select %and3A_1772, %add3A_1773, %rem3A_1764 : i32
          %dma_start3A_1775 = arith.constant 17 : i32
          %dma_start3A_1776 = arith.constant 0 : i32
          %dma_start3A_1777 = arith.constant 0 : i32
          %dma_start3A_1778 = tpu.memref_slice %arg6[%select_n3A_1774, %dma_start3A_1776, %dma_start3A_1777] : memref<8x8x1024xf32, #tpu.memory_space<vmem>> -> memref<1x8x1024xf32, #tpu.memory_space<vmem>>
          %dma_start3A_1779 = tpu.memref_squeeze %dma_start3A_1778 : memref<1x8x1024xf32, #tpu.memory_space<vmem>> -> memref<8x1024xf32, #tpu.memory_space<vmem>>
          %dma_start3A_1780 = arith.constant 0 : i32
          %dma_start3A_1781 = tpu.memref_slice %arg4[%dma_start3A_1775, %multiple_of3A, %dma_start3A_1780] : memref<32x2048x1024xf32, #tpu.memory_space<hbm>> -> memref<1x8x1024xf32, #tpu.memory_space<hbm>>
          %dma_start3A_1782 = tpu.memref_squeeze %dma_start3A_1781 : memref<1x8x1024xf32, #tpu.memory_space<hbm>> -> memref<8x1024xf32, #tpu.memory_space<hbm>>
          %dma_start3A_1783 = arith.constant 0 : i32
          %dma_start3A_1784 = tpu.memref_slice %arg4[%dma_start3A_1775, %multiple_of3A, %dma_start3A_1783] : memref<32x2048x1024xf32, #tpu.memory_space<hbm>> -> memref<1x8x1024xf32, #tpu.memory_space<hbm>>
          %dma_start3A_1785 = tpu.memref_squeeze %dma_start3A_1784 : memref<1x8x1024xf32, #tpu.memory_space<hbm>> -> memref<8x1024xf32, #tpu.memory_space<hbm>>
          %dma_start3A_1786 = arith.constant 0 : i32
          %dma_start3A_1787 = arith.constant 0 : i32
          %dma_start3A_1788 = tpu.memref_slice %arg6[%select_n3A_1774, %dma_start3A_1786, %dma_start3A_1787] : memref<8x8x1024xf32, #tpu.memory_space<vmem>> -> memref<1x8x1024xf32, #tpu.memory_space<vmem>>
          %dma_start3A_1789 = tpu.memref_squeeze %dma_start3A_1788 : memref<1x8x1024xf32, #tpu.memory_space<vmem>> -> memref<8x1024xf32, #tpu.memory_space<vmem>>
          tpu.enqueue_dma source(%dma_start3A_1789 : memref<8x1024xf32, #tpu.memory_space<vmem>>) target(%dma_start3A_1785 : memref<8x1024xf32, #tpu.memory_space<hbm>>) target_semaphore(%arg8 : memref<!tpu.dma_semaphore, #tpu.memory_space<semaphore_mem>>)
        } else {
        }
        %convert_element_type3A_1621 = arith.extui %and3A_927 : i1 to i32
        %cond3A_1622 = arith.constant 0 : i32
        %cond3A_1623 = arith.cmpi ne, %convert_element_type3A_1621, %cond3A_1622 : i32
        scf.if %cond3A_1623 {
          %jit3A_1759 = arith.constant 8 : i32
          %eq3A_1760 = arith.constant 0 : i32
          %eq3A_1761 = arith.cmpi eq, %jit3A_1759, %eq3A_1760 : i32
          %jit3A_1762 = arith.constant 1 : i32
          %select_n3A_1763 = arith.select %eq3A_1761, %jit3A_1762, %jit3A_1759 : i32
          %rem3A_1764 = arith.remsi %reduce_max3A_229, %select_n3A_1763 : i32
          %ne3A_1765 = arith.constant 0 : i32
          %ne3A_1766 = arith.cmpi ne, %rem3A_1764, %ne3A_1765 : i32
          %lt3A_1767 = arith.constant 0 : i32
          %lt3A_1768 = arith.cmpi slt, %rem3A_1764, %lt3A_1767 : i32
          %lt3A_1769 = arith.constant 0 : i32
          %lt3A_1770 = arith.cmpi slt, %select_n3A_1763, %lt3A_1769 : i32
          %ne3A_1771 = arith.xori %lt3A_1768, %lt3A_1770 : i1
          %and3A_1772 = arith.andi %ne3A_1771, %ne3A_1766 : i1
          %add3A_1773 = arith.addi %rem3A_1764, %select_n3A_1763 : i32
          %select_n3A_1774 = arith.select %and3A_1772, %add3A_1773, %rem3A_1764 : i32
          %dma_start3A_1775 = arith.constant 18 : i32
          %dma_start3A_1776 = arith.constant 0 : i32
          %dma_start3A_1777 = arith.constant 0 : i32
          %dma_start3A_1778 = tpu.memref_slice %arg6[%select_n3A_1774, %dma_start3A_1776, %dma_start3A_1777] : memref<8x8x1024xf32, #tpu.memory_space<vmem>> -> memref<1x8x1024xf32, #tpu.memory_space<vmem>>
          %dma_start3A_1779 = tpu.memref_squeeze %dma_start3A_1778 : memref<1x8x1024xf32, #tpu.memory_space<vmem>> -> memref<8x1024xf32, #tpu.memory_space<vmem>>
          %dma_start3A_1780 = arith.constant 0 : i32
          %dma_start3A_1781 = tpu.memref_slice %arg4[%dma_start3A_1775, %multiple_of3A, %dma_start3A_1780] : memref<32x2048x1024xf32, #tpu.memory_space<hbm>> -> memref<1x8x1024xf32, #tpu.memory_space<hbm>>
          %dma_start3A_1782 = tpu.memref_squeeze %dma_start3A_1781 : memref<1x8x1024xf32, #tpu.memory_space<hbm>> -> memref<8x1024xf32, #tpu.memory_space<hbm>>
          %dma_start3A_1783 = arith.constant 0 : i32
          %dma_start3A_1784 = tpu.memref_slice %arg4[%dma_start3A_1775, %multiple_of3A, %dma_start3A_1783] : memref<32x2048x1024xf32, #tpu.memory_space<hbm>> -> memref<1x8x1024xf32, #tpu.memory_space<hbm>>
          %dma_start3A_1785 = tpu.memref_squeeze %dma_start3A_1784 : memref<1x8x1024xf32, #tpu.memory_space<hbm>> -> memref<8x1024xf32, #tpu.memory_space<hbm>>
          %dma_start3A_1786 = arith.constant 0 : i32
          %dma_start3A_1787 = arith.constant 0 : i32
          %dma_start3A_1788 = tpu.memref_slice %arg6[%select_n3A_1774, %dma_start3A_1786, %dma_start3A_1787] : memref<8x8x1024xf32, #tpu.memory_space<vmem>> -> memref<1x8x1024xf32, #tpu.memory_space<vmem>>
          %dma_start3A_1789 = tpu.memref_squeeze %dma_start3A_1788 : memref<1x8x1024xf32, #tpu.memory_space<vmem>> -> memref<8x1024xf32, #tpu.memory_space<vmem>>
          tpu.enqueue_dma source(%dma_start3A_1789 : memref<8x1024xf32, #tpu.memory_space<vmem>>) target(%dma_start3A_1785 : memref<8x1024xf32, #tpu.memory_space<hbm>>) target_semaphore(%arg8 : memref<!tpu.dma_semaphore, #tpu.memory_space<semaphore_mem>>)
        } else {
        }
        %convert_element_type3A_1624 = arith.extui %and3A_953 : i1 to i32
        %cond3A_1625 = arith.constant 0 : i32
        %cond3A_1626 = arith.cmpi ne, %convert_element_type3A_1624, %cond3A_1625 : i32
        scf.if %cond3A_1626 {
          %jit3A_1759 = arith.constant 8 : i32
          %eq3A_1760 = arith.constant 0 : i32
          %eq3A_1761 = arith.cmpi eq, %jit3A_1759, %eq3A_1760 : i32
          %jit3A_1762 = arith.constant 1 : i32
          %select_n3A_1763 = arith.select %eq3A_1761, %jit3A_1762, %jit3A_1759 : i32
          %rem3A_1764 = arith.remsi %reduce_max3A_241, %select_n3A_1763 : i32
          %ne3A_1765 = arith.constant 0 : i32
          %ne3A_1766 = arith.cmpi ne, %rem3A_1764, %ne3A_1765 : i32
          %lt3A_1767 = arith.constant 0 : i32
          %lt3A_1768 = arith.cmpi slt, %rem3A_1764, %lt3A_1767 : i32
          %lt3A_1769 = arith.constant 0 : i32
          %lt3A_1770 = arith.cmpi slt, %select_n3A_1763, %lt3A_1769 : i32
          %ne3A_1771 = arith.xori %lt3A_1768, %lt3A_1770 : i1
          %and3A_1772 = arith.andi %ne3A_1771, %ne3A_1766 : i1
          %add3A_1773 = arith.addi %rem3A_1764, %select_n3A_1763 : i32
          %select_n3A_1774 = arith.select %and3A_1772, %add3A_1773, %rem3A_1764 : i32
          %dma_start3A_1775 = arith.constant 19 : i32
          %dma_start3A_1776 = arith.constant 0 : i32
          %dma_start3A_1777 = arith.constant 0 : i32
          %dma_start3A_1778 = tpu.memref_slice %arg6[%select_n3A_1774, %dma_start3A_1776, %dma_start3A_1777] : memref<8x8x1024xf32, #tpu.memory_space<vmem>> -> memref<1x8x1024xf32, #tpu.memory_space<vmem>>
          %dma_start3A_1779 = tpu.memref_squeeze %dma_start3A_1778 : memref<1x8x1024xf32, #tpu.memory_space<vmem>> -> memref<8x1024xf32, #tpu.memory_space<vmem>>
          %dma_start3A_1780 = arith.constant 0 : i32
          %dma_start3A_1781 = tpu.memref_slice %arg4[%dma_start3A_1775, %multiple_of3A, %dma_start3A_1780] : memref<32x2048x1024xf32, #tpu.memory_space<hbm>> -> memref<1x8x1024xf32, #tpu.memory_space<hbm>>
          %dma_start3A_1782 = tpu.memref_squeeze %dma_start3A_1781 : memref<1x8x1024xf32, #tpu.memory_space<hbm>> -> memref<8x1024xf32, #tpu.memory_space<hbm>>
          %dma_start3A_1783 = arith.constant 0 : i32
          %dma_start3A_1784 = tpu.memref_slice %arg4[%dma_start3A_1775, %multiple_of3A, %dma_start3A_1783] : memref<32x2048x1024xf32, #tpu.memory_space<hbm>> -> memref<1x8x1024xf32, #tpu.memory_space<hbm>>
          %dma_start3A_1785 = tpu.memref_squeeze %dma_start3A_1784 : memref<1x8x1024xf32, #tpu.memory_space<hbm>> -> memref<8x1024xf32, #tpu.memory_space<hbm>>
          %dma_start3A_1786 = arith.constant 0 : i32
          %dma_start3A_1787 = arith.constant 0 : i32
          %dma_start3A_1788 = tpu.memref_slice %arg6[%select_n3A_1774, %dma_start3A_1786, %dma_start3A_1787] : memref<8x8x1024xf32, #tpu.memory_space<vmem>> -> memref<1x8x1024xf32, #tpu.memory_space<vmem>>
          %dma_start3A_1789 = tpu.memref_squeeze %dma_start3A_1788 : memref<1x8x1024xf32, #tpu.memory_space<vmem>> -> memref<8x1024xf32, #tpu.memory_space<vmem>>
          tpu.enqueue_dma source(%dma_start3A_1789 : memref<8x1024xf32, #tpu.memory_space<vmem>>) target(%dma_start3A_1785 : memref<8x1024xf32, #tpu.memory_space<hbm>>) target_semaphore(%arg8 : memref<!tpu.dma_semaphore, #tpu.memory_space<semaphore_mem>>)
        } else {
        }
        %convert_element_type3A_1627 = arith.extui %and3A_979 : i1 to i32
        %cond3A_1628 = arith.constant 0 : i32
        %cond3A_1629 = arith.cmpi ne, %convert_element_type3A_1627, %cond3A_1628 : i32
        scf.if %cond3A_1629 {
          %jit3A_1759 = arith.constant 8 : i32
          %eq3A_1760 = arith.constant 0 : i32
          %eq3A_1761 = arith.cmpi eq, %jit3A_1759, %eq3A_1760 : i32
          %jit3A_1762 = arith.constant 1 : i32
          %select_n3A_1763 = arith.select %eq3A_1761, %jit3A_1762, %jit3A_1759 : i32
          %rem3A_1764 = arith.remsi %reduce_max3A_253, %select_n3A_1763 : i32
          %ne3A_1765 = arith.constant 0 : i32
          %ne3A_1766 = arith.cmpi ne, %rem3A_1764, %ne3A_1765 : i32
          %lt3A_1767 = arith.constant 0 : i32
          %lt3A_1768 = arith.cmpi slt, %rem3A_1764, %lt3A_1767 : i32
          %lt3A_1769 = arith.constant 0 : i32
          %lt3A_1770 = arith.cmpi slt, %select_n3A_1763, %lt3A_1769 : i32
          %ne3A_1771 = arith.xori %lt3A_1768, %lt3A_1770 : i1
          %and3A_1772 = arith.andi %ne3A_1771, %ne3A_1766 : i1
          %add3A_1773 = arith.addi %rem3A_1764, %select_n3A_1763 : i32
          %select_n3A_1774 = arith.select %and3A_1772, %add3A_1773, %rem3A_1764 : i32
          %dma_start3A_1775 = arith.constant 20 : i32
          %dma_start3A_1776 = arith.constant 0 : i32
          %dma_start3A_1777 = arith.constant 0 : i32
          %dma_start3A_1778 = tpu.memref_slice %arg6[%select_n3A_1774, %dma_start3A_1776, %dma_start3A_1777] : memref<8x8x1024xf32, #tpu.memory_space<vmem>> -> memref<1x8x1024xf32, #tpu.memory_space<vmem>>
          %dma_start3A_1779 = tpu.memref_squeeze %dma_start3A_1778 : memref<1x8x1024xf32, #tpu.memory_space<vmem>> -> memref<8x1024xf32, #tpu.memory_space<vmem>>
          %dma_start3A_1780 = arith.constant 0 : i32
          %dma_start3A_1781 = tpu.memref_slice %arg4[%dma_start3A_1775, %multiple_of3A, %dma_start3A_1780] : memref<32x2048x1024xf32, #tpu.memory_space<hbm>> -> memref<1x8x1024xf32, #tpu.memory_space<hbm>>
          %dma_start3A_1782 = tpu.memref_squeeze %dma_start3A_1781 : memref<1x8x1024xf32, #tpu.memory_space<hbm>> -> memref<8x1024xf32, #tpu.memory_space<hbm>>
          %dma_start3A_1783 = arith.constant 0 : i32
          %dma_start3A_1784 = tpu.memref_slice %arg4[%dma_start3A_1775, %multiple_of3A, %dma_start3A_1783] : memref<32x2048x1024xf32, #tpu.memory_space<hbm>> -> memref<1x8x1024xf32, #tpu.memory_space<hbm>>
          %dma_start3A_1785 = tpu.memref_squeeze %dma_start3A_1784 : memref<1x8x1024xf32, #tpu.memory_space<hbm>> -> memref<8x1024xf32, #tpu.memory_space<hbm>>
          %dma_start3A_1786 = arith.constant 0 : i32
          %dma_start3A_1787 = arith.constant 0 : i32
          %dma_start3A_1788 = tpu.memref_slice %arg6[%select_n3A_1774, %dma_start3A_1786, %dma_start3A_1787] : memref<8x8x1024xf32, #tpu.memory_space<vmem>> -> memref<1x8x1024xf32, #tpu.memory_space<vmem>>
          %dma_start3A_1789 = tpu.memref_squeeze %dma_start3A_1788 : memref<1x8x1024xf32, #tpu.memory_space<vmem>> -> memref<8x1024xf32, #tpu.memory_space<vmem>>
          tpu.enqueue_dma source(%dma_start3A_1789 : memref<8x1024xf32, #tpu.memory_space<vmem>>) target(%dma_start3A_1785 : memref<8x1024xf32, #tpu.memory_space<hbm>>) target_semaphore(%arg8 : memref<!tpu.dma_semaphore, #tpu.memory_space<semaphore_mem>>)
        } else {
        }
        %convert_element_type3A_1630 = arith.extui %and3A_1005 : i1 to i32
        %cond3A_1631 = arith.constant 0 : i32
        %cond3A_1632 = arith.cmpi ne, %convert_element_type3A_1630, %cond3A_1631 : i32
        scf.if %cond3A_1632 {
          %jit3A_1759 = arith.constant 8 : i32
          %eq3A_1760 = arith.constant 0 : i32
          %eq3A_1761 = arith.cmpi eq, %jit3A_1759, %eq3A_1760 : i32
          %jit3A_1762 = arith.constant 1 : i32
          %select_n3A_1763 = arith.select %eq3A_1761, %jit3A_1762, %jit3A_1759 : i32
          %rem3A_1764 = arith.remsi %reduce_max3A_265, %select_n3A_1763 : i32
          %ne3A_1765 = arith.constant 0 : i32
          %ne3A_1766 = arith.cmpi ne, %rem3A_1764, %ne3A_1765 : i32
          %lt3A_1767 = arith.constant 0 : i32
          %lt3A_1768 = arith.cmpi slt, %rem3A_1764, %lt3A_1767 : i32
          %lt3A_1769 = arith.constant 0 : i32
          %lt3A_1770 = arith.cmpi slt, %select_n3A_1763, %lt3A_1769 : i32
          %ne3A_1771 = arith.xori %lt3A_1768, %lt3A_1770 : i1
          %and3A_1772 = arith.andi %ne3A_1771, %ne3A_1766 : i1
          %add3A_1773 = arith.addi %rem3A_1764, %select_n3A_1763 : i32
          %select_n3A_1774 = arith.select %and3A_1772, %add3A_1773, %rem3A_1764 : i32
          %dma_start3A_1775 = arith.constant 21 : i32
          %dma_start3A_1776 = arith.constant 0 : i32
          %dma_start3A_1777 = arith.constant 0 : i32
          %dma_start3A_1778 = tpu.memref_slice %arg6[%select_n3A_1774, %dma_start3A_1776, %dma_start3A_1777] : memref<8x8x1024xf32, #tpu.memory_space<vmem>> -> memref<1x8x1024xf32, #tpu.memory_space<vmem>>
          %dma_start3A_1779 = tpu.memref_squeeze %dma_start3A_1778 : memref<1x8x1024xf32, #tpu.memory_space<vmem>> -> memref<8x1024xf32, #tpu.memory_space<vmem>>
          %dma_start3A_1780 = arith.constant 0 : i32
          %dma_start3A_1781 = tpu.memref_slice %arg4[%dma_start3A_1775, %multiple_of3A, %dma_start3A_1780] : memref<32x2048x1024xf32, #tpu.memory_space<hbm>> -> memref<1x8x1024xf32, #tpu.memory_space<hbm>>
          %dma_start3A_1782 = tpu.memref_squeeze %dma_start3A_1781 : memref<1x8x1024xf32, #tpu.memory_space<hbm>> -> memref<8x1024xf32, #tpu.memory_space<hbm>>
          %dma_start3A_1783 = arith.constant 0 : i32
          %dma_start3A_1784 = tpu.memref_slice %arg4[%dma_start3A_1775, %multiple_of3A, %dma_start3A_1783] : memref<32x2048x1024xf32, #tpu.memory_space<hbm>> -> memref<1x8x1024xf32, #tpu.memory_space<hbm>>
          %dma_start3A_1785 = tpu.memref_squeeze %dma_start3A_1784 : memref<1x8x1024xf32, #tpu.memory_space<hbm>> -> memref<8x1024xf32, #tpu.memory_space<hbm>>
          %dma_start3A_1786 = arith.constant 0 : i32
          %dma_start3A_1787 = arith.constant 0 : i32
          %dma_start3A_1788 = tpu.memref_slice %arg6[%select_n3A_1774, %dma_start3A_1786, %dma_start3A_1787] : memref<8x8x1024xf32, #tpu.memory_space<vmem>> -> memref<1x8x1024xf32, #tpu.memory_space<vmem>>
          %dma_start3A_1789 = tpu.memref_squeeze %dma_start3A_1788 : memref<1x8x1024xf32, #tpu.memory_space<vmem>> -> memref<8x1024xf32, #tpu.memory_space<vmem>>
          tpu.enqueue_dma source(%dma_start3A_1789 : memref<8x1024xf32, #tpu.memory_space<vmem>>) target(%dma_start3A_1785 : memref<8x1024xf32, #tpu.memory_space<hbm>>) target_semaphore(%arg8 : memref<!tpu.dma_semaphore, #tpu.memory_space<semaphore_mem>>)
        } else {
        }
        %convert_element_type3A_1633 = arith.extui %and3A_1031 : i1 to i32
        %cond3A_1634 = arith.constant 0 : i32
        %cond3A_1635 = arith.cmpi ne, %convert_element_type3A_1633, %cond3A_1634 : i32
        scf.if %cond3A_1635 {
          %jit3A_1759 = arith.constant 8 : i32
          %eq3A_1760 = arith.constant 0 : i32
          %eq3A_1761 = arith.cmpi eq, %jit3A_1759, %eq3A_1760 : i32
          %jit3A_1762 = arith.constant 1 : i32
          %select_n3A_1763 = arith.select %eq3A_1761, %jit3A_1762, %jit3A_1759 : i32
          %rem3A_1764 = arith.remsi %reduce_max3A_277, %select_n3A_1763 : i32
          %ne3A_1765 = arith.constant 0 : i32
          %ne3A_1766 = arith.cmpi ne, %rem3A_1764, %ne3A_1765 : i32
          %lt3A_1767 = arith.constant 0 : i32
          %lt3A_1768 = arith.cmpi slt, %rem3A_1764, %lt3A_1767 : i32
          %lt3A_1769 = arith.constant 0 : i32
          %lt3A_1770 = arith.cmpi slt, %select_n3A_1763, %lt3A_1769 : i32
          %ne3A_1771 = arith.xori %lt3A_1768, %lt3A_1770 : i1
          %and3A_1772 = arith.andi %ne3A_1771, %ne3A_1766 : i1
          %add3A_1773 = arith.addi %rem3A_1764, %select_n3A_1763 : i32
          %select_n3A_1774 = arith.select %and3A_1772, %add3A_1773, %rem3A_1764 : i32
          %dma_start3A_1775 = arith.constant 22 : i32
          %dma_start3A_1776 = arith.constant 0 : i32
          %dma_start3A_1777 = arith.constant 0 : i32
          %dma_start3A_1778 = tpu.memref_slice %arg6[%select_n3A_1774, %dma_start3A_1776, %dma_start3A_1777] : memref<8x8x1024xf32, #tpu.memory_space<vmem>> -> memref<1x8x1024xf32, #tpu.memory_space<vmem>>
          %dma_start3A_1779 = tpu.memref_squeeze %dma_start3A_1778 : memref<1x8x1024xf32, #tpu.memory_space<vmem>> -> memref<8x1024xf32, #tpu.memory_space<vmem>>
          %dma_start3A_1780 = arith.constant 0 : i32
          %dma_start3A_1781 = tpu.memref_slice %arg4[%dma_start3A_1775, %multiple_of3A, %dma_start3A_1780] : memref<32x2048x1024xf32, #tpu.memory_space<hbm>> -> memref<1x8x1024xf32, #tpu.memory_space<hbm>>
          %dma_start3A_1782 = tpu.memref_squeeze %dma_start3A_1781 : memref<1x8x1024xf32, #tpu.memory_space<hbm>> -> memref<8x1024xf32, #tpu.memory_space<hbm>>
          %dma_start3A_1783 = arith.constant 0 : i32
          %dma_start3A_1784 = tpu.memref_slice %arg4[%dma_start3A_1775, %multiple_of3A, %dma_start3A_1783] : memref<32x2048x1024xf32, #tpu.memory_space<hbm>> -> memref<1x8x1024xf32, #tpu.memory_space<hbm>>
          %dma_start3A_1785 = tpu.memref_squeeze %dma_start3A_1784 : memref<1x8x1024xf32, #tpu.memory_space<hbm>> -> memref<8x1024xf32, #tpu.memory_space<hbm>>
          %dma_start3A_1786 = arith.constant 0 : i32
          %dma_start3A_1787 = arith.constant 0 : i32
          %dma_start3A_1788 = tpu.memref_slice %arg6[%select_n3A_1774, %dma_start3A_1786, %dma_start3A_1787] : memref<8x8x1024xf32, #tpu.memory_space<vmem>> -> memref<1x8x1024xf32, #tpu.memory_space<vmem>>
          %dma_start3A_1789 = tpu.memref_squeeze %dma_start3A_1788 : memref<1x8x1024xf32, #tpu.memory_space<vmem>> -> memref<8x1024xf32, #tpu.memory_space<vmem>>
          tpu.enqueue_dma source(%dma_start3A_1789 : memref<8x1024xf32, #tpu.memory_space<vmem>>) target(%dma_start3A_1785 : memref<8x1024xf32, #tpu.memory_space<hbm>>) target_semaphore(%arg8 : memref<!tpu.dma_semaphore, #tpu.memory_space<semaphore_mem>>)
        } else {
        }
        %convert_element_type3A_1636 = arith.extui %and3A_1057 : i1 to i32
        %cond3A_1637 = arith.constant 0 : i32
        %cond3A_1638 = arith.cmpi ne, %convert_element_type3A_1636, %cond3A_1637 : i32
        scf.if %cond3A_1638 {
          %jit3A_1759 = arith.constant 8 : i32
          %eq3A_1760 = arith.constant 0 : i32
          %eq3A_1761 = arith.cmpi eq, %jit3A_1759, %eq3A_1760 : i32
          %jit3A_1762 = arith.constant 1 : i32
          %select_n3A_1763 = arith.select %eq3A_1761, %jit3A_1762, %jit3A_1759 : i32
          %rem3A_1764 = arith.remsi %reduce_max3A_289, %select_n3A_1763 : i32
          %ne3A_1765 = arith.constant 0 : i32
          %ne3A_1766 = arith.cmpi ne, %rem3A_1764, %ne3A_1765 : i32
          %lt3A_1767 = arith.constant 0 : i32
          %lt3A_1768 = arith.cmpi slt, %rem3A_1764, %lt3A_1767 : i32
          %lt3A_1769 = arith.constant 0 : i32
          %lt3A_1770 = arith.cmpi slt, %select_n3A_1763, %lt3A_1769 : i32
          %ne3A_1771 = arith.xori %lt3A_1768, %lt3A_1770 : i1
          %and3A_1772 = arith.andi %ne3A_1771, %ne3A_1766 : i1
          %add3A_1773 = arith.addi %rem3A_1764, %select_n3A_1763 : i32
          %select_n3A_1774 = arith.select %and3A_1772, %add3A_1773, %rem3A_1764 : i32
          %dma_start3A_1775 = arith.constant 23 : i32
          %dma_start3A_1776 = arith.constant 0 : i32
          %dma_start3A_1777 = arith.constant 0 : i32
          %dma_start3A_1778 = tpu.memref_slice %arg6[%select_n3A_1774, %dma_start3A_1776, %dma_start3A_1777] : memref<8x8x1024xf32, #tpu.memory_space<vmem>> -> memref<1x8x1024xf32, #tpu.memory_space<vmem>>
          %dma_start3A_1779 = tpu.memref_squeeze %dma_start3A_1778 : memref<1x8x1024xf32, #tpu.memory_space<vmem>> -> memref<8x1024xf32, #tpu.memory_space<vmem>>
          %dma_start3A_1780 = arith.constant 0 : i32
          %dma_start3A_1781 = tpu.memref_slice %arg4[%dma_start3A_1775, %multiple_of3A, %dma_start3A_1780] : memref<32x2048x1024xf32, #tpu.memory_space<hbm>> -> memref<1x8x1024xf32, #tpu.memory_space<hbm>>
          %dma_start3A_1782 = tpu.memref_squeeze %dma_start3A_1781 : memref<1x8x1024xf32, #tpu.memory_space<hbm>> -> memref<8x1024xf32, #tpu.memory_space<hbm>>
          %dma_start3A_1783 = arith.constant 0 : i32
          %dma_start3A_1784 = tpu.memref_slice %arg4[%dma_start3A_1775, %multiple_of3A, %dma_start3A_1783] : memref<32x2048x1024xf32, #tpu.memory_space<hbm>> -> memref<1x8x1024xf32, #tpu.memory_space<hbm>>
          %dma_start3A_1785 = tpu.memref_squeeze %dma_start3A_1784 : memref<1x8x1024xf32, #tpu.memory_space<hbm>> -> memref<8x1024xf32, #tpu.memory_space<hbm>>
          %dma_start3A_1786 = arith.constant 0 : i32
          %dma_start3A_1787 = arith.constant 0 : i32
          %dma_start3A_1788 = tpu.memref_slice %arg6[%select_n3A_1774, %dma_start3A_1786, %dma_start3A_1787] : memref<8x8x1024xf32, #tpu.memory_space<vmem>> -> memref<1x8x1024xf32, #tpu.memory_space<vmem>>
          %dma_start3A_1789 = tpu.memref_squeeze %dma_start3A_1788 : memref<1x8x1024xf32, #tpu.memory_space<vmem>> -> memref<8x1024xf32, #tpu.memory_space<vmem>>
          tpu.enqueue_dma source(%dma_start3A_1789 : memref<8x1024xf32, #tpu.memory_space<vmem>>) target(%dma_start3A_1785 : memref<8x1024xf32, #tpu.memory_space<hbm>>) target_semaphore(%arg8 : memref<!tpu.dma_semaphore, #tpu.memory_space<semaphore_mem>>)
        } else {
        }
        %convert_element_type3A_1639 = arith.extui %and3A_1083 : i1 to i32
        %cond3A_1640 = arith.constant 0 : i32
        %cond3A_1641 = arith.cmpi ne, %convert_element_type3A_1639, %cond3A_1640 : i32
        scf.if %cond3A_1641 {
          %jit3A_1759 = arith.constant 8 : i32
          %eq3A_1760 = arith.constant 0 : i32
          %eq3A_1761 = arith.cmpi eq, %jit3A_1759, %eq3A_1760 : i32
          %jit3A_1762 = arith.constant 1 : i32
          %select_n3A_1763 = arith.select %eq3A_1761, %jit3A_1762, %jit3A_1759 : i32
          %rem3A_1764 = arith.remsi %reduce_max3A_301, %select_n3A_1763 : i32
          %ne3A_1765 = arith.constant 0 : i32
          %ne3A_1766 = arith.cmpi ne, %rem3A_1764, %ne3A_1765 : i32
          %lt3A_1767 = arith.constant 0 : i32
          %lt3A_1768 = arith.cmpi slt, %rem3A_1764, %lt3A_1767 : i32
          %lt3A_1769 = arith.constant 0 : i32
          %lt3A_1770 = arith.cmpi slt, %select_n3A_1763, %lt3A_1769 : i32
          %ne3A_1771 = arith.xori %lt3A_1768, %lt3A_1770 : i1
          %and3A_1772 = arith.andi %ne3A_1771, %ne3A_1766 : i1
          %add3A_1773 = arith.addi %rem3A_1764, %select_n3A_1763 : i32
          %select_n3A_1774 = arith.select %and3A_1772, %add3A_1773, %rem3A_1764 : i32
          %dma_start3A_1775 = arith.constant 24 : i32
          %dma_start3A_1776 = arith.constant 0 : i32
          %dma_start3A_1777 = arith.constant 0 : i32
          %dma_start3A_1778 = tpu.memref_slice %arg6[%select_n3A_1774, %dma_start3A_1776, %dma_start3A_1777] : memref<8x8x1024xf32, #tpu.memory_space<vmem>> -> memref<1x8x1024xf32, #tpu.memory_space<vmem>>
          %dma_start3A_1779 = tpu.memref_squeeze %dma_start3A_1778 : memref<1x8x1024xf32, #tpu.memory_space<vmem>> -> memref<8x1024xf32, #tpu.memory_space<vmem>>
          %dma_start3A_1780 = arith.constant 0 : i32
          %dma_start3A_1781 = tpu.memref_slice %arg4[%dma_start3A_1775, %multiple_of3A, %dma_start3A_1780] : memref<32x2048x1024xf32, #tpu.memory_space<hbm>> -> memref<1x8x1024xf32, #tpu.memory_space<hbm>>
          %dma_start3A_1782 = tpu.memref_squeeze %dma_start3A_1781 : memref<1x8x1024xf32, #tpu.memory_space<hbm>> -> memref<8x1024xf32, #tpu.memory_space<hbm>>
          %dma_start3A_1783 = arith.constant 0 : i32
          %dma_start3A_1784 = tpu.memref_slice %arg4[%dma_start3A_1775, %multiple_of3A, %dma_start3A_1783] : memref<32x2048x1024xf32, #tpu.memory_space<hbm>> -> memref<1x8x1024xf32, #tpu.memory_space<hbm>>
          %dma_start3A_1785 = tpu.memref_squeeze %dma_start3A_1784 : memref<1x8x1024xf32, #tpu.memory_space<hbm>> -> memref<8x1024xf32, #tpu.memory_space<hbm>>
          %dma_start3A_1786 = arith.constant 0 : i32
          %dma_start3A_1787 = arith.constant 0 : i32
          %dma_start3A_1788 = tpu.memref_slice %arg6[%select_n3A_1774, %dma_start3A_1786, %dma_start3A_1787] : memref<8x8x1024xf32, #tpu.memory_space<vmem>> -> memref<1x8x1024xf32, #tpu.memory_space<vmem>>
          %dma_start3A_1789 = tpu.memref_squeeze %dma_start3A_1788 : memref<1x8x1024xf32, #tpu.memory_space<vmem>> -> memref<8x1024xf32, #tpu.memory_space<vmem>>
          tpu.enqueue_dma source(%dma_start3A_1789 : memref<8x1024xf32, #tpu.memory_space<vmem>>) target(%dma_start3A_1785 : memref<8x1024xf32, #tpu.memory_space<hbm>>) target_semaphore(%arg8 : memref<!tpu.dma_semaphore, #tpu.memory_space<semaphore_mem>>)
        } else {
        }
        %convert_element_type3A_1642 = arith.extui %and3A_1109 : i1 to i32
        %cond3A_1643 = arith.constant 0 : i32
        %cond3A_1644 = arith.cmpi ne, %convert_element_type3A_1642, %cond3A_1643 : i32
        scf.if %cond3A_1644 {
          %jit3A_1759 = arith.constant 8 : i32
          %eq3A_1760 = arith.constant 0 : i32
          %eq3A_1761 = arith.cmpi eq, %jit3A_1759, %eq3A_1760 : i32
          %jit3A_1762 = arith.constant 1 : i32
          %select_n3A_1763 = arith.select %eq3A_1761, %jit3A_1762, %jit3A_1759 : i32
          %rem3A_1764 = arith.remsi %reduce_max3A_313, %select_n3A_1763 : i32
          %ne3A_1765 = arith.constant 0 : i32
          %ne3A_1766 = arith.cmpi ne, %rem3A_1764, %ne3A_1765 : i32
          %lt3A_1767 = arith.constant 0 : i32
          %lt3A_1768 = arith.cmpi slt, %rem3A_1764, %lt3A_1767 : i32
          %lt3A_1769 = arith.constant 0 : i32
          %lt3A_1770 = arith.cmpi slt, %select_n3A_1763, %lt3A_1769 : i32
          %ne3A_1771 = arith.xori %lt3A_1768, %lt3A_1770 : i1
          %and3A_1772 = arith.andi %ne3A_1771, %ne3A_1766 : i1
          %add3A_1773 = arith.addi %rem3A_1764, %select_n3A_1763 : i32
          %select_n3A_1774 = arith.select %and3A_1772, %add3A_1773, %rem3A_1764 : i32
          %dma_start3A_1775 = arith.constant 25 : i32
          %dma_start3A_1776 = arith.constant 0 : i32
          %dma_start3A_1777 = arith.constant 0 : i32
          %dma_start3A_1778 = tpu.memref_slice %arg6[%select_n3A_1774, %dma_start3A_1776, %dma_start3A_1777] : memref<8x8x1024xf32, #tpu.memory_space<vmem>> -> memref<1x8x1024xf32, #tpu.memory_space<vmem>>
          %dma_start3A_1779 = tpu.memref_squeeze %dma_start3A_1778 : memref<1x8x1024xf32, #tpu.memory_space<vmem>> -> memref<8x1024xf32, #tpu.memory_space<vmem>>
          %dma_start3A_1780 = arith.constant 0 : i32
          %dma_start3A_1781 = tpu.memref_slice %arg4[%dma_start3A_1775, %multiple_of3A, %dma_start3A_1780] : memref<32x2048x1024xf32, #tpu.memory_space<hbm>> -> memref<1x8x1024xf32, #tpu.memory_space<hbm>>
          %dma_start3A_1782 = tpu.memref_squeeze %dma_start3A_1781 : memref<1x8x1024xf32, #tpu.memory_space<hbm>> -> memref<8x1024xf32, #tpu.memory_space<hbm>>
          %dma_start3A_1783 = arith.constant 0 : i32
          %dma_start3A_1784 = tpu.memref_slice %arg4[%dma_start3A_1775, %multiple_of3A, %dma_start3A_1783] : memref<32x2048x1024xf32, #tpu.memory_space<hbm>> -> memref<1x8x1024xf32, #tpu.memory_space<hbm>>
          %dma_start3A_1785 = tpu.memref_squeeze %dma_start3A_1784 : memref<1x8x1024xf32, #tpu.memory_space<hbm>> -> memref<8x1024xf32, #tpu.memory_space<hbm>>
          %dma_start3A_1786 = arith.constant 0 : i32
          %dma_start3A_1787 = arith.constant 0 : i32
          %dma_start3A_1788 = tpu.memref_slice %arg6[%select_n3A_1774, %dma_start3A_1786, %dma_start3A_1787] : memref<8x8x1024xf32, #tpu.memory_space<vmem>> -> memref<1x8x1024xf32, #tpu.memory_space<vmem>>
          %dma_start3A_1789 = tpu.memref_squeeze %dma_start3A_1788 : memref<1x8x1024xf32, #tpu.memory_space<vmem>> -> memref<8x1024xf32, #tpu.memory_space<vmem>>
          tpu.enqueue_dma source(%dma_start3A_1789 : memref<8x1024xf32, #tpu.memory_space<vmem>>) target(%dma_start3A_1785 : memref<8x1024xf32, #tpu.memory_space<hbm>>) target_semaphore(%arg8 : memref<!tpu.dma_semaphore, #tpu.memory_space<semaphore_mem>>)
        } else {
        }
        %convert_element_type3A_1645 = arith.extui %and3A_1135 : i1 to i32
        %cond3A_1646 = arith.constant 0 : i32
        %cond3A_1647 = arith.cmpi ne, %convert_element_type3A_1645, %cond3A_1646 : i32
        scf.if %cond3A_1647 {
          %jit3A_1759 = arith.constant 8 : i32
          %eq3A_1760 = arith.constant 0 : i32
          %eq3A_1761 = arith.cmpi eq, %jit3A_1759, %eq3A_1760 : i32
          %jit3A_1762 = arith.constant 1 : i32
          %select_n3A_1763 = arith.select %eq3A_1761, %jit3A_1762, %jit3A_1759 : i32
          %rem3A_1764 = arith.remsi %reduce_max3A_325, %select_n3A_1763 : i32
          %ne3A_1765 = arith.constant 0 : i32
          %ne3A_1766 = arith.cmpi ne, %rem3A_1764, %ne3A_1765 : i32
          %lt3A_1767 = arith.constant 0 : i32
          %lt3A_1768 = arith.cmpi slt, %rem3A_1764, %lt3A_1767 : i32
          %lt3A_1769 = arith.constant 0 : i32
          %lt3A_1770 = arith.cmpi slt, %select_n3A_1763, %lt3A_1769 : i32
          %ne3A_1771 = arith.xori %lt3A_1768, %lt3A_1770 : i1
          %and3A_1772 = arith.andi %ne3A_1771, %ne3A_1766 : i1
          %add3A_1773 = arith.addi %rem3A_1764, %select_n3A_1763 : i32
          %select_n3A_1774 = arith.select %and3A_1772, %add3A_1773, %rem3A_1764 : i32
          %dma_start3A_1775 = arith.constant 26 : i32
          %dma_start3A_1776 = arith.constant 0 : i32
          %dma_start3A_1777 = arith.constant 0 : i32
          %dma_start3A_1778 = tpu.memref_slice %arg6[%select_n3A_1774, %dma_start3A_1776, %dma_start3A_1777] : memref<8x8x1024xf32, #tpu.memory_space<vmem>> -> memref<1x8x1024xf32, #tpu.memory_space<vmem>>
          %dma_start3A_1779 = tpu.memref_squeeze %dma_start3A_1778 : memref<1x8x1024xf32, #tpu.memory_space<vmem>> -> memref<8x1024xf32, #tpu.memory_space<vmem>>
          %dma_start3A_1780 = arith.constant 0 : i32
          %dma_start3A_1781 = tpu.memref_slice %arg4[%dma_start3A_1775, %multiple_of3A, %dma_start3A_1780] : memref<32x2048x1024xf32, #tpu.memory_space<hbm>> -> memref<1x8x1024xf32, #tpu.memory_space<hbm>>
          %dma_start3A_1782 = tpu.memref_squeeze %dma_start3A_1781 : memref<1x8x1024xf32, #tpu.memory_space<hbm>> -> memref<8x1024xf32, #tpu.memory_space<hbm>>
          %dma_start3A_1783 = arith.constant 0 : i32
          %dma_start3A_1784 = tpu.memref_slice %arg4[%dma_start3A_1775, %multiple_of3A, %dma_start3A_1783] : memref<32x2048x1024xf32, #tpu.memory_space<hbm>> -> memref<1x8x1024xf32, #tpu.memory_space<hbm>>
          %dma_start3A_1785 = tpu.memref_squeeze %dma_start3A_1784 : memref<1x8x1024xf32, #tpu.memory_space<hbm>> -> memref<8x1024xf32, #tpu.memory_space<hbm>>
          %dma_start3A_1786 = arith.constant 0 : i32
          %dma_start3A_1787 = arith.constant 0 : i32
          %dma_start3A_1788 = tpu.memref_slice %arg6[%select_n3A_1774, %dma_start3A_1786, %dma_start3A_1787] : memref<8x8x1024xf32, #tpu.memory_space<vmem>> -> memref<1x8x1024xf32, #tpu.memory_space<vmem>>
          %dma_start3A_1789 = tpu.memref_squeeze %dma_start3A_1788 : memref<1x8x1024xf32, #tpu.memory_space<vmem>> -> memref<8x1024xf32, #tpu.memory_space<vmem>>
          tpu.enqueue_dma source(%dma_start3A_1789 : memref<8x1024xf32, #tpu.memory_space<vmem>>) target(%dma_start3A_1785 : memref<8x1024xf32, #tpu.memory_space<hbm>>) target_semaphore(%arg8 : memref<!tpu.dma_semaphore, #tpu.memory_space<semaphore_mem>>)
        } else {
        }
        %convert_element_type3A_1648 = arith.extui %and3A_1161 : i1 to i32
        %cond3A_1649 = arith.constant 0 : i32
        %cond3A_1650 = arith.cmpi ne, %convert_element_type3A_1648, %cond3A_1649 : i32
        scf.if %cond3A_1650 {
          %jit3A_1759 = arith.constant 8 : i32
          %eq3A_1760 = arith.constant 0 : i32
          %eq3A_1761 = arith.cmpi eq, %jit3A_1759, %eq3A_1760 : i32
          %jit3A_1762 = arith.constant 1 : i32
          %select_n3A_1763 = arith.select %eq3A_1761, %jit3A_1762, %jit3A_1759 : i32
          %rem3A_1764 = arith.remsi %reduce_max3A_337, %select_n3A_1763 : i32
          %ne3A_1765 = arith.constant 0 : i32
          %ne3A_1766 = arith.cmpi ne, %rem3A_1764, %ne3A_1765 : i32
          %lt3A_1767 = arith.constant 0 : i32
          %lt3A_1768 = arith.cmpi slt, %rem3A_1764, %lt3A_1767 : i32
          %lt3A_1769 = arith.constant 0 : i32
          %lt3A_1770 = arith.cmpi slt, %select_n3A_1763, %lt3A_1769 : i32
          %ne3A_1771 = arith.xori %lt3A_1768, %lt3A_1770 : i1
          %and3A_1772 = arith.andi %ne3A_1771, %ne3A_1766 : i1
          %add3A_1773 = arith.addi %rem3A_1764, %select_n3A_1763 : i32
          %select_n3A_1774 = arith.select %and3A_1772, %add3A_1773, %rem3A_1764 : i32
          %dma_start3A_1775 = arith.constant 27 : i32
          %dma_start3A_1776 = arith.constant 0 : i32
          %dma_start3A_1777 = arith.constant 0 : i32
          %dma_start3A_1778 = tpu.memref_slice %arg6[%select_n3A_1774, %dma_start3A_1776, %dma_start3A_1777] : memref<8x8x1024xf32, #tpu.memory_space<vmem>> -> memref<1x8x1024xf32, #tpu.memory_space<vmem>>
          %dma_start3A_1779 = tpu.memref_squeeze %dma_start3A_1778 : memref<1x8x1024xf32, #tpu.memory_space<vmem>> -> memref<8x1024xf32, #tpu.memory_space<vmem>>
          %dma_start3A_1780 = arith.constant 0 : i32
          %dma_start3A_1781 = tpu.memref_slice %arg4[%dma_start3A_1775, %multiple_of3A, %dma_start3A_1780] : memref<32x2048x1024xf32, #tpu.memory_space<hbm>> -> memref<1x8x1024xf32, #tpu.memory_space<hbm>>
          %dma_start3A_1782 = tpu.memref_squeeze %dma_start3A_1781 : memref<1x8x1024xf32, #tpu.memory_space<hbm>> -> memref<8x1024xf32, #tpu.memory_space<hbm>>
          %dma_start3A_1783 = arith.constant 0 : i32
          %dma_start3A_1784 = tpu.memref_slice %arg4[%dma_start3A_1775, %multiple_of3A, %dma_start3A_1783] : memref<32x2048x1024xf32, #tpu.memory_space<hbm>> -> memref<1x8x1024xf32, #tpu.memory_space<hbm>>
          %dma_start3A_1785 = tpu.memref_squeeze %dma_start3A_1784 : memref<1x8x1024xf32, #tpu.memory_space<hbm>> -> memref<8x1024xf32, #tpu.memory_space<hbm>>
          %dma_start3A_1786 = arith.constant 0 : i32
          %dma_start3A_1787 = arith.constant 0 : i32
          %dma_start3A_1788 = tpu.memref_slice %arg6[%select_n3A_1774, %dma_start3A_1786, %dma_start3A_1787] : memref<8x8x1024xf32, #tpu.memory_space<vmem>> -> memref<1x8x1024xf32, #tpu.memory_space<vmem>>
          %dma_start3A_1789 = tpu.memref_squeeze %dma_start3A_1788 : memref<1x8x1024xf32, #tpu.memory_space<vmem>> -> memref<8x1024xf32, #tpu.memory_space<vmem>>
          tpu.enqueue_dma source(%dma_start3A_1789 : memref<8x1024xf32, #tpu.memory_space<vmem>>) target(%dma_start3A_1785 : memref<8x1024xf32, #tpu.memory_space<hbm>>) target_semaphore(%arg8 : memref<!tpu.dma_semaphore, #tpu.memory_space<semaphore_mem>>)
        } else {
        }
        %convert_element_type3A_1651 = arith.extui %and3A_1187 : i1 to i32
        %cond3A_1652 = arith.constant 0 : i32
        %cond3A_1653 = arith.cmpi ne, %convert_element_type3A_1651, %cond3A_1652 : i32
        scf.if %cond3A_1653 {
          %jit3A_1759 = arith.constant 8 : i32
          %eq3A_1760 = arith.constant 0 : i32
          %eq3A_1761 = arith.cmpi eq, %jit3A_1759, %eq3A_1760 : i32
          %jit3A_1762 = arith.constant 1 : i32
          %select_n3A_1763 = arith.select %eq3A_1761, %jit3A_1762, %jit3A_1759 : i32
          %rem3A_1764 = arith.remsi %reduce_max3A_349, %select_n3A_1763 : i32
          %ne3A_1765 = arith.constant 0 : i32
          %ne3A_1766 = arith.cmpi ne, %rem3A_1764, %ne3A_1765 : i32
          %lt3A_1767 = arith.constant 0 : i32
          %lt3A_1768 = arith.cmpi slt, %rem3A_1764, %lt3A_1767 : i32
          %lt3A_1769 = arith.constant 0 : i32
          %lt3A_1770 = arith.cmpi slt, %select_n3A_1763, %lt3A_1769 : i32
          %ne3A_1771 = arith.xori %lt3A_1768, %lt3A_1770 : i1
          %and3A_1772 = arith.andi %ne3A_1771, %ne3A_1766 : i1
          %add3A_1773 = arith.addi %rem3A_1764, %select_n3A_1763 : i32
          %select_n3A_1774 = arith.select %and3A_1772, %add3A_1773, %rem3A_1764 : i32
          %dma_start3A_1775 = arith.constant 28 : i32
          %dma_start3A_1776 = arith.constant 0 : i32
          %dma_start3A_1777 = arith.constant 0 : i32
          %dma_start3A_1778 = tpu.memref_slice %arg6[%select_n3A_1774, %dma_start3A_1776, %dma_start3A_1777] : memref<8x8x1024xf32, #tpu.memory_space<vmem>> -> memref<1x8x1024xf32, #tpu.memory_space<vmem>>
          %dma_start3A_1779 = tpu.memref_squeeze %dma_start3A_1778 : memref<1x8x1024xf32, #tpu.memory_space<vmem>> -> memref<8x1024xf32, #tpu.memory_space<vmem>>
          %dma_start3A_1780 = arith.constant 0 : i32
          %dma_start3A_1781 = tpu.memref_slice %arg4[%dma_start3A_1775, %multiple_of3A, %dma_start3A_1780] : memref<32x2048x1024xf32, #tpu.memory_space<hbm>> -> memref<1x8x1024xf32, #tpu.memory_space<hbm>>
          %dma_start3A_1782 = tpu.memref_squeeze %dma_start3A_1781 : memref<1x8x1024xf32, #tpu.memory_space<hbm>> -> memref<8x1024xf32, #tpu.memory_space<hbm>>
          %dma_start3A_1783 = arith.constant 0 : i32
          %dma_start3A_1784 = tpu.memref_slice %arg4[%dma_start3A_1775, %multiple_of3A, %dma_start3A_1783] : memref<32x2048x1024xf32, #tpu.memory_space<hbm>> -> memref<1x8x1024xf32, #tpu.memory_space<hbm>>
          %dma_start3A_1785 = tpu.memref_squeeze %dma_start3A_1784 : memref<1x8x1024xf32, #tpu.memory_space<hbm>> -> memref<8x1024xf32, #tpu.memory_space<hbm>>
          %dma_start3A_1786 = arith.constant 0 : i32
          %dma_start3A_1787 = arith.constant 0 : i32
          %dma_start3A_1788 = tpu.memref_slice %arg6[%select_n3A_1774, %dma_start3A_1786, %dma_start3A_1787] : memref<8x8x1024xf32, #tpu.memory_space<vmem>> -> memref<1x8x1024xf32, #tpu.memory_space<vmem>>
          %dma_start3A_1789 = tpu.memref_squeeze %dma_start3A_1788 : memref<1x8x1024xf32, #tpu.memory_space<vmem>> -> memref<8x1024xf32, #tpu.memory_space<vmem>>
          tpu.enqueue_dma source(%dma_start3A_1789 : memref<8x1024xf32, #tpu.memory_space<vmem>>) target(%dma_start3A_1785 : memref<8x1024xf32, #tpu.memory_space<hbm>>) target_semaphore(%arg8 : memref<!tpu.dma_semaphore, #tpu.memory_space<semaphore_mem>>)
        } else {
        }
        %convert_element_type3A_1654 = arith.extui %and3A_1213 : i1 to i32
        %cond3A_1655 = arith.constant 0 : i32
        %cond3A_1656 = arith.cmpi ne, %convert_element_type3A_1654, %cond3A_1655 : i32
        scf.if %cond3A_1656 {
          %jit3A_1759 = arith.constant 8 : i32
          %eq3A_1760 = arith.constant 0 : i32
          %eq3A_1761 = arith.cmpi eq, %jit3A_1759, %eq3A_1760 : i32
          %jit3A_1762 = arith.constant 1 : i32
          %select_n3A_1763 = arith.select %eq3A_1761, %jit3A_1762, %jit3A_1759 : i32
          %rem3A_1764 = arith.remsi %reduce_max3A_361, %select_n3A_1763 : i32
          %ne3A_1765 = arith.constant 0 : i32
          %ne3A_1766 = arith.cmpi ne, %rem3A_1764, %ne3A_1765 : i32
          %lt3A_1767 = arith.constant 0 : i32
          %lt3A_1768 = arith.cmpi slt, %rem3A_1764, %lt3A_1767 : i32
          %lt3A_1769 = arith.constant 0 : i32
          %lt3A_1770 = arith.cmpi slt, %select_n3A_1763, %lt3A_1769 : i32
          %ne3A_1771 = arith.xori %lt3A_1768, %lt3A_1770 : i1
          %and3A_1772 = arith.andi %ne3A_1771, %ne3A_1766 : i1
          %add3A_1773 = arith.addi %rem3A_1764, %select_n3A_1763 : i32
          %select_n3A_1774 = arith.select %and3A_1772, %add3A_1773, %rem3A_1764 : i32
          %dma_start3A_1775 = arith.constant 29 : i32
          %dma_start3A_1776 = arith.constant 0 : i32
          %dma_start3A_1777 = arith.constant 0 : i32
          %dma_start3A_1778 = tpu.memref_slice %arg6[%select_n3A_1774, %dma_start3A_1776, %dma_start3A_1777] : memref<8x8x1024xf32, #tpu.memory_space<vmem>> -> memref<1x8x1024xf32, #tpu.memory_space<vmem>>
          %dma_start3A_1779 = tpu.memref_squeeze %dma_start3A_1778 : memref<1x8x1024xf32, #tpu.memory_space<vmem>> -> memref<8x1024xf32, #tpu.memory_space<vmem>>
          %dma_start3A_1780 = arith.constant 0 : i32
          %dma_start3A_1781 = tpu.memref_slice %arg4[%dma_start3A_1775, %multiple_of3A, %dma_start3A_1780] : memref<32x2048x1024xf32, #tpu.memory_space<hbm>> -> memref<1x8x1024xf32, #tpu.memory_space<hbm>>
          %dma_start3A_1782 = tpu.memref_squeeze %dma_start3A_1781 : memref<1x8x1024xf32, #tpu.memory_space<hbm>> -> memref<8x1024xf32, #tpu.memory_space<hbm>>
          %dma_start3A_1783 = arith.constant 0 : i32
          %dma_start3A_1784 = tpu.memref_slice %arg4[%dma_start3A_1775, %multiple_of3A, %dma_start3A_1783] : memref<32x2048x1024xf32, #tpu.memory_space<hbm>> -> memref<1x8x1024xf32, #tpu.memory_space<hbm>>
          %dma_start3A_1785 = tpu.memref_squeeze %dma_start3A_1784 : memref<1x8x1024xf32, #tpu.memory_space<hbm>> -> memref<8x1024xf32, #tpu.memory_space<hbm>>
          %dma_start3A_1786 = arith.constant 0 : i32
          %dma_start3A_1787 = arith.constant 0 : i32
          %dma_start3A_1788 = tpu.memref_slice %arg6[%select_n3A_1774, %dma_start3A_1786, %dma_start3A_1787] : memref<8x8x1024xf32, #tpu.memory_space<vmem>> -> memref<1x8x1024xf32, #tpu.memory_space<vmem>>
          %dma_start3A_1789 = tpu.memref_squeeze %dma_start3A_1788 : memref<1x8x1024xf32, #tpu.memory_space<vmem>> -> memref<8x1024xf32, #tpu.memory_space<vmem>>
          tpu.enqueue_dma source(%dma_start3A_1789 : memref<8x1024xf32, #tpu.memory_space<vmem>>) target(%dma_start3A_1785 : memref<8x1024xf32, #tpu.memory_space<hbm>>) target_semaphore(%arg8 : memref<!tpu.dma_semaphore, #tpu.memory_space<semaphore_mem>>)
        } else {
        }
        %convert_element_type3A_1657 = arith.extui %and3A_1239 : i1 to i32
        %cond3A_1658 = arith.constant 0 : i32
        %cond3A_1659 = arith.cmpi ne, %convert_element_type3A_1657, %cond3A_1658 : i32
        scf.if %cond3A_1659 {
          %jit3A_1759 = arith.constant 8 : i32
          %eq3A_1760 = arith.constant 0 : i32
          %eq3A_1761 = arith.cmpi eq, %jit3A_1759, %eq3A_1760 : i32
          %jit3A_1762 = arith.constant 1 : i32
          %select_n3A_1763 = arith.select %eq3A_1761, %jit3A_1762, %jit3A_1759 : i32
          %rem3A_1764 = arith.remsi %reduce_max3A_373, %select_n3A_1763 : i32
          %ne3A_1765 = arith.constant 0 : i32
          %ne3A_1766 = arith.cmpi ne, %rem3A_1764, %ne3A_1765 : i32
          %lt3A_1767 = arith.constant 0 : i32
          %lt3A_1768 = arith.cmpi slt, %rem3A_1764, %lt3A_1767 : i32
          %lt3A_1769 = arith.constant 0 : i32
          %lt3A_1770 = arith.cmpi slt, %select_n3A_1763, %lt3A_1769 : i32
          %ne3A_1771 = arith.xori %lt3A_1768, %lt3A_1770 : i1
          %and3A_1772 = arith.andi %ne3A_1771, %ne3A_1766 : i1
          %add3A_1773 = arith.addi %rem3A_1764, %select_n3A_1763 : i32
          %select_n3A_1774 = arith.select %and3A_1772, %add3A_1773, %rem3A_1764 : i32
          %dma_start3A_1775 = arith.constant 30 : i32
          %dma_start3A_1776 = arith.constant 0 : i32
          %dma_start3A_1777 = arith.constant 0 : i32
          %dma_start3A_1778 = tpu.memref_slice %arg6[%select_n3A_1774, %dma_start3A_1776, %dma_start3A_1777] : memref<8x8x1024xf32, #tpu.memory_space<vmem>> -> memref<1x8x1024xf32, #tpu.memory_space<vmem>>
          %dma_start3A_1779 = tpu.memref_squeeze %dma_start3A_1778 : memref<1x8x1024xf32, #tpu.memory_space<vmem>> -> memref<8x1024xf32, #tpu.memory_space<vmem>>
          %dma_start3A_1780 = arith.constant 0 : i32
          %dma_start3A_1781 = tpu.memref_slice %arg4[%dma_start3A_1775, %multiple_of3A, %dma_start3A_1780] : memref<32x2048x1024xf32, #tpu.memory_space<hbm>> -> memref<1x8x1024xf32, #tpu.memory_space<hbm>>
          %dma_start3A_1782 = tpu.memref_squeeze %dma_start3A_1781 : memref<1x8x1024xf32, #tpu.memory_space<hbm>> -> memref<8x1024xf32, #tpu.memory_space<hbm>>
          %dma_start3A_1783 = arith.constant 0 : i32
          %dma_start3A_1784 = tpu.memref_slice %arg4[%dma_start3A_1775, %multiple_of3A, %dma_start3A_1783] : memref<32x2048x1024xf32, #tpu.memory_space<hbm>> -> memref<1x8x1024xf32, #tpu.memory_space<hbm>>
          %dma_start3A_1785 = tpu.memref_squeeze %dma_start3A_1784 : memref<1x8x1024xf32, #tpu.memory_space<hbm>> -> memref<8x1024xf32, #tpu.memory_space<hbm>>
          %dma_start3A_1786 = arith.constant 0 : i32
          %dma_start3A_1787 = arith.constant 0 : i32
          %dma_start3A_1788 = tpu.memref_slice %arg6[%select_n3A_1774, %dma_start3A_1786, %dma_start3A_1787] : memref<8x8x1024xf32, #tpu.memory_space<vmem>> -> memref<1x8x1024xf32, #tpu.memory_space<vmem>>
          %dma_start3A_1789 = tpu.memref_squeeze %dma_start3A_1788 : memref<1x8x1024xf32, #tpu.memory_space<vmem>> -> memref<8x1024xf32, #tpu.memory_space<vmem>>
          tpu.enqueue_dma source(%dma_start3A_1789 : memref<8x1024xf32, #tpu.memory_space<vmem>>) target(%dma_start3A_1785 : memref<8x1024xf32, #tpu.memory_space<hbm>>) target_semaphore(%arg8 : memref<!tpu.dma_semaphore, #tpu.memory_space<semaphore_mem>>)
        } else {
        }
        %convert_element_type3A_1660 = arith.extui %and3A_1265 : i1 to i32
        %cond3A_1661 = arith.constant 0 : i32
        %cond3A_1662 = arith.cmpi ne, %convert_element_type3A_1660, %cond3A_1661 : i32
        scf.if %cond3A_1662 {
          %jit3A_1759 = arith.constant 8 : i32
          %eq3A_1760 = arith.constant 0 : i32
          %eq3A_1761 = arith.cmpi eq, %jit3A_1759, %eq3A_1760 : i32
          %jit3A_1762 = arith.constant 1 : i32
          %select_n3A_1763 = arith.select %eq3A_1761, %jit3A_1762, %jit3A_1759 : i32
          %rem3A_1764 = arith.remsi %reduce_max3A_385, %select_n3A_1763 : i32
          %ne3A_1765 = arith.constant 0 : i32
          %ne3A_1766 = arith.cmpi ne, %rem3A_1764, %ne3A_1765 : i32
          %lt3A_1767 = arith.constant 0 : i32
          %lt3A_1768 = arith.cmpi slt, %rem3A_1764, %lt3A_1767 : i32
          %lt3A_1769 = arith.constant 0 : i32
          %lt3A_1770 = arith.cmpi slt, %select_n3A_1763, %lt3A_1769 : i32
          %ne3A_1771 = arith.xori %lt3A_1768, %lt3A_1770 : i1
          %and3A_1772 = arith.andi %ne3A_1771, %ne3A_1766 : i1
          %add3A_1773 = arith.addi %rem3A_1764, %select_n3A_1763 : i32
          %select_n3A_1774 = arith.select %and3A_1772, %add3A_1773, %rem3A_1764 : i32
          %dma_start3A_1775 = arith.constant 31 : i32
          %dma_start3A_1776 = arith.constant 0 : i32
          %dma_start3A_1777 = arith.constant 0 : i32
          %dma_start3A_1778 = tpu.memref_slice %arg6[%select_n3A_1774, %dma_start3A_1776, %dma_start3A_1777] : memref<8x8x1024xf32, #tpu.memory_space<vmem>> -> memref<1x8x1024xf32, #tpu.memory_space<vmem>>
          %dma_start3A_1779 = tpu.memref_squeeze %dma_start3A_1778 : memref<1x8x1024xf32, #tpu.memory_space<vmem>> -> memref<8x1024xf32, #tpu.memory_space<vmem>>
          %dma_start3A_1780 = arith.constant 0 : i32
          %dma_start3A_1781 = tpu.memref_slice %arg4[%dma_start3A_1775, %multiple_of3A, %dma_start3A_1780] : memref<32x2048x1024xf32, #tpu.memory_space<hbm>> -> memref<1x8x1024xf32, #tpu.memory_space<hbm>>
          %dma_start3A_1782 = tpu.memref_squeeze %dma_start3A_1781 : memref<1x8x1024xf32, #tpu.memory_space<hbm>> -> memref<8x1024xf32, #tpu.memory_space<hbm>>
          %dma_start3A_1783 = arith.constant 0 : i32
          %dma_start3A_1784 = tpu.memref_slice %arg4[%dma_start3A_1775, %multiple_of3A, %dma_start3A_1783] : memref<32x2048x1024xf32, #tpu.memory_space<hbm>> -> memref<1x8x1024xf32, #tpu.memory_space<hbm>>
          %dma_start3A_1785 = tpu.memref_squeeze %dma_start3A_1784 : memref<1x8x1024xf32, #tpu.memory_space<hbm>> -> memref<8x1024xf32, #tpu.memory_space<hbm>>
          %dma_start3A_1786 = arith.constant 0 : i32
          %dma_start3A_1787 = arith.constant 0 : i32
          %dma_start3A_1788 = tpu.memref_slice %arg6[%select_n3A_1774, %dma_start3A_1786, %dma_start3A_1787] : memref<8x8x1024xf32, #tpu.memory_space<vmem>> -> memref<1x8x1024xf32, #tpu.memory_space<vmem>>
          %dma_start3A_1789 = tpu.memref_squeeze %dma_start3A_1788 : memref<1x8x1024xf32, #tpu.memory_space<vmem>> -> memref<8x1024xf32, #tpu.memory_space<vmem>>
          tpu.enqueue_dma source(%dma_start3A_1789 : memref<8x1024xf32, #tpu.memory_space<vmem>>) target(%dma_start3A_1785 : memref<8x1024xf32, #tpu.memory_space<hbm>>) target_semaphore(%arg8 : memref<!tpu.dma_semaphore, #tpu.memory_space<semaphore_mem>>)
        } else {
        }
        %convert_element_type3A_1663 = arith.extui %and3A_459 : i1 to i32
        %cond3A_1664 = arith.constant 0 : i32
        %cond3A_1665 = arith.cmpi ne, %convert_element_type3A_1663, %cond3A_1664 : i32
        scf.if %cond3A_1665 {
          %jit3A_1759 = arith.constant 8 : i32
          %eq3A_1760 = arith.constant 0 : i32
          %eq3A_1761 = arith.cmpi eq, %jit3A_1759, %eq3A_1760 : i32
          %jit3A_1762 = arith.constant 1 : i32
          %select_n3A_1763 = arith.select %eq3A_1761, %jit3A_1762, %jit3A_1759 : i32
          %rem3A_1764 = arith.remsi %reduce_max3A_13, %select_n3A_1763 : i32
          %ne3A_1765 = arith.constant 0 : i32
          %ne3A_1766 = arith.cmpi ne, %rem3A_1764, %ne3A_1765 : i32
          %lt3A_1767 = arith.constant 0 : i32
          %lt3A_1768 = arith.cmpi slt, %rem3A_1764, %lt3A_1767 : i32
          %lt3A_1769 = arith.constant 0 : i32
          %lt3A_1770 = arith.cmpi slt, %select_n3A_1763, %lt3A_1769 : i32
          %ne3A_1771 = arith.xori %lt3A_1768, %lt3A_1770 : i1
          %and3A_1772 = arith.andi %ne3A_1771, %ne3A_1766 : i1
          %add3A_1773 = arith.addi %rem3A_1764, %select_n3A_1763 : i32
          %select_n3A_1774 = arith.select %and3A_1772, %add3A_1773, %rem3A_1764 : i32
          %dma_wait3A_1775 = arith.constant 0 : i32
          %dma_wait3A_1776 = arith.constant 0 : i32
          %dma_wait3A_1777 = arith.constant 0 : i32
          %dma_wait3A_1778 = tpu.memref_slice %arg6[%select_n3A_1774, %dma_wait3A_1776, %dma_wait3A_1777] : memref<8x8x1024xf32, #tpu.memory_space<vmem>> -> memref<1x8x1024xf32, #tpu.memory_space<vmem>>
          %dma_wait3A_1779 = tpu.memref_squeeze %dma_wait3A_1778 : memref<1x8x1024xf32, #tpu.memory_space<vmem>> -> memref<8x1024xf32, #tpu.memory_space<vmem>>
          %dma_wait3A_1780 = arith.constant 0 : i32
          %dma_wait3A_1781 = tpu.memref_slice %arg4[%dma_wait3A_1775, %multiple_of3A, %dma_wait3A_1780] : memref<32x2048x1024xf32, #tpu.memory_space<hbm>> -> memref<1x8x1024xf32, #tpu.memory_space<hbm>>
          %dma_wait3A_1782 = tpu.memref_squeeze %dma_wait3A_1781 : memref<1x8x1024xf32, #tpu.memory_space<hbm>> -> memref<8x1024xf32, #tpu.memory_space<hbm>>
          %dma_wait3A_1783 = arith.constant 0 : i32
          %dma_wait3A_1784 = tpu.memref_slice %arg4[%dma_wait3A_1775, %multiple_of3A, %dma_wait3A_1783] : memref<32x2048x1024xf32, #tpu.memory_space<hbm>> -> memref<1x8x1024xf32, #tpu.memory_space<hbm>>
          %dma_wait3A_1785 = tpu.memref_squeeze %dma_wait3A_1784 : memref<1x8x1024xf32, #tpu.memory_space<hbm>> -> memref<8x1024xf32, #tpu.memory_space<hbm>>
          %dma_wait3A_1786 = arith.constant 0 : i32
          %dma_wait3A_1787 = arith.constant 0 : i32
          %dma_wait3A_1788 = tpu.memref_slice %arg6[%select_n3A_1774, %dma_wait3A_1786, %dma_wait3A_1787] : memref<8x8x1024xf32, #tpu.memory_space<vmem>> -> memref<1x8x1024xf32, #tpu.memory_space<vmem>>
          %dma_wait3A_1789 = tpu.memref_squeeze %dma_wait3A_1788 : memref<1x8x1024xf32, #tpu.memory_space<vmem>> -> memref<8x1024xf32, #tpu.memory_space<vmem>>
          tpu.wait_dma2 semaphore(%arg8 : memref<!tpu.dma_semaphore, #tpu.memory_space<semaphore_mem>>) src(%dma_wait3A_1789 : memref<8x1024xf32, #tpu.memory_space<vmem>>) dst(%dma_wait3A_1785 : memref<8x1024xf32, #tpu.memory_space<hbm>>)
        } else {
        }
        %convert_element_type3A_1666 = arith.extui %and3A_485 : i1 to i32
        %cond3A_1667 = arith.constant 0 : i32
        %cond3A_1668 = arith.cmpi ne, %convert_element_type3A_1666, %cond3A_1667 : i32
        scf.if %cond3A_1668 {
          %jit3A_1759 = arith.constant 8 : i32
          %eq3A_1760 = arith.constant 0 : i32
          %eq3A_1761 = arith.cmpi eq, %jit3A_1759, %eq3A_1760 : i32
          %jit3A_1762 = arith.constant 1 : i32
          %select_n3A_1763 = arith.select %eq3A_1761, %jit3A_1762, %jit3A_1759 : i32
          %rem3A_1764 = arith.remsi %reduce_max3A_25, %select_n3A_1763 : i32
          %ne3A_1765 = arith.constant 0 : i32
          %ne3A_1766 = arith.cmpi ne, %rem3A_1764, %ne3A_1765 : i32
          %lt3A_1767 = arith.constant 0 : i32
          %lt3A_1768 = arith.cmpi slt, %rem3A_1764, %lt3A_1767 : i32
          %lt3A_1769 = arith.constant 0 : i32
          %lt3A_1770 = arith.cmpi slt, %select_n3A_1763, %lt3A_1769 : i32
          %ne3A_1771 = arith.xori %lt3A_1768, %lt3A_1770 : i1
          %and3A_1772 = arith.andi %ne3A_1771, %ne3A_1766 : i1
          %add3A_1773 = arith.addi %rem3A_1764, %select_n3A_1763 : i32
          %select_n3A_1774 = arith.select %and3A_1772, %add3A_1773, %rem3A_1764 : i32
          %dma_wait3A_1775 = arith.constant 1 : i32
          %dma_wait3A_1776 = arith.constant 0 : i32
          %dma_wait3A_1777 = arith.constant 0 : i32
          %dma_wait3A_1778 = tpu.memref_slice %arg6[%select_n3A_1774, %dma_wait3A_1776, %dma_wait3A_1777] : memref<8x8x1024xf32, #tpu.memory_space<vmem>> -> memref<1x8x1024xf32, #tpu.memory_space<vmem>>
          %dma_wait3A_1779 = tpu.memref_squeeze %dma_wait3A_1778 : memref<1x8x1024xf32, #tpu.memory_space<vmem>> -> memref<8x1024xf32, #tpu.memory_space<vmem>>
          %dma_wait3A_1780 = arith.constant 0 : i32
          %dma_wait3A_1781 = tpu.memref_slice %arg4[%dma_wait3A_1775, %multiple_of3A, %dma_wait3A_1780] : memref<32x2048x1024xf32, #tpu.memory_space<hbm>> -> memref<1x8x1024xf32, #tpu.memory_space<hbm>>
          %dma_wait3A_1782 = tpu.memref_squeeze %dma_wait3A_1781 : memref<1x8x1024xf32, #tpu.memory_space<hbm>> -> memref<8x1024xf32, #tpu.memory_space<hbm>>
          %dma_wait3A_1783 = arith.constant 0 : i32
          %dma_wait3A_1784 = tpu.memref_slice %arg4[%dma_wait3A_1775, %multiple_of3A, %dma_wait3A_1783] : memref<32x2048x1024xf32, #tpu.memory_space<hbm>> -> memref<1x8x1024xf32, #tpu.memory_space<hbm>>
          %dma_wait3A_1785 = tpu.memref_squeeze %dma_wait3A_1784 : memref<1x8x1024xf32, #tpu.memory_space<hbm>> -> memref<8x1024xf32, #tpu.memory_space<hbm>>
          %dma_wait3A_1786 = arith.constant 0 : i32
          %dma_wait3A_1787 = arith.constant 0 : i32
          %dma_wait3A_1788 = tpu.memref_slice %arg6[%select_n3A_1774, %dma_wait3A_1786, %dma_wait3A_1787] : memref<8x8x1024xf32, #tpu.memory_space<vmem>> -> memref<1x8x1024xf32, #tpu.memory_space<vmem>>
          %dma_wait3A_1789 = tpu.memref_squeeze %dma_wait3A_1788 : memref<1x8x1024xf32, #tpu.memory_space<vmem>> -> memref<8x1024xf32, #tpu.memory_space<vmem>>
          tpu.wait_dma2 semaphore(%arg8 : memref<!tpu.dma_semaphore, #tpu.memory_space<semaphore_mem>>) src(%dma_wait3A_1789 : memref<8x1024xf32, #tpu.memory_space<vmem>>) dst(%dma_wait3A_1785 : memref<8x1024xf32, #tpu.memory_space<hbm>>)
        } else {
        }
        %convert_element_type3A_1669 = arith.extui %and3A_511 : i1 to i32
        %cond3A_1670 = arith.constant 0 : i32
        %cond3A_1671 = arith.cmpi ne, %convert_element_type3A_1669, %cond3A_1670 : i32
        scf.if %cond3A_1671 {
          %jit3A_1759 = arith.constant 8 : i32
          %eq3A_1760 = arith.constant 0 : i32
          %eq3A_1761 = arith.cmpi eq, %jit3A_1759, %eq3A_1760 : i32
          %jit3A_1762 = arith.constant 1 : i32
          %select_n3A_1763 = arith.select %eq3A_1761, %jit3A_1762, %jit3A_1759 : i32
          %rem3A_1764 = arith.remsi %reduce_max3A_37, %select_n3A_1763 : i32
          %ne3A_1765 = arith.constant 0 : i32
          %ne3A_1766 = arith.cmpi ne, %rem3A_1764, %ne3A_1765 : i32
          %lt3A_1767 = arith.constant 0 : i32
          %lt3A_1768 = arith.cmpi slt, %rem3A_1764, %lt3A_1767 : i32
          %lt3A_1769 = arith.constant 0 : i32
          %lt3A_1770 = arith.cmpi slt, %select_n3A_1763, %lt3A_1769 : i32
          %ne3A_1771 = arith.xori %lt3A_1768, %lt3A_1770 : i1
          %and3A_1772 = arith.andi %ne3A_1771, %ne3A_1766 : i1
          %add3A_1773 = arith.addi %rem3A_1764, %select_n3A_1763 : i32
          %select_n3A_1774 = arith.select %and3A_1772, %add3A_1773, %rem3A_1764 : i32
          %dma_wait3A_1775 = arith.constant 2 : i32
          %dma_wait3A_1776 = arith.constant 0 : i32
          %dma_wait3A_1777 = arith.constant 0 : i32
          %dma_wait3A_1778 = tpu.memref_slice %arg6[%select_n3A_1774, %dma_wait3A_1776, %dma_wait3A_1777] : memref<8x8x1024xf32, #tpu.memory_space<vmem>> -> memref<1x8x1024xf32, #tpu.memory_space<vmem>>
          %dma_wait3A_1779 = tpu.memref_squeeze %dma_wait3A_1778 : memref<1x8x1024xf32, #tpu.memory_space<vmem>> -> memref<8x1024xf32, #tpu.memory_space<vmem>>
          %dma_wait3A_1780 = arith.constant 0 : i32
          %dma_wait3A_1781 = tpu.memref_slice %arg4[%dma_wait3A_1775, %multiple_of3A, %dma_wait3A_1780] : memref<32x2048x1024xf32, #tpu.memory_space<hbm>> -> memref<1x8x1024xf32, #tpu.memory_space<hbm>>
          %dma_wait3A_1782 = tpu.memref_squeeze %dma_wait3A_1781 : memref<1x8x1024xf32, #tpu.memory_space<hbm>> -> memref<8x1024xf32, #tpu.memory_space<hbm>>
          %dma_wait3A_1783 = arith.constant 0 : i32
          %dma_wait3A_1784 = tpu.memref_slice %arg4[%dma_wait3A_1775, %multiple_of3A, %dma_wait3A_1783] : memref<32x2048x1024xf32, #tpu.memory_space<hbm>> -> memref<1x8x1024xf32, #tpu.memory_space<hbm>>
          %dma_wait3A_1785 = tpu.memref_squeeze %dma_wait3A_1784 : memref<1x8x1024xf32, #tpu.memory_space<hbm>> -> memref<8x1024xf32, #tpu.memory_space<hbm>>
          %dma_wait3A_1786 = arith.constant 0 : i32
          %dma_wait3A_1787 = arith.constant 0 : i32
          %dma_wait3A_1788 = tpu.memref_slice %arg6[%select_n3A_1774, %dma_wait3A_1786, %dma_wait3A_1787] : memref<8x8x1024xf32, #tpu.memory_space<vmem>> -> memref<1x8x1024xf32, #tpu.memory_space<vmem>>
          %dma_wait3A_1789 = tpu.memref_squeeze %dma_wait3A_1788 : memref<1x8x1024xf32, #tpu.memory_space<vmem>> -> memref<8x1024xf32, #tpu.memory_space<vmem>>
          tpu.wait_dma2 semaphore(%arg8 : memref<!tpu.dma_semaphore, #tpu.memory_space<semaphore_mem>>) src(%dma_wait3A_1789 : memref<8x1024xf32, #tpu.memory_space<vmem>>) dst(%dma_wait3A_1785 : memref<8x1024xf32, #tpu.memory_space<hbm>>)
        } else {
        }
        %convert_element_type3A_1672 = arith.extui %and3A_537 : i1 to i32
        %cond3A_1673 = arith.constant 0 : i32
        %cond3A_1674 = arith.cmpi ne, %convert_element_type3A_1672, %cond3A_1673 : i32
        scf.if %cond3A_1674 {
          %jit3A_1759 = arith.constant 8 : i32
          %eq3A_1760 = arith.constant 0 : i32
          %eq3A_1761 = arith.cmpi eq, %jit3A_1759, %eq3A_1760 : i32
          %jit3A_1762 = arith.constant 1 : i32
          %select_n3A_1763 = arith.select %eq3A_1761, %jit3A_1762, %jit3A_1759 : i32
          %rem3A_1764 = arith.remsi %reduce_max3A_49, %select_n3A_1763 : i32
          %ne3A_1765 = arith.constant 0 : i32
          %ne3A_1766 = arith.cmpi ne, %rem3A_1764, %ne3A_1765 : i32
          %lt3A_1767 = arith.constant 0 : i32
          %lt3A_1768 = arith.cmpi slt, %rem3A_1764, %lt3A_1767 : i32
          %lt3A_1769 = arith.constant 0 : i32
          %lt3A_1770 = arith.cmpi slt, %select_n3A_1763, %lt3A_1769 : i32
          %ne3A_1771 = arith.xori %lt3A_1768, %lt3A_1770 : i1
          %and3A_1772 = arith.andi %ne3A_1771, %ne3A_1766 : i1
          %add3A_1773 = arith.addi %rem3A_1764, %select_n3A_1763 : i32
          %select_n3A_1774 = arith.select %and3A_1772, %add3A_1773, %rem3A_1764 : i32
          %dma_wait3A_1775 = arith.constant 3 : i32
          %dma_wait3A_1776 = arith.constant 0 : i32
          %dma_wait3A_1777 = arith.constant 0 : i32
          %dma_wait3A_1778 = tpu.memref_slice %arg6[%select_n3A_1774, %dma_wait3A_1776, %dma_wait3A_1777] : memref<8x8x1024xf32, #tpu.memory_space<vmem>> -> memref<1x8x1024xf32, #tpu.memory_space<vmem>>
          %dma_wait3A_1779 = tpu.memref_squeeze %dma_wait3A_1778 : memref<1x8x1024xf32, #tpu.memory_space<vmem>> -> memref<8x1024xf32, #tpu.memory_space<vmem>>
          %dma_wait3A_1780 = arith.constant 0 : i32
          %dma_wait3A_1781 = tpu.memref_slice %arg4[%dma_wait3A_1775, %multiple_of3A, %dma_wait3A_1780] : memref<32x2048x1024xf32, #tpu.memory_space<hbm>> -> memref<1x8x1024xf32, #tpu.memory_space<hbm>>
          %dma_wait3A_1782 = tpu.memref_squeeze %dma_wait3A_1781 : memref<1x8x1024xf32, #tpu.memory_space<hbm>> -> memref<8x1024xf32, #tpu.memory_space<hbm>>
          %dma_wait3A_1783 = arith.constant 0 : i32
          %dma_wait3A_1784 = tpu.memref_slice %arg4[%dma_wait3A_1775, %multiple_of3A, %dma_wait3A_1783] : memref<32x2048x1024xf32, #tpu.memory_space<hbm>> -> memref<1x8x1024xf32, #tpu.memory_space<hbm>>
          %dma_wait3A_1785 = tpu.memref_squeeze %dma_wait3A_1784 : memref<1x8x1024xf32, #tpu.memory_space<hbm>> -> memref<8x1024xf32, #tpu.memory_space<hbm>>
          %dma_wait3A_1786 = arith.constant 0 : i32
          %dma_wait3A_1787 = arith.constant 0 : i32
          %dma_wait3A_1788 = tpu.memref_slice %arg6[%select_n3A_1774, %dma_wait3A_1786, %dma_wait3A_1787] : memref<8x8x1024xf32, #tpu.memory_space<vmem>> -> memref<1x8x1024xf32, #tpu.memory_space<vmem>>
          %dma_wait3A_1789 = tpu.memref_squeeze %dma_wait3A_1788 : memref<1x8x1024xf32, #tpu.memory_space<vmem>> -> memref<8x1024xf32, #tpu.memory_space<vmem>>
          tpu.wait_dma2 semaphore(%arg8 : memref<!tpu.dma_semaphore, #tpu.memory_space<semaphore_mem>>) src(%dma_wait3A_1789 : memref<8x1024xf32, #tpu.memory_space<vmem>>) dst(%dma_wait3A_1785 : memref<8x1024xf32, #tpu.memory_space<hbm>>)
        } else {
        }
        %convert_element_type3A_1675 = arith.extui %and3A_563 : i1 to i32
        %cond3A_1676 = arith.constant 0 : i32
        %cond3A_1677 = arith.cmpi ne, %convert_element_type3A_1675, %cond3A_1676 : i32
        scf.if %cond3A_1677 {
          %jit3A_1759 = arith.constant 8 : i32
          %eq3A_1760 = arith.constant 0 : i32
          %eq3A_1761 = arith.cmpi eq, %jit3A_1759, %eq3A_1760 : i32
          %jit3A_1762 = arith.constant 1 : i32
          %select_n3A_1763 = arith.select %eq3A_1761, %jit3A_1762, %jit3A_1759 : i32
          %rem3A_1764 = arith.remsi %reduce_max3A_61, %select_n3A_1763 : i32
          %ne3A_1765 = arith.constant 0 : i32
          %ne3A_1766 = arith.cmpi ne, %rem3A_1764, %ne3A_1765 : i32
          %lt3A_1767 = arith.constant 0 : i32
          %lt3A_1768 = arith.cmpi slt, %rem3A_1764, %lt3A_1767 : i32
          %lt3A_1769 = arith.constant 0 : i32
          %lt3A_1770 = arith.cmpi slt, %select_n3A_1763, %lt3A_1769 : i32
          %ne3A_1771 = arith.xori %lt3A_1768, %lt3A_1770 : i1
          %and3A_1772 = arith.andi %ne3A_1771, %ne3A_1766 : i1
          %add3A_1773 = arith.addi %rem3A_1764, %select_n3A_1763 : i32
          %select_n3A_1774 = arith.select %and3A_1772, %add3A_1773, %rem3A_1764 : i32
          %dma_wait3A_1775 = arith.constant 4 : i32
          %dma_wait3A_1776 = arith.constant 0 : i32
          %dma_wait3A_1777 = arith.constant 0 : i32
          %dma_wait3A_1778 = tpu.memref_slice %arg6[%select_n3A_1774, %dma_wait3A_1776, %dma_wait3A_1777] : memref<8x8x1024xf32, #tpu.memory_space<vmem>> -> memref<1x8x1024xf32, #tpu.memory_space<vmem>>
          %dma_wait3A_1779 = tpu.memref_squeeze %dma_wait3A_1778 : memref<1x8x1024xf32, #tpu.memory_space<vmem>> -> memref<8x1024xf32, #tpu.memory_space<vmem>>
          %dma_wait3A_1780 = arith.constant 0 : i32
          %dma_wait3A_1781 = tpu.memref_slice %arg4[%dma_wait3A_1775, %multiple_of3A, %dma_wait3A_1780] : memref<32x2048x1024xf32, #tpu.memory_space<hbm>> -> memref<1x8x1024xf32, #tpu.memory_space<hbm>>
          %dma_wait3A_1782 = tpu.memref_squeeze %dma_wait3A_1781 : memref<1x8x1024xf32, #tpu.memory_space<hbm>> -> memref<8x1024xf32, #tpu.memory_space<hbm>>
          %dma_wait3A_1783 = arith.constant 0 : i32
          %dma_wait3A_1784 = tpu.memref_slice %arg4[%dma_wait3A_1775, %multiple_of3A, %dma_wait3A_1783] : memref<32x2048x1024xf32, #tpu.memory_space<hbm>> -> memref<1x8x1024xf32, #tpu.memory_space<hbm>>
          %dma_wait3A_1785 = tpu.memref_squeeze %dma_wait3A_1784 : memref<1x8x1024xf32, #tpu.memory_space<hbm>> -> memref<8x1024xf32, #tpu.memory_space<hbm>>
          %dma_wait3A_1786 = arith.constant 0 : i32
          %dma_wait3A_1787 = arith.constant 0 : i32
          %dma_wait3A_1788 = tpu.memref_slice %arg6[%select_n3A_1774, %dma_wait3A_1786, %dma_wait3A_1787] : memref<8x8x1024xf32, #tpu.memory_space<vmem>> -> memref<1x8x1024xf32, #tpu.memory_space<vmem>>
          %dma_wait3A_1789 = tpu.memref_squeeze %dma_wait3A_1788 : memref<1x8x1024xf32, #tpu.memory_space<vmem>> -> memref<8x1024xf32, #tpu.memory_space<vmem>>
          tpu.wait_dma2 semaphore(%arg8 : memref<!tpu.dma_semaphore, #tpu.memory_space<semaphore_mem>>) src(%dma_wait3A_1789 : memref<8x1024xf32, #tpu.memory_space<vmem>>) dst(%dma_wait3A_1785 : memref<8x1024xf32, #tpu.memory_space<hbm>>)
        } else {
        }
        %convert_element_type3A_1678 = arith.extui %and3A_589 : i1 to i32
        %cond3A_1679 = arith.constant 0 : i32
        %cond3A_1680 = arith.cmpi ne, %convert_element_type3A_1678, %cond3A_1679 : i32
        scf.if %cond3A_1680 {
          %jit3A_1759 = arith.constant 8 : i32
          %eq3A_1760 = arith.constant 0 : i32
          %eq3A_1761 = arith.cmpi eq, %jit3A_1759, %eq3A_1760 : i32
          %jit3A_1762 = arith.constant 1 : i32
          %select_n3A_1763 = arith.select %eq3A_1761, %jit3A_1762, %jit3A_1759 : i32
          %rem3A_1764 = arith.remsi %reduce_max3A_73, %select_n3A_1763 : i32
          %ne3A_1765 = arith.constant 0 : i32
          %ne3A_1766 = arith.cmpi ne, %rem3A_1764, %ne3A_1765 : i32
          %lt3A_1767 = arith.constant 0 : i32
          %lt3A_1768 = arith.cmpi slt, %rem3A_1764, %lt3A_1767 : i32
          %lt3A_1769 = arith.constant 0 : i32
          %lt3A_1770 = arith.cmpi slt, %select_n3A_1763, %lt3A_1769 : i32
          %ne3A_1771 = arith.xori %lt3A_1768, %lt3A_1770 : i1
          %and3A_1772 = arith.andi %ne3A_1771, %ne3A_1766 : i1
          %add3A_1773 = arith.addi %rem3A_1764, %select_n3A_1763 : i32
          %select_n3A_1774 = arith.select %and3A_1772, %add3A_1773, %rem3A_1764 : i32
          %dma_wait3A_1775 = arith.constant 5 : i32
          %dma_wait3A_1776 = arith.constant 0 : i32
          %dma_wait3A_1777 = arith.constant 0 : i32
          %dma_wait3A_1778 = tpu.memref_slice %arg6[%select_n3A_1774, %dma_wait3A_1776, %dma_wait3A_1777] : memref<8x8x1024xf32, #tpu.memory_space<vmem>> -> memref<1x8x1024xf32, #tpu.memory_space<vmem>>
          %dma_wait3A_1779 = tpu.memref_squeeze %dma_wait3A_1778 : memref<1x8x1024xf32, #tpu.memory_space<vmem>> -> memref<8x1024xf32, #tpu.memory_space<vmem>>
          %dma_wait3A_1780 = arith.constant 0 : i32
          %dma_wait3A_1781 = tpu.memref_slice %arg4[%dma_wait3A_1775, %multiple_of3A, %dma_wait3A_1780] : memref<32x2048x1024xf32, #tpu.memory_space<hbm>> -> memref<1x8x1024xf32, #tpu.memory_space<hbm>>
          %dma_wait3A_1782 = tpu.memref_squeeze %dma_wait3A_1781 : memref<1x8x1024xf32, #tpu.memory_space<hbm>> -> memref<8x1024xf32, #tpu.memory_space<hbm>>
          %dma_wait3A_1783 = arith.constant 0 : i32
          %dma_wait3A_1784 = tpu.memref_slice %arg4[%dma_wait3A_1775, %multiple_of3A, %dma_wait3A_1783] : memref<32x2048x1024xf32, #tpu.memory_space<hbm>> -> memref<1x8x1024xf32, #tpu.memory_space<hbm>>
          %dma_wait3A_1785 = tpu.memref_squeeze %dma_wait3A_1784 : memref<1x8x1024xf32, #tpu.memory_space<hbm>> -> memref<8x1024xf32, #tpu.memory_space<hbm>>
          %dma_wait3A_1786 = arith.constant 0 : i32
          %dma_wait3A_1787 = arith.constant 0 : i32
          %dma_wait3A_1788 = tpu.memref_slice %arg6[%select_n3A_1774, %dma_wait3A_1786, %dma_wait3A_1787] : memref<8x8x1024xf32, #tpu.memory_space<vmem>> -> memref<1x8x1024xf32, #tpu.memory_space<vmem>>
          %dma_wait3A_1789 = tpu.memref_squeeze %dma_wait3A_1788 : memref<1x8x1024xf32, #tpu.memory_space<vmem>> -> memref<8x1024xf32, #tpu.memory_space<vmem>>
          tpu.wait_dma2 semaphore(%arg8 : memref<!tpu.dma_semaphore, #tpu.memory_space<semaphore_mem>>) src(%dma_wait3A_1789 : memref<8x1024xf32, #tpu.memory_space<vmem>>) dst(%dma_wait3A_1785 : memref<8x1024xf32, #tpu.memory_space<hbm>>)
        } else {
        }
        %convert_element_type3A_1681 = arith.extui %and3A_615 : i1 to i32
        %cond3A_1682 = arith.constant 0 : i32
        %cond3A_1683 = arith.cmpi ne, %convert_element_type3A_1681, %cond3A_1682 : i32
        scf.if %cond3A_1683 {
          %jit3A_1759 = arith.constant 8 : i32
          %eq3A_1760 = arith.constant 0 : i32
          %eq3A_1761 = arith.cmpi eq, %jit3A_1759, %eq3A_1760 : i32
          %jit3A_1762 = arith.constant 1 : i32
          %select_n3A_1763 = arith.select %eq3A_1761, %jit3A_1762, %jit3A_1759 : i32
          %rem3A_1764 = arith.remsi %reduce_max3A_85, %select_n3A_1763 : i32
          %ne3A_1765 = arith.constant 0 : i32
          %ne3A_1766 = arith.cmpi ne, %rem3A_1764, %ne3A_1765 : i32
          %lt3A_1767 = arith.constant 0 : i32
          %lt3A_1768 = arith.cmpi slt, %rem3A_1764, %lt3A_1767 : i32
          %lt3A_1769 = arith.constant 0 : i32
          %lt3A_1770 = arith.cmpi slt, %select_n3A_1763, %lt3A_1769 : i32
          %ne3A_1771 = arith.xori %lt3A_1768, %lt3A_1770 : i1
          %and3A_1772 = arith.andi %ne3A_1771, %ne3A_1766 : i1
          %add3A_1773 = arith.addi %rem3A_1764, %select_n3A_1763 : i32
          %select_n3A_1774 = arith.select %and3A_1772, %add3A_1773, %rem3A_1764 : i32
          %dma_wait3A_1775 = arith.constant 6 : i32
          %dma_wait3A_1776 = arith.constant 0 : i32
          %dma_wait3A_1777 = arith.constant 0 : i32
          %dma_wait3A_1778 = tpu.memref_slice %arg6[%select_n3A_1774, %dma_wait3A_1776, %dma_wait3A_1777] : memref<8x8x1024xf32, #tpu.memory_space<vmem>> -> memref<1x8x1024xf32, #tpu.memory_space<vmem>>
          %dma_wait3A_1779 = tpu.memref_squeeze %dma_wait3A_1778 : memref<1x8x1024xf32, #tpu.memory_space<vmem>> -> memref<8x1024xf32, #tpu.memory_space<vmem>>
          %dma_wait3A_1780 = arith.constant 0 : i32
          %dma_wait3A_1781 = tpu.memref_slice %arg4[%dma_wait3A_1775, %multiple_of3A, %dma_wait3A_1780] : memref<32x2048x1024xf32, #tpu.memory_space<hbm>> -> memref<1x8x1024xf32, #tpu.memory_space<hbm>>
          %dma_wait3A_1782 = tpu.memref_squeeze %dma_wait3A_1781 : memref<1x8x1024xf32, #tpu.memory_space<hbm>> -> memref<8x1024xf32, #tpu.memory_space<hbm>>
          %dma_wait3A_1783 = arith.constant 0 : i32
          %dma_wait3A_1784 = tpu.memref_slice %arg4[%dma_wait3A_1775, %multiple_of3A, %dma_wait3A_1783] : memref<32x2048x1024xf32, #tpu.memory_space<hbm>> -> memref<1x8x1024xf32, #tpu.memory_space<hbm>>
          %dma_wait3A_1785 = tpu.memref_squeeze %dma_wait3A_1784 : memref<1x8x1024xf32, #tpu.memory_space<hbm>> -> memref<8x1024xf32, #tpu.memory_space<hbm>>
          %dma_wait3A_1786 = arith.constant 0 : i32
          %dma_wait3A_1787 = arith.constant 0 : i32
          %dma_wait3A_1788 = tpu.memref_slice %arg6[%select_n3A_1774, %dma_wait3A_1786, %dma_wait3A_1787] : memref<8x8x1024xf32, #tpu.memory_space<vmem>> -> memref<1x8x1024xf32, #tpu.memory_space<vmem>>
          %dma_wait3A_1789 = tpu.memref_squeeze %dma_wait3A_1788 : memref<1x8x1024xf32, #tpu.memory_space<vmem>> -> memref<8x1024xf32, #tpu.memory_space<vmem>>
          tpu.wait_dma2 semaphore(%arg8 : memref<!tpu.dma_semaphore, #tpu.memory_space<semaphore_mem>>) src(%dma_wait3A_1789 : memref<8x1024xf32, #tpu.memory_space<vmem>>) dst(%dma_wait3A_1785 : memref<8x1024xf32, #tpu.memory_space<hbm>>)
        } else {
        }
        %convert_element_type3A_1684 = arith.extui %and3A_641 : i1 to i32
        %cond3A_1685 = arith.constant 0 : i32
        %cond3A_1686 = arith.cmpi ne, %convert_element_type3A_1684, %cond3A_1685 : i32
        scf.if %cond3A_1686 {
          %jit3A_1759 = arith.constant 8 : i32
          %eq3A_1760 = arith.constant 0 : i32
          %eq3A_1761 = arith.cmpi eq, %jit3A_1759, %eq3A_1760 : i32
          %jit3A_1762 = arith.constant 1 : i32
          %select_n3A_1763 = arith.select %eq3A_1761, %jit3A_1762, %jit3A_1759 : i32
          %rem3A_1764 = arith.remsi %reduce_max3A_97, %select_n3A_1763 : i32
          %ne3A_1765 = arith.constant 0 : i32
          %ne3A_1766 = arith.cmpi ne, %rem3A_1764, %ne3A_1765 : i32
          %lt3A_1767 = arith.constant 0 : i32
          %lt3A_1768 = arith.cmpi slt, %rem3A_1764, %lt3A_1767 : i32
          %lt3A_1769 = arith.constant 0 : i32
          %lt3A_1770 = arith.cmpi slt, %select_n3A_1763, %lt3A_1769 : i32
          %ne3A_1771 = arith.xori %lt3A_1768, %lt3A_1770 : i1
          %and3A_1772 = arith.andi %ne3A_1771, %ne3A_1766 : i1
          %add3A_1773 = arith.addi %rem3A_1764, %select_n3A_1763 : i32
          %select_n3A_1774 = arith.select %and3A_1772, %add3A_1773, %rem3A_1764 : i32
          %dma_wait3A_1775 = arith.constant 7 : i32
          %dma_wait3A_1776 = arith.constant 0 : i32
          %dma_wait3A_1777 = arith.constant 0 : i32
          %dma_wait3A_1778 = tpu.memref_slice %arg6[%select_n3A_1774, %dma_wait3A_1776, %dma_wait3A_1777] : memref<8x8x1024xf32, #tpu.memory_space<vmem>> -> memref<1x8x1024xf32, #tpu.memory_space<vmem>>
          %dma_wait3A_1779 = tpu.memref_squeeze %dma_wait3A_1778 : memref<1x8x1024xf32, #tpu.memory_space<vmem>> -> memref<8x1024xf32, #tpu.memory_space<vmem>>
          %dma_wait3A_1780 = arith.constant 0 : i32
          %dma_wait3A_1781 = tpu.memref_slice %arg4[%dma_wait3A_1775, %multiple_of3A, %dma_wait3A_1780] : memref<32x2048x1024xf32, #tpu.memory_space<hbm>> -> memref<1x8x1024xf32, #tpu.memory_space<hbm>>
          %dma_wait3A_1782 = tpu.memref_squeeze %dma_wait3A_1781 : memref<1x8x1024xf32, #tpu.memory_space<hbm>> -> memref<8x1024xf32, #tpu.memory_space<hbm>>
          %dma_wait3A_1783 = arith.constant 0 : i32
          %dma_wait3A_1784 = tpu.memref_slice %arg4[%dma_wait3A_1775, %multiple_of3A, %dma_wait3A_1783] : memref<32x2048x1024xf32, #tpu.memory_space<hbm>> -> memref<1x8x1024xf32, #tpu.memory_space<hbm>>
          %dma_wait3A_1785 = tpu.memref_squeeze %dma_wait3A_1784 : memref<1x8x1024xf32, #tpu.memory_space<hbm>> -> memref<8x1024xf32, #tpu.memory_space<hbm>>
          %dma_wait3A_1786 = arith.constant 0 : i32
          %dma_wait3A_1787 = arith.constant 0 : i32
          %dma_wait3A_1788 = tpu.memref_slice %arg6[%select_n3A_1774, %dma_wait3A_1786, %dma_wait3A_1787] : memref<8x8x1024xf32, #tpu.memory_space<vmem>> -> memref<1x8x1024xf32, #tpu.memory_space<vmem>>
          %dma_wait3A_1789 = tpu.memref_squeeze %dma_wait3A_1788 : memref<1x8x1024xf32, #tpu.memory_space<vmem>> -> memref<8x1024xf32, #tpu.memory_space<vmem>>
          tpu.wait_dma2 semaphore(%arg8 : memref<!tpu.dma_semaphore, #tpu.memory_space<semaphore_mem>>) src(%dma_wait3A_1789 : memref<8x1024xf32, #tpu.memory_space<vmem>>) dst(%dma_wait3A_1785 : memref<8x1024xf32, #tpu.memory_space<hbm>>)
        } else {
        }
        %convert_element_type3A_1687 = arith.extui %and3A_667 : i1 to i32
        %cond3A_1688 = arith.constant 0 : i32
        %cond3A_1689 = arith.cmpi ne, %convert_element_type3A_1687, %cond3A_1688 : i32
        scf.if %cond3A_1689 {
          %jit3A_1759 = arith.constant 8 : i32
          %eq3A_1760 = arith.constant 0 : i32
          %eq3A_1761 = arith.cmpi eq, %jit3A_1759, %eq3A_1760 : i32
          %jit3A_1762 = arith.constant 1 : i32
          %select_n3A_1763 = arith.select %eq3A_1761, %jit3A_1762, %jit3A_1759 : i32
          %rem3A_1764 = arith.remsi %reduce_max3A_109, %select_n3A_1763 : i32
          %ne3A_1765 = arith.constant 0 : i32
          %ne3A_1766 = arith.cmpi ne, %rem3A_1764, %ne3A_1765 : i32
          %lt3A_1767 = arith.constant 0 : i32
          %lt3A_1768 = arith.cmpi slt, %rem3A_1764, %lt3A_1767 : i32
          %lt3A_1769 = arith.constant 0 : i32
          %lt3A_1770 = arith.cmpi slt, %select_n3A_1763, %lt3A_1769 : i32
          %ne3A_1771 = arith.xori %lt3A_1768, %lt3A_1770 : i1
          %and3A_1772 = arith.andi %ne3A_1771, %ne3A_1766 : i1
          %add3A_1773 = arith.addi %rem3A_1764, %select_n3A_1763 : i32
          %select_n3A_1774 = arith.select %and3A_1772, %add3A_1773, %rem3A_1764 : i32
          %dma_wait3A_1775 = arith.constant 8 : i32
          %dma_wait3A_1776 = arith.constant 0 : i32
          %dma_wait3A_1777 = arith.constant 0 : i32
          %dma_wait3A_1778 = tpu.memref_slice %arg6[%select_n3A_1774, %dma_wait3A_1776, %dma_wait3A_1777] : memref<8x8x1024xf32, #tpu.memory_space<vmem>> -> memref<1x8x1024xf32, #tpu.memory_space<vmem>>
          %dma_wait3A_1779 = tpu.memref_squeeze %dma_wait3A_1778 : memref<1x8x1024xf32, #tpu.memory_space<vmem>> -> memref<8x1024xf32, #tpu.memory_space<vmem>>
          %dma_wait3A_1780 = arith.constant 0 : i32
          %dma_wait3A_1781 = tpu.memref_slice %arg4[%dma_wait3A_1775, %multiple_of3A, %dma_wait3A_1780] : memref<32x2048x1024xf32, #tpu.memory_space<hbm>> -> memref<1x8x1024xf32, #tpu.memory_space<hbm>>
          %dma_wait3A_1782 = tpu.memref_squeeze %dma_wait3A_1781 : memref<1x8x1024xf32, #tpu.memory_space<hbm>> -> memref<8x1024xf32, #tpu.memory_space<hbm>>
          %dma_wait3A_1783 = arith.constant 0 : i32
          %dma_wait3A_1784 = tpu.memref_slice %arg4[%dma_wait3A_1775, %multiple_of3A, %dma_wait3A_1783] : memref<32x2048x1024xf32, #tpu.memory_space<hbm>> -> memref<1x8x1024xf32, #tpu.memory_space<hbm>>
          %dma_wait3A_1785 = tpu.memref_squeeze %dma_wait3A_1784 : memref<1x8x1024xf32, #tpu.memory_space<hbm>> -> memref<8x1024xf32, #tpu.memory_space<hbm>>
          %dma_wait3A_1786 = arith.constant 0 : i32
          %dma_wait3A_1787 = arith.constant 0 : i32
          %dma_wait3A_1788 = tpu.memref_slice %arg6[%select_n3A_1774, %dma_wait3A_1786, %dma_wait3A_1787] : memref<8x8x1024xf32, #tpu.memory_space<vmem>> -> memref<1x8x1024xf32, #tpu.memory_space<vmem>>
          %dma_wait3A_1789 = tpu.memref_squeeze %dma_wait3A_1788 : memref<1x8x1024xf32, #tpu.memory_space<vmem>> -> memref<8x1024xf32, #tpu.memory_space<vmem>>
          tpu.wait_dma2 semaphore(%arg8 : memref<!tpu.dma_semaphore, #tpu.memory_space<semaphore_mem>>) src(%dma_wait3A_1789 : memref<8x1024xf32, #tpu.memory_space<vmem>>) dst(%dma_wait3A_1785 : memref<8x1024xf32, #tpu.memory_space<hbm>>)
        } else {
        }
        %convert_element_type3A_1690 = arith.extui %and3A_693 : i1 to i32
        %cond3A_1691 = arith.constant 0 : i32
        %cond3A_1692 = arith.cmpi ne, %convert_element_type3A_1690, %cond3A_1691 : i32
        scf.if %cond3A_1692 {
          %jit3A_1759 = arith.constant 8 : i32
          %eq3A_1760 = arith.constant 0 : i32
          %eq3A_1761 = arith.cmpi eq, %jit3A_1759, %eq3A_1760 : i32
          %jit3A_1762 = arith.constant 1 : i32
          %select_n3A_1763 = arith.select %eq3A_1761, %jit3A_1762, %jit3A_1759 : i32
          %rem3A_1764 = arith.remsi %reduce_max3A_121, %select_n3A_1763 : i32
          %ne3A_1765 = arith.constant 0 : i32
          %ne3A_1766 = arith.cmpi ne, %rem3A_1764, %ne3A_1765 : i32
          %lt3A_1767 = arith.constant 0 : i32
          %lt3A_1768 = arith.cmpi slt, %rem3A_1764, %lt3A_1767 : i32
          %lt3A_1769 = arith.constant 0 : i32
          %lt3A_1770 = arith.cmpi slt, %select_n3A_1763, %lt3A_1769 : i32
          %ne3A_1771 = arith.xori %lt3A_1768, %lt3A_1770 : i1
          %and3A_1772 = arith.andi %ne3A_1771, %ne3A_1766 : i1
          %add3A_1773 = arith.addi %rem3A_1764, %select_n3A_1763 : i32
          %select_n3A_1774 = arith.select %and3A_1772, %add3A_1773, %rem3A_1764 : i32
          %dma_wait3A_1775 = arith.constant 9 : i32
          %dma_wait3A_1776 = arith.constant 0 : i32
          %dma_wait3A_1777 = arith.constant 0 : i32
          %dma_wait3A_1778 = tpu.memref_slice %arg6[%select_n3A_1774, %dma_wait3A_1776, %dma_wait3A_1777] : memref<8x8x1024xf32, #tpu.memory_space<vmem>> -> memref<1x8x1024xf32, #tpu.memory_space<vmem>>
          %dma_wait3A_1779 = tpu.memref_squeeze %dma_wait3A_1778 : memref<1x8x1024xf32, #tpu.memory_space<vmem>> -> memref<8x1024xf32, #tpu.memory_space<vmem>>
          %dma_wait3A_1780 = arith.constant 0 : i32
          %dma_wait3A_1781 = tpu.memref_slice %arg4[%dma_wait3A_1775, %multiple_of3A, %dma_wait3A_1780] : memref<32x2048x1024xf32, #tpu.memory_space<hbm>> -> memref<1x8x1024xf32, #tpu.memory_space<hbm>>
          %dma_wait3A_1782 = tpu.memref_squeeze %dma_wait3A_1781 : memref<1x8x1024xf32, #tpu.memory_space<hbm>> -> memref<8x1024xf32, #tpu.memory_space<hbm>>
          %dma_wait3A_1783 = arith.constant 0 : i32
          %dma_wait3A_1784 = tpu.memref_slice %arg4[%dma_wait3A_1775, %multiple_of3A, %dma_wait3A_1783] : memref<32x2048x1024xf32, #tpu.memory_space<hbm>> -> memref<1x8x1024xf32, #tpu.memory_space<hbm>>
          %dma_wait3A_1785 = tpu.memref_squeeze %dma_wait3A_1784 : memref<1x8x1024xf32, #tpu.memory_space<hbm>> -> memref<8x1024xf32, #tpu.memory_space<hbm>>
          %dma_wait3A_1786 = arith.constant 0 : i32
          %dma_wait3A_1787 = arith.constant 0 : i32
          %dma_wait3A_1788 = tpu.memref_slice %arg6[%select_n3A_1774, %dma_wait3A_1786, %dma_wait3A_1787] : memref<8x8x1024xf32, #tpu.memory_space<vmem>> -> memref<1x8x1024xf32, #tpu.memory_space<vmem>>
          %dma_wait3A_1789 = tpu.memref_squeeze %dma_wait3A_1788 : memref<1x8x1024xf32, #tpu.memory_space<vmem>> -> memref<8x1024xf32, #tpu.memory_space<vmem>>
          tpu.wait_dma2 semaphore(%arg8 : memref<!tpu.dma_semaphore, #tpu.memory_space<semaphore_mem>>) src(%dma_wait3A_1789 : memref<8x1024xf32, #tpu.memory_space<vmem>>) dst(%dma_wait3A_1785 : memref<8x1024xf32, #tpu.memory_space<hbm>>)
        } else {
        }
        %convert_element_type3A_1693 = arith.extui %and3A_719 : i1 to i32
        %cond3A_1694 = arith.constant 0 : i32
        %cond3A_1695 = arith.cmpi ne, %convert_element_type3A_1693, %cond3A_1694 : i32
        scf.if %cond3A_1695 {
          %jit3A_1759 = arith.constant 8 : i32
          %eq3A_1760 = arith.constant 0 : i32
          %eq3A_1761 = arith.cmpi eq, %jit3A_1759, %eq3A_1760 : i32
          %jit3A_1762 = arith.constant 1 : i32
          %select_n3A_1763 = arith.select %eq3A_1761, %jit3A_1762, %jit3A_1759 : i32
          %rem3A_1764 = arith.remsi %reduce_max3A_133, %select_n3A_1763 : i32
          %ne3A_1765 = arith.constant 0 : i32
          %ne3A_1766 = arith.cmpi ne, %rem3A_1764, %ne3A_1765 : i32
          %lt3A_1767 = arith.constant 0 : i32
          %lt3A_1768 = arith.cmpi slt, %rem3A_1764, %lt3A_1767 : i32
          %lt3A_1769 = arith.constant 0 : i32
          %lt3A_1770 = arith.cmpi slt, %select_n3A_1763, %lt3A_1769 : i32
          %ne3A_1771 = arith.xori %lt3A_1768, %lt3A_1770 : i1
          %and3A_1772 = arith.andi %ne3A_1771, %ne3A_1766 : i1
          %add3A_1773 = arith.addi %rem3A_1764, %select_n3A_1763 : i32
          %select_n3A_1774 = arith.select %and3A_1772, %add3A_1773, %rem3A_1764 : i32
          %dma_wait3A_1775 = arith.constant 10 : i32
          %dma_wait3A_1776 = arith.constant 0 : i32
          %dma_wait3A_1777 = arith.constant 0 : i32
          %dma_wait3A_1778 = tpu.memref_slice %arg6[%select_n3A_1774, %dma_wait3A_1776, %dma_wait3A_1777] : memref<8x8x1024xf32, #tpu.memory_space<vmem>> -> memref<1x8x1024xf32, #tpu.memory_space<vmem>>
          %dma_wait3A_1779 = tpu.memref_squeeze %dma_wait3A_1778 : memref<1x8x1024xf32, #tpu.memory_space<vmem>> -> memref<8x1024xf32, #tpu.memory_space<vmem>>
          %dma_wait3A_1780 = arith.constant 0 : i32
          %dma_wait3A_1781 = tpu.memref_slice %arg4[%dma_wait3A_1775, %multiple_of3A, %dma_wait3A_1780] : memref<32x2048x1024xf32, #tpu.memory_space<hbm>> -> memref<1x8x1024xf32, #tpu.memory_space<hbm>>
          %dma_wait3A_1782 = tpu.memref_squeeze %dma_wait3A_1781 : memref<1x8x1024xf32, #tpu.memory_space<hbm>> -> memref<8x1024xf32, #tpu.memory_space<hbm>>
          %dma_wait3A_1783 = arith.constant 0 : i32
          %dma_wait3A_1784 = tpu.memref_slice %arg4[%dma_wait3A_1775, %multiple_of3A, %dma_wait3A_1783] : memref<32x2048x1024xf32, #tpu.memory_space<hbm>> -> memref<1x8x1024xf32, #tpu.memory_space<hbm>>
          %dma_wait3A_1785 = tpu.memref_squeeze %dma_wait3A_1784 : memref<1x8x1024xf32, #tpu.memory_space<hbm>> -> memref<8x1024xf32, #tpu.memory_space<hbm>>
          %dma_wait3A_1786 = arith.constant 0 : i32
          %dma_wait3A_1787 = arith.constant 0 : i32
          %dma_wait3A_1788 = tpu.memref_slice %arg6[%select_n3A_1774, %dma_wait3A_1786, %dma_wait3A_1787] : memref<8x8x1024xf32, #tpu.memory_space<vmem>> -> memref<1x8x1024xf32, #tpu.memory_space<vmem>>
          %dma_wait3A_1789 = tpu.memref_squeeze %dma_wait3A_1788 : memref<1x8x1024xf32, #tpu.memory_space<vmem>> -> memref<8x1024xf32, #tpu.memory_space<vmem>>
          tpu.wait_dma2 semaphore(%arg8 : memref<!tpu.dma_semaphore, #tpu.memory_space<semaphore_mem>>) src(%dma_wait3A_1789 : memref<8x1024xf32, #tpu.memory_space<vmem>>) dst(%dma_wait3A_1785 : memref<8x1024xf32, #tpu.memory_space<hbm>>)
        } else {
        }
        %convert_element_type3A_1696 = arith.extui %and3A_745 : i1 to i32
        %cond3A_1697 = arith.constant 0 : i32
        %cond3A_1698 = arith.cmpi ne, %convert_element_type3A_1696, %cond3A_1697 : i32
        scf.if %cond3A_1698 {
          %jit3A_1759 = arith.constant 8 : i32
          %eq3A_1760 = arith.constant 0 : i32
          %eq3A_1761 = arith.cmpi eq, %jit3A_1759, %eq3A_1760 : i32
          %jit3A_1762 = arith.constant 1 : i32
          %select_n3A_1763 = arith.select %eq3A_1761, %jit3A_1762, %jit3A_1759 : i32
          %rem3A_1764 = arith.remsi %reduce_max3A_145, %select_n3A_1763 : i32
          %ne3A_1765 = arith.constant 0 : i32
          %ne3A_1766 = arith.cmpi ne, %rem3A_1764, %ne3A_1765 : i32
          %lt3A_1767 = arith.constant 0 : i32
          %lt3A_1768 = arith.cmpi slt, %rem3A_1764, %lt3A_1767 : i32
          %lt3A_1769 = arith.constant 0 : i32
          %lt3A_1770 = arith.cmpi slt, %select_n3A_1763, %lt3A_1769 : i32
          %ne3A_1771 = arith.xori %lt3A_1768, %lt3A_1770 : i1
          %and3A_1772 = arith.andi %ne3A_1771, %ne3A_1766 : i1
          %add3A_1773 = arith.addi %rem3A_1764, %select_n3A_1763 : i32
          %select_n3A_1774 = arith.select %and3A_1772, %add3A_1773, %rem3A_1764 : i32
          %dma_wait3A_1775 = arith.constant 11 : i32
          %dma_wait3A_1776 = arith.constant 0 : i32
          %dma_wait3A_1777 = arith.constant 0 : i32
          %dma_wait3A_1778 = tpu.memref_slice %arg6[%select_n3A_1774, %dma_wait3A_1776, %dma_wait3A_1777] : memref<8x8x1024xf32, #tpu.memory_space<vmem>> -> memref<1x8x1024xf32, #tpu.memory_space<vmem>>
          %dma_wait3A_1779 = tpu.memref_squeeze %dma_wait3A_1778 : memref<1x8x1024xf32, #tpu.memory_space<vmem>> -> memref<8x1024xf32, #tpu.memory_space<vmem>>
          %dma_wait3A_1780 = arith.constant 0 : i32
          %dma_wait3A_1781 = tpu.memref_slice %arg4[%dma_wait3A_1775, %multiple_of3A, %dma_wait3A_1780] : memref<32x2048x1024xf32, #tpu.memory_space<hbm>> -> memref<1x8x1024xf32, #tpu.memory_space<hbm>>
          %dma_wait3A_1782 = tpu.memref_squeeze %dma_wait3A_1781 : memref<1x8x1024xf32, #tpu.memory_space<hbm>> -> memref<8x1024xf32, #tpu.memory_space<hbm>>
          %dma_wait3A_1783 = arith.constant 0 : i32
          %dma_wait3A_1784 = tpu.memref_slice %arg4[%dma_wait3A_1775, %multiple_of3A, %dma_wait3A_1783] : memref<32x2048x1024xf32, #tpu.memory_space<hbm>> -> memref<1x8x1024xf32, #tpu.memory_space<hbm>>
          %dma_wait3A_1785 = tpu.memref_squeeze %dma_wait3A_1784 : memref<1x8x1024xf32, #tpu.memory_space<hbm>> -> memref<8x1024xf32, #tpu.memory_space<hbm>>
          %dma_wait3A_1786 = arith.constant 0 : i32
          %dma_wait3A_1787 = arith.constant 0 : i32
          %dma_wait3A_1788 = tpu.memref_slice %arg6[%select_n3A_1774, %dma_wait3A_1786, %dma_wait3A_1787] : memref<8x8x1024xf32, #tpu.memory_space<vmem>> -> memref<1x8x1024xf32, #tpu.memory_space<vmem>>
          %dma_wait3A_1789 = tpu.memref_squeeze %dma_wait3A_1788 : memref<1x8x1024xf32, #tpu.memory_space<vmem>> -> memref<8x1024xf32, #tpu.memory_space<vmem>>
          tpu.wait_dma2 semaphore(%arg8 : memref<!tpu.dma_semaphore, #tpu.memory_space<semaphore_mem>>) src(%dma_wait3A_1789 : memref<8x1024xf32, #tpu.memory_space<vmem>>) dst(%dma_wait3A_1785 : memref<8x1024xf32, #tpu.memory_space<hbm>>)
        } else {
        }
        %convert_element_type3A_1699 = arith.extui %and3A_771 : i1 to i32
        %cond3A_1700 = arith.constant 0 : i32
        %cond3A_1701 = arith.cmpi ne, %convert_element_type3A_1699, %cond3A_1700 : i32
        scf.if %cond3A_1701 {
          %jit3A_1759 = arith.constant 8 : i32
          %eq3A_1760 = arith.constant 0 : i32
          %eq3A_1761 = arith.cmpi eq, %jit3A_1759, %eq3A_1760 : i32
          %jit3A_1762 = arith.constant 1 : i32
          %select_n3A_1763 = arith.select %eq3A_1761, %jit3A_1762, %jit3A_1759 : i32
          %rem3A_1764 = arith.remsi %reduce_max3A_157, %select_n3A_1763 : i32
          %ne3A_1765 = arith.constant 0 : i32
          %ne3A_1766 = arith.cmpi ne, %rem3A_1764, %ne3A_1765 : i32
          %lt3A_1767 = arith.constant 0 : i32
          %lt3A_1768 = arith.cmpi slt, %rem3A_1764, %lt3A_1767 : i32
          %lt3A_1769 = arith.constant 0 : i32
          %lt3A_1770 = arith.cmpi slt, %select_n3A_1763, %lt3A_1769 : i32
          %ne3A_1771 = arith.xori %lt3A_1768, %lt3A_1770 : i1
          %and3A_1772 = arith.andi %ne3A_1771, %ne3A_1766 : i1
          %add3A_1773 = arith.addi %rem3A_1764, %select_n3A_1763 : i32
          %select_n3A_1774 = arith.select %and3A_1772, %add3A_1773, %rem3A_1764 : i32
          %dma_wait3A_1775 = arith.constant 12 : i32
          %dma_wait3A_1776 = arith.constant 0 : i32
          %dma_wait3A_1777 = arith.constant 0 : i32
          %dma_wait3A_1778 = tpu.memref_slice %arg6[%select_n3A_1774, %dma_wait3A_1776, %dma_wait3A_1777] : memref<8x8x1024xf32, #tpu.memory_space<vmem>> -> memref<1x8x1024xf32, #tpu.memory_space<vmem>>
          %dma_wait3A_1779 = tpu.memref_squeeze %dma_wait3A_1778 : memref<1x8x1024xf32, #tpu.memory_space<vmem>> -> memref<8x1024xf32, #tpu.memory_space<vmem>>
          %dma_wait3A_1780 = arith.constant 0 : i32
          %dma_wait3A_1781 = tpu.memref_slice %arg4[%dma_wait3A_1775, %multiple_of3A, %dma_wait3A_1780] : memref<32x2048x1024xf32, #tpu.memory_space<hbm>> -> memref<1x8x1024xf32, #tpu.memory_space<hbm>>
          %dma_wait3A_1782 = tpu.memref_squeeze %dma_wait3A_1781 : memref<1x8x1024xf32, #tpu.memory_space<hbm>> -> memref<8x1024xf32, #tpu.memory_space<hbm>>
          %dma_wait3A_1783 = arith.constant 0 : i32
          %dma_wait3A_1784 = tpu.memref_slice %arg4[%dma_wait3A_1775, %multiple_of3A, %dma_wait3A_1783] : memref<32x2048x1024xf32, #tpu.memory_space<hbm>> -> memref<1x8x1024xf32, #tpu.memory_space<hbm>>
          %dma_wait3A_1785 = tpu.memref_squeeze %dma_wait3A_1784 : memref<1x8x1024xf32, #tpu.memory_space<hbm>> -> memref<8x1024xf32, #tpu.memory_space<hbm>>
          %dma_wait3A_1786 = arith.constant 0 : i32
          %dma_wait3A_1787 = arith.constant 0 : i32
          %dma_wait3A_1788 = tpu.memref_slice %arg6[%select_n3A_1774, %dma_wait3A_1786, %dma_wait3A_1787] : memref<8x8x1024xf32, #tpu.memory_space<vmem>> -> memref<1x8x1024xf32, #tpu.memory_space<vmem>>
          %dma_wait3A_1789 = tpu.memref_squeeze %dma_wait3A_1788 : memref<1x8x1024xf32, #tpu.memory_space<vmem>> -> memref<8x1024xf32, #tpu.memory_space<vmem>>
          tpu.wait_dma2 semaphore(%arg8 : memref<!tpu.dma_semaphore, #tpu.memory_space<semaphore_mem>>) src(%dma_wait3A_1789 : memref<8x1024xf32, #tpu.memory_space<vmem>>) dst(%dma_wait3A_1785 : memref<8x1024xf32, #tpu.memory_space<hbm>>)
        } else {
        }
        %convert_element_type3A_1702 = arith.extui %and3A_797 : i1 to i32
        %cond3A_1703 = arith.constant 0 : i32
        %cond3A_1704 = arith.cmpi ne, %convert_element_type3A_1702, %cond3A_1703 : i32
        scf.if %cond3A_1704 {
          %jit3A_1759 = arith.constant 8 : i32
          %eq3A_1760 = arith.constant 0 : i32
          %eq3A_1761 = arith.cmpi eq, %jit3A_1759, %eq3A_1760 : i32
          %jit3A_1762 = arith.constant 1 : i32
          %select_n3A_1763 = arith.select %eq3A_1761, %jit3A_1762, %jit3A_1759 : i32
          %rem3A_1764 = arith.remsi %reduce_max3A_169, %select_n3A_1763 : i32
          %ne3A_1765 = arith.constant 0 : i32
          %ne3A_1766 = arith.cmpi ne, %rem3A_1764, %ne3A_1765 : i32
          %lt3A_1767 = arith.constant 0 : i32
          %lt3A_1768 = arith.cmpi slt, %rem3A_1764, %lt3A_1767 : i32
          %lt3A_1769 = arith.constant 0 : i32
          %lt3A_1770 = arith.cmpi slt, %select_n3A_1763, %lt3A_1769 : i32
          %ne3A_1771 = arith.xori %lt3A_1768, %lt3A_1770 : i1
          %and3A_1772 = arith.andi %ne3A_1771, %ne3A_1766 : i1
          %add3A_1773 = arith.addi %rem3A_1764, %select_n3A_1763 : i32
          %select_n3A_1774 = arith.select %and3A_1772, %add3A_1773, %rem3A_1764 : i32
          %dma_wait3A_1775 = arith.constant 13 : i32
          %dma_wait3A_1776 = arith.constant 0 : i32
          %dma_wait3A_1777 = arith.constant 0 : i32
          %dma_wait3A_1778 = tpu.memref_slice %arg6[%select_n3A_1774, %dma_wait3A_1776, %dma_wait3A_1777] : memref<8x8x1024xf32, #tpu.memory_space<vmem>> -> memref<1x8x1024xf32, #tpu.memory_space<vmem>>
          %dma_wait3A_1779 = tpu.memref_squeeze %dma_wait3A_1778 : memref<1x8x1024xf32, #tpu.memory_space<vmem>> -> memref<8x1024xf32, #tpu.memory_space<vmem>>
          %dma_wait3A_1780 = arith.constant 0 : i32
          %dma_wait3A_1781 = tpu.memref_slice %arg4[%dma_wait3A_1775, %multiple_of3A, %dma_wait3A_1780] : memref<32x2048x1024xf32, #tpu.memory_space<hbm>> -> memref<1x8x1024xf32, #tpu.memory_space<hbm>>
          %dma_wait3A_1782 = tpu.memref_squeeze %dma_wait3A_1781 : memref<1x8x1024xf32, #tpu.memory_space<hbm>> -> memref<8x1024xf32, #tpu.memory_space<hbm>>
          %dma_wait3A_1783 = arith.constant 0 : i32
          %dma_wait3A_1784 = tpu.memref_slice %arg4[%dma_wait3A_1775, %multiple_of3A, %dma_wait3A_1783] : memref<32x2048x1024xf32, #tpu.memory_space<hbm>> -> memref<1x8x1024xf32, #tpu.memory_space<hbm>>
          %dma_wait3A_1785 = tpu.memref_squeeze %dma_wait3A_1784 : memref<1x8x1024xf32, #tpu.memory_space<hbm>> -> memref<8x1024xf32, #tpu.memory_space<hbm>>
          %dma_wait3A_1786 = arith.constant 0 : i32
          %dma_wait3A_1787 = arith.constant 0 : i32
          %dma_wait3A_1788 = tpu.memref_slice %arg6[%select_n3A_1774, %dma_wait3A_1786, %dma_wait3A_1787] : memref<8x8x1024xf32, #tpu.memory_space<vmem>> -> memref<1x8x1024xf32, #tpu.memory_space<vmem>>
          %dma_wait3A_1789 = tpu.memref_squeeze %dma_wait3A_1788 : memref<1x8x1024xf32, #tpu.memory_space<vmem>> -> memref<8x1024xf32, #tpu.memory_space<vmem>>
          tpu.wait_dma2 semaphore(%arg8 : memref<!tpu.dma_semaphore, #tpu.memory_space<semaphore_mem>>) src(%dma_wait3A_1789 : memref<8x1024xf32, #tpu.memory_space<vmem>>) dst(%dma_wait3A_1785 : memref<8x1024xf32, #tpu.memory_space<hbm>>)
        } else {
        }
        %convert_element_type3A_1705 = arith.extui %and3A_823 : i1 to i32
        %cond3A_1706 = arith.constant 0 : i32
        %cond3A_1707 = arith.cmpi ne, %convert_element_type3A_1705, %cond3A_1706 : i32
        scf.if %cond3A_1707 {
          %jit3A_1759 = arith.constant 8 : i32
          %eq3A_1760 = arith.constant 0 : i32
          %eq3A_1761 = arith.cmpi eq, %jit3A_1759, %eq3A_1760 : i32
          %jit3A_1762 = arith.constant 1 : i32
          %select_n3A_1763 = arith.select %eq3A_1761, %jit3A_1762, %jit3A_1759 : i32
          %rem3A_1764 = arith.remsi %reduce_max3A_181, %select_n3A_1763 : i32
          %ne3A_1765 = arith.constant 0 : i32
          %ne3A_1766 = arith.cmpi ne, %rem3A_1764, %ne3A_1765 : i32
          %lt3A_1767 = arith.constant 0 : i32
          %lt3A_1768 = arith.cmpi slt, %rem3A_1764, %lt3A_1767 : i32
          %lt3A_1769 = arith.constant 0 : i32
          %lt3A_1770 = arith.cmpi slt, %select_n3A_1763, %lt3A_1769 : i32
          %ne3A_1771 = arith.xori %lt3A_1768, %lt3A_1770 : i1
          %and3A_1772 = arith.andi %ne3A_1771, %ne3A_1766 : i1
          %add3A_1773 = arith.addi %rem3A_1764, %select_n3A_1763 : i32
          %select_n3A_1774 = arith.select %and3A_1772, %add3A_1773, %rem3A_1764 : i32
          %dma_wait3A_1775 = arith.constant 14 : i32
          %dma_wait3A_1776 = arith.constant 0 : i32
          %dma_wait3A_1777 = arith.constant 0 : i32
          %dma_wait3A_1778 = tpu.memref_slice %arg6[%select_n3A_1774, %dma_wait3A_1776, %dma_wait3A_1777] : memref<8x8x1024xf32, #tpu.memory_space<vmem>> -> memref<1x8x1024xf32, #tpu.memory_space<vmem>>
          %dma_wait3A_1779 = tpu.memref_squeeze %dma_wait3A_1778 : memref<1x8x1024xf32, #tpu.memory_space<vmem>> -> memref<8x1024xf32, #tpu.memory_space<vmem>>
          %dma_wait3A_1780 = arith.constant 0 : i32
          %dma_wait3A_1781 = tpu.memref_slice %arg4[%dma_wait3A_1775, %multiple_of3A, %dma_wait3A_1780] : memref<32x2048x1024xf32, #tpu.memory_space<hbm>> -> memref<1x8x1024xf32, #tpu.memory_space<hbm>>
          %dma_wait3A_1782 = tpu.memref_squeeze %dma_wait3A_1781 : memref<1x8x1024xf32, #tpu.memory_space<hbm>> -> memref<8x1024xf32, #tpu.memory_space<hbm>>
          %dma_wait3A_1783 = arith.constant 0 : i32
          %dma_wait3A_1784 = tpu.memref_slice %arg4[%dma_wait3A_1775, %multiple_of3A, %dma_wait3A_1783] : memref<32x2048x1024xf32, #tpu.memory_space<hbm>> -> memref<1x8x1024xf32, #tpu.memory_space<hbm>>
          %dma_wait3A_1785 = tpu.memref_squeeze %dma_wait3A_1784 : memref<1x8x1024xf32, #tpu.memory_space<hbm>> -> memref<8x1024xf32, #tpu.memory_space<hbm>>
          %dma_wait3A_1786 = arith.constant 0 : i32
          %dma_wait3A_1787 = arith.constant 0 : i32
          %dma_wait3A_1788 = tpu.memref_slice %arg6[%select_n3A_1774, %dma_wait3A_1786, %dma_wait3A_1787] : memref<8x8x1024xf32, #tpu.memory_space<vmem>> -> memref<1x8x1024xf32, #tpu.memory_space<vmem>>
          %dma_wait3A_1789 = tpu.memref_squeeze %dma_wait3A_1788 : memref<1x8x1024xf32, #tpu.memory_space<vmem>> -> memref<8x1024xf32, #tpu.memory_space<vmem>>
          tpu.wait_dma2 semaphore(%arg8 : memref<!tpu.dma_semaphore, #tpu.memory_space<semaphore_mem>>) src(%dma_wait3A_1789 : memref<8x1024xf32, #tpu.memory_space<vmem>>) dst(%dma_wait3A_1785 : memref<8x1024xf32, #tpu.memory_space<hbm>>)
        } else {
        }
        %convert_element_type3A_1708 = arith.extui %and3A_849 : i1 to i32
        %cond3A_1709 = arith.constant 0 : i32
        %cond3A_1710 = arith.cmpi ne, %convert_element_type3A_1708, %cond3A_1709 : i32
        scf.if %cond3A_1710 {
          %jit3A_1759 = arith.constant 8 : i32
          %eq3A_1760 = arith.constant 0 : i32
          %eq3A_1761 = arith.cmpi eq, %jit3A_1759, %eq3A_1760 : i32
          %jit3A_1762 = arith.constant 1 : i32
          %select_n3A_1763 = arith.select %eq3A_1761, %jit3A_1762, %jit3A_1759 : i32
          %rem3A_1764 = arith.remsi %reduce_max3A_193, %select_n3A_1763 : i32
          %ne3A_1765 = arith.constant 0 : i32
          %ne3A_1766 = arith.cmpi ne, %rem3A_1764, %ne3A_1765 : i32
          %lt3A_1767 = arith.constant 0 : i32
          %lt3A_1768 = arith.cmpi slt, %rem3A_1764, %lt3A_1767 : i32
          %lt3A_1769 = arith.constant 0 : i32
          %lt3A_1770 = arith.cmpi slt, %select_n3A_1763, %lt3A_1769 : i32
          %ne3A_1771 = arith.xori %lt3A_1768, %lt3A_1770 : i1
          %and3A_1772 = arith.andi %ne3A_1771, %ne3A_1766 : i1
          %add3A_1773 = arith.addi %rem3A_1764, %select_n3A_1763 : i32
          %select_n3A_1774 = arith.select %and3A_1772, %add3A_1773, %rem3A_1764 : i32
          %dma_wait3A_1775 = arith.constant 15 : i32
          %dma_wait3A_1776 = arith.constant 0 : i32
          %dma_wait3A_1777 = arith.constant 0 : i32
          %dma_wait3A_1778 = tpu.memref_slice %arg6[%select_n3A_1774, %dma_wait3A_1776, %dma_wait3A_1777] : memref<8x8x1024xf32, #tpu.memory_space<vmem>> -> memref<1x8x1024xf32, #tpu.memory_space<vmem>>
          %dma_wait3A_1779 = tpu.memref_squeeze %dma_wait3A_1778 : memref<1x8x1024xf32, #tpu.memory_space<vmem>> -> memref<8x1024xf32, #tpu.memory_space<vmem>>
          %dma_wait3A_1780 = arith.constant 0 : i32
          %dma_wait3A_1781 = tpu.memref_slice %arg4[%dma_wait3A_1775, %multiple_of3A, %dma_wait3A_1780] : memref<32x2048x1024xf32, #tpu.memory_space<hbm>> -> memref<1x8x1024xf32, #tpu.memory_space<hbm>>
          %dma_wait3A_1782 = tpu.memref_squeeze %dma_wait3A_1781 : memref<1x8x1024xf32, #tpu.memory_space<hbm>> -> memref<8x1024xf32, #tpu.memory_space<hbm>>
          %dma_wait3A_1783 = arith.constant 0 : i32
          %dma_wait3A_1784 = tpu.memref_slice %arg4[%dma_wait3A_1775, %multiple_of3A, %dma_wait3A_1783] : memref<32x2048x1024xf32, #tpu.memory_space<hbm>> -> memref<1x8x1024xf32, #tpu.memory_space<hbm>>
          %dma_wait3A_1785 = tpu.memref_squeeze %dma_wait3A_1784 : memref<1x8x1024xf32, #tpu.memory_space<hbm>> -> memref<8x1024xf32, #tpu.memory_space<hbm>>
          %dma_wait3A_1786 = arith.constant 0 : i32
          %dma_wait3A_1787 = arith.constant 0 : i32
          %dma_wait3A_1788 = tpu.memref_slice %arg6[%select_n3A_1774, %dma_wait3A_1786, %dma_wait3A_1787] : memref<8x8x1024xf32, #tpu.memory_space<vmem>> -> memref<1x8x1024xf32, #tpu.memory_space<vmem>>
          %dma_wait3A_1789 = tpu.memref_squeeze %dma_wait3A_1788 : memref<1x8x1024xf32, #tpu.memory_space<vmem>> -> memref<8x1024xf32, #tpu.memory_space<vmem>>
          tpu.wait_dma2 semaphore(%arg8 : memref<!tpu.dma_semaphore, #tpu.memory_space<semaphore_mem>>) src(%dma_wait3A_1789 : memref<8x1024xf32, #tpu.memory_space<vmem>>) dst(%dma_wait3A_1785 : memref<8x1024xf32, #tpu.memory_space<hbm>>)
        } else {
        }
        %convert_element_type3A_1711 = arith.extui %and3A_875 : i1 to i32
        %cond3A_1712 = arith.constant 0 : i32
        %cond3A_1713 = arith.cmpi ne, %convert_element_type3A_1711, %cond3A_1712 : i32
        scf.if %cond3A_1713 {
          %jit3A_1759 = arith.constant 8 : i32
          %eq3A_1760 = arith.constant 0 : i32
          %eq3A_1761 = arith.cmpi eq, %jit3A_1759, %eq3A_1760 : i32
          %jit3A_1762 = arith.constant 1 : i32
          %select_n3A_1763 = arith.select %eq3A_1761, %jit3A_1762, %jit3A_1759 : i32
          %rem3A_1764 = arith.remsi %reduce_max3A_205, %select_n3A_1763 : i32
          %ne3A_1765 = arith.constant 0 : i32
          %ne3A_1766 = arith.cmpi ne, %rem3A_1764, %ne3A_1765 : i32
          %lt3A_1767 = arith.constant 0 : i32
          %lt3A_1768 = arith.cmpi slt, %rem3A_1764, %lt3A_1767 : i32
          %lt3A_1769 = arith.constant 0 : i32
          %lt3A_1770 = arith.cmpi slt, %select_n3A_1763, %lt3A_1769 : i32
          %ne3A_1771 = arith.xori %lt3A_1768, %lt3A_1770 : i1
          %and3A_1772 = arith.andi %ne3A_1771, %ne3A_1766 : i1
          %add3A_1773 = arith.addi %rem3A_1764, %select_n3A_1763 : i32
          %select_n3A_1774 = arith.select %and3A_1772, %add3A_1773, %rem3A_1764 : i32
          %dma_wait3A_1775 = arith.constant 16 : i32
          %dma_wait3A_1776 = arith.constant 0 : i32
          %dma_wait3A_1777 = arith.constant 0 : i32
          %dma_wait3A_1778 = tpu.memref_slice %arg6[%select_n3A_1774, %dma_wait3A_1776, %dma_wait3A_1777] : memref<8x8x1024xf32, #tpu.memory_space<vmem>> -> memref<1x8x1024xf32, #tpu.memory_space<vmem>>
          %dma_wait3A_1779 = tpu.memref_squeeze %dma_wait3A_1778 : memref<1x8x1024xf32, #tpu.memory_space<vmem>> -> memref<8x1024xf32, #tpu.memory_space<vmem>>
          %dma_wait3A_1780 = arith.constant 0 : i32
          %dma_wait3A_1781 = tpu.memref_slice %arg4[%dma_wait3A_1775, %multiple_of3A, %dma_wait3A_1780] : memref<32x2048x1024xf32, #tpu.memory_space<hbm>> -> memref<1x8x1024xf32, #tpu.memory_space<hbm>>
          %dma_wait3A_1782 = tpu.memref_squeeze %dma_wait3A_1781 : memref<1x8x1024xf32, #tpu.memory_space<hbm>> -> memref<8x1024xf32, #tpu.memory_space<hbm>>
          %dma_wait3A_1783 = arith.constant 0 : i32
          %dma_wait3A_1784 = tpu.memref_slice %arg4[%dma_wait3A_1775, %multiple_of3A, %dma_wait3A_1783] : memref<32x2048x1024xf32, #tpu.memory_space<hbm>> -> memref<1x8x1024xf32, #tpu.memory_space<hbm>>
          %dma_wait3A_1785 = tpu.memref_squeeze %dma_wait3A_1784 : memref<1x8x1024xf32, #tpu.memory_space<hbm>> -> memref<8x1024xf32, #tpu.memory_space<hbm>>
          %dma_wait3A_1786 = arith.constant 0 : i32
          %dma_wait3A_1787 = arith.constant 0 : i32
          %dma_wait3A_1788 = tpu.memref_slice %arg6[%select_n3A_1774, %dma_wait3A_1786, %dma_wait3A_1787] : memref<8x8x1024xf32, #tpu.memory_space<vmem>> -> memref<1x8x1024xf32, #tpu.memory_space<vmem>>
          %dma_wait3A_1789 = tpu.memref_squeeze %dma_wait3A_1788 : memref<1x8x1024xf32, #tpu.memory_space<vmem>> -> memref<8x1024xf32, #tpu.memory_space<vmem>>
          tpu.wait_dma2 semaphore(%arg8 : memref<!tpu.dma_semaphore, #tpu.memory_space<semaphore_mem>>) src(%dma_wait3A_1789 : memref<8x1024xf32, #tpu.memory_space<vmem>>) dst(%dma_wait3A_1785 : memref<8x1024xf32, #tpu.memory_space<hbm>>)
        } else {
        }
        %convert_element_type3A_1714 = arith.extui %and3A_901 : i1 to i32
        %cond3A_1715 = arith.constant 0 : i32
        %cond3A_1716 = arith.cmpi ne, %convert_element_type3A_1714, %cond3A_1715 : i32
        scf.if %cond3A_1716 {
          %jit3A_1759 = arith.constant 8 : i32
          %eq3A_1760 = arith.constant 0 : i32
          %eq3A_1761 = arith.cmpi eq, %jit3A_1759, %eq3A_1760 : i32
          %jit3A_1762 = arith.constant 1 : i32
          %select_n3A_1763 = arith.select %eq3A_1761, %jit3A_1762, %jit3A_1759 : i32
          %rem3A_1764 = arith.remsi %reduce_max3A_217, %select_n3A_1763 : i32
          %ne3A_1765 = arith.constant 0 : i32
          %ne3A_1766 = arith.cmpi ne, %rem3A_1764, %ne3A_1765 : i32
          %lt3A_1767 = arith.constant 0 : i32
          %lt3A_1768 = arith.cmpi slt, %rem3A_1764, %lt3A_1767 : i32
          %lt3A_1769 = arith.constant 0 : i32
          %lt3A_1770 = arith.cmpi slt, %select_n3A_1763, %lt3A_1769 : i32
          %ne3A_1771 = arith.xori %lt3A_1768, %lt3A_1770 : i1
          %and3A_1772 = arith.andi %ne3A_1771, %ne3A_1766 : i1
          %add3A_1773 = arith.addi %rem3A_1764, %select_n3A_1763 : i32
          %select_n3A_1774 = arith.select %and3A_1772, %add3A_1773, %rem3A_1764 : i32
          %dma_wait3A_1775 = arith.constant 17 : i32
          %dma_wait3A_1776 = arith.constant 0 : i32
          %dma_wait3A_1777 = arith.constant 0 : i32
          %dma_wait3A_1778 = tpu.memref_slice %arg6[%select_n3A_1774, %dma_wait3A_1776, %dma_wait3A_1777] : memref<8x8x1024xf32, #tpu.memory_space<vmem>> -> memref<1x8x1024xf32, #tpu.memory_space<vmem>>
          %dma_wait3A_1779 = tpu.memref_squeeze %dma_wait3A_1778 : memref<1x8x1024xf32, #tpu.memory_space<vmem>> -> memref<8x1024xf32, #tpu.memory_space<vmem>>
          %dma_wait3A_1780 = arith.constant 0 : i32
          %dma_wait3A_1781 = tpu.memref_slice %arg4[%dma_wait3A_1775, %multiple_of3A, %dma_wait3A_1780] : memref<32x2048x1024xf32, #tpu.memory_space<hbm>> -> memref<1x8x1024xf32, #tpu.memory_space<hbm>>
          %dma_wait3A_1782 = tpu.memref_squeeze %dma_wait3A_1781 : memref<1x8x1024xf32, #tpu.memory_space<hbm>> -> memref<8x1024xf32, #tpu.memory_space<hbm>>
          %dma_wait3A_1783 = arith.constant 0 : i32
          %dma_wait3A_1784 = tpu.memref_slice %arg4[%dma_wait3A_1775, %multiple_of3A, %dma_wait3A_1783] : memref<32x2048x1024xf32, #tpu.memory_space<hbm>> -> memref<1x8x1024xf32, #tpu.memory_space<hbm>>
          %dma_wait3A_1785 = tpu.memref_squeeze %dma_wait3A_1784 : memref<1x8x1024xf32, #tpu.memory_space<hbm>> -> memref<8x1024xf32, #tpu.memory_space<hbm>>
          %dma_wait3A_1786 = arith.constant 0 : i32
          %dma_wait3A_1787 = arith.constant 0 : i32
          %dma_wait3A_1788 = tpu.memref_slice %arg6[%select_n3A_1774, %dma_wait3A_1786, %dma_wait3A_1787] : memref<8x8x1024xf32, #tpu.memory_space<vmem>> -> memref<1x8x1024xf32, #tpu.memory_space<vmem>>
          %dma_wait3A_1789 = tpu.memref_squeeze %dma_wait3A_1788 : memref<1x8x1024xf32, #tpu.memory_space<vmem>> -> memref<8x1024xf32, #tpu.memory_space<vmem>>
          tpu.wait_dma2 semaphore(%arg8 : memref<!tpu.dma_semaphore, #tpu.memory_space<semaphore_mem>>) src(%dma_wait3A_1789 : memref<8x1024xf32, #tpu.memory_space<vmem>>) dst(%dma_wait3A_1785 : memref<8x1024xf32, #tpu.memory_space<hbm>>)
        } else {
        }
        %convert_element_type3A_1717 = arith.extui %and3A_927 : i1 to i32
        %cond3A_1718 = arith.constant 0 : i32
        %cond3A_1719 = arith.cmpi ne, %convert_element_type3A_1717, %cond3A_1718 : i32
        scf.if %cond3A_1719 {
          %jit3A_1759 = arith.constant 8 : i32
          %eq3A_1760 = arith.constant 0 : i32
          %eq3A_1761 = arith.cmpi eq, %jit3A_1759, %eq3A_1760 : i32
          %jit3A_1762 = arith.constant 1 : i32
          %select_n3A_1763 = arith.select %eq3A_1761, %jit3A_1762, %jit3A_1759 : i32
          %rem3A_1764 = arith.remsi %reduce_max3A_229, %select_n3A_1763 : i32
          %ne3A_1765 = arith.constant 0 : i32
          %ne3A_1766 = arith.cmpi ne, %rem3A_1764, %ne3A_1765 : i32
          %lt3A_1767 = arith.constant 0 : i32
          %lt3A_1768 = arith.cmpi slt, %rem3A_1764, %lt3A_1767 : i32
          %lt3A_1769 = arith.constant 0 : i32
          %lt3A_1770 = arith.cmpi slt, %select_n3A_1763, %lt3A_1769 : i32
          %ne3A_1771 = arith.xori %lt3A_1768, %lt3A_1770 : i1
          %and3A_1772 = arith.andi %ne3A_1771, %ne3A_1766 : i1
          %add3A_1773 = arith.addi %rem3A_1764, %select_n3A_1763 : i32
          %select_n3A_1774 = arith.select %and3A_1772, %add3A_1773, %rem3A_1764 : i32
          %dma_wait3A_1775 = arith.constant 18 : i32
          %dma_wait3A_1776 = arith.constant 0 : i32
          %dma_wait3A_1777 = arith.constant 0 : i32
          %dma_wait3A_1778 = tpu.memref_slice %arg6[%select_n3A_1774, %dma_wait3A_1776, %dma_wait3A_1777] : memref<8x8x1024xf32, #tpu.memory_space<vmem>> -> memref<1x8x1024xf32, #tpu.memory_space<vmem>>
          %dma_wait3A_1779 = tpu.memref_squeeze %dma_wait3A_1778 : memref<1x8x1024xf32, #tpu.memory_space<vmem>> -> memref<8x1024xf32, #tpu.memory_space<vmem>>
          %dma_wait3A_1780 = arith.constant 0 : i32
          %dma_wait3A_1781 = tpu.memref_slice %arg4[%dma_wait3A_1775, %multiple_of3A, %dma_wait3A_1780] : memref<32x2048x1024xf32, #tpu.memory_space<hbm>> -> memref<1x8x1024xf32, #tpu.memory_space<hbm>>
          %dma_wait3A_1782 = tpu.memref_squeeze %dma_wait3A_1781 : memref<1x8x1024xf32, #tpu.memory_space<hbm>> -> memref<8x1024xf32, #tpu.memory_space<hbm>>
          %dma_wait3A_1783 = arith.constant 0 : i32
          %dma_wait3A_1784 = tpu.memref_slice %arg4[%dma_wait3A_1775, %multiple_of3A, %dma_wait3A_1783] : memref<32x2048x1024xf32, #tpu.memory_space<hbm>> -> memref<1x8x1024xf32, #tpu.memory_space<hbm>>
          %dma_wait3A_1785 = tpu.memref_squeeze %dma_wait3A_1784 : memref<1x8x1024xf32, #tpu.memory_space<hbm>> -> memref<8x1024xf32, #tpu.memory_space<hbm>>
          %dma_wait3A_1786 = arith.constant 0 : i32
          %dma_wait3A_1787 = arith.constant 0 : i32
          %dma_wait3A_1788 = tpu.memref_slice %arg6[%select_n3A_1774, %dma_wait3A_1786, %dma_wait3A_1787] : memref<8x8x1024xf32, #tpu.memory_space<vmem>> -> memref<1x8x1024xf32, #tpu.memory_space<vmem>>
          %dma_wait3A_1789 = tpu.memref_squeeze %dma_wait3A_1788 : memref<1x8x1024xf32, #tpu.memory_space<vmem>> -> memref<8x1024xf32, #tpu.memory_space<vmem>>
          tpu.wait_dma2 semaphore(%arg8 : memref<!tpu.dma_semaphore, #tpu.memory_space<semaphore_mem>>) src(%dma_wait3A_1789 : memref<8x1024xf32, #tpu.memory_space<vmem>>) dst(%dma_wait3A_1785 : memref<8x1024xf32, #tpu.memory_space<hbm>>)
        } else {
        }
        %convert_element_type3A_1720 = arith.extui %and3A_953 : i1 to i32
        %cond3A_1721 = arith.constant 0 : i32
        %cond3A_1722 = arith.cmpi ne, %convert_element_type3A_1720, %cond3A_1721 : i32
        scf.if %cond3A_1722 {
          %jit3A_1759 = arith.constant 8 : i32
          %eq3A_1760 = arith.constant 0 : i32
          %eq3A_1761 = arith.cmpi eq, %jit3A_1759, %eq3A_1760 : i32
          %jit3A_1762 = arith.constant 1 : i32
          %select_n3A_1763 = arith.select %eq3A_1761, %jit3A_1762, %jit3A_1759 : i32
          %rem3A_1764 = arith.remsi %reduce_max3A_241, %select_n3A_1763 : i32
          %ne3A_1765 = arith.constant 0 : i32
          %ne3A_1766 = arith.cmpi ne, %rem3A_1764, %ne3A_1765 : i32
          %lt3A_1767 = arith.constant 0 : i32
          %lt3A_1768 = arith.cmpi slt, %rem3A_1764, %lt3A_1767 : i32
          %lt3A_1769 = arith.constant 0 : i32
          %lt3A_1770 = arith.cmpi slt, %select_n3A_1763, %lt3A_1769 : i32
          %ne3A_1771 = arith.xori %lt3A_1768, %lt3A_1770 : i1
          %and3A_1772 = arith.andi %ne3A_1771, %ne3A_1766 : i1
          %add3A_1773 = arith.addi %rem3A_1764, %select_n3A_1763 : i32
          %select_n3A_1774 = arith.select %and3A_1772, %add3A_1773, %rem3A_1764 : i32
          %dma_wait3A_1775 = arith.constant 19 : i32
          %dma_wait3A_1776 = arith.constant 0 : i32
          %dma_wait3A_1777 = arith.constant 0 : i32
          %dma_wait3A_1778 = tpu.memref_slice %arg6[%select_n3A_1774, %dma_wait3A_1776, %dma_wait3A_1777] : memref<8x8x1024xf32, #tpu.memory_space<vmem>> -> memref<1x8x1024xf32, #tpu.memory_space<vmem>>
          %dma_wait3A_1779 = tpu.memref_squeeze %dma_wait3A_1778 : memref<1x8x1024xf32, #tpu.memory_space<vmem>> -> memref<8x1024xf32, #tpu.memory_space<vmem>>
          %dma_wait3A_1780 = arith.constant 0 : i32
          %dma_wait3A_1781 = tpu.memref_slice %arg4[%dma_wait3A_1775, %multiple_of3A, %dma_wait3A_1780] : memref<32x2048x1024xf32, #tpu.memory_space<hbm>> -> memref<1x8x1024xf32, #tpu.memory_space<hbm>>
          %dma_wait3A_1782 = tpu.memref_squeeze %dma_wait3A_1781 : memref<1x8x1024xf32, #tpu.memory_space<hbm>> -> memref<8x1024xf32, #tpu.memory_space<hbm>>
          %dma_wait3A_1783 = arith.constant 0 : i32
          %dma_wait3A_1784 = tpu.memref_slice %arg4[%dma_wait3A_1775, %multiple_of3A, %dma_wait3A_1783] : memref<32x2048x1024xf32, #tpu.memory_space<hbm>> -> memref<1x8x1024xf32, #tpu.memory_space<hbm>>
          %dma_wait3A_1785 = tpu.memref_squeeze %dma_wait3A_1784 : memref<1x8x1024xf32, #tpu.memory_space<hbm>> -> memref<8x1024xf32, #tpu.memory_space<hbm>>
          %dma_wait3A_1786 = arith.constant 0 : i32
          %dma_wait3A_1787 = arith.constant 0 : i32
          %dma_wait3A_1788 = tpu.memref_slice %arg6[%select_n3A_1774, %dma_wait3A_1786, %dma_wait3A_1787] : memref<8x8x1024xf32, #tpu.memory_space<vmem>> -> memref<1x8x1024xf32, #tpu.memory_space<vmem>>
          %dma_wait3A_1789 = tpu.memref_squeeze %dma_wait3A_1788 : memref<1x8x1024xf32, #tpu.memory_space<vmem>> -> memref<8x1024xf32, #tpu.memory_space<vmem>>
          tpu.wait_dma2 semaphore(%arg8 : memref<!tpu.dma_semaphore, #tpu.memory_space<semaphore_mem>>) src(%dma_wait3A_1789 : memref<8x1024xf32, #tpu.memory_space<vmem>>) dst(%dma_wait3A_1785 : memref<8x1024xf32, #tpu.memory_space<hbm>>)
        } else {
        }
        %convert_element_type3A_1723 = arith.extui %and3A_979 : i1 to i32
        %cond3A_1724 = arith.constant 0 : i32
        %cond3A_1725 = arith.cmpi ne, %convert_element_type3A_1723, %cond3A_1724 : i32
        scf.if %cond3A_1725 {
          %jit3A_1759 = arith.constant 8 : i32
          %eq3A_1760 = arith.constant 0 : i32
          %eq3A_1761 = arith.cmpi eq, %jit3A_1759, %eq3A_1760 : i32
          %jit3A_1762 = arith.constant 1 : i32
          %select_n3A_1763 = arith.select %eq3A_1761, %jit3A_1762, %jit3A_1759 : i32
          %rem3A_1764 = arith.remsi %reduce_max3A_253, %select_n3A_1763 : i32
          %ne3A_1765 = arith.constant 0 : i32
          %ne3A_1766 = arith.cmpi ne, %rem3A_1764, %ne3A_1765 : i32
          %lt3A_1767 = arith.constant 0 : i32
          %lt3A_1768 = arith.cmpi slt, %rem3A_1764, %lt3A_1767 : i32
          %lt3A_1769 = arith.constant 0 : i32
          %lt3A_1770 = arith.cmpi slt, %select_n3A_1763, %lt3A_1769 : i32
          %ne3A_1771 = arith.xori %lt3A_1768, %lt3A_1770 : i1
          %and3A_1772 = arith.andi %ne3A_1771, %ne3A_1766 : i1
          %add3A_1773 = arith.addi %rem3A_1764, %select_n3A_1763 : i32
          %select_n3A_1774 = arith.select %and3A_1772, %add3A_1773, %rem3A_1764 : i32
          %dma_wait3A_1775 = arith.constant 20 : i32
          %dma_wait3A_1776 = arith.constant 0 : i32
          %dma_wait3A_1777 = arith.constant 0 : i32
          %dma_wait3A_1778 = tpu.memref_slice %arg6[%select_n3A_1774, %dma_wait3A_1776, %dma_wait3A_1777] : memref<8x8x1024xf32, #tpu.memory_space<vmem>> -> memref<1x8x1024xf32, #tpu.memory_space<vmem>>
          %dma_wait3A_1779 = tpu.memref_squeeze %dma_wait3A_1778 : memref<1x8x1024xf32, #tpu.memory_space<vmem>> -> memref<8x1024xf32, #tpu.memory_space<vmem>>
          %dma_wait3A_1780 = arith.constant 0 : i32
          %dma_wait3A_1781 = tpu.memref_slice %arg4[%dma_wait3A_1775, %multiple_of3A, %dma_wait3A_1780] : memref<32x2048x1024xf32, #tpu.memory_space<hbm>> -> memref<1x8x1024xf32, #tpu.memory_space<hbm>>
          %dma_wait3A_1782 = tpu.memref_squeeze %dma_wait3A_1781 : memref<1x8x1024xf32, #tpu.memory_space<hbm>> -> memref<8x1024xf32, #tpu.memory_space<hbm>>
          %dma_wait3A_1783 = arith.constant 0 : i32
          %dma_wait3A_1784 = tpu.memref_slice %arg4[%dma_wait3A_1775, %multiple_of3A, %dma_wait3A_1783] : memref<32x2048x1024xf32, #tpu.memory_space<hbm>> -> memref<1x8x1024xf32, #tpu.memory_space<hbm>>
          %dma_wait3A_1785 = tpu.memref_squeeze %dma_wait3A_1784 : memref<1x8x1024xf32, #tpu.memory_space<hbm>> -> memref<8x1024xf32, #tpu.memory_space<hbm>>
          %dma_wait3A_1786 = arith.constant 0 : i32
          %dma_wait3A_1787 = arith.constant 0 : i32
          %dma_wait3A_1788 = tpu.memref_slice %arg6[%select_n3A_1774, %dma_wait3A_1786, %dma_wait3A_1787] : memref<8x8x1024xf32, #tpu.memory_space<vmem>> -> memref<1x8x1024xf32, #tpu.memory_space<vmem>>
          %dma_wait3A_1789 = tpu.memref_squeeze %dma_wait3A_1788 : memref<1x8x1024xf32, #tpu.memory_space<vmem>> -> memref<8x1024xf32, #tpu.memory_space<vmem>>
          tpu.wait_dma2 semaphore(%arg8 : memref<!tpu.dma_semaphore, #tpu.memory_space<semaphore_mem>>) src(%dma_wait3A_1789 : memref<8x1024xf32, #tpu.memory_space<vmem>>) dst(%dma_wait3A_1785 : memref<8x1024xf32, #tpu.memory_space<hbm>>)
        } else {
        }
        %convert_element_type3A_1726 = arith.extui %and3A_1005 : i1 to i32
        %cond3A_1727 = arith.constant 0 : i32
        %cond3A_1728 = arith.cmpi ne, %convert_element_type3A_1726, %cond3A_1727 : i32
        scf.if %cond3A_1728 {
          %jit3A_1759 = arith.constant 8 : i32
          %eq3A_1760 = arith.constant 0 : i32
          %eq3A_1761 = arith.cmpi eq, %jit3A_1759, %eq3A_1760 : i32
          %jit3A_1762 = arith.constant 1 : i32
          %select_n3A_1763 = arith.select %eq3A_1761, %jit3A_1762, %jit3A_1759 : i32
          %rem3A_1764 = arith.remsi %reduce_max3A_265, %select_n3A_1763 : i32
          %ne3A_1765 = arith.constant 0 : i32
          %ne3A_1766 = arith.cmpi ne, %rem3A_1764, %ne3A_1765 : i32
          %lt3A_1767 = arith.constant 0 : i32
          %lt3A_1768 = arith.cmpi slt, %rem3A_1764, %lt3A_1767 : i32
          %lt3A_1769 = arith.constant 0 : i32
          %lt3A_1770 = arith.cmpi slt, %select_n3A_1763, %lt3A_1769 : i32
          %ne3A_1771 = arith.xori %lt3A_1768, %lt3A_1770 : i1
          %and3A_1772 = arith.andi %ne3A_1771, %ne3A_1766 : i1
          %add3A_1773 = arith.addi %rem3A_1764, %select_n3A_1763 : i32
          %select_n3A_1774 = arith.select %and3A_1772, %add3A_1773, %rem3A_1764 : i32
          %dma_wait3A_1775 = arith.constant 21 : i32
          %dma_wait3A_1776 = arith.constant 0 : i32
          %dma_wait3A_1777 = arith.constant 0 : i32
          %dma_wait3A_1778 = tpu.memref_slice %arg6[%select_n3A_1774, %dma_wait3A_1776, %dma_wait3A_1777] : memref<8x8x1024xf32, #tpu.memory_space<vmem>> -> memref<1x8x1024xf32, #tpu.memory_space<vmem>>
          %dma_wait3A_1779 = tpu.memref_squeeze %dma_wait3A_1778 : memref<1x8x1024xf32, #tpu.memory_space<vmem>> -> memref<8x1024xf32, #tpu.memory_space<vmem>>
          %dma_wait3A_1780 = arith.constant 0 : i32
          %dma_wait3A_1781 = tpu.memref_slice %arg4[%dma_wait3A_1775, %multiple_of3A, %dma_wait3A_1780] : memref<32x2048x1024xf32, #tpu.memory_space<hbm>> -> memref<1x8x1024xf32, #tpu.memory_space<hbm>>
          %dma_wait3A_1782 = tpu.memref_squeeze %dma_wait3A_1781 : memref<1x8x1024xf32, #tpu.memory_space<hbm>> -> memref<8x1024xf32, #tpu.memory_space<hbm>>
          %dma_wait3A_1783 = arith.constant 0 : i32
          %dma_wait3A_1784 = tpu.memref_slice %arg4[%dma_wait3A_1775, %multiple_of3A, %dma_wait3A_1783] : memref<32x2048x1024xf32, #tpu.memory_space<hbm>> -> memref<1x8x1024xf32, #tpu.memory_space<hbm>>
          %dma_wait3A_1785 = tpu.memref_squeeze %dma_wait3A_1784 : memref<1x8x1024xf32, #tpu.memory_space<hbm>> -> memref<8x1024xf32, #tpu.memory_space<hbm>>
          %dma_wait3A_1786 = arith.constant 0 : i32
          %dma_wait3A_1787 = arith.constant 0 : i32
          %dma_wait3A_1788 = tpu.memref_slice %arg6[%select_n3A_1774, %dma_wait3A_1786, %dma_wait3A_1787] : memref<8x8x1024xf32, #tpu.memory_space<vmem>> -> memref<1x8x1024xf32, #tpu.memory_space<vmem>>
          %dma_wait3A_1789 = tpu.memref_squeeze %dma_wait3A_1788 : memref<1x8x1024xf32, #tpu.memory_space<vmem>> -> memref<8x1024xf32, #tpu.memory_space<vmem>>
          tpu.wait_dma2 semaphore(%arg8 : memref<!tpu.dma_semaphore, #tpu.memory_space<semaphore_mem>>) src(%dma_wait3A_1789 : memref<8x1024xf32, #tpu.memory_space<vmem>>) dst(%dma_wait3A_1785 : memref<8x1024xf32, #tpu.memory_space<hbm>>)
        } else {
        }
        %convert_element_type3A_1729 = arith.extui %and3A_1031 : i1 to i32
        %cond3A_1730 = arith.constant 0 : i32
        %cond3A_1731 = arith.cmpi ne, %convert_element_type3A_1729, %cond3A_1730 : i32
        scf.if %cond3A_1731 {
          %jit3A_1759 = arith.constant 8 : i32
          %eq3A_1760 = arith.constant 0 : i32
          %eq3A_1761 = arith.cmpi eq, %jit3A_1759, %eq3A_1760 : i32
          %jit3A_1762 = arith.constant 1 : i32
          %select_n3A_1763 = arith.select %eq3A_1761, %jit3A_1762, %jit3A_1759 : i32
          %rem3A_1764 = arith.remsi %reduce_max3A_277, %select_n3A_1763 : i32
          %ne3A_1765 = arith.constant 0 : i32
          %ne3A_1766 = arith.cmpi ne, %rem3A_1764, %ne3A_1765 : i32
          %lt3A_1767 = arith.constant 0 : i32
          %lt3A_1768 = arith.cmpi slt, %rem3A_1764, %lt3A_1767 : i32
          %lt3A_1769 = arith.constant 0 : i32
          %lt3A_1770 = arith.cmpi slt, %select_n3A_1763, %lt3A_1769 : i32
          %ne3A_1771 = arith.xori %lt3A_1768, %lt3A_1770 : i1
          %and3A_1772 = arith.andi %ne3A_1771, %ne3A_1766 : i1
          %add3A_1773 = arith.addi %rem3A_1764, %select_n3A_1763 : i32
          %select_n3A_1774 = arith.select %and3A_1772, %add3A_1773, %rem3A_1764 : i32
          %dma_wait3A_1775 = arith.constant 22 : i32
          %dma_wait3A_1776 = arith.constant 0 : i32
          %dma_wait3A_1777 = arith.constant 0 : i32
          %dma_wait3A_1778 = tpu.memref_slice %arg6[%select_n3A_1774, %dma_wait3A_1776, %dma_wait3A_1777] : memref<8x8x1024xf32, #tpu.memory_space<vmem>> -> memref<1x8x1024xf32, #tpu.memory_space<vmem>>
          %dma_wait3A_1779 = tpu.memref_squeeze %dma_wait3A_1778 : memref<1x8x1024xf32, #tpu.memory_space<vmem>> -> memref<8x1024xf32, #tpu.memory_space<vmem>>
          %dma_wait3A_1780 = arith.constant 0 : i32
          %dma_wait3A_1781 = tpu.memref_slice %arg4[%dma_wait3A_1775, %multiple_of3A, %dma_wait3A_1780] : memref<32x2048x1024xf32, #tpu.memory_space<hbm>> -> memref<1x8x1024xf32, #tpu.memory_space<hbm>>
          %dma_wait3A_1782 = tpu.memref_squeeze %dma_wait3A_1781 : memref<1x8x1024xf32, #tpu.memory_space<hbm>> -> memref<8x1024xf32, #tpu.memory_space<hbm>>
          %dma_wait3A_1783 = arith.constant 0 : i32
          %dma_wait3A_1784 = tpu.memref_slice %arg4[%dma_wait3A_1775, %multiple_of3A, %dma_wait3A_1783] : memref<32x2048x1024xf32, #tpu.memory_space<hbm>> -> memref<1x8x1024xf32, #tpu.memory_space<hbm>>
          %dma_wait3A_1785 = tpu.memref_squeeze %dma_wait3A_1784 : memref<1x8x1024xf32, #tpu.memory_space<hbm>> -> memref<8x1024xf32, #tpu.memory_space<hbm>>
          %dma_wait3A_1786 = arith.constant 0 : i32
          %dma_wait3A_1787 = arith.constant 0 : i32
          %dma_wait3A_1788 = tpu.memref_slice %arg6[%select_n3A_1774, %dma_wait3A_1786, %dma_wait3A_1787] : memref<8x8x1024xf32, #tpu.memory_space<vmem>> -> memref<1x8x1024xf32, #tpu.memory_space<vmem>>
          %dma_wait3A_1789 = tpu.memref_squeeze %dma_wait3A_1788 : memref<1x8x1024xf32, #tpu.memory_space<vmem>> -> memref<8x1024xf32, #tpu.memory_space<vmem>>
          tpu.wait_dma2 semaphore(%arg8 : memref<!tpu.dma_semaphore, #tpu.memory_space<semaphore_mem>>) src(%dma_wait3A_1789 : memref<8x1024xf32, #tpu.memory_space<vmem>>) dst(%dma_wait3A_1785 : memref<8x1024xf32, #tpu.memory_space<hbm>>)
        } else {
        }
        %convert_element_type3A_1732 = arith.extui %and3A_1057 : i1 to i32
        %cond3A_1733 = arith.constant 0 : i32
        %cond3A_1734 = arith.cmpi ne, %convert_element_type3A_1732, %cond3A_1733 : i32
        scf.if %cond3A_1734 {
          %jit3A_1759 = arith.constant 8 : i32
          %eq3A_1760 = arith.constant 0 : i32
          %eq3A_1761 = arith.cmpi eq, %jit3A_1759, %eq3A_1760 : i32
          %jit3A_1762 = arith.constant 1 : i32
          %select_n3A_1763 = arith.select %eq3A_1761, %jit3A_1762, %jit3A_1759 : i32
          %rem3A_1764 = arith.remsi %reduce_max3A_289, %select_n3A_1763 : i32
          %ne3A_1765 = arith.constant 0 : i32
          %ne3A_1766 = arith.cmpi ne, %rem3A_1764, %ne3A_1765 : i32
          %lt3A_1767 = arith.constant 0 : i32
          %lt3A_1768 = arith.cmpi slt, %rem3A_1764, %lt3A_1767 : i32
          %lt3A_1769 = arith.constant 0 : i32
          %lt3A_1770 = arith.cmpi slt, %select_n3A_1763, %lt3A_1769 : i32
          %ne3A_1771 = arith.xori %lt3A_1768, %lt3A_1770 : i1
          %and3A_1772 = arith.andi %ne3A_1771, %ne3A_1766 : i1
          %add3A_1773 = arith.addi %rem3A_1764, %select_n3A_1763 : i32
          %select_n3A_1774 = arith.select %and3A_1772, %add3A_1773, %rem3A_1764 : i32
          %dma_wait3A_1775 = arith.constant 23 : i32
          %dma_wait3A_1776 = arith.constant 0 : i32
          %dma_wait3A_1777 = arith.constant 0 : i32
          %dma_wait3A_1778 = tpu.memref_slice %arg6[%select_n3A_1774, %dma_wait3A_1776, %dma_wait3A_1777] : memref<8x8x1024xf32, #tpu.memory_space<vmem>> -> memref<1x8x1024xf32, #tpu.memory_space<vmem>>
          %dma_wait3A_1779 = tpu.memref_squeeze %dma_wait3A_1778 : memref<1x8x1024xf32, #tpu.memory_space<vmem>> -> memref<8x1024xf32, #tpu.memory_space<vmem>>
          %dma_wait3A_1780 = arith.constant 0 : i32
          %dma_wait3A_1781 = tpu.memref_slice %arg4[%dma_wait3A_1775, %multiple_of3A, %dma_wait3A_1780] : memref<32x2048x1024xf32, #tpu.memory_space<hbm>> -> memref<1x8x1024xf32, #tpu.memory_space<hbm>>
          %dma_wait3A_1782 = tpu.memref_squeeze %dma_wait3A_1781 : memref<1x8x1024xf32, #tpu.memory_space<hbm>> -> memref<8x1024xf32, #tpu.memory_space<hbm>>
          %dma_wait3A_1783 = arith.constant 0 : i32
          %dma_wait3A_1784 = tpu.memref_slice %arg4[%dma_wait3A_1775, %multiple_of3A, %dma_wait3A_1783] : memref<32x2048x1024xf32, #tpu.memory_space<hbm>> -> memref<1x8x1024xf32, #tpu.memory_space<hbm>>
          %dma_wait3A_1785 = tpu.memref_squeeze %dma_wait3A_1784 : memref<1x8x1024xf32, #tpu.memory_space<hbm>> -> memref<8x1024xf32, #tpu.memory_space<hbm>>
          %dma_wait3A_1786 = arith.constant 0 : i32
          %dma_wait3A_1787 = arith.constant 0 : i32
          %dma_wait3A_1788 = tpu.memref_slice %arg6[%select_n3A_1774, %dma_wait3A_1786, %dma_wait3A_1787] : memref<8x8x1024xf32, #tpu.memory_space<vmem>> -> memref<1x8x1024xf32, #tpu.memory_space<vmem>>
          %dma_wait3A_1789 = tpu.memref_squeeze %dma_wait3A_1788 : memref<1x8x1024xf32, #tpu.memory_space<vmem>> -> memref<8x1024xf32, #tpu.memory_space<vmem>>
          tpu.wait_dma2 semaphore(%arg8 : memref<!tpu.dma_semaphore, #tpu.memory_space<semaphore_mem>>) src(%dma_wait3A_1789 : memref<8x1024xf32, #tpu.memory_space<vmem>>) dst(%dma_wait3A_1785 : memref<8x1024xf32, #tpu.memory_space<hbm>>)
        } else {
        }
        %convert_element_type3A_1735 = arith.extui %and3A_1083 : i1 to i32
        %cond3A_1736 = arith.constant 0 : i32
        %cond3A_1737 = arith.cmpi ne, %convert_element_type3A_1735, %cond3A_1736 : i32
        scf.if %cond3A_1737 {
          %jit3A_1759 = arith.constant 8 : i32
          %eq3A_1760 = arith.constant 0 : i32
          %eq3A_1761 = arith.cmpi eq, %jit3A_1759, %eq3A_1760 : i32
          %jit3A_1762 = arith.constant 1 : i32
          %select_n3A_1763 = arith.select %eq3A_1761, %jit3A_1762, %jit3A_1759 : i32
          %rem3A_1764 = arith.remsi %reduce_max3A_301, %select_n3A_1763 : i32
          %ne3A_1765 = arith.constant 0 : i32
          %ne3A_1766 = arith.cmpi ne, %rem3A_1764, %ne3A_1765 : i32
          %lt3A_1767 = arith.constant 0 : i32
          %lt3A_1768 = arith.cmpi slt, %rem3A_1764, %lt3A_1767 : i32
          %lt3A_1769 = arith.constant 0 : i32
          %lt3A_1770 = arith.cmpi slt, %select_n3A_1763, %lt3A_1769 : i32
          %ne3A_1771 = arith.xori %lt3A_1768, %lt3A_1770 : i1
          %and3A_1772 = arith.andi %ne3A_1771, %ne3A_1766 : i1
          %add3A_1773 = arith.addi %rem3A_1764, %select_n3A_1763 : i32
          %select_n3A_1774 = arith.select %and3A_1772, %add3A_1773, %rem3A_1764 : i32
          %dma_wait3A_1775 = arith.constant 24 : i32
          %dma_wait3A_1776 = arith.constant 0 : i32
          %dma_wait3A_1777 = arith.constant 0 : i32
          %dma_wait3A_1778 = tpu.memref_slice %arg6[%select_n3A_1774, %dma_wait3A_1776, %dma_wait3A_1777] : memref<8x8x1024xf32, #tpu.memory_space<vmem>> -> memref<1x8x1024xf32, #tpu.memory_space<vmem>>
          %dma_wait3A_1779 = tpu.memref_squeeze %dma_wait3A_1778 : memref<1x8x1024xf32, #tpu.memory_space<vmem>> -> memref<8x1024xf32, #tpu.memory_space<vmem>>
          %dma_wait3A_1780 = arith.constant 0 : i32
          %dma_wait3A_1781 = tpu.memref_slice %arg4[%dma_wait3A_1775, %multiple_of3A, %dma_wait3A_1780] : memref<32x2048x1024xf32, #tpu.memory_space<hbm>> -> memref<1x8x1024xf32, #tpu.memory_space<hbm>>
          %dma_wait3A_1782 = tpu.memref_squeeze %dma_wait3A_1781 : memref<1x8x1024xf32, #tpu.memory_space<hbm>> -> memref<8x1024xf32, #tpu.memory_space<hbm>>
          %dma_wait3A_1783 = arith.constant 0 : i32
          %dma_wait3A_1784 = tpu.memref_slice %arg4[%dma_wait3A_1775, %multiple_of3A, %dma_wait3A_1783] : memref<32x2048x1024xf32, #tpu.memory_space<hbm>> -> memref<1x8x1024xf32, #tpu.memory_space<hbm>>
          %dma_wait3A_1785 = tpu.memref_squeeze %dma_wait3A_1784 : memref<1x8x1024xf32, #tpu.memory_space<hbm>> -> memref<8x1024xf32, #tpu.memory_space<hbm>>
          %dma_wait3A_1786 = arith.constant 0 : i32
          %dma_wait3A_1787 = arith.constant 0 : i32
          %dma_wait3A_1788 = tpu.memref_slice %arg6[%select_n3A_1774, %dma_wait3A_1786, %dma_wait3A_1787] : memref<8x8x1024xf32, #tpu.memory_space<vmem>> -> memref<1x8x1024xf32, #tpu.memory_space<vmem>>
          %dma_wait3A_1789 = tpu.memref_squeeze %dma_wait3A_1788 : memref<1x8x1024xf32, #tpu.memory_space<vmem>> -> memref<8x1024xf32, #tpu.memory_space<vmem>>
          tpu.wait_dma2 semaphore(%arg8 : memref<!tpu.dma_semaphore, #tpu.memory_space<semaphore_mem>>) src(%dma_wait3A_1789 : memref<8x1024xf32, #tpu.memory_space<vmem>>) dst(%dma_wait3A_1785 : memref<8x1024xf32, #tpu.memory_space<hbm>>)
        } else {
        }
        %convert_element_type3A_1738 = arith.extui %and3A_1109 : i1 to i32
        %cond3A_1739 = arith.constant 0 : i32
        %cond3A_1740 = arith.cmpi ne, %convert_element_type3A_1738, %cond3A_1739 : i32
        scf.if %cond3A_1740 {
          %jit3A_1759 = arith.constant 8 : i32
          %eq3A_1760 = arith.constant 0 : i32
          %eq3A_1761 = arith.cmpi eq, %jit3A_1759, %eq3A_1760 : i32
          %jit3A_1762 = arith.constant 1 : i32
          %select_n3A_1763 = arith.select %eq3A_1761, %jit3A_1762, %jit3A_1759 : i32
          %rem3A_1764 = arith.remsi %reduce_max3A_313, %select_n3A_1763 : i32
          %ne3A_1765 = arith.constant 0 : i32
          %ne3A_1766 = arith.cmpi ne, %rem3A_1764, %ne3A_1765 : i32
          %lt3A_1767 = arith.constant 0 : i32
          %lt3A_1768 = arith.cmpi slt, %rem3A_1764, %lt3A_1767 : i32
          %lt3A_1769 = arith.constant 0 : i32
          %lt3A_1770 = arith.cmpi slt, %select_n3A_1763, %lt3A_1769 : i32
          %ne3A_1771 = arith.xori %lt3A_1768, %lt3A_1770 : i1
          %and3A_1772 = arith.andi %ne3A_1771, %ne3A_1766 : i1
          %add3A_1773 = arith.addi %rem3A_1764, %select_n3A_1763 : i32
          %select_n3A_1774 = arith.select %and3A_1772, %add3A_1773, %rem3A_1764 : i32
          %dma_wait3A_1775 = arith.constant 25 : i32
          %dma_wait3A_1776 = arith.constant 0 : i32
          %dma_wait3A_1777 = arith.constant 0 : i32
          %dma_wait3A_1778 = tpu.memref_slice %arg6[%select_n3A_1774, %dma_wait3A_1776, %dma_wait3A_1777] : memref<8x8x1024xf32, #tpu.memory_space<vmem>> -> memref<1x8x1024xf32, #tpu.memory_space<vmem>>
          %dma_wait3A_1779 = tpu.memref_squeeze %dma_wait3A_1778 : memref<1x8x1024xf32, #tpu.memory_space<vmem>> -> memref<8x1024xf32, #tpu.memory_space<vmem>>
          %dma_wait3A_1780 = arith.constant 0 : i32
          %dma_wait3A_1781 = tpu.memref_slice %arg4[%dma_wait3A_1775, %multiple_of3A, %dma_wait3A_1780] : memref<32x2048x1024xf32, #tpu.memory_space<hbm>> -> memref<1x8x1024xf32, #tpu.memory_space<hbm>>
          %dma_wait3A_1782 = tpu.memref_squeeze %dma_wait3A_1781 : memref<1x8x1024xf32, #tpu.memory_space<hbm>> -> memref<8x1024xf32, #tpu.memory_space<hbm>>
          %dma_wait3A_1783 = arith.constant 0 : i32
          %dma_wait3A_1784 = tpu.memref_slice %arg4[%dma_wait3A_1775, %multiple_of3A, %dma_wait3A_1783] : memref<32x2048x1024xf32, #tpu.memory_space<hbm>> -> memref<1x8x1024xf32, #tpu.memory_space<hbm>>
          %dma_wait3A_1785 = tpu.memref_squeeze %dma_wait3A_1784 : memref<1x8x1024xf32, #tpu.memory_space<hbm>> -> memref<8x1024xf32, #tpu.memory_space<hbm>>
          %dma_wait3A_1786 = arith.constant 0 : i32
          %dma_wait3A_1787 = arith.constant 0 : i32
          %dma_wait3A_1788 = tpu.memref_slice %arg6[%select_n3A_1774, %dma_wait3A_1786, %dma_wait3A_1787] : memref<8x8x1024xf32, #tpu.memory_space<vmem>> -> memref<1x8x1024xf32, #tpu.memory_space<vmem>>
          %dma_wait3A_1789 = tpu.memref_squeeze %dma_wait3A_1788 : memref<1x8x1024xf32, #tpu.memory_space<vmem>> -> memref<8x1024xf32, #tpu.memory_space<vmem>>
          tpu.wait_dma2 semaphore(%arg8 : memref<!tpu.dma_semaphore, #tpu.memory_space<semaphore_mem>>) src(%dma_wait3A_1789 : memref<8x1024xf32, #tpu.memory_space<vmem>>) dst(%dma_wait3A_1785 : memref<8x1024xf32, #tpu.memory_space<hbm>>)
        } else {
        }
        %convert_element_type3A_1741 = arith.extui %and3A_1135 : i1 to i32
        %cond3A_1742 = arith.constant 0 : i32
        %cond3A_1743 = arith.cmpi ne, %convert_element_type3A_1741, %cond3A_1742 : i32
        scf.if %cond3A_1743 {
          %jit3A_1759 = arith.constant 8 : i32
          %eq3A_1760 = arith.constant 0 : i32
          %eq3A_1761 = arith.cmpi eq, %jit3A_1759, %eq3A_1760 : i32
          %jit3A_1762 = arith.constant 1 : i32
          %select_n3A_1763 = arith.select %eq3A_1761, %jit3A_1762, %jit3A_1759 : i32
          %rem3A_1764 = arith.remsi %reduce_max3A_325, %select_n3A_1763 : i32
          %ne3A_1765 = arith.constant 0 : i32
          %ne3A_1766 = arith.cmpi ne, %rem3A_1764, %ne3A_1765 : i32
          %lt3A_1767 = arith.constant 0 : i32
          %lt3A_1768 = arith.cmpi slt, %rem3A_1764, %lt3A_1767 : i32
          %lt3A_1769 = arith.constant 0 : i32
          %lt3A_1770 = arith.cmpi slt, %select_n3A_1763, %lt3A_1769 : i32
          %ne3A_1771 = arith.xori %lt3A_1768, %lt3A_1770 : i1
          %and3A_1772 = arith.andi %ne3A_1771, %ne3A_1766 : i1
          %add3A_1773 = arith.addi %rem3A_1764, %select_n3A_1763 : i32
          %select_n3A_1774 = arith.select %and3A_1772, %add3A_1773, %rem3A_1764 : i32
          %dma_wait3A_1775 = arith.constant 26 : i32
          %dma_wait3A_1776 = arith.constant 0 : i32
          %dma_wait3A_1777 = arith.constant 0 : i32
          %dma_wait3A_1778 = tpu.memref_slice %arg6[%select_n3A_1774, %dma_wait3A_1776, %dma_wait3A_1777] : memref<8x8x1024xf32, #tpu.memory_space<vmem>> -> memref<1x8x1024xf32, #tpu.memory_space<vmem>>
          %dma_wait3A_1779 = tpu.memref_squeeze %dma_wait3A_1778 : memref<1x8x1024xf32, #tpu.memory_space<vmem>> -> memref<8x1024xf32, #tpu.memory_space<vmem>>
          %dma_wait3A_1780 = arith.constant 0 : i32
          %dma_wait3A_1781 = tpu.memref_slice %arg4[%dma_wait3A_1775, %multiple_of3A, %dma_wait3A_1780] : memref<32x2048x1024xf32, #tpu.memory_space<hbm>> -> memref<1x8x1024xf32, #tpu.memory_space<hbm>>
          %dma_wait3A_1782 = tpu.memref_squeeze %dma_wait3A_1781 : memref<1x8x1024xf32, #tpu.memory_space<hbm>> -> memref<8x1024xf32, #tpu.memory_space<hbm>>
          %dma_wait3A_1783 = arith.constant 0 : i32
          %dma_wait3A_1784 = tpu.memref_slice %arg4[%dma_wait3A_1775, %multiple_of3A, %dma_wait3A_1783] : memref<32x2048x1024xf32, #tpu.memory_space<hbm>> -> memref<1x8x1024xf32, #tpu.memory_space<hbm>>
          %dma_wait3A_1785 = tpu.memref_squeeze %dma_wait3A_1784 : memref<1x8x1024xf32, #tpu.memory_space<hbm>> -> memref<8x1024xf32, #tpu.memory_space<hbm>>
          %dma_wait3A_1786 = arith.constant 0 : i32
          %dma_wait3A_1787 = arith.constant 0 : i32
          %dma_wait3A_1788 = tpu.memref_slice %arg6[%select_n3A_1774, %dma_wait3A_1786, %dma_wait3A_1787] : memref<8x8x1024xf32, #tpu.memory_space<vmem>> -> memref<1x8x1024xf32, #tpu.memory_space<vmem>>
          %dma_wait3A_1789 = tpu.memref_squeeze %dma_wait3A_1788 : memref<1x8x1024xf32, #tpu.memory_space<vmem>> -> memref<8x1024xf32, #tpu.memory_space<vmem>>
          tpu.wait_dma2 semaphore(%arg8 : memref<!tpu.dma_semaphore, #tpu.memory_space<semaphore_mem>>) src(%dma_wait3A_1789 : memref<8x1024xf32, #tpu.memory_space<vmem>>) dst(%dma_wait3A_1785 : memref<8x1024xf32, #tpu.memory_space<hbm>>)
        } else {
        }
        %convert_element_type3A_1744 = arith.extui %and3A_1161 : i1 to i32
        %cond3A_1745 = arith.constant 0 : i32
        %cond3A_1746 = arith.cmpi ne, %convert_element_type3A_1744, %cond3A_1745 : i32
        scf.if %cond3A_1746 {
          %jit3A_1759 = arith.constant 8 : i32
          %eq3A_1760 = arith.constant 0 : i32
          %eq3A_1761 = arith.cmpi eq, %jit3A_1759, %eq3A_1760 : i32
          %jit3A_1762 = arith.constant 1 : i32
          %select_n3A_1763 = arith.select %eq3A_1761, %jit3A_1762, %jit3A_1759 : i32
          %rem3A_1764 = arith.remsi %reduce_max3A_337, %select_n3A_1763 : i32
          %ne3A_1765 = arith.constant 0 : i32
          %ne3A_1766 = arith.cmpi ne, %rem3A_1764, %ne3A_1765 : i32
          %lt3A_1767 = arith.constant 0 : i32
          %lt3A_1768 = arith.cmpi slt, %rem3A_1764, %lt3A_1767 : i32
          %lt3A_1769 = arith.constant 0 : i32
          %lt3A_1770 = arith.cmpi slt, %select_n3A_1763, %lt3A_1769 : i32
          %ne3A_1771 = arith.xori %lt3A_1768, %lt3A_1770 : i1
          %and3A_1772 = arith.andi %ne3A_1771, %ne3A_1766 : i1
          %add3A_1773 = arith.addi %rem3A_1764, %select_n3A_1763 : i32
          %select_n3A_1774 = arith.select %and3A_1772, %add3A_1773, %rem3A_1764 : i32
          %dma_wait3A_1775 = arith.constant 27 : i32
          %dma_wait3A_1776 = arith.constant 0 : i32
          %dma_wait3A_1777 = arith.constant 0 : i32
          %dma_wait3A_1778 = tpu.memref_slice %arg6[%select_n3A_1774, %dma_wait3A_1776, %dma_wait3A_1777] : memref<8x8x1024xf32, #tpu.memory_space<vmem>> -> memref<1x8x1024xf32, #tpu.memory_space<vmem>>
          %dma_wait3A_1779 = tpu.memref_squeeze %dma_wait3A_1778 : memref<1x8x1024xf32, #tpu.memory_space<vmem>> -> memref<8x1024xf32, #tpu.memory_space<vmem>>
          %dma_wait3A_1780 = arith.constant 0 : i32
          %dma_wait3A_1781 = tpu.memref_slice %arg4[%dma_wait3A_1775, %multiple_of3A, %dma_wait3A_1780] : memref<32x2048x1024xf32, #tpu.memory_space<hbm>> -> memref<1x8x1024xf32, #tpu.memory_space<hbm>>
          %dma_wait3A_1782 = tpu.memref_squeeze %dma_wait3A_1781 : memref<1x8x1024xf32, #tpu.memory_space<hbm>> -> memref<8x1024xf32, #tpu.memory_space<hbm>>
          %dma_wait3A_1783 = arith.constant 0 : i32
          %dma_wait3A_1784 = tpu.memref_slice %arg4[%dma_wait3A_1775, %multiple_of3A, %dma_wait3A_1783] : memref<32x2048x1024xf32, #tpu.memory_space<hbm>> -> memref<1x8x1024xf32, #tpu.memory_space<hbm>>
          %dma_wait3A_1785 = tpu.memref_squeeze %dma_wait3A_1784 : memref<1x8x1024xf32, #tpu.memory_space<hbm>> -> memref<8x1024xf32, #tpu.memory_space<hbm>>
          %dma_wait3A_1786 = arith.constant 0 : i32
          %dma_wait3A_1787 = arith.constant 0 : i32
          %dma_wait3A_1788 = tpu.memref_slice %arg6[%select_n3A_1774, %dma_wait3A_1786, %dma_wait3A_1787] : memref<8x8x1024xf32, #tpu.memory_space<vmem>> -> memref<1x8x1024xf32, #tpu.memory_space<vmem>>
          %dma_wait3A_1789 = tpu.memref_squeeze %dma_wait3A_1788 : memref<1x8x1024xf32, #tpu.memory_space<vmem>> -> memref<8x1024xf32, #tpu.memory_space<vmem>>
          tpu.wait_dma2 semaphore(%arg8 : memref<!tpu.dma_semaphore, #tpu.memory_space<semaphore_mem>>) src(%dma_wait3A_1789 : memref<8x1024xf32, #tpu.memory_space<vmem>>) dst(%dma_wait3A_1785 : memref<8x1024xf32, #tpu.memory_space<hbm>>)
        } else {
        }
        %convert_element_type3A_1747 = arith.extui %and3A_1187 : i1 to i32
        %cond3A_1748 = arith.constant 0 : i32
        %cond3A_1749 = arith.cmpi ne, %convert_element_type3A_1747, %cond3A_1748 : i32
        scf.if %cond3A_1749 {
          %jit3A_1759 = arith.constant 8 : i32
          %eq3A_1760 = arith.constant 0 : i32
          %eq3A_1761 = arith.cmpi eq, %jit3A_1759, %eq3A_1760 : i32
          %jit3A_1762 = arith.constant 1 : i32
          %select_n3A_1763 = arith.select %eq3A_1761, %jit3A_1762, %jit3A_1759 : i32
          %rem3A_1764 = arith.remsi %reduce_max3A_349, %select_n3A_1763 : i32
          %ne3A_1765 = arith.constant 0 : i32
          %ne3A_1766 = arith.cmpi ne, %rem3A_1764, %ne3A_1765 : i32
          %lt3A_1767 = arith.constant 0 : i32
          %lt3A_1768 = arith.cmpi slt, %rem3A_1764, %lt3A_1767 : i32
          %lt3A_1769 = arith.constant 0 : i32
          %lt3A_1770 = arith.cmpi slt, %select_n3A_1763, %lt3A_1769 : i32
          %ne3A_1771 = arith.xori %lt3A_1768, %lt3A_1770 : i1
          %and3A_1772 = arith.andi %ne3A_1771, %ne3A_1766 : i1
          %add3A_1773 = arith.addi %rem3A_1764, %select_n3A_1763 : i32
          %select_n3A_1774 = arith.select %and3A_1772, %add3A_1773, %rem3A_1764 : i32
          %dma_wait3A_1775 = arith.constant 28 : i32
          %dma_wait3A_1776 = arith.constant 0 : i32
          %dma_wait3A_1777 = arith.constant 0 : i32
          %dma_wait3A_1778 = tpu.memref_slice %arg6[%select_n3A_1774, %dma_wait3A_1776, %dma_wait3A_1777] : memref<8x8x1024xf32, #tpu.memory_space<vmem>> -> memref<1x8x1024xf32, #tpu.memory_space<vmem>>
          %dma_wait3A_1779 = tpu.memref_squeeze %dma_wait3A_1778 : memref<1x8x1024xf32, #tpu.memory_space<vmem>> -> memref<8x1024xf32, #tpu.memory_space<vmem>>
          %dma_wait3A_1780 = arith.constant 0 : i32
          %dma_wait3A_1781 = tpu.memref_slice %arg4[%dma_wait3A_1775, %multiple_of3A, %dma_wait3A_1780] : memref<32x2048x1024xf32, #tpu.memory_space<hbm>> -> memref<1x8x1024xf32, #tpu.memory_space<hbm>>
          %dma_wait3A_1782 = tpu.memref_squeeze %dma_wait3A_1781 : memref<1x8x1024xf32, #tpu.memory_space<hbm>> -> memref<8x1024xf32, #tpu.memory_space<hbm>>
          %dma_wait3A_1783 = arith.constant 0 : i32
          %dma_wait3A_1784 = tpu.memref_slice %arg4[%dma_wait3A_1775, %multiple_of3A, %dma_wait3A_1783] : memref<32x2048x1024xf32, #tpu.memory_space<hbm>> -> memref<1x8x1024xf32, #tpu.memory_space<hbm>>
          %dma_wait3A_1785 = tpu.memref_squeeze %dma_wait3A_1784 : memref<1x8x1024xf32, #tpu.memory_space<hbm>> -> memref<8x1024xf32, #tpu.memory_space<hbm>>
          %dma_wait3A_1786 = arith.constant 0 : i32
          %dma_wait3A_1787 = arith.constant 0 : i32
          %dma_wait3A_1788 = tpu.memref_slice %arg6[%select_n3A_1774, %dma_wait3A_1786, %dma_wait3A_1787] : memref<8x8x1024xf32, #tpu.memory_space<vmem>> -> memref<1x8x1024xf32, #tpu.memory_space<vmem>>
          %dma_wait3A_1789 = tpu.memref_squeeze %dma_wait3A_1788 : memref<1x8x1024xf32, #tpu.memory_space<vmem>> -> memref<8x1024xf32, #tpu.memory_space<vmem>>
          tpu.wait_dma2 semaphore(%arg8 : memref<!tpu.dma_semaphore, #tpu.memory_space<semaphore_mem>>) src(%dma_wait3A_1789 : memref<8x1024xf32, #tpu.memory_space<vmem>>) dst(%dma_wait3A_1785 : memref<8x1024xf32, #tpu.memory_space<hbm>>)
        } else {
        }
        %convert_element_type3A_1750 = arith.extui %and3A_1213 : i1 to i32
        %cond3A_1751 = arith.constant 0 : i32
        %cond3A_1752 = arith.cmpi ne, %convert_element_type3A_1750, %cond3A_1751 : i32
        scf.if %cond3A_1752 {
          %jit3A_1759 = arith.constant 8 : i32
          %eq3A_1760 = arith.constant 0 : i32
          %eq3A_1761 = arith.cmpi eq, %jit3A_1759, %eq3A_1760 : i32
          %jit3A_1762 = arith.constant 1 : i32
          %select_n3A_1763 = arith.select %eq3A_1761, %jit3A_1762, %jit3A_1759 : i32
          %rem3A_1764 = arith.remsi %reduce_max3A_361, %select_n3A_1763 : i32
          %ne3A_1765 = arith.constant 0 : i32
          %ne3A_1766 = arith.cmpi ne, %rem3A_1764, %ne3A_1765 : i32
          %lt3A_1767 = arith.constant 0 : i32
          %lt3A_1768 = arith.cmpi slt, %rem3A_1764, %lt3A_1767 : i32
          %lt3A_1769 = arith.constant 0 : i32
          %lt3A_1770 = arith.cmpi slt, %select_n3A_1763, %lt3A_1769 : i32
          %ne3A_1771 = arith.xori %lt3A_1768, %lt3A_1770 : i1
          %and3A_1772 = arith.andi %ne3A_1771, %ne3A_1766 : i1
          %add3A_1773 = arith.addi %rem3A_1764, %select_n3A_1763 : i32
          %select_n3A_1774 = arith.select %and3A_1772, %add3A_1773, %rem3A_1764 : i32
          %dma_wait3A_1775 = arith.constant 29 : i32
          %dma_wait3A_1776 = arith.constant 0 : i32
          %dma_wait3A_1777 = arith.constant 0 : i32
          %dma_wait3A_1778 = tpu.memref_slice %arg6[%select_n3A_1774, %dma_wait3A_1776, %dma_wait3A_1777] : memref<8x8x1024xf32, #tpu.memory_space<vmem>> -> memref<1x8x1024xf32, #tpu.memory_space<vmem>>
          %dma_wait3A_1779 = tpu.memref_squeeze %dma_wait3A_1778 : memref<1x8x1024xf32, #tpu.memory_space<vmem>> -> memref<8x1024xf32, #tpu.memory_space<vmem>>
          %dma_wait3A_1780 = arith.constant 0 : i32
          %dma_wait3A_1781 = tpu.memref_slice %arg4[%dma_wait3A_1775, %multiple_of3A, %dma_wait3A_1780] : memref<32x2048x1024xf32, #tpu.memory_space<hbm>> -> memref<1x8x1024xf32, #tpu.memory_space<hbm>>
          %dma_wait3A_1782 = tpu.memref_squeeze %dma_wait3A_1781 : memref<1x8x1024xf32, #tpu.memory_space<hbm>> -> memref<8x1024xf32, #tpu.memory_space<hbm>>
          %dma_wait3A_1783 = arith.constant 0 : i32
          %dma_wait3A_1784 = tpu.memref_slice %arg4[%dma_wait3A_1775, %multiple_of3A, %dma_wait3A_1783] : memref<32x2048x1024xf32, #tpu.memory_space<hbm>> -> memref<1x8x1024xf32, #tpu.memory_space<hbm>>
          %dma_wait3A_1785 = tpu.memref_squeeze %dma_wait3A_1784 : memref<1x8x1024xf32, #tpu.memory_space<hbm>> -> memref<8x1024xf32, #tpu.memory_space<hbm>>
          %dma_wait3A_1786 = arith.constant 0 : i32
          %dma_wait3A_1787 = arith.constant 0 : i32
          %dma_wait3A_1788 = tpu.memref_slice %arg6[%select_n3A_1774, %dma_wait3A_1786, %dma_wait3A_1787] : memref<8x8x1024xf32, #tpu.memory_space<vmem>> -> memref<1x8x1024xf32, #tpu.memory_space<vmem>>
          %dma_wait3A_1789 = tpu.memref_squeeze %dma_wait3A_1788 : memref<1x8x1024xf32, #tpu.memory_space<vmem>> -> memref<8x1024xf32, #tpu.memory_space<vmem>>
          tpu.wait_dma2 semaphore(%arg8 : memref<!tpu.dma_semaphore, #tpu.memory_space<semaphore_mem>>) src(%dma_wait3A_1789 : memref<8x1024xf32, #tpu.memory_space<vmem>>) dst(%dma_wait3A_1785 : memref<8x1024xf32, #tpu.memory_space<hbm>>)
        } else {
        }
        %convert_element_type3A_1753 = arith.extui %and3A_1239 : i1 to i32
        %cond3A_1754 = arith.constant 0 : i32
        %cond3A_1755 = arith.cmpi ne, %convert_element_type3A_1753, %cond3A_1754 : i32
        scf.if %cond3A_1755 {
          %jit3A_1759 = arith.constant 8 : i32
          %eq3A_1760 = arith.constant 0 : i32
          %eq3A_1761 = arith.cmpi eq, %jit3A_1759, %eq3A_1760 : i32
          %jit3A_1762 = arith.constant 1 : i32
          %select_n3A_1763 = arith.select %eq3A_1761, %jit3A_1762, %jit3A_1759 : i32
          %rem3A_1764 = arith.remsi %reduce_max3A_373, %select_n3A_1763 : i32
          %ne3A_1765 = arith.constant 0 : i32
          %ne3A_1766 = arith.cmpi ne, %rem3A_1764, %ne3A_1765 : i32
          %lt3A_1767 = arith.constant 0 : i32
          %lt3A_1768 = arith.cmpi slt, %rem3A_1764, %lt3A_1767 : i32
          %lt3A_1769 = arith.constant 0 : i32
          %lt3A_1770 = arith.cmpi slt, %select_n3A_1763, %lt3A_1769 : i32
          %ne3A_1771 = arith.xori %lt3A_1768, %lt3A_1770 : i1
          %and3A_1772 = arith.andi %ne3A_1771, %ne3A_1766 : i1
          %add3A_1773 = arith.addi %rem3A_1764, %select_n3A_1763 : i32
          %select_n3A_1774 = arith.select %and3A_1772, %add3A_1773, %rem3A_1764 : i32
          %dma_wait3A_1775 = arith.constant 30 : i32
          %dma_wait3A_1776 = arith.constant 0 : i32
          %dma_wait3A_1777 = arith.constant 0 : i32
          %dma_wait3A_1778 = tpu.memref_slice %arg6[%select_n3A_1774, %dma_wait3A_1776, %dma_wait3A_1777] : memref<8x8x1024xf32, #tpu.memory_space<vmem>> -> memref<1x8x1024xf32, #tpu.memory_space<vmem>>
          %dma_wait3A_1779 = tpu.memref_squeeze %dma_wait3A_1778 : memref<1x8x1024xf32, #tpu.memory_space<vmem>> -> memref<8x1024xf32, #tpu.memory_space<vmem>>
          %dma_wait3A_1780 = arith.constant 0 : i32
          %dma_wait3A_1781 = tpu.memref_slice %arg4[%dma_wait3A_1775, %multiple_of3A, %dma_wait3A_1780] : memref<32x2048x1024xf32, #tpu.memory_space<hbm>> -> memref<1x8x1024xf32, #tpu.memory_space<hbm>>
          %dma_wait3A_1782 = tpu.memref_squeeze %dma_wait3A_1781 : memref<1x8x1024xf32, #tpu.memory_space<hbm>> -> memref<8x1024xf32, #tpu.memory_space<hbm>>
          %dma_wait3A_1783 = arith.constant 0 : i32
          %dma_wait3A_1784 = tpu.memref_slice %arg4[%dma_wait3A_1775, %multiple_of3A, %dma_wait3A_1783] : memref<32x2048x1024xf32, #tpu.memory_space<hbm>> -> memref<1x8x1024xf32, #tpu.memory_space<hbm>>
          %dma_wait3A_1785 = tpu.memref_squeeze %dma_wait3A_1784 : memref<1x8x1024xf32, #tpu.memory_space<hbm>> -> memref<8x1024xf32, #tpu.memory_space<hbm>>
          %dma_wait3A_1786 = arith.constant 0 : i32
          %dma_wait3A_1787 = arith.constant 0 : i32
          %dma_wait3A_1788 = tpu.memref_slice %arg6[%select_n3A_1774, %dma_wait3A_1786, %dma_wait3A_1787] : memref<8x8x1024xf32, #tpu.memory_space<vmem>> -> memref<1x8x1024xf32, #tpu.memory_space<vmem>>
          %dma_wait3A_1789 = tpu.memref_squeeze %dma_wait3A_1788 : memref<1x8x1024xf32, #tpu.memory_space<vmem>> -> memref<8x1024xf32, #tpu.memory_space<vmem>>
          tpu.wait_dma2 semaphore(%arg8 : memref<!tpu.dma_semaphore, #tpu.memory_space<semaphore_mem>>) src(%dma_wait3A_1789 : memref<8x1024xf32, #tpu.memory_space<vmem>>) dst(%dma_wait3A_1785 : memref<8x1024xf32, #tpu.memory_space<hbm>>)
        } else {
        }
        %convert_element_type3A_1756 = arith.extui %and3A_1265 : i1 to i32
        %cond3A_1757 = arith.constant 0 : i32
        %cond3A_1758 = arith.cmpi ne, %convert_element_type3A_1756, %cond3A_1757 : i32
        scf.if %cond3A_1758 {
          %jit3A_1759 = arith.constant 8 : i32
          %eq3A_1760 = arith.constant 0 : i32
          %eq3A_1761 = arith.cmpi eq, %jit3A_1759, %eq3A_1760 : i32
          %jit3A_1762 = arith.constant 1 : i32
          %select_n3A_1763 = arith.select %eq3A_1761, %jit3A_1762, %jit3A_1759 : i32
          %rem3A_1764 = arith.remsi %reduce_max3A_385, %select_n3A_1763 : i32
          %ne3A_1765 = arith.constant 0 : i32
          %ne3A_1766 = arith.cmpi ne, %rem3A_1764, %ne3A_1765 : i32
          %lt3A_1767 = arith.constant 0 : i32
          %lt3A_1768 = arith.cmpi slt, %rem3A_1764, %lt3A_1767 : i32
          %lt3A_1769 = arith.constant 0 : i32
          %lt3A_1770 = arith.cmpi slt, %select_n3A_1763, %lt3A_1769 : i32
          %ne3A_1771 = arith.xori %lt3A_1768, %lt3A_1770 : i1
          %and3A_1772 = arith.andi %ne3A_1771, %ne3A_1766 : i1
          %add3A_1773 = arith.addi %rem3A_1764, %select_n3A_1763 : i32
          %select_n3A_1774 = arith.select %and3A_1772, %add3A_1773, %rem3A_1764 : i32
          %dma_wait3A_1775 = arith.constant 31 : i32
          %dma_wait3A_1776 = arith.constant 0 : i32
          %dma_wait3A_1777 = arith.constant 0 : i32
          %dma_wait3A_1778 = tpu.memref_slice %arg6[%select_n3A_1774, %dma_wait3A_1776, %dma_wait3A_1777] : memref<8x8x1024xf32, #tpu.memory_space<vmem>> -> memref<1x8x1024xf32, #tpu.memory_space<vmem>>
          %dma_wait3A_1779 = tpu.memref_squeeze %dma_wait3A_1778 : memref<1x8x1024xf32, #tpu.memory_space<vmem>> -> memref<8x1024xf32, #tpu.memory_space<vmem>>
          %dma_wait3A_1780 = arith.constant 0 : i32
          %dma_wait3A_1781 = tpu.memref_slice %arg4[%dma_wait3A_1775, %multiple_of3A, %dma_wait3A_1780] : memref<32x2048x1024xf32, #tpu.memory_space<hbm>> -> memref<1x8x1024xf32, #tpu.memory_space<hbm>>
          %dma_wait3A_1782 = tpu.memref_squeeze %dma_wait3A_1781 : memref<1x8x1024xf32, #tpu.memory_space<hbm>> -> memref<8x1024xf32, #tpu.memory_space<hbm>>
          %dma_wait3A_1783 = arith.constant 0 : i32
          %dma_wait3A_1784 = tpu.memref_slice %arg4[%dma_wait3A_1775, %multiple_of3A, %dma_wait3A_1783] : memref<32x2048x1024xf32, #tpu.memory_space<hbm>> -> memref<1x8x1024xf32, #tpu.memory_space<hbm>>
          %dma_wait3A_1785 = tpu.memref_squeeze %dma_wait3A_1784 : memref<1x8x1024xf32, #tpu.memory_space<hbm>> -> memref<8x1024xf32, #tpu.memory_space<hbm>>
          %dma_wait3A_1786 = arith.constant 0 : i32
          %dma_wait3A_1787 = arith.constant 0 : i32
          %dma_wait3A_1788 = tpu.memref_slice %arg6[%select_n3A_1774, %dma_wait3A_1786, %dma_wait3A_1787] : memref<8x8x1024xf32, #tpu.memory_space<vmem>> -> memref<1x8x1024xf32, #tpu.memory_space<vmem>>
          %dma_wait3A_1789 = tpu.memref_squeeze %dma_wait3A_1788 : memref<1x8x1024xf32, #tpu.memory_space<vmem>> -> memref<8x1024xf32, #tpu.memory_space<vmem>>
          tpu.wait_dma2 semaphore(%arg8 : memref<!tpu.dma_semaphore, #tpu.memory_space<semaphore_mem>>) src(%dma_wait3A_1789 : memref<8x1024xf32, #tpu.memory_space<vmem>>) dst(%dma_wait3A_1785 : memref<8x1024xf32, #tpu.memory_space<hbm>>)
        } else {
        }
      } else {
      }
    }
    %scan3A_390 = arith.constant 32 : i32
    return
  }
}

module attributes {stable_mosaic.version = 14 : i64} {
  func.func @_tc_tail_body(%arg0: i32, %arg1: memref<32xi32, #tpu.memory_space<smem>>, %arg2: memref<8x32x1024xf32, #tpu.memory_space<vmem>>, %arg3: memref<1x1x1024xf32, #tpu.memory_space<vmem>>, %arg4: memref<32x2048x1024xf32, #tpu.memory_space<any>>, %arg5: memref<1x8x1024xf32, #tpu.memory_space<vmem>>) attributes {dimension_semantics = [#tpu.dimension_semantics<arbitrary>], iteration_bounds = array<i64: 32>, scalar_prefetch = 1 : i64, scratch_operands = 0 : i64, tpu.core_type = #tpu.core_type<tc>, window_params = [{transform_indices = @transform_0, window_bounds = array<i64: 8, 32, 1024>}, {transform_indices = @transform_1, window_bounds = array<i64: 1, 1, 1024>}, {}, {transform_indices = @transform_3, window_bounds = array<i64: 1, 8, 1024>}]} {
    %get3A = arith.index_cast %arg0 : i32 to index
    %get3A_0 = memref.load %arg1[%get3A] : memref<32xi32, #tpu.memory_space<smem>>
    %get3A_1 = arith.constant 0 : index
    %get3A_2 = arith.index_cast %get3A_0 : i32 to index
    %get3A_3 = arith.constant 0 : index
    %get3A_4 = vector.load %arg2[%get3A_1, %get3A_2, %get3A_3] : memref<8x32x1024xf32, #tpu.memory_space<vmem>>, vector<8x1x1024xf32>
    %slice3A = vector.extract_strided_slice %get3A_4 {offsets = [0, 0, 0], sizes = [7, 1, 1024], strides = [1, 1, 1]} : vector<8x1x1024xf32> to vector<7x1x1024xf32>
    %squeeze3A = vector.shape_cast %slice3A : vector<7x1x1024xf32> to vector<7x1024xf32>
    %swap3A = arith.constant 0 : index
    %swap3A_5 = arith.constant 0 : index
    %swap3A_6 = arith.constant 0 : index
    %swap3A_7 = vector.load %arg5[%swap3A, %swap3A_5, %swap3A_6] : memref<1x8x1024xf32, #tpu.memory_space<vmem>>, vector<1x7x1024xf32>
    %swap3A_8 = vector.shape_cast %swap3A_7 : vector<1x7x1024xf32> to vector<7x1024xf32>
    %swap3A_9 = vector.shape_cast %squeeze3A : vector<7x1024xf32> to vector<1x7x1024xf32>
    tpu.vector_store %arg5[%swap3A, %swap3A_5, %swap3A_6], %swap3A_9 {strides = array<i32>} : memref<1x8x1024xf32, #tpu.memory_space<vmem>>, vector<1x7x1024xf32>,
    %get3A_10 = arith.constant 0 : index
    %get3A_11 = arith.constant 0 : index
    %get3A_12 = arith.constant 0 : index
    %get3A_13 = vector.load %arg3[%get3A_10, %get3A_11, %get3A_12] : memref<1x1x1024xf32, #tpu.memory_space<vmem>>, vector<1x1x1024xf32>
    %get3A_14 = vector.shape_cast %get3A_13 : vector<1x1x1024xf32> to vector<1x1024xf32>
    %swap3A_15 = arith.constant 0 : index
    %swap3A_16 = arith.constant 7 : index
    %swap3A_17 = arith.constant 0 : index
    %swap3A_18 = vector.load %arg5[%swap3A_15, %swap3A_16, %swap3A_17] : memref<1x8x1024xf32, #tpu.memory_space<vmem>>, vector<1x1x1024xf32>
    %swap3A_19 = vector.shape_cast %swap3A_18 : vector<1x1x1024xf32> to vector<1x1024xf32>
    %swap3A_20 = vector.shape_cast %get3A_14 : vector<1x1024xf32> to vector<1x1x1024xf32>
    tpu.vector_store %arg5[%swap3A_15, %swap3A_16, %swap3A_17], %swap3A_20 {strides = array<i32>} : memref<1x8x1024xf32, #tpu.memory_space<vmem>>, vector<1x1x1024xf32>,
    return
  }
  func.func @transform_0(%arg0: i32, %arg1: memref<32xi32, #tpu.memory_space<smem>>) -> (i32, i32, i32) {
    %c255_i32 = arith.constant 255 : i32
    %c0_i32 = arith.constant 0 : i32
    %c0_i32_0 = arith.constant 0 : i32
    %c0_i32_1 = arith.constant 0 : i32
    return %c255_i32, %c0_i32, %c0_i32_0 : i32, i32, i32
  }
  func.func @transform_1(%arg0: i32, %arg1: memref<32xi32, #tpu.memory_space<smem>>) -> (i32, i32, i32) {
    %get3A = arith.index_cast %arg0 : i32 to index
    %get3A_0 = memref.load %arg1[%get3A] : memref<32xi32, #tpu.memory_space<smem>>
    %c0_i32 = arith.constant 0 : i32
    %c0_i32_1 = arith.constant 0 : i32
    %c0_i32_2 = arith.constant 0 : i32
    return %get3A_0, %c0_i32, %c0_i32_1 : i32, i32, i32
  }
  func.func @transform_3(%arg0: i32, %arg1: memref<32xi32, #tpu.memory_space<smem>>) -> (i32, i32, i32) {
    %c255_i32 = arith.constant 255 : i32
    %c0_i32 = arith.constant 0 : i32
    %c0_i32_0 = arith.constant 0 : i32
    return %arg0, %c255_i32, %c0_i32 : i32, i32, i32
  }
}

</mosaic_0001>

<sc_bundles>
// kernel: kernel.4.cloned.1.call-start
scs
__scs_entry_jumppad:
0x0: {  	(pc) =	sbr.rel $0x88, $3  }
0x1: {  	(tag) =	ssettag $0x0;
	lr =	simm.s32 $0x1  }
0x2: {  	[smem:$0x3F9E] =	sst lr;
	_ =	strace $0xD0000000  }
0x3: {  	_ = 	snop  }
0x4: {  	_ = 	snop  }
0x5: {  	_ = 	snop  }
0x6: {  	_ = 	snop  }
0x7: {  	_ = 	snop  }
__scs_overlays_trampoline_lowered:
0x8: {  	[smem:$0x3FAD] =	sst s0  }
0x9: {  	[smem:$0x3FAE] =	sst s1  }
0xa: {  	[smem:$0x3FAF] =	sst s2  }
0xb: {  	[smem:$0x3FB0] =	sst s3  }
0xc: {  	[smem:$0x3FB1] =	sst s4  }
0xd: {  	[smem:$0x3FB2] =	sst s5  }
0xe: {  	[smem:$0x3FB3] =	sst s6  }
0xf: {  	[smem:$0x3FB4] =	sst s7  }
0x10: {  	[smem:$0x3FB5] =	sst s8  }
0x11: {  	[smem:$0x3FB6] =	sst s9;
	s0 =	simm.s32 @!p0 $0x0  }
0x12: {  	s1 =	sld [smem:$0x3F9C];
	s0 =	simm.s32 @p0 $0x1  }
0x13: {  	[smem:$0x3FB7] =	sst s0;
	s0 =	simm.s32 @!p1 $0x0  }
0x14: {  	s2 =	sld [smem:$0x3F9B];
	s0 =	simm.s32 @p1 $0x1  }
0x15: {  	[smem:$0x3FB8] =	sst s0;
	s0 =	simm.s32 @!p2 $0x0  }
0x16: {  	s3 =	sld [smem:$0x3FDB];
	s0 =	simm.s32 @p2 $0x1  }
0x17: {  	s4 =	simm.s32 $0x1BF5;
	[smem:$0x3FBA] =	sst s0  }
0x18: {  	s0 =	sld [smem:$0x3F9D];
	_ =	swait.ge [sflag:s4], $0x0  }
0x19: {  	s7 =	sld [smem:$0x3F9E]  }
0x1a: {  	s8 =	sadd.s32 $0xFFFFE003, lr  }
0x1b: {  	s9 =	sadd.s32 $0xFFFFFEF7, lr;
	s5 =	simm.s32 $0xFFFFFFFF;
	p2 =	slt.u32 s8, $0xFFFFF086  }
0x1c: {  	p1 =	slt.u32 s9, $0xF7A;
	s5 =	simm.s32 @!p2 $0x0  }
0x1d: {  	s5 =	simm.s32 @p1 $0x1;
	p0 =	seq.s32 s7, s2  }
0x1e: {  	s7 =	smul.u32 @!p0 $0xF7A, s2;
	p2 =	seq.s32 @!p0 s5, $0x0  }
0x1f: {  	s9 =	smul.u32 $0xF7A, s1;
	s8 =	simm.s32 @!p0 $0x1BF5;
	p2 =	por !p2, p0  }
0x20: {  	[sflag:s8] =	ssyncset.s32 @!p0 $0xFFFFF086;
	s6 =	sadd.s32 @!p0 s3, s7;
	s7 =	simm.s32 @!p0 $0x108  }
0x21: {  	s3 =	sadd.s32 s3, s9;
	s6 =	sadd.s32 @!p0 $0x88, s6;
	s7 =	simm.s32 @p2 $0x1082  }
0x22: {  	[simem:s7], [sflag:s8] =	dma.local @!p0 [hbm:s6], $0xF7A  }
0x23: {  	s9 =	sor.u32 $0xD0000000, s2;
	s6 =	simm.s32 $0x108;
	_ =	swait.ge @!p0 [sflag:s8], $0x0  }
0x24: {  	s3 =	sadd.s32 $0x88, s3;
	s6 =	simm.s32 @!p1 $0x1082;
	[sflag:s4] =	ssyncset.s32 $0xFFFFF086  }
0x25: {  	[simem:s6], [sflag:s4] =	dma.local [hbm:s3], $0xF7A  }
0x26: {  	[smem:$0x3F9E] =	sst s1;
	(tag) =	ssettag s2;
	_ =	strace s9  }
0x27: {  	s1 =	sld [smem:$0x3FAE]  }
0x28: {  	s2 =	sld [smem:$0x3FAF]  }
0x29: {  	s4 =	sld [smem:$0x3FB1]  }
0x2a: {  	p0 =	seq.s32 s5, $0x0;
	s5 =	sld [smem:$0x3FB2]  }
0x2b: {  	s6 =	sld [smem:$0x3FB3]  }
0x2c: {  	s7 =	sld [smem:$0x3FB4]  }
0x2d: {  	s3 =	simm.s32 $0x108;
	s8 =	sld [smem:$0x3FB5]  }
0x2e: {  	s3 =	simm.s32 @!p0 $0x1082;
	s9 =	sld [smem:$0x3FB6]  }
0x2f: {  	lr =	sadd.s32 s0, s3;
	s0 =	sld [smem:$0x3FAD]  }
0x30: {  	s3 =	sld [smem:$0x3FB0]  }
0x31: {  	[smem:$0x3FB9] =	sst s10  }
0x32: {  	s10 =	sld [smem:$0x3FB7];
	_ =	sdelay $0x3  }
0x33: {  	p0 =	seq.s32 s10, $0x1;
	s10 =	sld [smem:$0x3FB9];
	_ =	sdelay $0x3  }
0x34: {  	[smem:$0x3FB9] =	sst s10  }
0x35: {  	s10 =	sld [smem:$0x3FB8];
	_ =	sdelay $0x3  }
0x36: {  	p1 =	seq.s32 s10, $0x1;
	s10 =	sld [smem:$0x3FB9];
	_ =	sdelay $0x3  }
0x37: {  	[smem:$0x3FB9] =	sst s10  }
0x38: {  	s10 =	sld [smem:$0x3FBA]  }
0x39: {  	_ = 	snop;
	(pc) =	sbr.ind lr, $3  }
0x3a: {  	_ = 	snop  }
0x3b: {  	_ = 	snop  }
0x3c: {  	p2 =	seq.s32 s10, $0x1;
	s10 =	sld [smem:$0x3FB9]  }
0x3d: {  	_ =	shalt  }
0x3e: {  	_ =	shalt  }
0x3f: {  	_ =	shalt  }
0x40: {  	_ =	shalt  }
0x41: {  	_ =	shalt  }
0x42: {  	_ =	shalt  }
0x43: {  	_ =	shalt  }
0x44: {  	_ =	shalt  }
0x45: {  	_ =	shalt  }
0x46: {  	_ =	shalt  }
0x47: {  	_ =	shalt  }
0x48: {  	_ =	shalt  }
0x49: {  	_ =	shalt  }
0x4a: {  	_ =	shalt  }
0x4b: {  	_ =	shalt  }
0x4c: {  	_ =	shalt  }
0x4d: {  	_ =	shalt  }
0x4e: {  	_ =	shalt  }
0x4f: {  	_ =	shalt  }
0x50: {  	_ =	shalt  }
0x51: {  	_ =	shalt  }
0x52: {  	_ =	shalt  }
0x53: {  	_ =	shalt  }
0x54: {  	_ =	shalt  }
0x55: {  	_ =	shalt  }
0x56: {  	_ =	shalt  }
0x57: {  	_ =	shalt  }
0x58: {  	_ =	shalt  }
0x59: {  	_ =	shalt  }
0x5a: {  	_ =	shalt  }
0x5b: {  	_ =	shalt  }
0x5c: {  	_ =	shalt  }
0x5d: {  	_ =	shalt  }
0x5e: {  	_ =	shalt  }
0x5f: {  	_ =	shalt  }
0x60: {  	_ =	shalt  }
0x61: {  	_ =	shalt  }
0x62: {  	_ =	shalt  }
0x63: {  	_ =	shalt  }
0x64: {  	_ =	shalt  }
0x65: {  	_ =	shalt  }
0x66: {  	_ =	shalt  }
0x67: {  	_ =	shalt  }
0x68: {  	_ =	shalt  }
0x69: {  	_ =	shalt  }
0x6a: {  	_ =	shalt  }
0x6b: {  	_ =	shalt  }
0x6c: {  	_ =	shalt  }
0x6d: {  	_ =	shalt  }
0x6e: {  	_ =	shalt  }
0x6f: {  	_ =	shalt  }
0x70: {  	_ =	shalt  }
0x71: {  	_ =	shalt  }
0x72: {  	_ =	shalt  }
0x73: {  	_ =	shalt  }
0x74: {  	_ =	shalt  }
0x75: {  	_ =	shalt  }
0x76: {  	_ =	shalt  }
0x77: {  	_ =	shalt  }
0x78: {  	_ =	shalt  }
0x79: {  	_ =	shalt  }
0x7a: {  	_ =	shalt  }
0x7b: {  	_ =	shalt  }
0x7c: {  	_ =	shalt  }
0x7d: {  	_ =	shalt  }
0x7e: {  	_ =	shalt  }
0x7f: {  	_ =	shalt  }
0x80: {  	_ =	shalt  }
0x81: {  	_ =	shalt  }
0x82: {  	_ =	shalt  }
0x83: {  	_ =	shalt  }
0x84: {  	_ =	shalt  }
0x85: {  	_ =	shalt  }
0x86: {  	_ =	shalt  }
0x87: {  	_ =	shalt  }
.Lfunc_end0:
.L_simem_size_0:
called_computation_lowered:
.L_overlay_start_0:
0x88: {  	s2 =	sld [smem:$0x3FD9]  }
0x89: {  	s3 =	sld [smem:$0x3FFE];
	_ =	sdelay $0x1  }
0x8a: {  	s1 =	srdreg.scid  }
0x8b: {  	s0 =	sand.u32 $0x1, s1  }
0x8c: {  	s18 =	sshll.u32 s0, $0xA;
	s2 =	sadd.s32 s3, s2  }
0x8d: {  	s2 =	sadd.s32 s2, s18  }
0x8e: {  	[smem:$0x3FC5] =	sst s2  }
0x8f: {  	_ = 	snop  }
0x90: {  	s2 =	sld [smem:$0x3FC9]  }
0x91: {  	s19 =	sld [smem:$0x3FC7]  }
0x92: {  	s4 =	sld [smem:$0x3FD0];
	(tm) =	ssettm $0x1  }
0x93: {  	s5 =	sld [smem:$0x3FFB];
	_ =	sdelay $0x3  }
0x94: {  	_ =	strace s5  }
0x95: {  	s5 =	sld [smem:$0x3FFC];
	_ =	sdelay $0x3  }
0x96: {  	_ =	strace s5  }
0x97: {  	s5 =	sld [smem:$0x3FFD];
	_ =	sdelay $0x3  }
0x98: {  	_ =	strace s5  }
0x99: {  	_ =	strace $0x8FFFFFFF  }
0x9a: {  	s20 =	sld [smem:$0x3FDB];
	_ =	sdelay $0x1  }
0x9b: {  	s6 =	simm.s32 $_scs_section_size  }
0x9c: {  	s7 =	simm.s32 $_size__tile_overlayer_lowered;
	s8 =	simm.s32 $_tile_overlayer_lowered  }
0x9d: {  	s23 =	simm.s32 $0x1BFF;
	s22 =	sshll.u32 s8, $0x1;
	s5 =	sadd.s32 s6, s20  }
0x9e: {  	s9 =	simm.s32 $0x0;
	s21 =	sshll.u32 s7, $0x1;
	s7 =	sadd.s32 s22, s5  }
0x9f: {  	[timem:s9], [sflag:s23] =	dma.local [hbm:s7], s21  }
0xa0: {  	_ =	swait.ge [sflag:s23], s21  }
0xa1: {  	s6 =	ssub.s32 $0x0, s21;
	[sflag:s23] =	ssyncset.done $0x0  }
0xa2: {  	[sflag:s23] =	ssyncadd.s32 s6;
	_ =	sdelay $0x1  }
0xa3: {  	s24 =	simm.s32 $0x1B8B  }
0xa4: {  	_ =	swait.ge [sflag:s24], $0x1  }
0xa5: {  	[sflag:s24] =	ssyncset.done $0x0  }
0xa6: {  	s25 =	simm.s32 $0x1B8E;
	[sflag:s24] =	ssyncadd.s32 $0xFFFFFFFF  }
0xa7: {  	s26 =	simm.s32 $execute0_lowered;
	[smem:$0x3FD2] =	sst s25  }
0xa8: {  	s6 =	sshll.u32 s26, $0x1;
	_ =	strace $0x80000046;
	[dreg:$0x1] =	wrdreg $0xFFFFFFFF  }
0xa9: {  	s28 =	simm.s32 $_size_execute0_lowered;
	s5 =	sadd.s32 s5, s6;
	[dreg:$0x0] =	wrdreg $0x0  }
0xaa: {  	s6 =	sshll.u32 s28, $0x1;
	[dreg:$0x2] =	wrdreg s5  }
0xab: {  	[dreg:$0x3] =	wrdreg s6  }
0xac: {  	[dreg:$0x4] =	wrdreg $0xC0  }
0xad: {  	_ =	task [dreg:s9], $0x5FFFF  }
0xae: {  	[dreg:$0x1] =	wrdreg $0xFFFFFFFF  }
0xaf: {  	[dreg:$0x0] =	wrdreg $0x60  }
0xb0: {  	[dreg:$0x2] =	wrdreg s2  }
0xb1: {  	[dreg:$0x3] =	wrdreg s19  }
0xb2: {  	[dreg:$0x4] =	wrdreg s4  }
0xb3: {  	[dreg:$0x5] =	wrdreg $0x9  }
0xb4: {  	_ =	task.clear_ibuf [dreg:s9], $0x6FFFF;
	_ =	strace $0x90000046  }
0xb5: {  	s29 =	simm.s32 $0x9;
	_ =	strace $0x80000048  }
0xb6: {  	_ =	swait.ge [sflag:s29], $0x1  }
0xb7: {  	[sflag:s29] =	ssyncadd.s32 $0xFFFFFFFF  }
0xb8: {  	_ =	strace $0x90000048  }
0xb9: {  	_ =	sfence  }
0xba: {  	s30 =	sld [smem:$0x0];
	_ =	sdelay $0x2  }
0xbb: {  	s31 =	sshll.u32 s1, $0xD;
	s1 =	sshrl.u32 s1, $0x2  }
0xbc: {  	s3 =	sand.u32 $0x4000, s31;
	s1 =	sadd.s32 s1, s30  }
0xbd: {  	s0 =	sor.u32 s3, s0;
	s1 =	sshll.u32 s1, $0x11  }
0xbe: {  	s0 =	sor.u32 s1, s0  }
0xbf: {  	s0 =	sadd.s32 $0x8F2B, s0  }
0xc0: {  	[sflag:s0] =	ssyncadd.remote.s32 $0x1  }
0xc1: {  	_ =	sfence.sel $0xFFFF  }
0xc2: {  	[dreg:$0x0] =	wrdreg $0xFFFFFFFF;
	(pc) =	sbr.abs _section_cstart, $3  }
0xc3: {  	[dreg:$0x1] =	wrdreg $0xFFFFFFFF  }
0xc4: {  	_ =	task.clear_ibuf [dreg:s9], $0x2FFFF;
	_ =	strace $0x9FFFFFFF  }
0xc5: {  	(tm) =	ssettm $0x7FFFFFFF  }
tec
execute0_lowered:
.L_overlay_start_1:
0x0: {  	(tag) =	ssettag $0x1  }
0x1: {  	s4 =	rddreg [dreg:$0x0]  }
0x2: {  	s5 =	rddreg [dreg:$0x2];
	s8 =	simm.s32 $0x0  }
0x3: {  	[smem:$0x7FF] =	sst s8;
	s18 =	sadd.s32 $0x1000, s4  }
0x4: {  	s19 =	sadd.s32 $0x2000, s4;
	_ =	strace $0x80000047;
	[dreg:$0x6] =	wrdreg s18  }
0x5: {  	s20 =	sadd.s32 $0x3000, s4;
	[dreg:$0x7] =	wrdreg s19  }
0x6: {  	s21 =	sadd.s32 $0x4000, s4;
	[dreg:$0x8] =	wrdreg s20  }
0x7: {  	s22 =	sadd.s32 $0x5000, s4;
	[dreg:$0x9] =	wrdreg s21  }
0x8: {  	s23 =	sadd.s32 $0x6000, s4;
	[dreg:$0xa] =	wrdreg s22  }
0x9: {  	s24 =	sadd.s32 $0x7000, s4;
	[dreg:$0xb] =	wrdreg s23  }
0xa: {  	s25 =	sadd.s32 $0x40000, s5;
	[dreg:$0xc] =	wrdreg s24  }
0xb: {  	s26 =	sadd.s32 $0x80000, s5;
	[dreg:$0xd] =	wrdreg s25  }
0xc: {  	s28 =	sadd.s32 $0xC0000, s5;
	[dreg:$0xe] =	wrdreg s26  }
0xd: {  	s29 =	sadd.s32 $0x100000, s5;
	[dreg:$0xf] =	wrdreg s28  }
0xe: {  	s30 =	sadd.s32 $0x140000, s5;
	[dreg:$0x10] =	wrdreg s29  }
0xf: {  	s31 =	sadd.s32 $0x180000, s5;
	[dreg:$0x11] =	wrdreg s30  }
0x10: {  	s4 =	sadd.s32 $0x240000, s5;
	[dreg:$0x12] =	wrdreg s31  }
0x11: {  	s9 =	sadd.s32 $0x280000, s5;
	[dreg:$0x15] =	wrdreg s4  }
0x12: {  	s10 =	sadd.s32 $0x2C0000, s5;
	[dreg:$0x17] =	wrdreg s9  }
0x13: {  	s11 =	sadd.s32 $0x300000, s5;
	[dreg:$0x18] =	wrdreg s10  }
0x14: {  	s12 =	sadd.s32 $0x340000, s5;
	[dreg:$0x19] =	wrdreg s11  }
0x15: {  	s13 =	sadd.s32 $0x380000, s5;
	[dreg:$0x1a] =	wrdreg s12  }
0x16: {  	s1 =	stileid.u32;
	s14 =	sadd.s32 $0x3C0000, s5;
	[dreg:$0x1b] =	wrdreg s13  }
0x17: {  	s6 =	sshll.u32 s1, $0x1;
	[dreg:$0x1c] =	wrdreg s14  }
0x18: {  	s18 =	sadd.s32 $0x4C0000, s5;
	[dreg:$0x4] =	wrdreg s6  }
0x19: {  	s19 =	sadd.s32 $0x500000, s5;
	[smem:$0x7F1] =	sst s18  }
0x1a: {  	s20 =	sadd.s32 $0x540000, s5;
	[smem:$0x7F2] =	sst s19  }
0x1b: {  	s21 =	sadd.s32 $0x580000, s5;
	[smem:$0x7F3] =	sst s20  }
0x1c: {  	s22 =	sadd.s32 $0x5C0000, s5;
	[smem:$0x7F4] =	sst s21  }
0x1d: {  	s23 =	sadd.s32 $0x600000, s5;
	[smem:$0x7F5] =	sst s22  }
0x1e: {  	s24 =	sadd.s32 $0x640000, s5;
	[smem:$0x7F6] =	sst s23  }
0x1f: {  	s25 =	sadd.s32 $0x680000, s5;
	[smem:$0x7F7] =	sst s24  }
0x20: {  	s26 =	sadd.s32 $0x6C0000, s5;
	[smem:$0x7F8] =	sst s25  }
0x21: {  	s0 =	srdreg.scid;
	s28 =	sadd.s32 $0x700000, s5;
	[smem:$0x7F9] =	sst s26  }
0x22: {  	s0 =	sand.u32 $0x1, s0;
	s29 =	sadd.s32 $0x740000, s5;
	[smem:$0x7FA] =	sst s28  }
0x23: {  	s15 =	ssub.s32 $0x2, s0;
	s30 =	sadd.s32 $0x780000, s5;
	[smem:$0x7FB] =	sst s29  }
0x24: {  	s2 =	sand.u32 $0x2, s6;
	s31 =	sadd.s32 $0x7C0000, s5;
	[smem:$0x7FC] =	sst s30  }
0x25: {  	s7 =	sor.u32 s0, s2;
	s2 =	sadd.s32 $0x1C0000, s5;
	[smem:$0x7FD] =	sst s31  }
0x26: {  	s3 =	sshrl.u32 s15, $0x1;
	s17 =	sshll.u32 s7, $0xA;
	[dreg:$0x13] =	wrdreg s2  }
0x27: {  	vm0 =	vmmov $0x1;
	s16 =	ssub.s32 s15, s3;
	s3 =	sadd.s32 $0x200000, s5;
	[dreg:$0x5] =	wrdreg s17  }
.Ltmp0:
0x28: {  	vm1 =	vcmask $0x308;
	vm2 =	vcmask $0x70C;
	vm3 =	vcmask $0xB10;
	s15 =	sadd.s32 $0x400000, s5;
	[dreg:$0x14] =	wrdreg s3;
	(pc) =	sbr.rel .LBB2_1-.Ltmp0, $4  }
0x29: {  	vm4 =	vcmask $0xF14;
	vm5 =	vcmask $0x1318;
	vm6 =	vcmask $0x171C;
	s0 =	smax.u32 s16, $0x1;
	[dreg:$0x1d] =	wrdreg s15  }
0x2a: {  	vm7 =	vcmask $0x1B20;
	vm8 =	vcmask $0x1F24;
	vm9 =	vcmask $0x2328;
	s16 =	sadd.s32 $0x440000, s5;
	[dreg:$0x16] =	wrdreg s0  }
0x2b: {  	vm10 =	vcmask $0x272C;
	vm11 =	vcmask $0x2B30;
	vm12 =	vcmask $0x2F34;
	s17 =	sadd.s32 $0x480000, s5;
	[dreg:$0x1e] =	wrdreg s16  }
0x2c: {  	vm13 =	vcmask $0x3338;
	vm14 =	vcmask $0x373C;
	vm15 =	vmmov $0x7fff;
	s1 =	simm.s32 $0x0;
	[dreg:$0x1f] =	wrdreg s17  }
.LBB2_21:
0x2d: {  	s1 =	sld [smem:$0x79B];
	_ =	sdelay $0x2  }
0x2e: {  	s0 =	rddreg [dreg:$0x16];
	s1 =	sadd.s32 $0x1, s1  }
0x2f: {  	p0 =	sne.s32 s1, s0  }
.Ltmp1:
0x30: {  	_ = 	snop;
	(pc) =	sbr.rel @!p0 .LBB2_22-.Ltmp1, $2  }
0x31: {  	_ =	sdelay $0x2  }
0x32: {  	s8 =	simm.s32 $0x0  }
.LBB2_1:
0x33: {  	[smem:$0x79B] =	sst s1  }
0x34: {  	s0 =	rddreg [dreg:$0x1];
	s12 =	simm.s32 $0x3  }
0x35: {  	[tilespmem:s8], [sflag:$0x3] =	stream.linear.gather [hbm4b:s0+s8], $0x80, $0x38;
	[tilespmem:$0x10080] =	vst v63  }
0x36: {  	_ =	swait.ge [sflag:s12], $0x80  }
0x37: {  	[sflag:s12] =	ssyncset.done $0x0  }
0x38: {  	[sflag:s12] =	ssyncadd.s32 $0xFFFFFF80  }
0x39: {  	v0 =	vld [tilespmem:$0x0];
	_ =	sdelay $0x4  }
0x3a: {  	v1 =	vnsel vm0, $0x0, v0  }
0x3b: {  	v2 =	vsel vm1, $0x0, v0;
	v1 =	vxor.u32 $0x80000000, v1  }
0x3c: {  	v53 =	vsel vm2, $0x0, v0;
	v52 =	vxor.u32 $0x80000000, v2;
	(xrf0) =	vmax.scan.msk.u32 $0xffff, v1  }
0x3d: {  	v54 =	vxor.u32 $0x80000000, v53;
	(xrf0) =	vmax.scan.msk.u32 $0xffff, v52  }
0x3e: {  	v55 =	vsel vm3, $0x0, v0;
	(xrf0) =	vmax.scan.msk.u32 $0xffff, v54  }
0x3f: {  	v56 =	vxor.u32 $0x80000000, v55  }
0x40: {  	(xrf0) =	vmax.scan.msk.u32 $0xffff, v56  }
0x41: {  	v57 =	vsel vm4, $0x0, v0  }
0x42: {  	v58 =	vxor.u32 $0x80000000, v57;
	v3, _, _ =	vpop (xrf0)  }
0x43: {  	(xrf0) =	vmax.scan.msk.u32 $0xffff, v58;
	(v2sf) =	vpush v3, $0xF;
	v5, _, _ =	vpop (xrf0)  }
0x44: {  	v59 =	vsel vm5, $0x0, v0;
	v6, _, _ =	vpop (xrf0);
	(v2sf) =	vpush v5, $0xF  }
0x45: {  	v60 =	vxor.u32 $0x80000000, v59;
	(v2sf) =	vpush v6, $0xF  }
0x46: {  	v61 =	vsel vm6, $0x0, v0;
	(xrf0) =	vmax.scan.msk.u32 $0xffff, v60;
	v8, _, _ =	vpop (xrf0)  }
0x47: {  	v62 =	vxor.u32 $0x80000000, v61;
	(v2sf) =	vpush v8, $0xF  }
0x48: {  	v63 =	vsel vm7, $0x0, v0;
	(xrf0) =	vmax.scan.msk.u32 $0xffff, v62  }
0x49: {  	v4 =	vxor.u32 $0x80000000, v63;
	v11, _, _ =	vpop (xrf0)  }
0x4a: {  	v7 =	vsel vm8, $0x0, v0;
	(xrf0) =	vmax.scan.msk.u32 $0xffff, v4;
	(v2sf) =	vpush v11, $0xF  }
0x4b: {  	v9 =	vxor.u32 $0x80000000, v7  }
0x4c: {  	v10 =	vsel vm9, $0x0, v0;
	(xrf0) =	vmax.scan.msk.u32 $0xffff, v9;
	v14, _, _ =	vpop (xrf0)  }
0x4d: {  	v12 =	vxor.u32 $0x80000000, v10;
	(v2sf) =	vpush v14, $0xF  }
0x4e: {  	(xrf0) =	vmax.scan.msk.u32 $0xffff, v12;
	v17, _, _ =	vpop (xrf0)  }
0x4f: {  	(v2sf) =	vpush v17, $0xF  }
0x50: {  	v19, _, _ =	vpop (xrf0)  }
0x51: {  	v13 =	vsel vm10, $0x0, v0;
	(v2sf) =	vpush v19, $0xF  }
0x52: {  	v15 =	vxor.u32 $0x80000000, v13;
	v20, _, _ =	vpop (xrf0);
	s19 =	spop (v2sf)  }
0x53: {  	v16 =	vsel vm11, $0x0, v0;
	(xrf0) =	vmax.scan.msk.u32 $0xffff, v15;
	(v2sf) =	vpush v20, $0xF;
	s20 =	spop (v2sf);
	s0 =	sxor.u32 $0x80000000, s19;
	p1 =	sgt.s32 s19, $0xFFFFFFFF  }
0x54: {  	v18 =	vxor.u32 $0x80000000, v16;
	v21, _, _ =	vpop (xrf0);
	s19 =	sshll.u32 s19, $0xD;
	s21 =	spop (v2sf);
	s9 =	sxor.u32 $0x80000000, s20  }
0x55: {  	(xrf0) =	vmax.scan.msk.u32 $0xffff, v18;
	(v2sf) =	vpush v21, $0xF;
	s13 =	sshra.s32 s0, $0x1F;
	p0 =	slt.s32 s0, $0x1;
	p3 =	sgt.s32 s20, $0xFFFFFFFF  }
0x56: {  	s20 =	sshll.u32 s20, $0xD;
	s19 =	sadd.s32 $0x10000, s19;
	s22 =	spop (v2sf)  }
0x57: {  	s10 =	sxor.u32 $0x80000000, s21;
	s12 =	sshrl.u32 s13, $0x1D;
	s14 =	sshra.s32 s9, $0x1F  }
0x58: {  	p0 =	por p1, p0;
	p6 =	slt.s32 s9, $0x1;
	s20 =	sadd.s32 $0x10000, s20  }
0x59: {  	v22, _, _ =	vpop (xrf0);
	s19 =	sand.u32 $0xE000, s19;
	s23 =	spop (v2sf);
	s11 =	sxor.u32 $0x80000000, s22  }
0x5a: {  	(v2sf) =	vpush v22, $0xF;
	s12 =	sadd.s32 s12, s0;
	s14 =	sshrl.u32 s14, $0x1D;
	p3 =	por p3, p6  }
0x5b: {  	v23, _, _ =	vpop (xrf0);
	p4 =	slt.s32 s10, $0x1;
	p6 =	sgt.s32 s21, $0xFFFFFFFF;
	s20 =	sand.u32 $0xE000, s20  }
0x5c: {  	(v2sf) =	vpush v23, $0xF;
	s24 =	spop (v2sf);
	s8 =	sxor.u32 $0x80000000, s23;
	s13 =	sand.u32 $0xFFFFFFF8, s12  }
0x5d: {  	s12 =	sshra.s32 s12, $0x3;
	p4 =	por p6, p4;
	p6 =	slt.s32 s11, $0x1  }
0x5e: {  	s20 =	sor.u32 $0x80, s20;
	s25 =	spop (v2sf);
	s6 =	sxor.u32 $0x80000000, s24  }
0x5f: {  	[smem:$0x7A2] =	sst s24;
	p2 =	sne.s32 s0, s13;
	s13 =	sadd.s32 s14, s9  }
0x60: {  	[smem:$0x7B4] =	sst s20;
	s26 =	spop (v2sf);
	s5 =	sxor.u32 $0x80000000, s25  }
0x61: {  	p0 =	por !p0, !p2;
	s14 =	sand.u32 $0xFFFFFFF8, s13;
	s4 =	sxor.u32 $0x80000000, s26  }
0x62: {  	[smem:$0x7A3] =	sst s26;
	s15 =	spop (v2sf);
	p0 =	por !p0, !p0  }
0x63: {  	p5 =	sne.s32 s9, s14;
	s14 =	simm.s32 $0x1;
	s9 =	sshra.s32 s10, $0x1F  }
0x64: {  	s3 =	sxor.u32 $0x80000000, s15;
	[smem:$0x7A4] =	sst s15;
	s16 =	spop (v2sf)  }
0x65: {  	s14 =	simm.s32 @!p0 $0x0;
	s9 =	sshrl.u32 s9, $0x1D;
	p0 =	por !p3, !p5  }
0x66: {  	p3 =	sgt.s32 s22, $0xFFFFFFFF;
	s2 =	sxor.u32 $0x80000000, s16;
	[smem:$0x7A5] =	sst s16  }
0x67: {  	s12 =	ssub.s32 s12, s14;
	s9 =	sadd.s32 s9, s10;
	p0 =	por !p0, !p0  }
0x68: {  	[smem:$0x7F0] =	sst s12;
	s12 =	sshra.s32 s13, $0x3;
	s14 =	sand.u32 $0xFFFFFFF8, s9  }
0x69: {  	s13 =	simm.s32 $0x1;
	s9 =	sshra.s32 s9, $0x3;
	s18 =	spop (v2sf)  }
0x6a: {  	p5 =	sne.s32 s10, s14;
	s14 =	sshra.s32 s11, $0x1F;
	s13 =	simm.s32 @!p0 $0x0  }
0x6b: {  	s1 =	sxor.u32 $0x80000000, s18;
	[smem:$0x7A6] =	sst s18;
	s17 =	spop (v2sf)  }
0x6c: {  	s10 =	sshrl.u32 s14, $0x1D;
	s12 =	ssub.s32 s12, s13;
	p0 =	por !p4, !p5  }
0x6d: {  	s13 =	sshra.s32 s8, $0x1F;
	s0 =	sxor.u32 $0x80000000, s17;
	s10 =	sadd.s32 s10, s11  }
0x6e: {  	[smem:$0x7EF] =	sst s12;
	p0 =	por !p0, !p0;
	s12 =	simm.s32 $0x1  }
0x6f: {  	[smem:$0x7A7] =	sst s17;
	s14 =	sand.u32 $0xFFFFFFF8, s10;
	s12 =	simm.s32 @!p0 $0x0  }
0x70: {  	p0 =	por p3, p6;
	s10 =	sshra.s32 s10, $0x3;
	p6 =	sgt.s32 s23, $0xFFFFFFFF  }
0x71: {  	p1 =	slt.s32 s0, $0x1;
	p5 =	sne.s32 s11, s14;
	s9 =	ssub.s32 s9, s12  }
0x72: {  	s11 =	sshrl.u32 s13, $0x1D;
	s12 =	sshra.s32 s6, $0x1F;
	[smem:$0x7EE] =	sst s9  }
0x73: {  	v24 =	vsel vm12, $0x0, v0;
	s14 =	sadd.s32 s11, s8;
	p0 =	por !p0, !p5;
	p5 =	slt.s32 s8, $0x1  }
0x74: {  	v1 =	vxor.u32 $0x80000000, v24;
	s11 =	sand.u32 $0xFFFFFFF8, s14;
	p0 =	por !p0, !p0;
	p3 =	por p6, p5  }
0x75: {  	v25 =	vsel vm13, $0x0, v0;
	(xrf0) =	vmax.scan.msk.u32 $0xffff, v1;
	s9 =	sshra.s32 s14, $0x3;
	s14 =	sshra.s32 s5, $0x1F;
	p6 =	sgt.s32 s24, $0xFFFFFFFF  }
0x76: {  	v26 =	vxor.u32 $0x80000000, v25;
	p4 =	sne.s32 s8, s11;
	s11 =	simm.s32 $0x1;
	s8 =	sshrl.u32 s12, $0x1D  }
0x77: {  	(xrf0) =	vmax.scan.msk.u32 $0xffff, v26;
	s12 =	sshra.s32 s4, $0x1F;
	s11 =	simm.s32 @!p0 $0x0;
	p0 =	por !p3, !p4  }
0x78: {  	s8 =	sadd.s32 s8, s6;
	p4 =	slt.s32 s6, $0x1;
	p3 =	sgt.s32 s25, $0xFFFFFFFF  }
0x79: {  	s10 =	ssub.s32 s10, s11;
	p0 =	por !p0, !p0;
	s13 =	sand.u32 $0xFFFFFFF8, s8  }
0x7a: {  	p4 =	por p6, p4;
	s8 =	sshra.s32 s8, $0x3;
	p6 =	slt.s32 s5, $0x1  }
0x7b: {  	v1, _, _ =	vpop (xrf0);
	[smem:$0x7ED] =	sst s10;
	p5 =	sne.s32 s6, s13;
	s10 =	simm.s32 $0x1  }
0x7c: {  	v27 =	vsel vm14, $0x0, v0;
	(v2sf) =	vpush v1, $0xF;
	s6 =	sshrl.u32 s14, $0x1D;
	s14 =	sshra.s32 s3, $0x1F;
	s10 =	simm.s32 @!p0 $0x0  }
0x7d: {  	v28, _, _ =	vpop (xrf0);
	v1 =	vxor.u32 $0x80000000, v27;
	s6 =	sadd.s32 s6, s5;
	p0 =	por !p4, !p5;
	s9 =	ssub.s32 s9, s10  }
0x7e: {  	(v2sf) =	vpush v28, $0xF;
	(xrf0) =	vmax.scan.msk.u32 $0xffff, v1;
	s11 =	sand.u32 $0xFFFFFFF8, s6;
	p0 =	por !p0, !p0;
	s6 =	sshra.s32 s6, $0x3  }
0x7f: {  	[smem:$0x7EC] =	sst s9;
	p5 =	sne.s32 s5, s11;
	s9 =	simm.s32 $0x1  }
0x80: {  	s5 =	sshrl.u32 s12, $0x1D;
	s9 =	simm.s32 @!p0 $0x0;
	p0 =	por p3, p6  }
0x81: {  	s5 =	sadd.s32 s5, s4;
	p6 =	sgt.s32 s26, $0xFFFFFFFF;
	s26 =	sshra.s32 s2, $0x1F  }
0x82: {  	s8 =	ssub.s32 s8, s9;
	p0 =	por !p0, !p5;
	s13 =	sand.u32 $0xFFFFFFF8, s5  }
0x83: {  	p5 =	slt.s32 s4, $0x1;
	s5 =	sshra.s32 s5, $0x3;
	s9 =	sshra.s32 s1, $0x1F  }
0x84: {  	v31, _, _ =	vpop (xrf0);
	[smem:$0x7EB] =	sst s8;
	p0 =	por !p0, !p0;
	p4 =	sne.s32 s4, s13  }
0x85: {  	(v2sf) =	vpush v31, $0xF;
	s8 =	simm.s32 $0x1;
	p3 =	por p6, p5;
	s4 =	sshrl.u32 s14, $0x1D  }
0x86: {  	p6 =	sgt.s32 s15, $0xFFFFFFFF;
	s13 =	sshra.s32 s0, $0x1F;
	s8 =	simm.s32 @!p0 $0x0  }
0x87: {  	p0 =	por !p3, !p4;
	s4 =	sadd.s32 s4, s3;
	p4 =	slt.s32 s3, $0x1  }
0x88: {  	s6 =	ssub.s32 s6, s8;
	p0 =	por !p0, !p0;
	s24 =	sand.u32 $0xFFFFFFF8, s4  }
0x89: {  	p3 =	por p6, p4;
	s4 =	sshra.s32 s4, $0x3;
	p6 =	sgt.s32 s16, $0xFFFFFFFF  }
0x8a: {  	[smem:$0x7EA] =	sst s6;
	p5 =	sne.s32 s3, s24;
	s6 =	simm.s32 $0x1  }
0x8b: {  	s3 =	sshrl.u32 s26, $0x1D;
	s24 =	spop (v2sf);
	s6 =	simm.s32 @!p0 $0x0  }
0x8c: {  	v0 =	vsel vm15, $0x0, v0;
	s3 =	sadd.s32 s3, s2;
	p0 =	por !p3, !p5;
	p5 =	slt.s32 s2, $0x1  }
0x8d: {  	v30 =	vld [tilespmem:$0x10];
	v29 =	vxor.u32 $0x80000000, v0;
	s14 =	sxor.u32 $0x80000000, s24;
	s26 =	spop (v2sf);
	s5 =	ssub.s32 s5, s6  }
0x8e: {  	(xrf0) =	vmax.scan.msk.u32 $0xffff, v29;
	s8 =	sand.u32 $0xFFFFFFF8, s3;
	p0 =	por !p0, !p0;
	s3 =	sshra.s32 s3, $0x3  }
0x8f: {  	s15 =	sshra.s32 s14, $0x1F;
	[smem:$0x7E9] =	sst s5;
	p4 =	sne.s32 s2, s8  }
0x90: {  	s5 =	simm.s32 $0x1;
	s2 =	sshrl.u32 s9, $0x1D;
	s9 =	sxor.u32 $0x80000000, s26  }
0x91: {  	s5 =	simm.s32 @!p0 $0x0;
	p0 =	por p6, p5;
	s2 =	sadd.s32 s2, s1  }
0x92: {  	v32 =	vnsel vm0, $0x0, v30;
	p5 =	sgt.s32 s18, $0xFFFFFFFF;
	s4 =	ssub.s32 s4, s5;
	p0 =	por !p0, !p4  }
0x93: {  	v1 =	vxor.u32 $0x80000000, v32;
	s10 =	sand.u32 $0xFFFFFFF8, s2;
	p4 =	slt.s32 s1, $0x1;
	s12 =	sshra.s32 s2, $0x3  }
0x94: {  	v33, _, _ =	vpop (xrf0);
	(xrf0) =	vmax.scan.msk.u32 $0xffff, v1;
	s2 =	sshrl.u32 s13, $0x1D;
	s5 =	sshrl.u32 s15, $0x1D;
	s13 =	spop (v2sf)  }
0x95: {  	[smem:$0x7E8] =	sst s4;
	p0 =	por !p0, !p0;
	p3 =	sne.s32 s1, s10  }
0x96: {  	s4 =	simm.s32 $0x1;
	s2 =	sadd.s32 s2, s0;
	s18 =	sadd.s32 s5, s14  }
0x97: {  	s10 =	sshra.s32 s9, $0x1F;
	s5 =	simm.s32 $0x1;
	s15 =	sxor.u32 $0x80000000, s13  }
0x98: {  	[smem:$0x7A8] =	sst s13;
	s4 =	simm.s32 @!p0 $0x0;
	p0 =	por p5, p4  }
0x99: {  	(v2sf) =	vpush v33, $0xF;
	s16 =	sand.u32 $0xFFFFFFF8, s2;
	p4 =	sgt.s32 s17, $0xFFFFFFFF;
	s6 =	sand.u32 $0xFFFFFFF8, s18  }
0x9a: {  	v35, _, _ =	vpop (xrf0);
	p5 =	slt.s32 s14, $0x1;
	s8 =	sshra.s32 s2, $0x3;
	s17 =	sshra.s32 s15, $0x1F  }
0x9b: {  	v34 =	vsel vm1, $0x0, v30;
	(v2sf) =	vpush v35, $0xF;
	s11 =	ssub.s32 s3, s4;
	p0 =	por !p0, !p3;
	s4 =	simm.s32 $0x1  }
0x9c: {  	v1 =	vxor.u32 $0x80000000, v34;
	p6 =	sne.s32 s0, s16;
	p3 =	por p4, p1;
	s3 =	simm.s32 $0x1  }
0x9d: {  	(xrf0) =	vmax.scan.msk.u32 $0xffff, v1;
	p4 =	slt.s32 s9, $0x1;
	s2 =	sshrl.u32 s17, $0x1D;
	[smem:$0x7E7] =	sst s11  }
0x9e: {  	p0 =	por !p0, !p0;
	p2 =	por !p3, !p6;
	p6 =	sgt.s32 s24, $0xFFFFFFFF  }
0x9f: {  	s2 =	sadd.s32 s2, s15;
	s4 =	simm.s32 @!p0 $0x0;
	p0 =	sne.s32 s14, s6  }
0xa0: {  	p2 =	por !p2, !p2;
	p1 =	por p6, p5;
	p5 =	sgt.s32 s26, $0xFFFFFFFF  }
0xa1: {  	v36 =	vsel vm2, $0x0, v30;
	p6 =	slt.s32 s15, $0x1;
	s1 =	ssub.s32 s12, s4;
	s3 =	simm.s32 @!p2 $0x0  }
0xa2: {  	v1 =	vxor.u32 $0x80000000, v36;
	p0 =	por !p1, !p0;
	s4 =	sshrl.u32 s10, $0x1D;
	p1 =	por p5, p4  }
0xa3: {  	(xrf0) =	vmax.scan.msk.u32 $0xffff, v1;
	v37, _, _ =	vpop (xrf0);
	[smem:$0x7E6] =	sst s1;
	p0 =	por !p0, !p0;
	s4 =	sadd.s32 s4, s9  }
0xa4: {  	(v2sf) =	vpush v37, $0xF;
	s1 =	sshra.s32 s18, $0x3;
	s0 =	ssub.s32 s8, s3;
	s3 =	simm.s32 $0x1  }
0xa5: {  	s5 =	simm.s32 @!p0 $0x0;
	s11 =	sand.u32 $0xFFFFFFF8, s4;
	[smem:$0x7E5] =	sst s0  }
0xa6: {  	s14 =	sshra.s32 s4, $0x3;
	s4 =	simm.s32 $0x1;
	s12 =	ssub.s32 s1, s5  }
0xa7: {  	v38 =	vsel vm3, $0x0, v30;
	p3 =	sne.s32 s9, s11;
	s11 =	sand.u32 $0xFFFFFFF8, s2;
	[smem:$0x7E4] =	sst s12  }
0xa8: {  	v1 =	vxor.u32 $0x80000000, v38;
	p0 =	por !p1, !p3;
	s16 =	spop (v2sf);
	p2 =	sne.s32 s15, s11  }
0xa9: {  	v39, _, _ =	vpop (xrf0);
	(xrf0) =	vmax.scan.msk.u32 $0xffff, v1;
	p1 =	sgt.s32 s13, $0xFFFFFFFF;
	p0 =	por !p0, !p0;
	s18 =	sxor.u32 $0x80000000, s16  }
0xaa: {  	[smem:$0x7A9] =	sst s16;
	p3 =	por p1, p6;
	s15 =	spop (v2sf)  }
0xab: {  	p6 =	sgt.s32 s16, $0xFFFFFFFF;
	s10 =	sshra.s32 s18, $0x1F;
	s4 =	simm.s32 @!p0 $0x0  }
0xac: {  	p5 =	slt.s32 s18, $0x1;
	p2 =	por !p3, !p2;
	s16 =	sxor.u32 $0x80000000, s15  }
0xad: {  	v40 =	vsel vm4, $0x0, v30;
	[smem:$0x7AA] =	sst s15;
	s5 =	sshrl.u32 s10, $0x1D;
	s0 =	ssub.s32 s14, s4  }
0xae: {  	v1 =	vxor.u32 $0x80000000, v40;
	s14 =	sshra.s32 s2, $0x3;
	p2 =	por !p2, !p2;
	p1 =	por p6, p5  }
0xaf: {  	(xrf0) =	vmax.scan.msk.u32 $0xffff, v1;
	v41, _, _ =	vpop (xrf0);
	(v2sf) =	vpush v39, $0xF;
	s17 =	sshra.s32 s16, $0x1F;
	p4 =	slt.s32 s16, $0x1;
	p5 =	sgt.s32 s15, $0xFFFFFFFF  }
0xb0: {  	(v2sf) =	vpush v41, $0xF;
	[smem:$0x7E3] =	sst s0;
	s12 =	sadd.s32 s5, s18;
	s3 =	simm.s32 @!p2 $0x0  }
0xb1: {  	s4 =	sshrl.u32 s17, $0x1D;
	s5 =	simm.s32 $0x1;
	s13 =	sand.u32 $0xFFFFFFF8, s12  }
0xb2: {  	s4 =	sadd.s32 s4, s16;
	s0 =	sshra.s32 s12, $0x3;
	s1 =	ssub.s32 s14, s3  }
0xb3: {  	v42 =	vsel vm5, $0x0, v30;
	s3 =	spop (v2sf);
	p0 =	sne.s32 s18, s13;
	s18 =	sand.u32 $0xFFFFFFF8, s4  }
0xb4: {  	v1 =	vxor.u32 $0x80000000, v42;
	[smem:$0x7E2] =	sst s1;
	s6 =	sshra.s32 s4, $0x3;
	s9 =	sxor.u32 $0x80000000, s3  }
0xb5: {  	(xrf0) =	vmax.scan.msk.u32 $0xffff, v1;
	v43, _, _ =	vpop (xrf0);
	[smem:$0x7AB] =	sst s3;
	s4 =	simm.s32 $0x1;
	p0 =	por !p1, !p0  }
0xb6: {  	(v2sf) =	vpush v43, $0xF;
	p3 =	sne.s32 s16, s18;
	p1 =	por p5, p4;
	s11 =	sshra.s32 s9, $0x1F  }
0xb7: {  	p6 =	slt.s32 s9, $0x1;
	p0 =	por !p0, !p0;
	s2 =	sshrl.u32 s11, $0x1D  }
0xb8: {  	s5 =	simm.s32 @!p0 $0x0;
	p0 =	por !p1, !p3;
	s2 =	sadd.s32 s2, s9  }
0xb9: {  	v44 =	vsel vm6, $0x0, v30;
	p1 =	sgt.s32 s3, $0xFFFFFFFF;
	s3 =	simm.s32 $0x1;
	s14 =	sand.u32 $0xFFFFFFF8, s2  }
0xba: {  	v1 =	vxor.u32 $0x80000000, v44;
	p0 =	por !p0, !p0;
	p3 =	por p1, p6;
	p2 =	sne.s32 s9, s14  }
0xbb: {  	v45, _, _ =	vpop (xrf0);
	(xrf0) =	vmax.scan.msk.u32 $0xffff, v1;
	s0 =	ssub.s32 s0, s5;
	s4 =	simm.s32 @!p0 $0x0;
	p2 =	por !p3, !p2  }
0xbc: {  	[smem:$0x7E1] =	sst s0;
	s0 =	ssub.s32 s6, s4;
	p2 =	por !p2, !p2  }
0xbd: {  	s17 =	sshra.s32 s2, $0x3;
	[smem:$0x7E0] =	sst s0;
	s3 =	simm.s32 @!p2 $0x0  }
0xbe: {  	s10 =	spop (v2sf);
	s1 =	ssub.s32 s17, s3;
	s3 =	simm.s32 $0x1  }
0xbf: {  	v46 =	vsel vm7, $0x0, v30;
	s12 =	sxor.u32 $0x80000000, s10;
	[smem:$0x7AC] =	sst s10;
	s18 =	spop (v2sf)  }
0xc0: {  	v1 =	vxor.u32 $0x80000000, v46;
	(v2sf) =	vpush v45, $0xF;
	p6 =	sgt.s32 s10, $0xFFFFFFFF;
	[smem:$0x7DD] =	sst s1;
	s13 =	sshra.s32 s12, $0x1F  }
0xc1: {  	(xrf0) =	vmax.scan.msk.u32 $0xffff, v1;
	v47, _, _ =	vpop (xrf0);
	p5 =	slt.s32 s12, $0x1;
	s10 =	sxor.u32 $0x80000000, s18;
	[smem:$0x7AD] =	sst s18  }
0xc2: {  	(v2sf) =	vpush v47, $0xF;
	s5 =	sshrl.u32 s13, $0x1D;
	p1 =	por p6, p5;
	s11 =	sshra.s32 s10, $0x1F  }
0xc3: {  	p5 =	slt.s32 s10, $0x1;
	p6 =	sgt.s32 s18, $0xFFFFFFFF;
	s15 =	sadd.s32 s5, s12  }
0xc4: {  	s4 =	sshrl.u32 s11, $0x1D;
	s5 =	simm.s32 $0x1;
	s16 =	sand.u32 $0xFFFFFFF8, s15  }
0xc5: {  	s4 =	sadd.s32 s4, s10;
	s0 =	sshra.s32 s15, $0x3;
	s13 =	spop (v2sf)  }
0xc6: {  	p0 =	sne.s32 s12, s16;
	s12 =	sand.u32 $0xFFFFFFF8, s4;
	s14 =	sshra.s32 s4, $0x3  }
0xc7: {  	v49, _, _ =	vpop (xrf0);
	s15 =	sxor.u32 $0x80000000, s13;
	[smem:$0x7AE] =	sst s13;
	s4 =	simm.s32 $0x1  }
0xc8: {  	(v2sf) =	vpush v49, $0xF;
	p0 =	por !p1, !p0;
	p4 =	sne.s32 s10, s12;
	s17 =	sshra.s32 s15, $0x1F  }
0xc9: {  	p1 =	por p6, p5;
	p0 =	por !p0, !p0;
	s2 =	sshrl.u32 s17, $0x1D  }
0xca: {  	v48 =	vsel vm8, $0x0, v30;
	p5 =	sgt.s32 s13, $0xFFFFFFFF;
	s5 =	simm.s32 @!p0 $0x0;
	s2 =	sadd.s32 s2, s15  }
0xcb: {  	v1 =	vxor.u32 $0x80000000, v48;
	p0 =	por !p1, !p4;
	p4 =	slt.s32 s15, $0x1;
	s11 =	sand.u32 $0xFFFFFFF8, s2  }
0xcc: {  	v50 =	vsel vm9, $0x0, v30;
	(xrf0) =	vmax.scan.msk.u32 $0xffff, v1;
	p0 =	por !p0, !p0;
	p3 =	por p5, p4;
	p1 =	sne.s32 s15, s11  }
0xcd: {  	v1 =	vxor.u32 $0x80000000, v50;
	s0 =	ssub.s32 s0, s5;
	s4 =	simm.s32 @!p0 $0x0;
	p2 =	por !p3, !p1  }
0xce: {  	(xrf0) =	vmax.scan.msk.u32 $0xffff, v1;
	[smem:$0x7BC] =	sst s0;
	s0 =	ssub.s32 s14, s4;
	p2 =	por !p2, !p2  }
0xcf: {  	s14 =	sshra.s32 s2, $0x3;
	s3 =	simm.s32 @!p2 $0x0;
	s16 =	spop (v2sf)  }
0xd0: {  	[smem:$0x7BB] =	sst s0;
	s1 =	ssub.s32 s14, s3;
	s18 =	sxor.u32 $0x80000000, s16  }
0xd1: {  	[smem:$0x7AF] =	sst s16;
	s15 =	spop (v2sf);
	p5 =	sgt.s32 s16, $0xFFFFFFFF  }
0xd2: {  	v51, _, _ =	vpop (xrf0);
	[smem:$0x7C3] =	sst s1;
	s10 =	sshra.s32 s18, $0x1F;
	p6 =	slt.s32 s18, $0x1  }
0xd3: {  	(v2sf) =	vpush v51, $0xF;
	s16 =	sxor.u32 $0x80000000, s15;
	[smem:$0x7B0] =	sst s15;
	p3 =	sgt.s32 s15, $0xFFFFFFFF  }
0xd4: {  	v52 =	vsel vm10, $0x0, v30;
	v53, _, _ =	vpop (xrf0);
	s5 =	sshrl.u32 s10, $0x1D;
	p1 =	por p5, p6;
	s17 =	sshra.s32 s16, $0x1F  }
0xd5: {  	v1 =	vxor.u32 $0x80000000, v52;
	(v2sf) =	vpush v53, $0xF;
	p2 =	slt.s32 s16, $0x1;
	s12 =	sadd.s32 s5, s18;
	s4 =	sshrl.u32 s17, $0x1D  }
0xd6: {  	v54 =	vsel vm11, $0x0, v30;
	(xrf0) =	vmax.scan.msk.u32 $0xffff, v1;
	s5 =	simm.s32 $0x1;
	s13 =	sand.u32 $0xFFFFFFF8, s12;
	s4 =	sadd.s32 s4, s16  }
0xd7: {  	v1 =	vxor.u32 $0x80000000, v54;
	s0 =	sshra.s32 s12, $0x3;
	s9 =	spop (v2sf);
	p0 =	sne.s32 s18, s13  }
0xd8: {  	(xrf0) =	vmax.scan.msk.u32 $0xffff, v1;
	s18 =	sand.u32 $0xFFFFFFF8, s4;
	s13 =	sshra.s32 s4, $0x3;
	s14 =	sxor.u32 $0x80000000, s9  }
0xd9: {  	[smem:$0x7B1] =	sst s9;
	p5 =	sgt.s32 s9, $0xFFFFFFFF;
	s4 =	simm.s32 $0x1  }
0xda: {  	s9 =	simm.s32 $0x1;
	p0 =	por !p1, !p0;
	p6 =	sne.s32 s16, s18  }
0xdb: {  	v55 =	vsel vm12, $0x0, v30;
	p1 =	por p3, p2;
	s16 =	sshra.s32 s14, $0x1F;
	p4 =	slt.s32 s14, $0x1  }
0xdc: {  	v1 =	vxor.u32 $0x80000000, v55;
	v56, _, _ =	vpop (xrf0);
	p0 =	por !p0, !p0;
	s2 =	sshrl.u32 s16, $0x1D;
	p2 =	por p5, p4  }
0xdd: {  	(xrf0) =	vmax.scan.msk.u32 $0xffff, v1;
	(v2sf) =	vpush v56, $0xF;
	s5 =	simm.s32 @!p0 $0x0;
	p0 =	por !p1, !p6;
	s18 =	sadd.s32 s2, s14  }
0xde: {  	v57, _, _ =	vpop (xrf0);
	s2 =	simm.s32 $0x1;
	s0 =	ssub.s32 s0, s5;
	s11 =	sand.u32 $0xFFFFFFF8, s18  }
0xdf: {  	(v2sf) =	vpush v57, $0xF;
	p0 =	por !p0, !p0;
	s5 =	simm.s32 $0x1;
	p1 =	sne.s32 s14, s11  }
0xe0: {  	[smem:$0x7D5] =	sst s0;
	s2 =	simm.s32 @!p0 $0x0;
	p1 =	por !p2, !p1  }
0xe1: {  	s14 =	sshra.s32 s18, $0x3;
	s0 =	ssub.s32 s13, s2;
	p1 =	por !p1, !p1  }
0xe2: {  	[smem:$0x7D6] =	sst s0;
	s4 =	simm.s32 @!p1 $0x0;
	s15 =	spop (v2sf)  }
0xe3: {  	v58, _, _ =	vpop (xrf0);
	s18 =	ssub.s32 s14, s4;
	s17 =	sxor.u32 $0x80000000, s15;
	[smem:$0x7B2] =	sst s15  }
0xe4: {  	(v2sf) =	vpush v58, $0xF;
	s30 =	spop (v2sf);
	p5 =	sgt.s32 s15, $0xFFFFFFFF;
	s10 =	sshra.s32 s17, $0x1F  }
0xe5: {  	[smem:$0x7D7] =	sst s18;
	s15 =	sxor.u32 $0x80000000, s30;
	s6 =	sshrl.u32 s10, $0x1D  }
0xe6: {  	v59 =	vsel vm13, $0x0, v30;
	p6 =	slt.s32 s17, $0x1;
	s16 =	sshra.s32 s15, $0x1F;
	s12 =	sadd.s32 s6, s17  }
0xe7: {  	v60 =	vsel vm14, $0x0, v30;
	v1 =	vxor.u32 $0x80000000, v59;
	p3 =	sgt.s32 s30, $0xFFFFFFFF;
	s6 =	sshrl.u32 s16, $0x1D;
	s13 =	sand.u32 $0xFFFFFFF8, s12  }
0xe8: {  	v61 =	vxor.u32 $0x80000000, v60;
	(xrf0) =	vmax.scan.msk.u32 $0xffff, v1;
	p2 =	por p5, p6;
	s6 =	sadd.s32 s6, s15;
	p0 =	sne.s32 s17, s13  }
0xe9: {  	v0 =	vsel vm15, $0x0, v30;
	(xrf0) =	vmax.scan.msk.u32 $0xffff, v61;
	s0 =	sshra.s32 s12, $0x3;
	s17 =	sand.u32 $0xFFFFFFF8, s6;
	p0 =	por !p2, !p0  }
0xea: {  	v0 =	vxor.u32 $0x80000000, v0;
	s1 =	sshra.s32 s6, $0x3;
	p2 =	slt.s32 s15, $0x1;
	p0 =	por !p0, !p0  }
0xeb: {  	(xrf0) =	vmax.scan.msk.u32 $0xffff, v0;
	p6 =	sne.s32 s15, s17;
	p1 =	por p3, p2;
	s9 =	simm.s32 @!p0 $0x0  }
0xec: {  	p0 =	por !p1, !p6;
	s0 =	ssub.s32 s0, s9;
	s9 =	spop (v2sf)  }
0xed: {  	p0 =	por !p0, !p0;
	[smem:$0x79C] =	sst s0;
	s2 =	sxor.u32 $0x80000000, s9  }
0xee: {  	v62, _, _ =	vpop (xrf0);
	s10 =	spop (v2sf);
	p5 =	sgt.s32 s9, $0xFFFFFFFF;
	s3 =	sshra.s32 s2, $0x1F  }
0xef: {  	v1, _, _ =	vpop (xrf0);
	(v2sf) =	vpush v62, $0xF;
	s4 =	sxor.u32 $0x80000000, s10;
	p4 =	slt.s32 s2, $0x1;
	p3 =	sgt.s32 s10, $0xFFFFFFFF  }
0xf0: {  	(v2sf) =	vpush v1, $0xF;
	s6 =	sshrl.u32 s3, $0x1D;
	s14 =	sshra.s32 s4, $0x1F;
	p6 =	slt.s32 s4, $0x1  }
0xf1: {  	v63, _, _ =	vpop (xrf0);
	p2 =	por p5, p4;
	s8 =	sadd.s32 s6, s2;
	s6 =	simm.s32 $0x1  }
0xf2: {  	(v2sf) =	vpush v63, $0xF;
	s11 =	sshrl.u32 s14, $0x1D;
	s14 =	simm.s32 $0x1;
	s6 =	simm.s32 @!p0 $0x0  }
0xf3: {  	s15 =	sand.u32 $0xFFFFFFF8, s8;
	s16 =	sadd.s32 s11, s4;
	s11 =	spop (v2sf)  }
0xf4: {  	s13 =	sshra.s32 s8, $0x3;
	s0 =	ssub.s32 s1, s6;
	p1 =	sne.s32 s2, s15  }
0xf5: {  	s17 =	sand.u32 $0xFFFFFFF8, s16;
	s18 =	sxor.u32 $0x80000000, s11;
	[smem:$0x79D] =	sst s0  }
0xf6: {  	p0 =	sne.s32 s4, s17;
	s1 =	sshra.s32 s18, $0x1F;
	p1 =	por !p2, !p1  }
0xf7: {  	p5 =	slt.s32 s18, $0x1;
	s0 =	sshra.s32 s16, $0x3;
	p1 =	por !p1, !p1  }
0xf8: {  	s12 =	sshrl.u32 s1, $0x1D;
	s14 =	simm.s32 @!p1 $0x0;
	p1 =	por p3, p6  }
0xf9: {  	s12 =	sadd.s32 s12, s18;
	p6 =	sgt.s32 s11, $0xFFFFFFFF;
	p0 =	por !p1, !p0  }
0xfa: {  	s2 =	sand.u32 $0xFFFFFFF8, s12;
	s3 =	ssub.s32 s13, s14;
	p0 =	por !p0, !p0  }
0xfb: {  	p1 =	por p6, p5;
	p2 =	sne.s32 s18, s2;
	s5 =	simm.s32 @!p0 $0x0  }
0xfc: {  	s4 =	sshra.s32 s12, $0x3;
	p4 =	por !p1, !p2;
	s0 =	ssub.s32 s0, s5  }
0xfd: {  	p0 =	por !p4, !p4;
	[smem:$0x79F] =	sst s0;
	s0 =	simm.s32 $0x1  }
0xfe: {  	[smem:$0x79E] =	sst s3;
	s0 =	simm.s32 @!p0 $0x0;
	s31 =	spop (v2sf)  }
0xff: {  	s0 =	ssub.s32 s4, s0;
	s13 =	spop (v2sf);
	s5 =	sxor.u32 $0x80000000, s31  }
0x100: {  	p5 =	sgt.s32 s31, $0xFFFFFFFF;
	[smem:$0x7A0] =	sst s0;
	s15 =	sxor.u32 $0x80000000, s13  }
0x101: {  	s14 =	spop (v2sf);
	s6 =	sshra.s32 s5, $0x1F;
	p2 =	slt.s32 s5, $0x1  }
0x102: {  	s0 =	simm.s32 $0x1;
	s12 =	sshrl.u32 s6, $0x1D;
	s8 =	sxor.u32 $0x80000000, s14  }
0x103: {  	s18 =	sshra.s32 s15, $0x1F;
	p3 =	slt.s32 s15, $0x1;
	p2 =	por p5, p2  }
0x104: {  	p5 =	sgt.s32 s13, $0xFFFFFFFF;
	s12 =	sadd.s32 s12, s5;
	s16 =	sshrl.u32 s18, $0x1D  }
0x105: {  	s1 =	sshra.s32 s8, $0x1F;
	p6 =	slt.s32 s8, $0x1;
	s18 =	sld [smem:$0x7A6]  }
0x106: {  	s16 =	sadd.s32 s16, s15;
	s17 =	sshrl.u32 s1, $0x1D;
	s2 =	sand.u32 $0xFFFFFFF8, s12  }
0x107: {  	s6 =	sshra.s32 s12, $0x3;
	s12 =	sld [smem:$0x7A2];
	s1 =	sshll.u32 s25, $0xD  }
0x108: {  	s25 =	sld [smem:$0x7A7];
	p1 =	sne.s32 s5, s2;
	s3 =	sand.u32 $0xFFFFFFF8, s16  }
0x109: {  	s17 =	sadd.s32 s17, s8;
	s5 =	sld [smem:$0x7AE];
	p0 =	sne.s32 s15, s3  }
0x10a: {  	s4 =	sand.u32 $0xFFFFFFF8, s17;
	p1 =	por !p2, !p1;
	p2 =	por p5, p3  }
0x10b: {  	p5 =	sgt.s32 s14, $0xFFFFFFFF;
	s15 =	simm.s32 $0x1;
	p4 =	sne.s32 s8, s4  }
0x10c: {  	p3 =	por p5, p6;
	p1 =	por !p1, !p1;
	s5 =	sshll.u32 s5, $0xD  }
0x10d: {  	p0 =	por !p2, !p0;
	s0 =	simm.s32 @!p1 $0x0;
	[smem:$0x7CA] =	sst s5  }
0x10e: {  	p0 =	por !p0, !p0;
	s0 =	ssub.s32 s6, s0;
	s5 =	sld [smem:$0x7AF]  }
0x10f: {  	s8 =	sshra.s32 s16, $0x3;
	s15 =	simm.s32 @!p0 $0x0;
	[smem:$0x7A1] =	sst s0  }
0x110: {  	p6 =	por !p3, !p4;
	s28 =	ssub.s32 s8, s15;
	s15 =	sld [smem:$0x7A3]  }
0x111: {  	s0 =	sshll.u32 s22, $0xD;
	s22 =	sshll.u32 s23, $0xD;
	s8 =	sld [smem:$0x7A8]  }
0x112: {  	s23 =	sshll.u32 s12, $0xD;
	s12 =	sld [smem:$0x7A9];
	s5 =	sshll.u32 s5, $0xD  }
0x113: {  	s16 =	simm.s32 $0x1;
	p1 =	por !p6, !p6;
	[smem:$0x7CB] =	sst s5  }
0x114: {  	s17 =	sshra.s32 s17, $0x3;
	s16 =	simm.s32 @!p1 $0x0;
	s5 =	sld [smem:$0x7B0]  }
0x115: {  	s21 =	sshll.u32 s21, $0xD;
	s29 =	ssub.s32 s17, s16;
	s16 =	sld [smem:$0x7A4]  }
0x116: {  	s21 =	sadd.s32 $0x10000, s21;
	s24 =	sshll.u32 s24, $0xD;
	s17 =	sld [smem:$0x7A5]  }
0x117: {  	s2 =	sshll.u32 s15, $0xD;
	s15 =	sld [smem:$0x7AA];
	s5 =	sshll.u32 s5, $0xD  }
0x118: {  	s26 =	sshll.u32 s26, $0xD;
	s10 =	sshll.u32 s10, $0xD;
	[smem:$0x7CC] =	sst s5  }
0x119: {  	s1 =	sadd.s32 $0x10000, s1;
	s0 =	sadd.s32 $0x10000, s0;
	s5 =	sld [smem:$0x7B1]  }
0x11a: {  	s0 =	sand.u32 $0xE000, s0;
	s4 =	sshll.u32 s16, $0xD;
	s16 =	sld [smem:$0x7AB]  }
0x11b: {  	s0 =	sor.u32 $0x80, s0;
	s3 =	sshll.u32 s17, $0xD;
	s17 =	sld [smem:$0x7AC]  }
0x11c: {  	s23 =	sadd.s32 $0x10000, s23;
	[smem:$0x7B6] =	sst s0;
	s5 =	sshll.u32 s5, $0xD  }
0x11d: {  	s1 =	sand.u32 $0xE000, s1;
	s0 =	sand.u32 $0xE000, s23;
	[smem:$0x7D0] =	sst s5  }
0x11e: {  	s25 =	sshll.u32 s25, $0xD;
	s0 =	sor.u32 $0x80, s0;
	s5 =	sld [smem:$0x7B2]  }
0x11f: {  	s6 =	sshll.u32 s18, $0xD;
	s22 =	sadd.s32 $0x10000, s22;
	[smem:$0x7B8] =	sst s0  }
0x120: {  	s0 =	sor.u32 $0x80, s1;
	s18 =	sshll.u32 s16, $0xD;
	s16 =	sld [smem:$0x7AD]  }
0x121: {  	s8 =	sshll.u32 s8, $0xD;
	[smem:$0x7B9] =	sst s0;
	s5 =	sshll.u32 s5, $0xD  }
0x122: {  	s12 =	sshll.u32 s12, $0xD;
	s2 =	sadd.s32 $0x10000, s2;
	[smem:$0x7D1] =	sst s5  }
0x123: {  	s5 =	sshll.u32 s31, $0xD;
	s31 =	sshll.u32 s13, $0xD;
	s13 =	sshll.u32 s14, $0xD  }
0x124: {  	s14 =	sor.u32 $0x80, s19;
	s19 =	sadd.s32 $0x10000, s4;
	s4 =	sld [smem:$0x7BB]  }
0x125: {  	s15 =	sshll.u32 s15, $0xD;
	[smem:$0x7B3] =	sst s14;
	s14 =	sand.u32 $0xE000, s21  }
0x126: {  	[smem:$0x7DB] =	sst s5;
	s21 =	sand.u32 $0xE000, s22;
	s20 =	sor.u32 $0x80, s14  }
0x127: {  	s22 =	sor.u32 $0x80, s21;
	s21 =	sadd.s32 $0x10000, s6;
	s6 =	rddreg [dreg:$0x4]  }
0x128: {  	s17 =	sshll.u32 s17, $0xD;
	s5 =	sand.u32 $0xE000, s2;
	[smem:$0x7B5] =	sst s20  }
0x129: {  	s16 =	sshll.u32 s16, $0xD;
	s14 =	sor.u32 $0x80, s5;
	[smem:$0x7B7] =	sst s22  }
0x12a: {  	s0 =	sand.u32 $0xE000, s19;
	s2 =	sadd.s32 $0x10000, s25;
	[smem:$0x7BA] =	sst s14  }
0x12b: {  	s0 =	sor.u32 $0x80, s0;
	s20 =	sadd.s32 $0x10000, s3;
	s3 =	sld [smem:$0x7BC]  }
0x12c: {  	s5 =	sadd.s32 $0x10000, s24;
	s24 =	sadd.s32 $0x10000, s15;
	[smem:$0x7BD] =	sst s0  }
0x12d: {  	s23 =	sand.u32 $0xE000, s21;
	s14 =	sadd.s32 $0x10000, s26;
	s19 =	sand.u32 $0xE000, s5  }
0x12e: {  	s26 =	sand.u32 $0xE000, s24;
	s5 =	sadd.s32 $0x10000, s18;
	s18 =	sld [smem:$0x7CA]  }
0x12f: {  	s24 =	sld [smem:$0x7D0];
	s22 =	sand.u32 $0xE000, s20;
	s1 =	sor.u32 $0x80, s23  }
0x130: {  	s20 =	sand.u32 $0xE000, s14;
	s23 =	sadd.s32 $0x10000, s12;
	[smem:$0x7BF] =	sst s1  }
0x131: {  	s0 =	sor.u32 $0x80, s22;
	s22 =	sadd.s32 $0x10000, s8;
	s8 =	sld [smem:$0x7C3]  }
0x132: {  	s14 =	sadd.s32 $0x10000, s16;
	s21 =	sor.u32 $0x80, s20;
	s20 =	sld [smem:$0x7CC]  }
0x133: {  	s12 =	sadd.s32 $0x10000, s17;
	s16 =	sand.u32 $0xE000, s14;
	[smem:$0x7BE] =	sst s0  }
0x134: {  	s0 =	sand.u32 $0xE000, s2;
	[smem:$0x7C2] =	sst s21;
	s2 =	sor.u32 $0x80, s26  }
0x135: {  	s17 =	sor.u32 $0x80, s16;
	s16 =	sadd.s32 $0x10000, s10;
	s10 =	sld [smem:$0x7D6]  }
0x136: {  	[smem:$0x7C6] =	sst s2  }
0x137: {  	s30 =	sshll.u32 s30, $0xD;
	s11 =	sshll.u32 s11, $0xD;
	[smem:$0x7C9] =	sst s17  }
0x138: {  	s0 =	sor.u32 $0x80, s0;
	s17 =	sadd.s32 $0x10000, s11;
	s11 =	sld [smem:$0x7D7]  }
0x139: {  	s15 =	sand.u32 $0xE000, s12;
	s26 =	sadd.s32 $0x10000, s30;
	[smem:$0x7C0] =	sst s0  }
0x13a: {  	s12 =	sand.u32 $0xE000, s26;
	s0 =	sor.u32 $0x80, s19;
	s19 =	sld [smem:$0x7CB]  }
0x13b: {  	s14 =	sor.u32 $0x80, s12;
	s12 =	sld [smem:$0x7F0]  }
0x13c: {  	[smem:$0x7C1] =	sst s0  }
0x13d: {  	s2 =	sadd.s32 $0x10000, s20;
	[smem:$0x7D4] =	sst s14  }
0x13e: {  	s0 =	sand.u32 $0xE000, s22;
	s22 =	sand.u32 $0xE000, s2;
	s2 =	sld [smem:$0x7DD]  }
0x13f: {  	s25 =	sand.u32 $0xE000, s23;
	s14 =	sld [smem:$0x7EE];
	s0 =	sor.u32 $0x80, s0  }
0x140: {  	s23 =	sor.u32 $0x80, s22;
	s22 =	sadd.s32 $0x10000, s31;
	s31 =	sld [smem:$0x7E1]  }
0x141: {  	[smem:$0x7C4] =	sst s0  }
0x142: {  	[smem:$0x7CF] =	sst s23  }
0x143: {  	s0 =	sor.u32 $0x80, s25;
	s25 =	sld [smem:$0x7D1]  }
0x144: {  	s1 =	sadd.s32 $0x10000, s19;
	s19 =	sand.u32 $0xE000, s17;
	s17 =	sld [smem:$0x7EB]  }
0x145: {  	s23 =	sadd.s32 $0x10000, s13;
	s13 =	sld [smem:$0x7EF]  }
0x146: {  	[smem:$0x7C5] =	sst s0  }
0x147: {  	s20 =	sor.u32 $0x80, s19;
	s19 =	sld [smem:$0x7E9]  }
0x148: {  	s0 =	sand.u32 $0xE000, s5;
	[smem:$0x7DA] =	sst s20  }
0x149: {  	s0 =	sor.u32 $0x80, s0;
	s20 =	sld [smem:$0x7E8]  }
0x14a: {  	s9 =	sshll.u32 s9, $0xD;
	s21 =	sand.u32 $0xE000, s1;
	[smem:$0x7C7] =	sst s0  }
0x14b: {  	s0 =	sor.u32 $0x80, s15;
	s15 =	sadd.s32 $0x10000, s9;
	s9 =	sld [smem:$0x7D5]  }
0x14c: {  	s1 =	sadd.s32 $0x10000, s25;
	s25 =	sand.u32 $0xE000, s23;
	s23 =	sld [smem:$0x7E5]  }
0x14d: {  	[smem:$0x7C8] =	sst s0  }
0x14e: {  	s5 =	sand.u32 $0xE000, s1;
	s1 =	sld [smem:$0x7E0]  }
0x14f: {  	s26 =	sor.u32 $0x80, s25;
	s25 =	sld [smem:$0x7E3]  }
0x150: {  	s0 =	sadd.s32 $0x10000, s18;
	s18 =	sand.u32 $0xE000, s16;
	s16 =	sld [smem:$0x7EC]  }
0x151: {  	s0 =	sand.u32 $0xE000, s0;
	[smem:$0x7DF] =	sst s26  }
0x152: {  	s26 =	sld [smem:$0x7E2];
	s0 =	sor.u32 $0x80, s0  }
0x153: {  	[smem:$0x7CD] =	sst s0;
	s0 =	sor.u32 $0x80, s21  }
0x154: {  	[smem:$0x7CE] =	sst s0;
	s0 =	sadd.s32 $0x10000, s24  }
0x155: {  	s21 =	sld [smem:$0x7DB];
	s0 =	sand.u32 $0xE000, s0  }
0x156: {  	s24 =	sand.u32 $0xE000, s22;
	s22 =	sld [smem:$0x7E6];
	s0 =	sor.u32 $0x80, s0  }
0x157: {  	[smem:$0x7D2] =	sst s0;
	s0 =	sor.u32 $0x80, s5  }
0x158: {  	[smem:$0x7D3] =	sst s0;
	s0 =	sand.u32 $0xE000, s15  }
0x159: {  	s15 =	sld [smem:$0x7ED];
	s0 =	sor.u32 $0x80, s0  }
0x15a: {  	[smem:$0x7D8] =	sst s0;
	s0 =	sor.u32 $0x80, s18  }
0x15b: {  	[smem:$0x7D9] =	sst s0;
	s0 =	sadd.s32 $0x10000, s21  }
0x15c: {  	s18 =	sld [smem:$0x7EA];
	s0 =	sand.u32 $0xE000, s0  }
0x15d: {  	s21 =	sld [smem:$0x7E7];
	s0 =	sor.u32 $0x80, s0  }
0x15e: {  	[smem:$0x7DC] =	sst s0  }
0x15f: {  	s0 =	sor.u32 $0x80, s24;
	s24 =	sld [smem:$0x7E4]  }
0x160: {  	s30 =	simm.s32 $0x0;
	[smem:$0x7DE] =	sst s0  }
.LBB2_2:
0x161: {  	s0 =	sshll.u32 s30, $0x5  }
0x162: {  	s0 =	sor.u32 s6, s0  }
0x163: {  	p4 =	seq.s32 s12, s7;
	p2 =	slt.u32 s0, $0x3FC  }
0x164: {  	p4 =	por !p4, !p2  }
0x165: {  	p6 =	seq.s32 s15, s7;
	s5 =	simm.s32 @!p4 $0x0  }
0x166: {  	s5 =	simm.s32 @p4 $0x1;
	p4 =	por !p6, !p2  }
0x167: {  	p5 =	seq.s32 s17, s7;
	[smem:$0x79A] =	sst s5;
	s5 =	simm.s32 @!p4 $0x0  }
0x168: {  	s5 =	simm.s32 @p4 $0x1;
	p4 =	por !p5, !p2  }
0x169: {  	p3 =	seq.s32 s19, s7;
	[smem:$0x799] =	sst s5;
	s5 =	simm.s32 @!p4 $0x0  }
0x16a: {  	p3 =	por !p3, !p2;
	s5 =	simm.s32 @p4 $0x1  }
0x16b: {  	p1 =	seq.s32 s21, s7;
	[smem:$0x797] =	sst s5;
	s5 =	simm.s32 @!p3 $0x0  }
0x16c: {  	p1 =	por !p1, !p2;
	s5 =	simm.s32 @p3 $0x1  }
0x16d: {  	p6 =	seq.s32 s23, s7;
	[smem:$0x794] =	sst s5;
	s5 =	simm.s32 @!p1 $0x0  }
0x16e: {  	p3 =	por !p6, !p2;
	s5 =	simm.s32 @p1 $0x1  }
0x16f: {  	p5 =	seq.s32 s25, s7;
	[smem:$0x791] =	sst s5;
	s5 =	simm.s32 @!p3 $0x0  }
0x170: {  	p1 =	por !p5, !p2;
	s5 =	simm.s32 @p3 $0x1  }
0x171: {  	p0 =	seq.s32 s31, s7;
	[smem:$0x78E] =	sst s5;
	s5 =	simm.s32 @!p1 $0x0  }
0x172: {  	p0 =	por !p0, !p2;
	s5 =	simm.s32 @p1 $0x1  }
0x173: {  	p6 =	seq.s32 s2, s7;
	[smem:$0x78B] =	sst s5;
	s5 =	simm.s32 @!p0 $0x0  }
0x174: {  	p3 =	por !p6, !p2;
	s5 =	simm.s32 @p0 $0x1  }
0x175: {  	p5 =	seq.s32 s4, s7;
	[smem:$0x788] =	sst s5;
	s5 =	simm.s32 @!p3 $0x0  }
0x176: {  	p1 =	por !p5, !p2;
	s5 =	simm.s32 @p3 $0x1  }
0x177: {  	p4 =	seq.s32 s9, s7;
	[smem:$0x785] =	sst s5;
	s5 =	simm.s32 @!p1 $0x0  }
0x178: {  	p0 =	por !p4, !p2;
	s5 =	simm.s32 @p1 $0x1  }
0x179: {  	[smem:$0x782] =	sst s5;
	s5 =	simm.s32 @!p0 $0x0  }
0x17a: {  	s5 =	simm.s32 @p0 $0x1  }
0x17b: {  	[smem:$0x77F] =	sst s5  }
0x17c: {  	s5 =	sld [smem:$0x79F];
	_ =	sdelay $0x2  }
0x17d: {  	p4 =	seq.s32 s5, s7;
	s5 =	sld [smem:$0x79D]  }
0x17e: {  	p6 =	seq.s32 s11, s7  }
0x17f: {  	p3 =	por !p6, !p2  }
0x180: {  	p5 =	seq.s32 s5, s7;
	s5 =	simm.s32 @!p3 $0x0  }
0x181: {  	s5 =	simm.s32 @p3 $0x1  }
0x182: {  	[smem:$0x77C] =	sst s5  }
0x183: {  	s5 =	sld [smem:$0x7A1];
	_ =	sdelay $0x2  }
0x184: {  	p0 =	seq.s32 s28, s7;
	p3 =	seq.s32 s5, s7;
	s5 =	sld [smem:$0x7A0]  }
0x185: {  	p1 =	seq.s32 s29, s7;
	p0 =	por !p0, !p2  }
0x186: {  	p6 =	por !p3, !p2;
	p3 =	por !p1, !p2;
	p1 =	por !p0, !p0  }
0x187: {  	p0 =	seq.s32 s5, s7;
	s5 =	simm.s32 @!p1 $0x0  }
0x188: {  	p3 =	por !p3, !p3;
	s5 =	simm.s32 @p1 $0x1  }
0x189: {  	[smem:$0x775] =	sst s5;
	s5 =	simm.s32 @!p3 $0x0  }
0x18a: {  	p6 =	por !p6, !p6;
	s5 =	simm.s32 @p3 $0x1  }
0x18b: {  	[smem:$0x776] =	sst s5;
	s5 =	simm.s32 @!p6 $0x0  }
0x18c: {  	s5 =	simm.s32 @p6 $0x1  }
0x18d: {  	[smem:$0x777] =	sst s5  }
0x18e: {  	s5 =	sld [smem:$0x79E]  }
0x18f: {  	p0 =	por !p0, !p2  }
0x190: {  	p4 =	por !p4, !p2;
	p1 =	por p3, p1;
	p3 =	por !p0, !p0  }
0x191: {  	p0 =	por p1, p6;
	p6 =	seq.s32 s5, s7;
	s5 =	simm.s32 @!p3 $0x0  }
0x192: {  	p4 =	por !p4, !p4;
	s5 =	simm.s32 @p3 $0x1  }
0x193: {  	[smem:$0x778] =	sst s5;
	s5 =	simm.s32 @!p4 $0x0  }
0x194: {  	s5 =	simm.s32 @p4 $0x1  }
0x195: {  	[smem:$0x779] =	sst s5  }
0x196: {  	s5 =	sld [smem:$0x79C]  }
0x197: {  	p1 =	por !p6, !p2  }
0x198: {  	p5 =	por !p5, !p2;
	p0 =	por p0, p3;
	p3 =	por !p1, !p1  }
0x199: {  	p0 =	por p0, p4;
	p4 =	seq.s32 s5, s7;
	s5 =	simm.s32 @!p3 $0x0  }
0x19a: {  	p1 =	por !p4, !p2;
	p4 =	por !p5, !p5;
	s5 =	simm.s32 @p3 $0x1  }
0x19b: {  	[smem:$0x77A] =	sst s5;
	s5 =	simm.s32 @!p4 $0x0  }
0x19c: {  	s5 =	simm.s32 @p4 $0x1  }
0x19d: {  	[smem:$0x77B] =	sst s5  }
0x19e: {  	s5 =	sld [smem:$0x77C];
	_ =	sdelay $0x1  }
0x19f: {  	p0 =	por p0, p3;
	p3 =	por !p1, !p1  }
0x1a0: {  	p6 =	seq.s32 s5, $0x1;
	s5 =	simm.s32 @!p3 $0x0  }
0x1a1: {  	p0 =	por p0, p4;
	p4 =	por !p6, !p6;
	s5 =	simm.s32 @p3 $0x1  }
0x1a2: {  	[smem:$0x77D] =	sst s5;
	s5 =	simm.s32 @!p4 $0x0  }
0x1a3: {  	s5 =	simm.s32 @p4 $0x1  }
0x1a4: {  	[smem:$0x77E] =	sst s5  }
0x1a5: {  	p5 =	seq.s32 s10, s7;
	s5 =	sld [smem:$0x77F]  }
0x1a6: {  	p1 =	por !p5, !p2  }
0x1a7: {  	p0 =	por p0, p3;
	p3 =	por !p1, !p1  }
0x1a8: {  	p6 =	seq.s32 s5, $0x1;
	s5 =	simm.s32 @!p3 $0x0  }
0x1a9: {  	p0 =	por p0, p4;
	p4 =	por !p6, !p6;
	s5 =	simm.s32 @p3 $0x1  }
0x1aa: {  	[smem:$0x780] =	sst s5;
	s5 =	simm.s32 @!p4 $0x0  }
0x1ab: {  	s5 =	simm.s32 @p4 $0x1  }
0x1ac: {  	[smem:$0x781] =	sst s5  }
0x1ad: {  	p5 =	seq.s32 s8, s7;
	s5 =	sld [smem:$0x782]  }
0x1ae: {  	p1 =	por !p5, !p2  }
0x1af: {  	p0 =	por p0, p3;
	p3 =	por !p1, !p1  }
0x1b0: {  	p6 =	seq.s32 s5, $0x1;
	s5 =	simm.s32 @!p3 $0x0  }
0x1b1: {  	p0 =	por p0, p4;
	p4 =	por !p6, !p6;
	s5 =	simm.s32 @p3 $0x1  }
0x1b2: {  	[smem:$0x783] =	sst s5;
	s5 =	simm.s32 @!p4 $0x0  }
0x1b3: {  	s5 =	simm.s32 @p4 $0x1  }
0x1b4: {  	[smem:$0x784] =	sst s5  }
0x1b5: {  	p5 =	seq.s32 s3, s7;
	s5 =	sld [smem:$0x785]  }
0x1b6: {  	p1 =	por !p5, !p2  }
0x1b7: {  	p0 =	por p0, p3;
	p3 =	por !p1, !p1  }
0x1b8: {  	p6 =	seq.s32 s5, $0x1;
	s5 =	simm.s32 @!p3 $0x0  }
0x1b9: {  	p0 =	por p0, p4;
	p4 =	por !p6, !p6;
	s5 =	simm.s32 @p3 $0x1  }
0x1ba: {  	[smem:$0x786] =	sst s5;
	s5 =	simm.s32 @!p4 $0x0  }
0x1bb: {  	s5 =	simm.s32 @p4 $0x1  }
0x1bc: {  	[smem:$0x787] =	sst s5  }
0x1bd: {  	p5 =	seq.s32 s1, s7;
	s5 =	sld [smem:$0x788]  }
0x1be: {  	p1 =	por !p5, !p2  }
0x1bf: {  	p5 =	por !p1, !p1;
	p0 =	por p0, p3;
	p3 =	seq.s32 s26, s7  }
0x1c0: {  	p0 =	por p0, p4;
	p4 =	seq.s32 s5, $0x1;
	s5 =	simm.s32 @!p5 $0x0  }
0x1c1: {  	p1 =	por !p3, !p2;
	p3 =	por !p4, !p4;
	s5 =	simm.s32 @p5 $0x1  }
0x1c2: {  	[smem:$0x789] =	sst s5;
	s5 =	simm.s32 @!p3 $0x0  }
0x1c3: {  	s5 =	simm.s32 @p3 $0x1  }
0x1c4: {  	[smem:$0x78A] =	sst s5  }
0x1c5: {  	s5 =	sld [smem:$0x78B];
	_ =	sdelay $0x1  }
0x1c6: {  	p4 =	por !p1, !p1  }
0x1c7: {  	p0 =	por p0, p5;
	p6 =	seq.s32 s5, $0x1;
	s5 =	simm.s32 @!p4 $0x0  }
0x1c8: {  	p0 =	por p0, p3;
	p3 =	por !p6, !p6;
	s5 =	simm.s32 @p4 $0x1  }
0x1c9: {  	[smem:$0x78C] =	sst s5;
	s5 =	simm.s32 @!p3 $0x0  }
0x1ca: {  	s5 =	simm.s32 @p3 $0x1  }
0x1cb: {  	[smem:$0x78D] =	sst s5  }
0x1cc: {  	p5 =	seq.s32 s24, s7;
	s5 =	sld [smem:$0x78E]  }
0x1cd: {  	p1 =	por !p5, !p2  }
0x1ce: {  	p0 =	por p0, p4;
	p4 =	por !p1, !p1  }
0x1cf: {  	p6 =	seq.s32 s5, $0x1;
	s5 =	simm.s32 @!p4 $0x0  }
0x1d0: {  	p0 =	por p0, p3;
	p3 =	por !p6, !p6;
	s5 =	simm.s32 @p4 $0x1  }
0x1d1: {  	[smem:$0x78F] =	sst s5;
	s5 =	simm.s32 @!p3 $0x0  }
0x1d2: {  	s5 =	simm.s32 @p3 $0x1  }
0x1d3: {  	[smem:$0x790] =	sst s5  }
0x1d4: {  	p5 =	seq.s32 s22, s7;
	s5 =	sld [smem:$0x791]  }
0x1d5: {  	p1 =	por !p5, !p2  }
0x1d6: {  	p0 =	por p0, p4;
	p4 =	por !p1, !p1  }
0x1d7: {  	p6 =	seq.s32 s5, $0x1;
	s5 =	simm.s32 @!p4 $0x0  }
0x1d8: {  	p0 =	por p0, p3;
	p3 =	por !p6, !p6;
	s5 =	simm.s32 @p4 $0x1  }
0x1d9: {  	[smem:$0x792] =	sst s5;
	s5 =	simm.s32 @!p3 $0x0  }
0x1da: {  	s5 =	simm.s32 @p3 $0x1  }
0x1db: {  	[smem:$0x793] =	sst s5  }
0x1dc: {  	p5 =	seq.s32 s20, s7;
	s5 =	sld [smem:$0x794]  }
0x1dd: {  	p1 =	por !p5, !p2  }
0x1de: {  	p0 =	por p0, p4;
	p4 =	por !p1, !p1  }
0x1df: {  	p6 =	seq.s32 s5, $0x1;
	s5 =	simm.s32 @!p4 $0x0  }
0x1e0: {  	p0 =	por p0, p3;
	p3 =	por !p6, !p6;
	s5 =	simm.s32 @p4 $0x1  }
0x1e1: {  	[smem:$0x795] =	sst s5;
	s5 =	simm.s32 @!p3 $0x0  }
0x1e2: {  	s5 =	simm.s32 @p3 $0x1  }
0x1e3: {  	[smem:$0x796] =	sst s5  }
0x1e4: {  	p5 =	seq.s32 s18, s7;
	s5 =	sld [smem:$0x797]  }
0x1e5: {  	p1 =	por !p5, !p2  }
0x1e6: {  	p0 =	por p0, p4;
	p4 =	por !p1, !p1  }
0x1e7: {  	p6 =	seq.s32 s5, $0x1;
	s5 =	simm.s32 @!p4 $0x0  }
0x1e8: {  	s5 =	simm.s32 @p4 $0x1  }
0x1e9: {  	[smem:$0x798] =	sst s5  }
0x1ea: {  	p5 =	seq.s32 s16, s7;
	s5 =	sld [smem:$0x799]  }
0x1eb: {  	p1 =	por !p5, !p2;
	p0 =	por p0, p3  }
0x1ec: {  	p5 =	por !p1, !p1;
	p0 =	por p0, p4;
	p3 =	seq.s32 s14, s7  }
0x1ed: {  	p6 =	por !p6, !p6;
	p4 =	seq.s32 s5, $0x1;
	s5 =	sld [smem:$0x79A]  }
0x1ee: {  	p3 =	por !p3, !p2;
	p1 =	por p0, p6;
	p0 =	por !p4, !p4  }
0x1ef: {  	p4 =	por p1, p5;
	p1 =	por !p3, !p3;
	p3 =	seq.s32 s13, s7  }
0x1f0: {  	p4 =	por p4, p0;
	p2 =	por !p3, !p2;
	p3 =	seq.s32 s5, $0x1  }
0x1f1: {  	p4 =	por p4, p1;
	p3 =	por !p3, !p3  }
0x1f2: {  	p2 =	por !p2, !p2;
	p4 =	por p4, p3  }
0x1f3: {  	p4 =	por p4, p2  }
.Ltmp2:
0x1f4: {  	_ = 	snop;
	(pc) =	sbr.rel @p4 .LBB2_3-.Ltmp2, $1  }
0x1f5: {  	_ =	sdelay $0x3  }
.LBB2_20:
0x1f6: {  	s30 =	sadd.s32 $0x1, s30  }
0x1f7: {  	p0 =	sne.s32 s30, $0x20  }
.Ltmp3:
0x1f8: {  	_ = 	snop;
	(pc) =	sbr.rel @p0 .LBB2_2-.Ltmp3, $4  }
.Ltmp4:
0x1f9: {  	_ = 	snop;
	(pc) =	sbr.rel @!p0 .LBB2_21-.Ltmp4, $4  }
0x1fa: {  	_ = 	snop  }
0x1fb: {  	_ = 	snop  }
0x1fc: {  	_ = 	snop  }
0x1fd: {  	_ = 	snop  }
.LBB2_3:
0x1fe: {  	s5 =	sshrl.u32 s0, $0x2  }
0x1ff: {  	s1 =	rddreg [dreg:$0x5];
	s0 =	sshll.u32 s5, $0xF  }
0x200: {  	s2 =	rddreg [dreg:$0x0];
	s3 =	simm.s32 $0x80;
	s1 =	sor.u32 s1, s0  }
0x201: {  	s6 =	simm.s32 $0x0;
	s31 =	smov.u32 s1;
	s1 =	sadd.s32 s2, s1  }
0x202: {  	[tilespmem:s3], [sflag:$0x1] =	stream.linear.gather [hbm4b:s1+s6], $0x80, $0x38;
	[tilespmem:$0x10080] =	vst v63  }
0x203: {  	s2 =	simm.s32 $0x2080;
	s4 =	sadd.s32 $0x10, s1  }
0x204: {  	[tilespmem:s2], [sflag:$0x1] =	stream.linear.gather [hbm4b:s4+s6], $0x80, $0x38;
	[tilespmem:$0x10080] =	vst v63  }
0x205: {  	s9 =	simm.s32 $0x4080;
	s8 =	sadd.s32 $0x20, s1  }
0x206: {  	[tilespmem:s9], [sflag:$0x1] =	stream.linear.gather [hbm4b:s8+s6], $0x80, $0x38;
	[tilespmem:$0x10080] =	vst v63  }
0x207: {  	s11 =	simm.s32 $0x6080;
	s10 =	sadd.s32 $0x30, s1  }
0x208: {  	[tilespmem:s11], [sflag:$0x1] =	stream.linear.gather [hbm4b:s10+s6], $0x80, $0x38;
	[tilespmem:$0x10080] =	vst v63  }
0x209: {  	p4 =	por p5, p5;
	s3 =	sadd.s32 $0x40, s1;
	s4 =	simm.s32 $0x8080  }
0x20a: {  	[tilespmem:s4], [sflag:$0x1] =	stream.linear.gather [hbm4b:s3+s6], $0x80, $0x38;
	[tilespmem:$0x10080] =	vst v63  }
0x20b: {  	s0 =	simm.s32 $0x400;
	s8 =	sadd.s32 $0x50, s1;
	s9 =	simm.s32 $0xA080  }
0x20c: {  	[tilespmem:s9], [sflag:$0x1] =	stream.linear.gather [hbm4b:s8+s6], $0x80, $0x38;
	[tilespmem:$0x10080] =	vst v63  }
0x20d: {  	s10 =	sadd.s32 $0x60, s1;
	s11 =	simm.s32 $0xC080;
	s9 =	simm.s32 $0x2000  }
0x20e: {  	[tilespmem:s11], [sflag:$0x1] =	stream.linear.gather [hbm4b:s10+s6], $0x80, $0x38;
	[tilespmem:$0x10080] =	vst v63  }
0x20f: {  	s8 =	sadd.s32 $0x80, s1;
	s10 =	sadd.s32 $0x70, s1;
	s11 =	simm.s32 $0xE080  }
.LBB2_4:
0x210: {  	[tilespmem:s11], [sflag:$0x1] =	stream.linear.gather [hbm4b:s10+s6], $0x80, $0x38;
	[tilespmem:$0x10080] =	vst v63  }
0x211: {  	s1 =	smov.u32 s0;
	s0 =	smov.u32 s9  }
0x212: {  	s2 =	sadd.s32 $0x1000, s9;
	s0 =	sshra.s32 s0, $0x2;
	s3 =	sadd.s32 $0x80, s1  }
0x213: {  	[tilespmem:s3], [sflag:$0x1] =	stream.linear.gather [hbm4b:s8+s6], $0x80, $0x38;
	[tilespmem:$0x10080] =	vst v63  }
0x214: {  	p5 =	sne.s32 s9, $0x7000;
	s4 =	sadd.s32 $0x2080, s1;
	s3 =	sadd.s32 $0x10, s8  }
0x215: {  	[tilespmem:s4], [sflag:$0x1] =	stream.linear.gather [hbm4b:s3+s6], $0x80, $0x38;
	[tilespmem:$0x10080] =	vst v63  }
0x216: {  	s3 =	sadd.s32 $0x20, s8;
	s4 =	sadd.s32 $0x4080, s1  }
0x217: {  	[tilespmem:s4], [sflag:$0x1] =	stream.linear.gather [hbm4b:s3+s6], $0x80, $0x38;
	[tilespmem:$0x10080] =	vst v63  }
0x218: {  	s3 =	sadd.s32 $0x30, s8;
	s4 =	sadd.s32 $0x6080, s1  }
0x219: {  	[tilespmem:s4], [sflag:$0x1] =	stream.linear.gather [hbm4b:s3+s6], $0x80, $0x38;
	[tilespmem:$0x10080] =	vst v63  }
0x21a: {  	s3 =	sadd.s32 $0x40, s8;
	s4 =	sadd.s32 $0x8080, s1  }
0x21b: {  	[tilespmem:s4], [sflag:$0x1] =	stream.linear.gather [hbm4b:s3+s6], $0x80, $0x38;
	[tilespmem:$0x10080] =	vst v63  }
.Ltmp5:
0x21c: {  	s3 =	sadd.s32 $0x50, s8;
	s4 =	sadd.s32 $0xA080, s1;
	(pc) =	sbr.rel @p5 .LBB2_4-.Ltmp5, $4  }
0x21d: {  	[tilespmem:s4], [sflag:$0x1] =	stream.linear.gather [hbm4b:s3+s6], $0x80, $0x38;
	[tilespmem:$0x10080] =	vst v63  }
0x21e: {  	s10 =	sadd.s32 $0x70, s8;
	s3 =	sadd.s32 $0x60, s8;
	s4 =	sadd.s32 $0xC080, s1  }
0x21f: {  	[tilespmem:s4], [sflag:$0x1] =	stream.linear.gather [hbm4b:s3+s6], $0x80, $0x38;
	[tilespmem:$0x10080] =	vst v63  }
0x220: {  	s11 =	sadd.s32 $0xE080, s1;
	s9 =	smov.u32 s2;
	s8 =	sadd.s32 $0x80, s8  }
0x221: {  	[tilespmem:s11], [sflag:$0x1] =	stream.linear.gather [hbm4b:s10+s6], $0x80, $0x38;
	[tilespmem:$0x10080] =	vst v63  }
0x222: {  	s1 =	sadd.s32 $0x80, s0  }
0x223: {  	[tilespmem:s1], [sflag:$0x1] =	stream.linear.gather [hbm4b:s8+s6], $0x80, $0x38;
	[tilespmem:$0x10080] =	vst v63  }
0x224: {  	s11 =	sadd.s32 $0x10, s8;
	s2 =	sadd.s32 $0x2080, s0  }
0x225: {  	[tilespmem:s2], [sflag:$0x1] =	stream.linear.gather [hbm4b:s11+s6], $0x80, $0x38;
	[tilespmem:$0x10080] =	vst v63  }
0x226: {  	s3 =	sadd.s32 $0x4080, s0;
	s2 =	sadd.s32 $0x20, s8  }
0x227: {  	[tilespmem:s3], [sflag:$0x1] =	stream.linear.gather [hbm4b:s2+s6], $0x80, $0x38;
	[tilespmem:$0x10080] =	vst v63  }
0x228: {  	s4 =	sadd.s32 $0x30, s8;
	s9 =	sadd.s32 $0x6080, s0  }
0x229: {  	[tilespmem:s9], [sflag:$0x1] =	stream.linear.gather [hbm4b:s4+s6], $0x80, $0x38;
	[tilespmem:$0x10080] =	vst v63  }
0x22a: {  	s10 =	sadd.s32 $0x40, s8;
	s11 =	sadd.s32 $0x8080, s0  }
0x22b: {  	[tilespmem:s11], [sflag:$0x1] =	stream.linear.gather [hbm4b:s10+s6], $0x80, $0x38;
	[tilespmem:$0x10080] =	vst v63  }
0x22c: {  	s2 =	sadd.s32 $0x50, s8;
	s3 =	sadd.s32 $0xA080, s0  }
0x22d: {  	[tilespmem:s3], [sflag:$0x1] =	stream.linear.gather [hbm4b:s2+s6], $0x80, $0x38;
	[tilespmem:$0x10080] =	vst v63  }
0x22e: {  	s4 =	sadd.s32 $0x60, s8;
	s9 =	sadd.s32 $0xC080, s0  }
0x22f: {  	[tilespmem:s9], [sflag:$0x1] =	stream.linear.gather [hbm4b:s4+s6], $0x80, $0x38;
	[tilespmem:$0x10080] =	vst v63  }
0x230: {  	s1 =	rddreg [dreg:$0x6];
	s10 =	sadd.s32 $0x70, s8;
	s11 =	sadd.s32 $0xE080, s0  }
0x231: {  	[tilespmem:s11], [sflag:$0x1] =	stream.linear.gather [hbm4b:s10+s6], $0x80, $0x38;
	[tilespmem:$0x10080] =	vst v63  }
0x232: {  	s1 =	sadd.s32 s31, s1;
	s2 =	simm.s32 $0x100  }
0x233: {  	[tilespmem:s2], [sflag:$0x1] =	stream.linear.gather [hbm4b:s1+s6], $0x80, $0x38;
	[tilespmem:$0x10080] =	vst v63  }
0x234: {  	s3 =	sadd.s32 $0x10, s1;
	s4 =	simm.s32 $0x2100  }
0x235: {  	[tilespmem:s4], [sflag:$0x1] =	stream.linear.gather [hbm4b:s3+s6], $0x80, $0x38;
	[tilespmem:$0x10080] =	vst v63  }
0x236: {  	s8 =	sadd.s32 $0x20, s1;
	s9 =	simm.s32 $0x4100  }
0x237: {  	[tilespmem:s9], [sflag:$0x1] =	stream.linear.gather [hbm4b:s8+s6], $0x80, $0x38;
	[tilespmem:$0x10080] =	vst v63  }
0x238: {  	s10 =	sadd.s32 $0x30, s1;
	s11 =	simm.s32 $0x6100  }
0x239: {  	[tilespmem:s11], [sflag:$0x1] =	stream.linear.gather [hbm4b:s10+s6], $0x80, $0x38;
	[tilespmem:$0x10080] =	vst v63  }
0x23a: {  	s3 =	sadd.s32 $0x40, s1;
	s4 =	simm.s32 $0x8100  }
0x23b: {  	[tilespmem:s4], [sflag:$0x1] =	stream.linear.gather [hbm4b:s3+s6], $0x80, $0x38;
	[tilespmem:$0x10080] =	vst v63  }
0x23c: {  	s0 =	simm.s32 $0x400;
	s8 =	sadd.s32 $0x50, s1;
	s9 =	simm.s32 $0xA100  }
0x23d: {  	[tilespmem:s9], [sflag:$0x1] =	stream.linear.gather [hbm4b:s8+s6], $0x80, $0x38;
	[tilespmem:$0x10080] =	vst v63  }
0x23e: {  	s10 =	sadd.s32 $0x60, s1;
	s11 =	simm.s32 $0xC100;
	s9 =	simm.s32 $0x2000  }
0x23f: {  	[tilespmem:s11], [sflag:$0x1] =	stream.linear.gather [hbm4b:s10+s6], $0x80, $0x38;
	[tilespmem:$0x10080] =	vst v63  }
0x240: {  	s8 =	sadd.s32 $0x80, s1;
	s10 =	sadd.s32 $0x70, s1;
	s11 =	simm.s32 $0xE100  }
.LBB2_6:
0x241: {  	[tilespmem:s11], [sflag:$0x1] =	stream.linear.gather [hbm4b:s10+s6], $0x80, $0x38;
	[tilespmem:$0x10080] =	vst v63  }
0x242: {  	s1 =	smov.u32 s0;
	s0 =	smov.u32 s9  }
0x243: {  	s2 =	sadd.s32 $0x1000, s9;
	s0 =	sshra.s32 s0, $0x2;
	s3 =	sadd.s32 $0x100, s1  }
0x244: {  	[tilespmem:s3], [sflag:$0x1] =	stream.linear.gather [hbm4b:s8+s6], $0x80, $0x38;
	[tilespmem:$0x10080] =	vst v63  }
0x245: {  	p5 =	sne.s32 s9, $0x7000;
	s4 =	sadd.s32 $0x2100, s1;
	s3 =	sadd.s32 $0x10, s8  }
0x246: {  	[tilespmem:s4], [sflag:$0x1] =	stream.linear.gather [hbm4b:s3+s6], $0x80, $0x38;
	[tilespmem:$0x10080] =	vst v63  }
0x247: {  	s3 =	sadd.s32 $0x20, s8;
	s4 =	sadd.s32 $0x4100, s1  }
0x248: {  	[tilespmem:s4], [sflag:$0x1] =	stream.linear.gather [hbm4b:s3+s6], $0x80, $0x38;
	[tilespmem:$0x10080] =	vst v63  }
0x249: {  	s3 =	sadd.s32 $0x30, s8;
	s4 =	sadd.s32 $0x6100, s1  }
0x24a: {  	[tilespmem:s4], [sflag:$0x1] =	stream.linear.gather [hbm4b:s3+s6], $0x80, $0x38;
	[tilespmem:$0x10080] =	vst v63  }
0x24b: {  	s3 =	sadd.s32 $0x40, s8;
	s4 =	sadd.s32 $0x8100, s1  }
0x24c: {  	[tilespmem:s4], [sflag:$0x1] =	stream.linear.gather [hbm4b:s3+s6], $0x80, $0x38;
	[tilespmem:$0x10080] =	vst v63  }
.Ltmp6:
0x24d: {  	s3 =	sadd.s32 $0x50, s8;
	s4 =	sadd.s32 $0xA100, s1;
	(pc) =	sbr.rel @p5 .LBB2_6-.Ltmp6, $4  }
0x24e: {  	[tilespmem:s4], [sflag:$0x1] =	stream.linear.gather [hbm4b:s3+s6], $0x80, $0x38;
	[tilespmem:$0x10080] =	vst v63  }
0x24f: {  	s10 =	sadd.s32 $0x70, s8;
	s3 =	sadd.s32 $0x60, s8;
	s4 =	sadd.s32 $0xC100, s1  }
0x250: {  	[tilespmem:s4], [sflag:$0x1] =	stream.linear.gather [hbm4b:s3+s6], $0x80, $0x38;
	[tilespmem:$0x10080] =	vst v63  }
0x251: {  	s11 =	sadd.s32 $0xE100, s1;
	s9 =	smov.u32 s2;
	s8 =	sadd.s32 $0x80, s8  }
0x252: {  	[tilespmem:s11], [sflag:$0x1] =	stream.linear.gather [hbm4b:s10+s6], $0x80, $0x38;
	[tilespmem:$0x10080] =	vst v63  }
0x253: {  	s1 =	sadd.s32 $0x100, s0  }
0x254: {  	[tilespmem:s1], [sflag:$0x1] =	stream.linear.gather [hbm4b:s8+s6], $0x80, $0x38;
	[tilespmem:$0x10080] =	vst v63  }
0x255: {  	s11 =	sadd.s32 $0x10, s8;
	s2 =	sadd.s32 $0x2100, s0  }
0x256: {  	[tilespmem:s2], [sflag:$0x1] =	stream.linear.gather [hbm4b:s11+s6], $0x80, $0x38;
	[tilespmem:$0x10080] =	vst v63  }
0x257: {  	s3 =	sadd.s32 $0x4100, s0;
	s2 =	sadd.s32 $0x20, s8  }
0x258: {  	[tilespmem:s3], [sflag:$0x1] =	stream.linear.gather [hbm4b:s2+s6], $0x80, $0x38;
	[tilespmem:$0x10080] =	vst v63  }
0x259: {  	s4 =	sadd.s32 $0x30, s8;
	s9 =	sadd.s32 $0x6100, s0  }
0x25a: {  	[tilespmem:s9], [sflag:$0x1] =	stream.linear.gather [hbm4b:s4+s6], $0x80, $0x38;
	[tilespmem:$0x10080] =	vst v63  }
0x25b: {  	s10 =	sadd.s32 $0x40, s8;
	s11 =	sadd.s32 $0x8100, s0  }
0x25c: {  	[tilespmem:s11], [sflag:$0x1] =	stream.linear.gather [hbm4b:s10+s6], $0x80, $0x38;
	[tilespmem:$0x10080] =	vst v63  }
0x25d: {  	s2 =	sadd.s32 $0x50, s8;
	s3 =	sadd.s32 $0xA100, s0  }
0x25e: {  	[tilespmem:s3], [sflag:$0x1] =	stream.linear.gather [hbm4b:s2+s6], $0x80, $0x38;
	[tilespmem:$0x10080] =	vst v63  }
0x25f: {  	s4 =	sadd.s32 $0x60, s8;
	s9 =	sadd.s32 $0xC100, s0  }
0x260: {  	[tilespmem:s9], [sflag:$0x1] =	stream.linear.gather [hbm4b:s4+s6], $0x80, $0x38;
	[tilespmem:$0x10080] =	vst v63  }
0x261: {  	s1 =	rddreg [dreg:$0x7];
	s10 =	sadd.s32 $0x70, s8;
	s11 =	sadd.s32 $0xE100, s0  }
0x262: {  	[tilespmem:s11], [sflag:$0x1] =	stream.linear.gather [hbm4b:s10+s6], $0x80, $0x38;
	[tilespmem:$0x10080] =	vst v63  }
0x263: {  	s1 =	sadd.s32 s31, s1;
	s2 =	simm.s32 $0x180  }
0x264: {  	[tilespmem:s2], [sflag:$0x1] =	stream.linear.gather [hbm4b:s1+s6], $0x80, $0x38;
	[tilespmem:$0x10080] =	vst v63  }
0x265: {  	s3 =	sadd.s32 $0x10, s1;
	s4 =	simm.s32 $0x2180  }
0x266: {  	[tilespmem:s4], [sflag:$0x1] =	stream.linear.gather [hbm4b:s3+s6], $0x80, $0x38;
	[tilespmem:$0x10080] =	vst v63  }
0x267: {  	s8 =	sadd.s32 $0x20, s1;
	s9 =	simm.s32 $0x4180  }
0x268: {  	[tilespmem:s9], [sflag:$0x1] =	stream.linear.gather [hbm4b:s8+s6], $0x80, $0x38;
	[tilespmem:$0x10080] =	vst v63  }
0x269: {  	s10 =	sadd.s32 $0x30, s1;
	s11 =	simm.s32 $0x6180  }
0x26a: {  	[tilespmem:s11], [sflag:$0x1] =	stream.linear.gather [hbm4b:s10+s6], $0x80, $0x38;
	[tilespmem:$0x10080] =	vst v63  }
0x26b: {  	s3 =	sadd.s32 $0x40, s1;
	s4 =	simm.s32 $0x8180  }
0x26c: {  	[tilespmem:s4], [sflag:$0x1] =	stream.linear.gather [hbm4b:s3+s6], $0x80, $0x38;
	[tilespmem:$0x10080] =	vst v63  }
0x26d: {  	s0 =	simm.s32 $0x400;
	s8 =	sadd.s32 $0x50, s1;
	s9 =	simm.s32 $0xA180  }
0x26e: {  	[tilespmem:s9], [sflag:$0x1] =	stream.linear.gather [hbm4b:s8+s6], $0x80, $0x38;
	[tilespmem:$0x10080] =	vst v63  }
0x26f: {  	s10 =	sadd.s32 $0x60, s1;
	s11 =	simm.s32 $0xC180;
	s9 =	simm.s32 $0x2000  }
0x270: {  	[tilespmem:s11], [sflag:$0x1] =	stream.linear.gather [hbm4b:s10+s6], $0x80, $0x38;
	[tilespmem:$0x10080] =	vst v63  }
0x271: {  	s8 =	sadd.s32 $0x80, s1;
	s10 =	sadd.s32 $0x70, s1;
	s11 =	simm.s32 $0xE180  }
.LBB2_8:
0x272: {  	[tilespmem:s11], [sflag:$0x1] =	stream.linear.gather [hbm4b:s10+s6], $0x80, $0x38;
	[tilespmem:$0x10080] =	vst v63  }
0x273: {  	s1 =	smov.u32 s0;
	s0 =	smov.u32 s9  }
0x274: {  	s2 =	sadd.s32 $0x1000, s9;
	s0 =	sshra.s32 s0, $0x2;
	s3 =	sadd.s32 $0x180, s1  }
0x275: {  	[tilespmem:s3], [sflag:$0x1] =	stream.linear.gather [hbm4b:s8+s6], $0x80, $0x38;
	[tilespmem:$0x10080] =	vst v63  }
0x276: {  	p5 =	sne.s32 s9, $0x7000;
	s4 =	sadd.s32 $0x2180, s1;
	s3 =	sadd.s32 $0x10, s8  }
0x277: {  	[tilespmem:s4], [sflag:$0x1] =	stream.linear.gather [hbm4b:s3+s6], $0x80, $0x38;
	[tilespmem:$0x10080] =	vst v63  }
0x278: {  	s3 =	sadd.s32 $0x20, s8;
	s4 =	sadd.s32 $0x4180, s1  }
0x279: {  	[tilespmem:s4], [sflag:$0x1] =	stream.linear.gather [hbm4b:s3+s6], $0x80, $0x38;
	[tilespmem:$0x10080] =	vst v63  }
0x27a: {  	s3 =	sadd.s32 $0x30, s8;
	s4 =	sadd.s32 $0x6180, s1  }
0x27b: {  	[tilespmem:s4], [sflag:$0x1] =	stream.linear.gather [hbm4b:s3+s6], $0x80, $0x38;
	[tilespmem:$0x10080] =	vst v63  }
0x27c: {  	s3 =	sadd.s32 $0x40, s8;
	s4 =	sadd.s32 $0x8180, s1  }
0x27d: {  	[tilespmem:s4], [sflag:$0x1] =	stream.linear.gather [hbm4b:s3+s6], $0x80, $0x38;
	[tilespmem:$0x10080] =	vst v63  }
.Ltmp7:
0x27e: {  	s3 =	sadd.s32 $0x50, s8;
	s4 =	sadd.s32 $0xA180, s1;
	(pc) =	sbr.rel @p5 .LBB2_8-.Ltmp7, $4  }
0x27f: {  	[tilespmem:s4], [sflag:$0x1] =	stream.linear.gather [hbm4b:s3+s6], $0x80, $0x38;
	[tilespmem:$0x10080] =	vst v63  }
0x280: {  	s10 =	sadd.s32 $0x70, s8;
	s3 =	sadd.s32 $0x60, s8;
	s4 =	sadd.s32 $0xC180, s1  }
0x281: {  	[tilespmem:s4], [sflag:$0x1] =	stream.linear.gather [hbm4b:s3+s6], $0x80, $0x38;
	[tilespmem:$0x10080] =	vst v63  }
0x282: {  	s11 =	sadd.s32 $0xE180, s1;
	s9 =	smov.u32 s2;
	s8 =	sadd.s32 $0x80, s8  }
0x283: {  	[tilespmem:s11], [sflag:$0x1] =	stream.linear.gather [hbm4b:s10+s6], $0x80, $0x38;
	[tilespmem:$0x10080] =	vst v63  }
0x284: {  	s1 =	sadd.s32 $0x180, s0  }
0x285: {  	[tilespmem:s1], [sflag:$0x1] =	stream.linear.gather [hbm4b:s8+s6], $0x80, $0x38;
	[tilespmem:$0x10080] =	vst v63  }
0x286: {  	s11 =	sadd.s32 $0x10, s8;
	s2 =	sadd.s32 $0x2180, s0  }
0x287: {  	[tilespmem:s2], [sflag:$0x1] =	stream.linear.gather [hbm4b:s11+s6], $0x80, $0x38;
	[tilespmem:$0x10080] =	vst v63  }
0x288: {  	s3 =	sadd.s32 $0x4180, s0;
	s2 =	sadd.s32 $0x20, s8  }
0x289: {  	[tilespmem:s3], [sflag:$0x1] =	stream.linear.gather [hbm4b:s2+s6], $0x80, $0x38;
	[tilespmem:$0x10080] =	vst v63  }
0x28a: {  	s4 =	sadd.s32 $0x30, s8;
	s9 =	sadd.s32 $0x6180, s0  }
0x28b: {  	[tilespmem:s9], [sflag:$0x1] =	stream.linear.gather [hbm4b:s4+s6], $0x80, $0x38;
	[tilespmem:$0x10080] =	vst v63  }
0x28c: {  	s10 =	sadd.s32 $0x40, s8;
	s11 =	sadd.s32 $0x8180, s0  }
0x28d: {  	[tilespmem:s11], [sflag:$0x1] =	stream.linear.gather [hbm4b:s10+s6], $0x80, $0x38;
	[tilespmem:$0x10080] =	vst v63  }
0x28e: {  	s2 =	sadd.s32 $0x50, s8;
	s3 =	sadd.s32 $0xA180, s0  }
0x28f: {  	[tilespmem:s3], [sflag:$0x1] =	stream.linear.gather [hbm4b:s2+s6], $0x80, $0x38;
	[tilespmem:$0x10080] =	vst v63  }
0x290: {  	s4 =	sadd.s32 $0x60, s8;
	s9 =	sadd.s32 $0xC180, s0  }
0x291: {  	[tilespmem:s9], [sflag:$0x1] =	stream.linear.gather [hbm4b:s4+s6], $0x80, $0x38;
	[tilespmem:$0x10080] =	vst v63  }
0x292: {  	s1 =	rddreg [dreg:$0x8];
	s10 =	sadd.s32 $0x70, s8;
	s11 =	sadd.s32 $0xE180, s0  }
0x293: {  	[tilespmem:s11], [sflag:$0x1] =	stream.linear.gather [hbm4b:s10+s6], $0x80, $0x38;
	[tilespmem:$0x10080] =	vst v63  }
0x294: {  	s1 =	sadd.s32 s31, s1;
	s2 =	simm.s32 $0x200  }
0x295: {  	[tilespmem:s2], [sflag:$0x1] =	stream.linear.gather [hbm4b:s1+s6], $0x80, $0x38;
	[tilespmem:$0x10080] =	vst v63  }
0x296: {  	s3 =	sadd.s32 $0x10, s1;
	s4 =	simm.s32 $0x2200  }
0x297: {  	[tilespmem:s4], [sflag:$0x1] =	stream.linear.gather [hbm4b:s3+s6], $0x80, $0x38;
	[tilespmem:$0x10080] =	vst v63  }
0x298: {  	s8 =	sadd.s32 $0x20, s1;
	s9 =	simm.s32 $0x4200  }
0x299: {  	[tilespmem:s9], [sflag:$0x1] =	stream.linear.gather [hbm4b:s8+s6], $0x80, $0x38;
	[tilespmem:$0x10080] =	vst v63  }
0x29a: {  	s10 =	sadd.s32 $0x30, s1;
	s11 =	simm.s32 $0x6200  }
0x29b: {  	[tilespmem:s11], [sflag:$0x1] =	stream.linear.gather [hbm4b:s10+s6], $0x80, $0x38;
	[tilespmem:$0x10080] =	vst v63  }
0x29c: {  	s3 =	sadd.s32 $0x40, s1;
	s4 =	simm.s32 $0x8200  }
0x29d: {  	[tilespmem:s4], [sflag:$0x1] =	stream.linear.gather [hbm4b:s3+s6], $0x80, $0x38;
	[tilespmem:$0x10080] =	vst v63  }
0x29e: {  	s0 =	simm.s32 $0x400;
	s8 =	sadd.s32 $0x50, s1;
	s9 =	simm.s32 $0xA200  }
0x29f: {  	[tilespmem:s9], [sflag:$0x1] =	stream.linear.gather [hbm4b:s8+s6], $0x80, $0x38;
	[tilespmem:$0x10080] =	vst v63  }
0x2a0: {  	s10 =	sadd.s32 $0x60, s1;
	s11 =	simm.s32 $0xC200;
	s9 =	simm.s32 $0x2000  }
0x2a1: {  	[tilespmem:s11], [sflag:$0x1] =	stream.linear.gather [hbm4b:s10+s6], $0x80, $0x38;
	[tilespmem:$0x10080] =	vst v63  }
0x2a2: {  	s8 =	sadd.s32 $0x80, s1;
	s10 =	sadd.s32 $0x70, s1;
	s11 =	simm.s32 $0xE200  }
.LBB2_10:
0x2a3: {  	[tilespmem:s11], [sflag:$0x1] =	stream.linear.gather [hbm4b:s10+s6], $0x80, $0x38;
	[tilespmem:$0x10080] =	vst v63  }
0x2a4: {  	s1 =	smov.u32 s0;
	s0 =	smov.u32 s9  }
0x2a5: {  	s2 =	sadd.s32 $0x1000, s9;
	s0 =	sshra.s32 s0, $0x2;
	s3 =	sadd.s32 $0x200, s1  }
0x2a6: {  	[tilespmem:s3], [sflag:$0x1] =	stream.linear.gather [hbm4b:s8+s6], $0x80, $0x38;
	[tilespmem:$0x10080] =	vst v63  }
0x2a7: {  	p5 =	sne.s32 s9, $0x7000;
	s4 =	sadd.s32 $0x2200, s1;
	s3 =	sadd.s32 $0x10, s8  }
0x2a8: {  	[tilespmem:s4], [sflag:$0x1] =	stream.linear.gather [hbm4b:s3+s6], $0x80, $0x38;
	[tilespmem:$0x10080] =	vst v63  }
0x2a9: {  	s3 =	sadd.s32 $0x20, s8;
	s4 =	sadd.s32 $0x4200, s1  }
0x2aa: {  	[tilespmem:s4], [sflag:$0x1] =	stream.linear.gather [hbm4b:s3+s6], $0x80, $0x38;
	[tilespmem:$0x10080] =	vst v63  }
0x2ab: {  	s3 =	sadd.s32 $0x30, s8;
	s4 =	sadd.s32 $0x6200, s1  }
0x2ac: {  	[tilespmem:s4], [sflag:$0x1] =	stream.linear.gather [hbm4b:s3+s6], $0x80, $0x38;
	[tilespmem:$0x10080] =	vst v63  }
0x2ad: {  	s3 =	sadd.s32 $0x40, s8;
	s4 =	sadd.s32 $0x8200, s1  }
0x2ae: {  	[tilespmem:s4], [sflag:$0x1] =	stream.linear.gather [hbm4b:s3+s6], $0x80, $0x38;
	[tilespmem:$0x10080] =	vst v63  }
.Ltmp8:
0x2af: {  	s3 =	sadd.s32 $0x50, s8;
	s4 =	sadd.s32 $0xA200, s1;
	(pc) =	sbr.rel @p5 .LBB2_10-.Ltmp8, $4  }
0x2b0: {  	[tilespmem:s4], [sflag:$0x1] =	stream.linear.gather [hbm4b:s3+s6], $0x80, $0x38;
	[tilespmem:$0x10080] =	vst v63  }
0x2b1: {  	s10 =	sadd.s32 $0x70, s8;
	s3 =	sadd.s32 $0x60, s8;
	s4 =	sadd.s32 $0xC200, s1  }
0x2b2: {  	[tilespmem:s4], [sflag:$0x1] =	stream.linear.gather [hbm4b:s3+s6], $0x80, $0x38;
	[tilespmem:$0x10080] =	vst v63  }
0x2b3: {  	s11 =	sadd.s32 $0xE200, s1;
	s9 =	smov.u32 s2;
	s8 =	sadd.s32 $0x80, s8  }
0x2b4: {  	[tilespmem:s11], [sflag:$0x1] =	stream.linear.gather [hbm4b:s10+s6], $0x80, $0x38;
	[tilespmem:$0x10080] =	vst v63  }
0x2b5: {  	s1 =	sadd.s32 $0x200, s0  }
0x2b6: {  	[tilespmem:s1], [sflag:$0x1] =	stream.linear.gather [hbm4b:s8+s6], $0x80, $0x38;
	[tilespmem:$0x10080] =	vst v63  }
0x2b7: {  	s11 =	sadd.s32 $0x10, s8;
	s2 =	sadd.s32 $0x2200, s0  }
0x2b8: {  	[tilespmem:s2], [sflag:$0x1] =	stream.linear.gather [hbm4b:s11+s6], $0x80, $0x38;
	[tilespmem:$0x10080] =	vst v63  }
0x2b9: {  	s3 =	sadd.s32 $0x4200, s0;
	s2 =	sadd.s32 $0x20, s8  }
0x2ba: {  	[tilespmem:s3], [sflag:$0x1] =	stream.linear.gather [hbm4b:s2+s6], $0x80, $0x38;
	[tilespmem:$0x10080] =	vst v63  }
0x2bb: {  	s4 =	sadd.s32 $0x30, s8;
	s9 =	sadd.s32 $0x6200, s0  }
0x2bc: {  	[tilespmem:s9], [sflag:$0x1] =	stream.linear.gather [hbm4b:s4+s6], $0x80, $0x38;
	[tilespmem:$0x10080] =	vst v63  }
0x2bd: {  	s10 =	sadd.s32 $0x40, s8;
	s11 =	sadd.s32 $0x8200, s0  }
0x2be: {  	[tilespmem:s11], [sflag:$0x1] =	stream.linear.gather [hbm4b:s10+s6], $0x80, $0x38;
	[tilespmem:$0x10080] =	vst v63  }
0x2bf: {  	s2 =	sadd.s32 $0x50, s8;
	s3 =	sadd.s32 $0xA200, s0  }
0x2c0: {  	[tilespmem:s3], [sflag:$0x1] =	stream.linear.gather [hbm4b:s2+s6], $0x80, $0x38;
	[tilespmem:$0x10080] =	vst v63  }
0x2c1: {  	s4 =	sadd.s32 $0x60, s8;
	s9 =	sadd.s32 $0xC200, s0  }
0x2c2: {  	[tilespmem:s9], [sflag:$0x1] =	stream.linear.gather [hbm4b:s4+s6], $0x80, $0x38;
	[tilespmem:$0x10080] =	vst v63  }
0x2c3: {  	s1 =	rddreg [dreg:$0x9];
	s10 =	sadd.s32 $0x70, s8;
	s11 =	sadd.s32 $0xE200, s0  }
0x2c4: {  	[tilespmem:s11], [sflag:$0x1] =	stream.linear.gather [hbm4b:s10+s6], $0x80, $0x38;
	[tilespmem:$0x10080] =	vst v63  }
0x2c5: {  	s1 =	sadd.s32 s31, s1;
	s2 =	simm.s32 $0x280  }
0x2c6: {  	[tilespmem:s2], [sflag:$0x1] =	stream.linear.gather [hbm4b:s1+s6], $0x80, $0x38;
	[tilespmem:$0x10080] =	vst v63  }
0x2c7: {  	s3 =	sadd.s32 $0x10, s1;
	s4 =	simm.s32 $0x2280  }
0x2c8: {  	[tilespmem:s4], [sflag:$0x1] =	stream.linear.gather [hbm4b:s3+s6], $0x80, $0x38;
	[tilespmem:$0x10080] =	vst v63  }
0x2c9: {  	s8 =	sadd.s32 $0x20, s1;
	s9 =	simm.s32 $0x4280  }
0x2ca: {  	[tilespmem:s9], [sflag:$0x1] =	stream.linear.gather [hbm4b:s8+s6], $0x80, $0x38;
	[tilespmem:$0x10080] =	vst v63  }
0x2cb: {  	s10 =	sadd.s32 $0x30, s1;
	s11 =	simm.s32 $0x6280  }
0x2cc: {  	[tilespmem:s11], [sflag:$0x1] =	stream.linear.gather [hbm4b:s10+s6], $0x80, $0x38;
	[tilespmem:$0x10080] =	vst v63  }
0x2cd: {  	s3 =	sadd.s32 $0x40, s1;
	s4 =	simm.s32 $0x8280  }
0x2ce: {  	[tilespmem:s4], [sflag:$0x1] =	stream.linear.gather [hbm4b:s3+s6], $0x80, $0x38;
	[tilespmem:$0x10080] =	vst v63  }
0x2cf: {  	s0 =	simm.s32 $0x400;
	s8 =	sadd.s32 $0x50, s1;
	s9 =	simm.s32 $0xA280  }
0x2d0: {  	[tilespmem:s9], [sflag:$0x1] =	stream.linear.gather [hbm4b:s8+s6], $0x80, $0x38;
	[tilespmem:$0x10080] =	vst v63  }
0x2d1: {  	s10 =	sadd.s32 $0x60, s1;
	s11 =	simm.s32 $0xC280;
	s9 =	simm.s32 $0x2000  }
0x2d2: {  	[tilespmem:s11], [sflag:$0x1] =	stream.linear.gather [hbm4b:s10+s6], $0x80, $0x38;
	[tilespmem:$0x10080] =	vst v63  }
0x2d3: {  	s8 =	sadd.s32 $0x80, s1;
	s10 =	sadd.s32 $0x70, s1;
	s11 =	simm.s32 $0xE280  }
.LBB2_12:
0x2d4: {  	[tilespmem:s11], [sflag:$0x1] =	stream.linear.gather [hbm4b:s10+s6], $0x80, $0x38;
	[tilespmem:$0x10080] =	vst v63  }
0x2d5: {  	s1 =	smov.u32 s0;
	s0 =	smov.u32 s9  }
0x2d6: {  	s2 =	sadd.s32 $0x1000, s9;
	s0 =	sshra.s32 s0, $0x2;
	s3 =	sadd.s32 $0x280, s1  }
0x2d7: {  	[tilespmem:s3], [sflag:$0x1] =	stream.linear.gather [hbm4b:s8+s6], $0x80, $0x38;
	[tilespmem:$0x10080] =	vst v63  }
0x2d8: {  	p5 =	sne.s32 s9, $0x7000;
	s4 =	sadd.s32 $0x2280, s1;
	s3 =	sadd.s32 $0x10, s8  }
0x2d9: {  	[tilespmem:s4], [sflag:$0x1] =	stream.linear.gather [hbm4b:s3+s6], $0x80, $0x38;
	[tilespmem:$0x10080] =	vst v63  }
0x2da: {  	s3 =	sadd.s32 $0x20, s8;
	s4 =	sadd.s32 $0x4280, s1  }
0x2db: {  	[tilespmem:s4], [sflag:$0x1] =	stream.linear.gather [hbm4b:s3+s6], $0x80, $0x38;
	[tilespmem:$0x10080] =	vst v63  }
0x2dc: {  	s3 =	sadd.s32 $0x30, s8;
	s4 =	sadd.s32 $0x6280, s1  }
0x2dd: {  	[tilespmem:s4], [sflag:$0x1] =	stream.linear.gather [hbm4b:s3+s6], $0x80, $0x38;
	[tilespmem:$0x10080] =	vst v63  }
0x2de: {  	s3 =	sadd.s32 $0x40, s8;
	s4 =	sadd.s32 $0x8280, s1  }
0x2df: {  	[tilespmem:s4], [sflag:$0x1] =	stream.linear.gather [hbm4b:s3+s6], $0x80, $0x38;
	[tilespmem:$0x10080] =	vst v63  }
.Ltmp9:
0x2e0: {  	s3 =	sadd.s32 $0x50, s8;
	s4 =	sadd.s32 $0xA280, s1;
	(pc) =	sbr.rel @p5 .LBB2_12-.Ltmp9, $4  }
0x2e1: {  	[tilespmem:s4], [sflag:$0x1] =	stream.linear.gather [hbm4b:s3+s6], $0x80, $0x38;
	[tilespmem:$0x10080] =	vst v63  }
0x2e2: {  	s10 =	sadd.s32 $0x70, s8;
	s3 =	sadd.s32 $0x60, s8;
	s4 =	sadd.s32 $0xC280, s1  }
0x2e3: {  	[tilespmem:s4], [sflag:$0x1] =	stream.linear.gather [hbm4b:s3+s6], $0x80, $0x38;
	[tilespmem:$0x10080] =	vst v63  }
0x2e4: {  	s11 =	sadd.s32 $0xE280, s1;
	s9 =	smov.u32 s2;
	s8 =	sadd.s32 $0x80, s8  }
0x2e5: {  	[tilespmem:s11], [sflag:$0x1] =	stream.linear.gather [hbm4b:s10+s6], $0x80, $0x38;
	[tilespmem:$0x10080] =	vst v63  }
0x2e6: {  	s1 =	sadd.s32 $0x280, s0  }
0x2e7: {  	[tilespmem:s1], [sflag:$0x1] =	stream.linear.gather [hbm4b:s8+s6], $0x80, $0x38;
	[tilespmem:$0x10080] =	vst v63  }
0x2e8: {  	s11 =	sadd.s32 $0x10, s8;
	s2 =	sadd.s32 $0x2280, s0  }
0x2e9: {  	[tilespmem:s2], [sflag:$0x1] =	stream.linear.gather [hbm4b:s11+s6], $0x80, $0x38;
	[tilespmem:$0x10080] =	vst v63  }
0x2ea: {  	s3 =	sadd.s32 $0x4280, s0;
	s2 =	sadd.s32 $0x20, s8  }
0x2eb: {  	[tilespmem:s3], [sflag:$0x1] =	stream.linear.gather [hbm4b:s2+s6], $0x80, $0x38;
	[tilespmem:$0x10080] =	vst v63  }
0x2ec: {  	s4 =	sadd.s32 $0x30, s8;
	s9 =	sadd.s32 $0x6280, s0  }
0x2ed: {  	[tilespmem:s9], [sflag:$0x1] =	stream.linear.gather [hbm4b:s4+s6], $0x80, $0x38;
	[tilespmem:$0x10080] =	vst v63  }
0x2ee: {  	s10 =	sadd.s32 $0x40, s8;
	s11 =	sadd.s32 $0x8280, s0  }
0x2ef: {  	[tilespmem:s11], [sflag:$0x1] =	stream.linear.gather [hbm4b:s10+s6], $0x80, $0x38;
	[tilespmem:$0x10080] =	vst v63  }
0x2f0: {  	s2 =	sadd.s32 $0x50, s8;
	s3 =	sadd.s32 $0xA280, s0  }
0x2f1: {  	[tilespmem:s3], [sflag:$0x1] =	stream.linear.gather [hbm4b:s2+s6], $0x80, $0x38;
	[tilespmem:$0x10080] =	vst v63  }
0x2f2: {  	s4 =	sadd.s32 $0x60, s8;
	s9 =	sadd.s32 $0xC280, s0  }
0x2f3: {  	[tilespmem:s9], [sflag:$0x1] =	stream.linear.gather [hbm4b:s4+s6], $0x80, $0x38;
	[tilespmem:$0x10080] =	vst v63  }
0x2f4: {  	s1 =	rddreg [dreg:$0xa];
	s10 =	sadd.s32 $0x70, s8;
	s11 =	sadd.s32 $0xE280, s0  }
0x2f5: {  	[tilespmem:s11], [sflag:$0x1] =	stream.linear.gather [hbm4b:s10+s6], $0x80, $0x38;
	[tilespmem:$0x10080] =	vst v63  }
0x2f6: {  	s1 =	sadd.s32 s31, s1;
	s2 =	simm.s32 $0x300  }
0x2f7: {  	[tilespmem:s2], [sflag:$0x1] =	stream.linear.gather [hbm4b:s1+s6], $0x80, $0x38;
	[tilespmem:$0x10080] =	vst v63  }
0x2f8: {  	s3 =	sadd.s32 $0x10, s1;
	s4 =	simm.s32 $0x2300  }
0x2f9: {  	[tilespmem:s4], [sflag:$0x1] =	stream.linear.gather [hbm4b:s3+s6], $0x80, $0x38;
	[tilespmem:$0x10080] =	vst v63  }
0x2fa: {  	s8 =	sadd.s32 $0x20, s1;
	s9 =	simm.s32 $0x4300  }
0x2fb: {  	[tilespmem:s9], [sflag:$0x1] =	stream.linear.gather [hbm4b:s8+s6], $0x80, $0x38;
	[tilespmem:$0x10080] =	vst v63  }
0x2fc: {  	s10 =	sadd.s32 $0x30, s1;
	s11 =	simm.s32 $0x6300  }
0x2fd: {  	[tilespmem:s11], [sflag:$0x1] =	stream.linear.gather [hbm4b:s10+s6], $0x80, $0x38;
	[tilespmem:$0x10080] =	vst v63  }
0x2fe: {  	s3 =	sadd.s32 $0x40, s1;
	s4 =	simm.s32 $0x8300  }
0x2ff: {  	[tilespmem:s4], [sflag:$0x1] =	stream.linear.gather [hbm4b:s3+s6], $0x80, $0x38;
	[tilespmem:$0x10080] =	vst v63  }
0x300: {  	s0 =	simm.s32 $0x400;
	s8 =	sadd.s32 $0x50, s1;
	s9 =	simm.s32 $0xA300  }
0x301: {  	[tilespmem:s9], [sflag:$0x1] =	stream.linear.gather [hbm4b:s8+s6], $0x80, $0x38;
	[tilespmem:$0x10080] =	vst v63  }
0x302: {  	s10 =	sadd.s32 $0x60, s1;
	s11 =	simm.s32 $0xC300;
	s9 =	simm.s32 $0x2000  }
0x303: {  	[tilespmem:s11], [sflag:$0x1] =	stream.linear.gather [hbm4b:s10+s6], $0x80, $0x38;
	[tilespmem:$0x10080] =	vst v63  }
0x304: {  	s8 =	sadd.s32 $0x80, s1;
	s10 =	sadd.s32 $0x70, s1;
	s11 =	simm.s32 $0xE300  }
.LBB2_14:
0x305: {  	[tilespmem:s11], [sflag:$0x1] =	stream.linear.gather [hbm4b:s10+s6], $0x80, $0x38;
	[tilespmem:$0x10080] =	vst v63  }
0x306: {  	s1 =	smov.u32 s0;
	s0 =	smov.u32 s9  }
0x307: {  	s2 =	sadd.s32 $0x1000, s9;
	s0 =	sshra.s32 s0, $0x2;
	s3 =	sadd.s32 $0x300, s1  }
0x308: {  	[tilespmem:s3], [sflag:$0x1] =	stream.linear.gather [hbm4b:s8+s6], $0x80, $0x38;
	[tilespmem:$0x10080] =	vst v63  }
0x309: {  	p5 =	sne.s32 s9, $0x7000;
	s4 =	sadd.s32 $0x2300, s1;
	s3 =	sadd.s32 $0x10, s8  }
0x30a: {  	[tilespmem:s4], [sflag:$0x1] =	stream.linear.gather [hbm4b:s3+s6], $0x80, $0x38;
	[tilespmem:$0x10080] =	vst v63  }
0x30b: {  	s3 =	sadd.s32 $0x20, s8;
	s4 =	sadd.s32 $0x4300, s1  }
0x30c: {  	[tilespmem:s4], [sflag:$0x1] =	stream.linear.gather [hbm4b:s3+s6], $0x80, $0x38;
	[tilespmem:$0x10080] =	vst v63  }
0x30d: {  	s3 =	sadd.s32 $0x30, s8;
	s4 =	sadd.s32 $0x6300, s1  }
0x30e: {  	[tilespmem:s4], [sflag:$0x1] =	stream.linear.gather [hbm4b:s3+s6], $0x80, $0x38;
	[tilespmem:$0x10080] =	vst v63  }
0x30f: {  	s3 =	sadd.s32 $0x40, s8;
	s4 =	sadd.s32 $0x8300, s1  }
0x310: {  	[tilespmem:s4], [sflag:$0x1] =	stream.linear.gather [hbm4b:s3+s6], $0x80, $0x38;
	[tilespmem:$0x10080] =	vst v63  }
.Ltmp10:
0x311: {  	s3 =	sadd.s32 $0x50, s8;
	s4 =	sadd.s32 $0xA300, s1;
	(pc) =	sbr.rel @p5 .LBB2_14-.Ltmp10, $4  }
0x312: {  	[tilespmem:s4], [sflag:$0x1] =	stream.linear.gather [hbm4b:s3+s6], $0x80, $0x38;
	[tilespmem:$0x10080] =	vst v63  }
0x313: {  	s10 =	sadd.s32 $0x70, s8;
	s3 =	sadd.s32 $0x60, s8;
	s4 =	sadd.s32 $0xC300, s1  }
0x314: {  	[tilespmem:s4], [sflag:$0x1] =	stream.linear.gather [hbm4b:s3+s6], $0x80, $0x38;
	[tilespmem:$0x10080] =	vst v63  }
0x315: {  	s11 =	sadd.s32 $0xE300, s1;
	s9 =	smov.u32 s2;
	s8 =	sadd.s32 $0x80, s8  }
0x316: {  	[tilespmem:s11], [sflag:$0x1] =	stream.linear.gather [hbm4b:s10+s6], $0x80, $0x38;
	[tilespmem:$0x10080] =	vst v63  }
0x317: {  	s1 =	sadd.s32 $0x300, s0  }
0x318: {  	[tilespmem:s1], [sflag:$0x1] =	stream.linear.gather [hbm4b:s8+s6], $0x80, $0x38;
	[tilespmem:$0x10080] =	vst v63  }
0x319: {  	s11 =	sadd.s32 $0x10, s8;
	s2 =	sadd.s32 $0x2300, s0  }
0x31a: {  	[tilespmem:s2], [sflag:$0x1] =	stream.linear.gather [hbm4b:s11+s6], $0x80, $0x38;
	[tilespmem:$0x10080] =	vst v63  }
0x31b: {  	s3 =	sadd.s32 $0x4300, s0;
	s2 =	sadd.s32 $0x20, s8  }
0x31c: {  	[tilespmem:s3], [sflag:$0x1] =	stream.linear.gather [hbm4b:s2+s6], $0x80, $0x38;
	[tilespmem:$0x10080] =	vst v63  }
0x31d: {  	s4 =	sadd.s32 $0x30, s8;
	s9 =	sadd.s32 $0x6300, s0  }
0x31e: {  	[tilespmem:s9], [sflag:$0x1] =	stream.linear.gather [hbm4b:s4+s6], $0x80, $0x38;
	[tilespmem:$0x10080] =	vst v63  }
0x31f: {  	s10 =	sadd.s32 $0x40, s8;
	s11 =	sadd.s32 $0x8300, s0  }
0x320: {  	[tilespmem:s11], [sflag:$0x1] =	stream.linear.gather [hbm4b:s10+s6], $0x80, $0x38;
	[tilespmem:$0x10080] =	vst v63  }
0x321: {  	s2 =	sadd.s32 $0x50, s8;
	s3 =	sadd.s32 $0xA300, s0  }
0x322: {  	[tilespmem:s3], [sflag:$0x1] =	stream.linear.gather [hbm4b:s2+s6], $0x80, $0x38;
	[tilespmem:$0x10080] =	vst v63  }
0x323: {  	s4 =	sadd.s32 $0x60, s8;
	s9 =	sadd.s32 $0xC300, s0  }
0x324: {  	[tilespmem:s9], [sflag:$0x1] =	stream.linear.gather [hbm4b:s4+s6], $0x80, $0x38;
	[tilespmem:$0x10080] =	vst v63  }
0x325: {  	s1 =	rddreg [dreg:$0xb];
	s10 =	sadd.s32 $0x70, s8;
	s11 =	sadd.s32 $0xE300, s0  }
0x326: {  	[tilespmem:s11], [sflag:$0x1] =	stream.linear.gather [hbm4b:s10+s6], $0x80, $0x38;
	[tilespmem:$0x10080] =	vst v63  }
0x327: {  	s1 =	sadd.s32 s31, s1;
	s2 =	simm.s32 $0x380  }
0x328: {  	[tilespmem:s2], [sflag:$0x1] =	stream.linear.gather [hbm4b:s1+s6], $0x80, $0x38;
	[tilespmem:$0x10080] =	vst v63  }
0x329: {  	s3 =	sadd.s32 $0x10, s1;
	s4 =	simm.s32 $0x2380  }
0x32a: {  	[tilespmem:s4], [sflag:$0x1] =	stream.linear.gather [hbm4b:s3+s6], $0x80, $0x38;
	[tilespmem:$0x10080] =	vst v63  }
0x32b: {  	s8 =	sadd.s32 $0x20, s1;
	s9 =	simm.s32 $0x4380  }
0x32c: {  	[tilespmem:s9], [sflag:$0x1] =	stream.linear.gather [hbm4b:s8+s6], $0x80, $0x38;
	[tilespmem:$0x10080] =	vst v63  }
0x32d: {  	s10 =	sadd.s32 $0x30, s1;
	s11 =	simm.s32 $0x6380  }
0x32e: {  	[tilespmem:s11], [sflag:$0x1] =	stream.linear.gather [hbm4b:s10+s6], $0x80, $0x38;
	[tilespmem:$0x10080] =	vst v63  }
0x32f: {  	s3 =	sadd.s32 $0x40, s1;
	s4 =	simm.s32 $0x8380  }
0x330: {  	[tilespmem:s4], [sflag:$0x1] =	stream.linear.gather [hbm4b:s3+s6], $0x80, $0x38;
	[tilespmem:$0x10080] =	vst v63  }
0x331: {  	s0 =	simm.s32 $0x400;
	s8 =	sadd.s32 $0x50, s1;
	s9 =	simm.s32 $0xA380  }
0x332: {  	[tilespmem:s9], [sflag:$0x1] =	stream.linear.gather [hbm4b:s8+s6], $0x80, $0x38;
	[tilespmem:$0x10080] =	vst v63  }
0x333: {  	s10 =	sadd.s32 $0x60, s1;
	s11 =	simm.s32 $0xC380;
	s9 =	simm.s32 $0x2000  }
0x334: {  	[tilespmem:s11], [sflag:$0x1] =	stream.linear.gather [hbm4b:s10+s6], $0x80, $0x38;
	[tilespmem:$0x10080] =	vst v63  }
0x335: {  	s8 =	sadd.s32 $0x80, s1;
	s10 =	sadd.s32 $0x70, s1;
	s11 =	simm.s32 $0xE380  }
.LBB2_16:
0x336: {  	[tilespmem:s11], [sflag:$0x1] =	stream.linear.gather [hbm4b:s10+s6], $0x80, $0x38;
	[tilespmem:$0x10080] =	vst v63  }
0x337: {  	s1 =	smov.u32 s0;
	s0 =	smov.u32 s9  }
0x338: {  	s2 =	sadd.s32 $0x1000, s9;
	s0 =	sshra.s32 s0, $0x2;
	s3 =	sadd.s32 $0x380, s1  }
0x339: {  	[tilespmem:s3], [sflag:$0x1] =	stream.linear.gather [hbm4b:s8+s6], $0x80, $0x38;
	[tilespmem:$0x10080] =	vst v63  }
0x33a: {  	p5 =	sne.s32 s9, $0x7000;
	s4 =	sadd.s32 $0x2380, s1;
	s3 =	sadd.s32 $0x10, s8  }
0x33b: {  	[tilespmem:s4], [sflag:$0x1] =	stream.linear.gather [hbm4b:s3+s6], $0x80, $0x38;
	[tilespmem:$0x10080] =	vst v63  }
0x33c: {  	s3 =	sadd.s32 $0x20, s8;
	s4 =	sadd.s32 $0x4380, s1  }
0x33d: {  	[tilespmem:s4], [sflag:$0x1] =	stream.linear.gather [hbm4b:s3+s6], $0x80, $0x38;
	[tilespmem:$0x10080] =	vst v63  }
0x33e: {  	s3 =	sadd.s32 $0x30, s8;
	s4 =	sadd.s32 $0x6380, s1  }
0x33f: {  	[tilespmem:s4], [sflag:$0x1] =	stream.linear.gather [hbm4b:s3+s6], $0x80, $0x38;
	[tilespmem:$0x10080] =	vst v63  }
0x340: {  	s3 =	sadd.s32 $0x40, s8;
	s4 =	sadd.s32 $0x8380, s1  }
0x341: {  	[tilespmem:s4], [sflag:$0x1] =	stream.linear.gather [hbm4b:s3+s6], $0x80, $0x38;
	[tilespmem:$0x10080] =	vst v63  }
.Ltmp11:
0x342: {  	s3 =	sadd.s32 $0x50, s8;
	s4 =	sadd.s32 $0xA380, s1;
	(pc) =	sbr.rel @p5 .LBB2_16-.Ltmp11, $4  }
0x343: {  	[tilespmem:s4], [sflag:$0x1] =	stream.linear.gather [hbm4b:s3+s6], $0x80, $0x38;
	[tilespmem:$0x10080] =	vst v63  }
0x344: {  	s10 =	sadd.s32 $0x70, s8;
	s3 =	sadd.s32 $0x60, s8;
	s4 =	sadd.s32 $0xC380, s1  }
0x345: {  	[tilespmem:s4], [sflag:$0x1] =	stream.linear.gather [hbm4b:s3+s6], $0x80, $0x38;
	[tilespmem:$0x10080] =	vst v63  }
0x346: {  	s11 =	sadd.s32 $0xE380, s1;
	s9 =	smov.u32 s2;
	s8 =	sadd.s32 $0x80, s8  }
0x347: {  	[tilespmem:s11], [sflag:$0x1] =	stream.linear.gather [hbm4b:s10+s6], $0x80, $0x38;
	[tilespmem:$0x10080] =	vst v63  }
0x348: {  	s1 =	sadd.s32 $0x380, s0  }
0x349: {  	[tilespmem:s1], [sflag:$0x1] =	stream.linear.gather [hbm4b:s8+s6], $0x80, $0x38;
	[tilespmem:$0x10080] =	vst v63  }
0x34a: {  	s3 =	sadd.s32 $0x10, s8;
	s2 =	sadd.s32 $0x2380, s0  }
0x34b: {  	[tilespmem:s2], [sflag:$0x1] =	stream.linear.gather [hbm4b:s3+s6], $0x80, $0x38;
	[tilespmem:$0x10080] =	vst v63  }
0x34c: {  	s4 =	sadd.s32 $0x20, s8;
	s9 =	sadd.s32 $0x4380, s0  }
0x34d: {  	[tilespmem:s9], [sflag:$0x1] =	stream.linear.gather [hbm4b:s4+s6], $0x80, $0x38;
	[tilespmem:$0x10080] =	vst v63  }
0x34e: {  	s10 =	sadd.s32 $0x30, s8;
	s11 =	sadd.s32 $0x6380, s0  }
0x34f: {  	[tilespmem:s11], [sflag:$0x1] =	stream.linear.gather [hbm4b:s10+s6], $0x80, $0x38;
	[tilespmem:$0x10080] =	vst v63  }
0x350: {  	s2 =	sadd.s32 $0x40, s8;
	s3 =	sadd.s32 $0x8380, s0  }
0x351: {  	[tilespmem:s3], [sflag:$0x1] =	stream.linear.gather [hbm4b:s2+s6], $0x80, $0x38;
	[tilespmem:$0x10080] =	vst v63  }
0x352: {  	s4 =	sadd.s32 $0x50, s8;
	s9 =	sadd.s32 $0xA380, s0  }
0x353: {  	[tilespmem:s9], [sflag:$0x1] =	stream.linear.gather [hbm4b:s4+s6], $0x80, $0x38;
	[tilespmem:$0x10080] =	vst v63  }
0x354: {  	s10 =	sadd.s32 $0x60, s8;
	s11 =	sadd.s32 $0xC380, s0  }
0x355: {  	[tilespmem:s11], [sflag:$0x1] =	stream.linear.gather [hbm4b:s10+s6], $0x80, $0x38;
	[tilespmem:$0x10080] =	vst v63  }
0x356: {  	s2 =	sadd.s32 $0x70, s8;
	s3 =	sadd.s32 $0xE380, s0;
	s4 =	rddreg [dreg:$0xc]  }
0x357: {  	[tilespmem:s3], [sflag:$0x1] =	stream.linear.gather [hbm4b:s2+s6], $0x80, $0x38;
	[tilespmem:$0x10080] =	vst v63  }
0x358: {  	s8 =	simm.s32 $0x400;
	s1 =	sadd.s32 s31, s4  }
0x359: {  	[tilespmem:s8], [sflag:$0x1] =	stream.linear.gather [hbm4b:s1+s6], $0x80, $0x38;
	[tilespmem:$0x10080] =	vst v63  }
0x35a: {  	s9 =	sadd.s32 $0x10, s1;
	s10 =	simm.s32 $0x2400  }
0x35b: {  	[tilespmem:s10], [sflag:$0x1] =	stream.linear.gather [hbm4b:s9+s6], $0x80, $0x38;
	[tilespmem:$0x10080] =	vst v63  }
0x35c: {  	s31 =	simm.s32 $0x4400;
	s11 =	sadd.s32 $0x20, s1  }
0x35d: {  	[tilespmem:s31], [sflag:$0x1] =	stream.linear.gather [hbm4b:s11+s6], $0x80, $0x38;
	[tilespmem:$0x10080] =	vst v63  }
0x35e: {  	s2 =	sadd.s32 $0x30, s1;
	s3 =	simm.s32 $0x6400  }
0x35f: {  	[tilespmem:s3], [sflag:$0x1] =	stream.linear.gather [hbm4b:s2+s6], $0x80, $0x38;
	[tilespmem:$0x10080] =	vst v63  }
0x360: {  	s4 =	sadd.s32 $0x40, s1;
	s8 =	simm.s32 $0x8400  }
0x361: {  	[tilespmem:s8], [sflag:$0x1] =	stream.linear.gather [hbm4b:s4+s6], $0x80, $0x38;
	[tilespmem:$0x10080] =	vst v63  }
0x362: {  	s0 =	simm.s32 $0x400;
	s9 =	sadd.s32 $0x50, s1;
	s10 =	simm.s32 $0xA400  }
0x363: {  	[tilespmem:s10], [sflag:$0x1] =	stream.linear.gather [hbm4b:s9+s6], $0x80, $0x38;
	[tilespmem:$0x10080] =	vst v63  }
0x364: {  	s11 =	sadd.s32 $0x60, s1;
	s31 =	simm.s32 $0xC400;
	s8 =	sadd.s32 $0x80, s1  }
0x365: {  	[tilespmem:s31], [sflag:$0x1] =	stream.linear.gather [hbm4b:s11+s6], $0x80, $0x38;
	[tilespmem:$0x10080] =	vst v63  }
0x366: {  	s9 =	simm.s32 $0x2000;
	s10 =	sadd.s32 $0x70, s1;
	s11 =	simm.s32 $0xE400  }
.LBB2_18:
0x367: {  	[tilespmem:s11], [sflag:$0x1] =	stream.linear.gather [hbm4b:s10+s6], $0x80, $0x38;
	[tilespmem:$0x10080] =	vst v63  }
0x368: {  	s1 =	smov.u32 s0;
	s0 =	smov.u32 s9  }
0x369: {  	s2 =	sadd.s32 $0x1000, s9;
	s0 =	sshra.s32 s0, $0x2;
	s3 =	sadd.s32 $0x400, s1  }
0x36a: {  	[tilespmem:s3], [sflag:$0x1] =	stream.linear.gather [hbm4b:s8+s6], $0x80, $0x38;
	[tilespmem:$0x10080] =	vst v63  }
0x36b: {  	p5 =	sne.s32 s9, $0x7000;
	s4 =	sadd.s32 $0x2400, s1;
	s3 =	sadd.s32 $0x10, s8  }
0x36c: {  	[tilespmem:s4], [sflag:$0x1] =	stream.linear.gather [hbm4b:s3+s6], $0x80, $0x38;
	[tilespmem:$0x10080] =	vst v63  }
0x36d: {  	s3 =	sadd.s32 $0x20, s8;
	s4 =	sadd.s32 $0x4400, s1  }
0x36e: {  	[tilespmem:s4], [sflag:$0x1] =	stream.linear.gather [hbm4b:s3+s6], $0x80, $0x38;
	[tilespmem:$0x10080] =	vst v63  }
0x36f: {  	s3 =	sadd.s32 $0x30, s8;
	s4 =	sadd.s32 $0x6400, s1  }
0x370: {  	[tilespmem:s4], [sflag:$0x1] =	stream.linear.gather [hbm4b:s3+s6], $0x80, $0x38;
	[tilespmem:$0x10080] =	vst v63  }
0x371: {  	s3 =	sadd.s32 $0x40, s8;
	s4 =	sadd.s32 $0x8400, s1  }
0x372: {  	[tilespmem:s4], [sflag:$0x1] =	stream.linear.gather [hbm4b:s3+s6], $0x80, $0x38;
	[tilespmem:$0x10080] =	vst v63  }
.Ltmp12:
0x373: {  	s3 =	sadd.s32 $0x50, s8;
	s4 =	sadd.s32 $0xA400, s1;
	(pc) =	sbr.rel @p5 .LBB2_18-.Ltmp12, $4  }
0x374: {  	[tilespmem:s4], [sflag:$0x1] =	stream.linear.gather [hbm4b:s3+s6], $0x80, $0x38;
	[tilespmem:$0x10080] =	vst v63  }
0x375: {  	s10 =	sadd.s32 $0x70, s8;
	s3 =	sadd.s32 $0x60, s8;
	s4 =	sadd.s32 $0xC400, s1  }
0x376: {  	[tilespmem:s4], [sflag:$0x1] =	stream.linear.gather [hbm4b:s3+s6], $0x80, $0x38;
	[tilespmem:$0x10080] =	vst v63  }
0x377: {  	s11 =	sadd.s32 $0xE400, s1;
	s9 =	smov.u32 s2;
	s8 =	sadd.s32 $0x80, s8  }
0x378: {  	[tilespmem:s11], [sflag:$0x1] =	stream.linear.gather [hbm4b:s10+s6], $0x80, $0x38;
	[tilespmem:$0x10080] =	vst v63  }
0x379: {  	s1 =	sadd.s32 $0x400, s0  }
0x37a: {  	[tilespmem:s1], [sflag:$0x1] =	stream.linear.gather [hbm4b:s8+s6], $0x80, $0x38;
	[tilespmem:$0x10080] =	vst v63  }
0x37b: {  	s3 =	sadd.s32 $0x10, s8;
	s2 =	sadd.s32 $0x2400, s0  }
0x37c: {  	[tilespmem:s2], [sflag:$0x1] =	stream.linear.gather [hbm4b:s3+s6], $0x80, $0x38;
	[tilespmem:$0x10080] =	vst v63  }
0x37d: {  	s4 =	sadd.s32 $0x20, s8;
	s9 =	sadd.s32 $0x4400, s0  }
0x37e: {  	[tilespmem:s9], [sflag:$0x1] =	stream.linear.gather [hbm4b:s4+s6], $0x80, $0x38;
	[tilespmem:$0x10080] =	vst v63  }
0x37f: {  	s10 =	sadd.s32 $0x30, s8;
	s11 =	sadd.s32 $0x6400, s0  }
0x380: {  	[tilespmem:s11], [sflag:$0x1] =	stream.linear.gather [hbm4b:s10+s6], $0x80, $0x38;
	[tilespmem:$0x10080] =	vst v63  }
0x381: {  	s2 =	sadd.s32 $0x40, s8;
	s3 =	sadd.s32 $0x8400, s0  }
0x382: {  	[tilespmem:s3], [sflag:$0x1] =	stream.linear.gather [hbm4b:s2+s6], $0x80, $0x38;
	[tilespmem:$0x10080] =	vst v63  }
0x383: {  	s4 =	sadd.s32 $0x50, s8;
	s9 =	sadd.s32 $0xA400, s0  }
0x384: {  	[tilespmem:s9], [sflag:$0x1] =	stream.linear.gather [hbm4b:s4+s6], $0x80, $0x38;
	[tilespmem:$0x10080] =	vst v63  }
0x385: {  	s10 =	sadd.s32 $0x60, s8;
	s11 =	sadd.s32 $0xC400, s0  }
0x386: {  	[tilespmem:s11], [sflag:$0x1] =	stream.linear.gather [hbm4b:s10+s6], $0x80, $0x38;
	[tilespmem:$0x10080] =	vst v63  }
0x387: {  	s3 =	sadd.s32 $0x70, s8;
	s4 =	sadd.s32 $0xE400, s0  }
0x388: {  	[tilespmem:s4], [sflag:$0x1] =	stream.linear.gather [hbm4b:s3+s6], $0x80, $0x38;
	[tilespmem:$0x10080] =	vst v63  }
0x389: {  	s6 =	simm.s32 $0x1  }
0x38a: {  	_ =	swait.ge [sflag:s6], $0x2000  }
0x38b: {  	[sflag:s6] =	ssyncset.done $0x0  }
0x38c: {  	[sflag:s6] =	ssyncadd.s32 $0xFFFFE000  }
0x38d: {  	_ =	swait.ge [sflag:s6], $0x2000  }
0x38e: {  	[sflag:s6] =	ssyncset.done $0x0  }
0x38f: {  	[sflag:s6] =	ssyncadd.s32 $0xFFFFE000  }
0x390: {  	_ =	swait.ge [sflag:s6], $0x2000  }
0x391: {  	[sflag:s6] =	ssyncset.done $0x0  }
0x392: {  	[sflag:s6] =	ssyncadd.s32 $0xFFFFE000  }
0x393: {  	_ =	swait.ge [sflag:s6], $0x2000  }
0x394: {  	[sflag:s6] =	ssyncset.done $0x0  }
0x395: {  	[sflag:s6] =	ssyncadd.s32 $0xFFFFE000  }
0x396: {  	_ =	swait.ge [sflag:s6], $0x2000  }
0x397: {  	[sflag:s6] =	ssyncset.done $0x0  }
0x398: {  	[sflag:s6] =	ssyncadd.s32 $0xFFFFE000  }
0x399: {  	_ =	swait.ge [sflag:s6], $0x2000  }
0x39a: {  	[sflag:s6] =	ssyncset.done $0x0  }
0x39b: {  	[sflag:s6] =	ssyncadd.s32 $0xFFFFE000  }
0x39c: {  	_ =	swait.ge [sflag:s6], $0x2000  }
0x39d: {  	[sflag:s6] =	ssyncset.done $0x0  }
0x39e: {  	[sflag:s6] =	ssyncadd.s32 $0xFFFFE000  }
0x39f: {  	_ =	swait.ge [sflag:s6], $0x2000  }
0x3a0: {  	[sflag:s6] =	ssyncset.done $0x0  }
0x3a1: {  	s2 =	sld [smem:$0x7B3];
	[sflag:s6] =	ssyncadd.s32 $0xFFFFE000  }
0x3a2: {  	s0 =	sshll.u32 @p3 s5, $0xA;
	s1 =	rddreg [dreg:$0x2]  }
0x3a3: {  	s0 =	sadd.s32 @p3 s1, s0;
	s1 =	simm.s32 @p3 $0x0  }
0x3a4: {  	[hbm4b:s0+s1] =	stream.linear.scatter @p3 [tilespmem:s2], [sflag:$0x2], $0x2000, $0x38;
	[tilespmem:$0x10080] =	vst v63  }
0x3a5: {  	s2 =	sld [smem:$0x7B4]  }
0x3a6: {  	s0 =	sshll.u32 @p2 s5, $0xA;
	s1 =	rddreg [dreg:$0xd]  }
0x3a7: {  	s0 =	sadd.s32 @p2 s0, s1;
	s1 =	simm.s32 @p2 $0x0  }
0x3a8: {  	[hbm4b:s0+s1] =	stream.linear.scatter @p2 [tilespmem:s2], [sflag:$0x2], $0x2000, $0x38;
	[tilespmem:$0x10080] =	vst v63  }
0x3a9: {  	s2 =	sld [smem:$0x7B5]  }
0x3aa: {  	s0 =	sshll.u32 @p1 s5, $0xA;
	s1 =	rddreg [dreg:$0xe]  }
0x3ab: {  	s0 =	sadd.s32 @p1 s0, s1;
	s1 =	simm.s32 @p1 $0x0  }
0x3ac: {  	[hbm4b:s0+s1] =	stream.linear.scatter @p1 [tilespmem:s2], [sflag:$0x2], $0x2000, $0x38;
	[tilespmem:$0x10080] =	vst v63  }
0x3ad: {  	s2 =	sld [smem:$0x7B6]  }
0x3ae: {  	s0 =	sshll.u32 @p0 s5, $0xA;
	s1 =	rddreg [dreg:$0xf]  }
0x3af: {  	s0 =	sadd.s32 @p0 s0, s1;
	s1 =	simm.s32 @p0 $0x0  }
0x3b0: {  	[hbm4b:s0+s1] =	stream.linear.scatter @p0 [tilespmem:s2], [sflag:$0x2], $0x2000, $0x38;
	[tilespmem:$0x10080] =	vst v63  }
0x3b1: {  	s0 =	simm.s32 @!p4 $0x0;
	s1 =	rddreg [dreg:$0x10]  }
0x3b2: {  	s2 =	sld [smem:$0x7B7];
	s0 =	simm.s32 @p4 $0x1  }
0x3b3: {  	[smem:$0x773] =	sst s0;
	s0 =	sshll.u32 @p4 s5, $0xA  }
0x3b4: {  	s8 =	sld [smem:$0x798];
	s0 =	sadd.s32 @p4 s0, s1;
	s1 =	simm.s32 @p4 $0x0  }
0x3b5: {  	[hbm4b:s0+s1] =	stream.linear.scatter @p4 [tilespmem:s2], [sflag:$0x2], $0x2000, $0x38;
	[tilespmem:$0x10080] =	vst v63  }
0x3b6: {  	s0 =	simm.s32 @!p6 $0x0;
	s1 =	rddreg [dreg:$0x11]  }
0x3b7: {  	s2 =	sld [smem:$0x7B8];
	s0 =	simm.s32 @p6 $0x1  }
0x3b8: {  	[smem:$0x774] =	sst s0;
	s0 =	sshll.u32 @p6 s5, $0xA  }
0x3b9: {  	s9 =	sld [smem:$0x796];
	s0 =	sadd.s32 @p6 s0, s1;
	s1 =	simm.s32 @p6 $0x0  }
0x3ba: {  	[hbm4b:s0+s1] =	stream.linear.scatter @p6 [tilespmem:s2], [sflag:$0x2], $0x2000, $0x38;
	[tilespmem:$0x10080] =	vst v63  }
0x3bb: {  	p5 =	seq.s32 s8, $0x1;
	s2 =	sld [smem:$0x7B9]  }
0x3bc: {  	s0 =	sshll.u32 @p5 s5, $0xA;
	s1 =	rddreg [dreg:$0x12]  }
0x3bd: {  	s10 =	sld [smem:$0x795];
	s0 =	sadd.s32 @p5 s0, s1;
	s1 =	simm.s32 @p5 $0x0  }
0x3be: {  	[hbm4b:s0+s1] =	stream.linear.scatter @p5 [tilespmem:s2], [sflag:$0x2], $0x2000, $0x38;
	[tilespmem:$0x10080] =	vst v63  }
0x3bf: {  	p4 =	seq.s32 s9, $0x1;
	s2 =	sld [smem:$0x7BA]  }
0x3c0: {  	s0 =	sshll.u32 @p4 s5, $0xA;
	s1 =	rddreg [dreg:$0x13]  }
0x3c1: {  	s11 =	sld [smem:$0x793];
	s0 =	sadd.s32 @p4 s0, s1;
	s1 =	simm.s32 @p4 $0x0  }
0x3c2: {  	[hbm4b:s0+s1] =	stream.linear.scatter @p4 [tilespmem:s2], [sflag:$0x2], $0x2000, $0x38;
	[tilespmem:$0x10080] =	vst v63  }
0x3c3: {  	p4 =	seq.s32 s10, $0x1;
	s2 =	sld [smem:$0x7BD]  }
0x3c4: {  	s1 =	rddreg [dreg:$0x14];
	s0 =	sshll.u32 @p4 s5, $0xA  }
0x3c5: {  	s0 =	sadd.s32 @p4 s0, s1;
	s1 =	simm.s32 @p4 $0x0  }
0x3c6: {  	[hbm4b:s0+s1] =	stream.linear.scatter @p4 [tilespmem:s2], [sflag:$0x2], $0x2000, $0x38;
	[tilespmem:$0x10080] =	vst v63  }
0x3c7: {  	p4 =	seq.s32 s11, $0x1;
	s2 =	sld [smem:$0x7BE]  }
0x3c8: {  	s1 =	rddreg [dreg:$0x15];
	s0 =	sshll.u32 @p4 s5, $0xA  }
0x3c9: {  	s0 =	sadd.s32 @p4 s0, s1;
	s1 =	simm.s32 @p4 $0x0  }
0x3ca: {  	[hbm4b:s0+s1] =	stream.linear.scatter @p4 [tilespmem:s2], [sflag:$0x2], $0x2000, $0x38;
	[tilespmem:$0x10080] =	vst v63  }
0x3cb: {  	s1 =	sld [smem:$0x792];
	_ =	sdelay $0x2  }
0x3cc: {  	s2 =	sld [smem:$0x7BF];
	p4 =	seq.s32 s1, $0x1  }
0x3cd: {  	s1 =	rddreg [dreg:$0x17];
	s0 =	sshll.u32 @p4 s5, $0xA  }
0x3ce: {  	s0 =	sadd.s32 @p4 s0, s1;
	s1 =	simm.s32 @p4 $0x0  }
0x3cf: {  	[hbm4b:s0+s1] =	stream.linear.scatter @p4 [tilespmem:s2], [sflag:$0x2], $0x2000, $0x38;
	[tilespmem:$0x10080] =	vst v63  }
0x3d0: {  	s2 =	sld [smem:$0x790];
	_ =	sdelay $0x1  }
0x3d1: {  	s3 =	sld [smem:$0x78F]  }
0x3d2: {  	p4 =	seq.s32 s2, $0x1;
	s2 =	sld [smem:$0x7C0]  }
0x3d3: {  	s1 =	rddreg [dreg:$0x18];
	s0 =	sshll.u32 @p4 s5, $0xA  }
0x3d4: {  	s4 =	sld [smem:$0x78D];
	s0 =	sadd.s32 @p4 s0, s1;
	s1 =	simm.s32 @p4 $0x0  }
0x3d5: {  	[hbm4b:s0+s1] =	stream.linear.scatter @p4 [tilespmem:s2], [sflag:$0x2], $0x2000, $0x38;
	[tilespmem:$0x10080] =	vst v63  }
0x3d6: {  	p4 =	seq.s32 s3, $0x1;
	s2 =	sld [smem:$0x7C1]  }
0x3d7: {  	s1 =	rddreg [dreg:$0x19];
	s0 =	sshll.u32 @p4 s5, $0xA  }
0x3d8: {  	s6 =	sld [smem:$0x78C];
	s0 =	sadd.s32 @p4 s0, s1;
	s1 =	simm.s32 @p4 $0x0  }
0x3d9: {  	[hbm4b:s0+s1] =	stream.linear.scatter @p4 [tilespmem:s2], [sflag:$0x2], $0x2000, $0x38;
	[tilespmem:$0x10080] =	vst v63  }
0x3da: {  	p4 =	seq.s32 s4, $0x1;
	s2 =	sld [smem:$0x7C2]  }
0x3db: {  	s1 =	rddreg [dreg:$0x1a];
	s0 =	sshll.u32 @p4 s5, $0xA  }
0x3dc: {  	s8 =	sld [smem:$0x78A];
	s0 =	sadd.s32 @p4 s0, s1;
	s1 =	simm.s32 @p4 $0x0  }
0x3dd: {  	[hbm4b:s0+s1] =	stream.linear.scatter @p4 [tilespmem:s2], [sflag:$0x2], $0x2000, $0x38;
	[tilespmem:$0x10080] =	vst v63  }
0x3de: {  	p4 =	seq.s32 s6, $0x1;
	s2 =	sld [smem:$0x7C4]  }
0x3df: {  	s1 =	rddreg [dreg:$0x1b];
	s0 =	sshll.u32 @p4 s5, $0xA  }
0x3e0: {  	s9 =	sld [smem:$0x789];
	s0 =	sadd.s32 @p4 s0, s1;
	s1 =	simm.s32 @p4 $0x0  }
0x3e1: {  	[hbm4b:s0+s1] =	stream.linear.scatter @p4 [tilespmem:s2], [sflag:$0x2], $0x2000, $0x38;
	[tilespmem:$0x10080] =	vst v63  }
0x3e2: {  	p4 =	seq.s32 s8, $0x1;
	s2 =	sld [smem:$0x7C5]  }
0x3e3: {  	s1 =	rddreg [dreg:$0x1c];
	s0 =	sshll.u32 @p4 s5, $0xA  }
0x3e4: {  	s10 =	sld [smem:$0x787];
	s0 =	sadd.s32 @p4 s0, s1;
	s1 =	simm.s32 @p4 $0x0  }
0x3e5: {  	[hbm4b:s0+s1] =	stream.linear.scatter @p4 [tilespmem:s2], [sflag:$0x2], $0x2000, $0x38;
	[tilespmem:$0x10080] =	vst v63  }
0x3e6: {  	p4 =	seq.s32 s9, $0x1;
	s2 =	sld [smem:$0x7C6]  }
0x3e7: {  	s1 =	rddreg [dreg:$0x1d];
	s0 =	sshll.u32 @p4 s5, $0xA  }
0x3e8: {  	s11 =	sld [smem:$0x786];
	s0 =	sadd.s32 @p4 s0, s1;
	s1 =	simm.s32 @p4 $0x0  }
0x3e9: {  	[hbm4b:s0+s1] =	stream.linear.scatter @p4 [tilespmem:s2], [sflag:$0x2], $0x2000, $0x38;
	[tilespmem:$0x10080] =	vst v63  }
0x3ea: {  	p4 =	seq.s32 s10, $0x1;
	s2 =	sld [smem:$0x7C7]  }
0x3eb: {  	s1 =	rddreg [dreg:$0x1e];
	s0 =	sshll.u32 @p4 s5, $0xA  }
0x3ec: {  	s0 =	sadd.s32 @p4 s0, s1;
	s1 =	simm.s32 @p4 $0x0  }
0x3ed: {  	[hbm4b:s0+s1] =	stream.linear.scatter @p4 [tilespmem:s2], [sflag:$0x2], $0x2000, $0x38;
	[tilespmem:$0x10080] =	vst v63  }
0x3ee: {  	p4 =	seq.s32 s11, $0x1;
	s2 =	sld [smem:$0x7C8]  }
0x3ef: {  	s1 =	rddreg [dreg:$0x1f];
	s0 =	sshll.u32 @p4 s5, $0xA  }
0x3f0: {  	s0 =	sadd.s32 @p4 s0, s1;
	s1 =	simm.s32 @p4 $0x0  }
0x3f1: {  	[hbm4b:s0+s1] =	stream.linear.scatter @p4 [tilespmem:s2], [sflag:$0x2], $0x2000, $0x38;
	[tilespmem:$0x10080] =	vst v63  }
0x3f2: {  	s1 =	sld [smem:$0x784];
	_ =	sdelay $0x2  }
0x3f3: {  	p4 =	seq.s32 s1, $0x1;
	s1 =	sld [smem:$0x7F1]  }
0x3f4: {  	s2 =	sld [smem:$0x7C9]  }
0x3f5: {  	s0 =	sshll.u32 @p4 s5, $0xA  }
0x3f6: {  	s0 =	sadd.s32 @p4 s0, s1;
	s1 =	simm.s32 @p4 $0x0  }
0x3f7: {  	[hbm4b:s0+s1] =	stream.linear.scatter @p4 [tilespmem:s2], [sflag:$0x2], $0x2000, $0x38;
	[tilespmem:$0x10080] =	vst v63  }
0x3f8: {  	s2 =	sld [smem:$0x783];
	_ =	sdelay $0x1  }
0x3f9: {  	s1 =	sld [smem:$0x7F2]  }
0x3fa: {  	p4 =	seq.s32 s2, $0x1;
	s2 =	sld [smem:$0x7CD]  }
0x3fb: {  	s0 =	sshll.u32 @p4 s5, $0xA  }
0x3fc: {  	s3 =	sld [smem:$0x781];
	s0 =	sadd.s32 @p4 s0, s1;
	s1 =	simm.s32 @p4 $0x0  }
0x3fd: {  	[hbm4b:s0+s1] =	stream.linear.scatter @p4 [tilespmem:s2], [sflag:$0x2], $0x2000, $0x38;
	[tilespmem:$0x10080] =	vst v63  }
0x3fe: {  	s1 =	sld [smem:$0x7F3]  }
0x3ff: {  	p4 =	seq.s32 s3, $0x1;
	s2 =	sld [smem:$0x7CE]  }
0x400: {  	s0 =	sshll.u32 @p4 s5, $0xA  }
0x401: {  	s4 =	sld [smem:$0x780];
	s0 =	sadd.s32 @p4 s0, s1;
	s1 =	simm.s32 @p4 $0x0  }
0x402: {  	[hbm4b:s0+s1] =	stream.linear.scatter @p4 [tilespmem:s2], [sflag:$0x2], $0x2000, $0x38;
	[tilespmem:$0x10080] =	vst v63  }
0x403: {  	s1 =	sld [smem:$0x7F4]  }
0x404: {  	p5 =	seq.s32 s4, $0x1;
	s2 =	sld [smem:$0x7CF]  }
0x405: {  	s0 =	sshll.u32 @p5 s5, $0xA  }
0x406: {  	s6 =	sld [smem:$0x77E];
	s0 =	sadd.s32 @p5 s0, s1;
	s1 =	simm.s32 @p5 $0x0  }
0x407: {  	[hbm4b:s0+s1] =	stream.linear.scatter @p5 [tilespmem:s2], [sflag:$0x2], $0x2000, $0x38;
	[tilespmem:$0x10080] =	vst v63  }
0x408: {  	s1 =	sld [smem:$0x7F5]  }
0x409: {  	p4 =	seq.s32 s6, $0x1;
	s2 =	sld [smem:$0x7D2]  }
0x40a: {  	s0 =	sshll.u32 @p4 s5, $0xA  }
0x40b: {  	s8 =	sld [smem:$0x77D];
	s0 =	sadd.s32 @p4 s0, s1;
	s1 =	simm.s32 @p4 $0x0  }
0x40c: {  	[hbm4b:s0+s1] =	stream.linear.scatter @p4 [tilespmem:s2], [sflag:$0x2], $0x2000, $0x38;
	[tilespmem:$0x10080] =	vst v63  }
0x40d: {  	s1 =	sld [smem:$0x7F6]  }
0x40e: {  	p4 =	seq.s32 s8, $0x1;
	s2 =	sld [smem:$0x7D3]  }
0x40f: {  	s0 =	sshll.u32 @p4 s5, $0xA  }
0x410: {  	s9 =	sld [smem:$0x77B];
	s0 =	sadd.s32 @p4 s0, s1;
	s1 =	simm.s32 @p4 $0x0  }
0x411: {  	[hbm4b:s0+s1] =	stream.linear.scatter @p4 [tilespmem:s2], [sflag:$0x2], $0x2000, $0x38;
	[tilespmem:$0x10080] =	vst v63  }
0x412: {  	s1 =	sld [smem:$0x7F7]  }
0x413: {  	p4 =	seq.s32 s9, $0x1;
	s2 =	sld [smem:$0x7D4]  }
0x414: {  	s0 =	sshll.u32 @p4 s5, $0xA  }
0x415: {  	s10 =	sld [smem:$0x77A];
	s0 =	sadd.s32 @p4 s0, s1;
	s1 =	simm.s32 @p4 $0x0  }
0x416: {  	[hbm4b:s0+s1] =	stream.linear.scatter @p4 [tilespmem:s2], [sflag:$0x2], $0x2000, $0x38;
	[tilespmem:$0x10080] =	vst v63  }
0x417: {  	s1 =	sld [smem:$0x7F8]  }
0x418: {  	p4 =	seq.s32 s10, $0x1;
	s2 =	sld [smem:$0x7D8]  }
0x419: {  	s0 =	sshll.u32 @p4 s5, $0xA  }
0x41a: {  	s11 =	sld [smem:$0x779];
	s0 =	sadd.s32 @p4 s0, s1;
	s1 =	simm.s32 @p4 $0x0  }
0x41b: {  	[hbm4b:s0+s1] =	stream.linear.scatter @p4 [tilespmem:s2], [sflag:$0x2], $0x2000, $0x38;
	[tilespmem:$0x10080] =	vst v63  }
0x41c: {  	s1 =	sld [smem:$0x7F9]  }
0x41d: {  	p4 =	seq.s32 s11, $0x1;
	s2 =	sld [smem:$0x7D9]  }
0x41e: {  	s0 =	sshll.u32 @p4 s5, $0xA  }
0x41f: {  	s0 =	sadd.s32 @p4 s0, s1;
	s1 =	simm.s32 @p4 $0x0  }
0x420: {  	[hbm4b:s0+s1] =	stream.linear.scatter @p4 [tilespmem:s2], [sflag:$0x2], $0x2000, $0x38;
	[tilespmem:$0x10080] =	vst v63  }
0x421: {  	s1 =	sld [smem:$0x778];
	_ =	sdelay $0x2  }
0x422: {  	p6 =	seq.s32 s1, $0x1;
	s1 =	sld [smem:$0x7FA]  }
0x423: {  	s2 =	sld [smem:$0x7DA]  }
0x424: {  	s0 =	sshll.u32 @p6 s5, $0xA  }
0x425: {  	s0 =	sadd.s32 @p6 s0, s1;
	s1 =	simm.s32 @p6 $0x0  }
0x426: {  	[hbm4b:s0+s1] =	stream.linear.scatter @p6 [tilespmem:s2], [sflag:$0x2], $0x2000, $0x38;
	[tilespmem:$0x10080] =	vst v63  }
0x427: {  	s2 =	sld [smem:$0x777];
	_ =	sdelay $0x1  }
0x428: {  	s1 =	sld [smem:$0x7FB]  }
0x429: {  	p4 =	seq.s32 s2, $0x1;
	s2 =	sld [smem:$0x7DC]  }
0x42a: {  	s0 =	sshll.u32 @p4 s5, $0xA  }
0x42b: {  	s3 =	sld [smem:$0x775];
	s0 =	sadd.s32 @p4 s0, s1;
	s1 =	simm.s32 @p4 $0x0  }
0x42c: {  	[hbm4b:s0+s1] =	stream.linear.scatter @p4 [tilespmem:s2], [sflag:$0x2], $0x2000, $0x38;
	[tilespmem:$0x10080] =	vst v63  }
0x42d: {  	s1 =	sld [smem:$0x7FC]  }
0x42e: {  	p4 =	seq.s32 s3, $0x1;
	s2 =	sld [smem:$0x7DE]  }
0x42f: {  	s0 =	sshll.u32 @p4 s5, $0xA  }
0x430: {  	s4 =	sld [smem:$0x776];
	s0 =	sadd.s32 @p4 s0, s1;
	s1 =	simm.s32 @p4 $0x0  }
0x431: {  	[hbm4b:s0+s1] =	stream.linear.scatter @p4 [tilespmem:s2], [sflag:$0x2], $0x2000, $0x38;
	[tilespmem:$0x10080] =	vst v63  }
0x432: {  	s1 =	sld [smem:$0x7FD]  }
0x433: {  	p4 =	seq.s32 s4, $0x1;
	s2 =	sld [smem:$0x7DF]  }
0x434: {  	s0 =	sshll.u32 @p4 s5, $0xA  }
0x435: {  	s0 =	sadd.s32 @p4 s0, s1;
	s1 =	simm.s32 @p4 $0x0  }
0x436: {  	[hbm4b:s0+s1] =	stream.linear.scatter @p4 [tilespmem:s2], [sflag:$0x2], $0x2000, $0x38;
	[tilespmem:$0x10080] =	vst v63  }
0x437: {  	s0 =	simm.s32 @p3 $0x2  }
0x438: {  	_ =	swait.ge @p3 [sflag:s0], $0x2000  }
0x439: {  	[sflag:s0] =	ssyncset.done @p3 $0x0  }
0x43a: {  	[sflag:s0] =	ssyncadd.s32 @p3 $0xFFFFE000;
	s0 =	simm.s32 @p2 $0x2  }
0x43b: {  	_ =	swait.ge @p2 [sflag:s0], $0x2000  }
0x43c: {  	[sflag:s0] =	ssyncset.done @p2 $0x0  }
0x43d: {  	[sflag:s0] =	ssyncadd.s32 @p2 $0xFFFFE000;
	s0 =	simm.s32 @p1 $0x2  }
0x43e: {  	_ =	swait.ge @p1 [sflag:s0], $0x2000  }
0x43f: {  	[sflag:s0] =	ssyncset.done @p1 $0x0  }
0x440: {  	[sflag:s0] =	ssyncadd.s32 @p1 $0xFFFFE000;
	s0 =	simm.s32 @p0 $0x2  }
0x441: {  	_ =	swait.ge @p0 [sflag:s0], $0x2000  }
0x442: {  	s6 =	sld [smem:$0x773];
	_ =	sdelay $0x1  }
0x443: {  	[sflag:s0] =	ssyncset.done @p0 $0x0  }
0x444: {  	[sflag:s0] =	ssyncadd.s32 @p0 $0xFFFFE000;
	p0 =	seq.s32 s6, $0x1  }
0x445: {  	s0 =	simm.s32 @p0 $0x2  }
0x446: {  	_ =	swait.ge @p0 [sflag:s0], $0x2000  }
0x447: {  	s8 =	sld [smem:$0x774];
	_ =	sdelay $0x1  }
0x448: {  	[sflag:s0] =	ssyncset.done @p0 $0x0  }
0x449: {  	[sflag:s0] =	ssyncadd.s32 @p0 $0xFFFFE000;
	p0 =	seq.s32 s8, $0x1  }
0x44a: {  	s0 =	simm.s32 @p0 $0x2  }
0x44b: {  	_ =	swait.ge @p0 [sflag:s0], $0x2000  }
0x44c: {  	s9 =	sld [smem:$0x798];
	_ =	sdelay $0x1  }
0x44d: {  	[sflag:s0] =	ssyncset.done @p0 $0x0  }
0x44e: {  	[sflag:s0] =	ssyncadd.s32 @p0 $0xFFFFE000;
	p0 =	seq.s32 s9, $0x1  }
0x44f: {  	s0 =	simm.s32 @p0 $0x2  }
0x450: {  	_ =	swait.ge @p0 [sflag:s0], $0x2000  }
0x451: {  	s10 =	sld [smem:$0x796];
	_ =	sdelay $0x1  }
0x452: {  	[sflag:s0] =	ssyncset.done @p0 $0x0  }
0x453: {  	[sflag:s0] =	ssyncadd.s32 @p0 $0xFFFFE000;
	p0 =	seq.s32 s10, $0x1  }
0x454: {  	s0 =	simm.s32 @p0 $0x2  }
0x455: {  	_ =	swait.ge @p0 [sflag:s0], $0x2000  }
0x456: {  	s11 =	sld [smem:$0x795];
	_ =	sdelay $0x1  }
0x457: {  	[sflag:s0] =	ssyncset.done @p0 $0x0  }
0x458: {  	[sflag:s0] =	ssyncadd.s32 @p0 $0xFFFFE000;
	p0 =	seq.s32 s11, $0x1  }
0x459: {  	s0 =	simm.s32 @p0 $0x2  }
0x45a: {  	_ =	swait.ge @p0 [sflag:s0], $0x2000  }
0x45b: {  	s1 =	sld [smem:$0x793];
	_ =	sdelay $0x1  }
0x45c: {  	[sflag:s0] =	ssyncset.done @p0 $0x0  }
0x45d: {  	[sflag:s0] =	ssyncadd.s32 @p0 $0xFFFFE000;
	p0 =	seq.s32 s1, $0x1  }
0x45e: {  	s0 =	simm.s32 @p0 $0x2  }
0x45f: {  	_ =	swait.ge @p0 [sflag:s0], $0x2000  }
0x460: {  	s2 =	sld [smem:$0x792];
	_ =	sdelay $0x1  }
0x461: {  	[sflag:s0] =	ssyncset.done @p0 $0x0  }
0x462: {  	[sflag:s0] =	ssyncadd.s32 @p0 $0xFFFFE000;
	p0 =	seq.s32 s2, $0x1  }
0x463: {  	s0 =	simm.s32 @p0 $0x2  }
0x464: {  	_ =	swait.ge @p0 [sflag:s0], $0x2000  }
0x465: {  	s3 =	sld [smem:$0x790];
	_ =	sdelay $0x1  }
0x466: {  	[sflag:s0] =	ssyncset.done @p0 $0x0  }
0x467: {  	[sflag:s0] =	ssyncadd.s32 @p0 $0xFFFFE000;
	p0 =	seq.s32 s3, $0x1  }
0x468: {  	s0 =	simm.s32 @p0 $0x2  }
0x469: {  	_ =	swait.ge @p0 [sflag:s0], $0x2000  }
0x46a: {  	s4 =	sld [smem:$0x78F];
	_ =	sdelay $0x1  }
0x46b: {  	[sflag:s0] =	ssyncset.done @p0 $0x0  }
0x46c: {  	[sflag:s0] =	ssyncadd.s32 @p0 $0xFFFFE000;
	p0 =	seq.s32 s4, $0x1  }
0x46d: {  	s0 =	simm.s32 @p0 $0x2  }
0x46e: {  	_ =	swait.ge @p0 [sflag:s0], $0x2000  }
0x46f: {  	s5 =	sld [smem:$0x78D];
	_ =	sdelay $0x1  }
0x470: {  	[sflag:s0] =	ssyncset.done @p0 $0x0  }
0x471: {  	[sflag:s0] =	ssyncadd.s32 @p0 $0xFFFFE000;
	p0 =	seq.s32 s5, $0x1  }
0x472: {  	s0 =	simm.s32 @p0 $0x2  }
0x473: {  	_ =	swait.ge @p0 [sflag:s0], $0x2000  }
0x474: {  	s6 =	sld [smem:$0x78C];
	_ =	sdelay $0x1  }
0x475: {  	[sflag:s0] =	ssyncset.done @p0 $0x0  }
0x476: {  	[sflag:s0] =	ssyncadd.s32 @p0 $0xFFFFE000;
	p0 =	seq.s32 s6, $0x1  }
0x477: {  	s0 =	simm.s32 @p0 $0x2  }
0x478: {  	_ =	swait.ge @p0 [sflag:s0], $0x2000  }
0x479: {  	s8 =	sld [smem:$0x78A];
	_ =	sdelay $0x1  }
0x47a: {  	[sflag:s0] =	ssyncset.done @p0 $0x0  }
0x47b: {  	[sflag:s0] =	ssyncadd.s32 @p0 $0xFFFFE000;
	p0 =	seq.s32 s8, $0x1  }
0x47c: {  	s0 =	simm.s32 @p0 $0x2  }
0x47d: {  	_ =	swait.ge @p0 [sflag:s0], $0x2000  }
0x47e: {  	s9 =	sld [smem:$0x789];
	_ =	sdelay $0x1  }
0x47f: {  	[sflag:s0] =	ssyncset.done @p0 $0x0  }
0x480: {  	[sflag:s0] =	ssyncadd.s32 @p0 $0xFFFFE000;
	p0 =	seq.s32 s9, $0x1  }
0x481: {  	s0 =	simm.s32 @p0 $0x2  }
0x482: {  	_ =	swait.ge @p0 [sflag:s0], $0x2000  }
0x483: {  	s10 =	sld [smem:$0x787];
	_ =	sdelay $0x1  }
0x484: {  	[sflag:s0] =	ssyncset.done @p0 $0x0  }
0x485: {  	[sflag:s0] =	ssyncadd.s32 @p0 $0xFFFFE000;
	p0 =	seq.s32 s10, $0x1  }
0x486: {  	s0 =	simm.s32 @p0 $0x2  }
0x487: {  	_ =	swait.ge @p0 [sflag:s0], $0x2000  }
0x488: {  	s11 =	sld [smem:$0x786];
	_ =	sdelay $0x1  }
0x489: {  	[sflag:s0] =	ssyncset.done @p0 $0x0  }
0x48a: {  	[sflag:s0] =	ssyncadd.s32 @p0 $0xFFFFE000;
	p0 =	seq.s32 s11, $0x1  }
0x48b: {  	s0 =	simm.s32 @p0 $0x2  }
0x48c: {  	_ =	swait.ge @p0 [sflag:s0], $0x2000  }
0x48d: {  	s1 =	sld [smem:$0x784];
	_ =	sdelay $0x1  }
0x48e: {  	[sflag:s0] =	ssyncset.done @p0 $0x0  }
0x48f: {  	[sflag:s0] =	ssyncadd.s32 @p0 $0xFFFFE000;
	p0 =	seq.s32 s1, $0x1  }
0x490: {  	s0 =	simm.s32 @p0 $0x2  }
0x491: {  	_ =	swait.ge @p0 [sflag:s0], $0x2000  }
0x492: {  	s2 =	sld [smem:$0x783];
	_ =	sdelay $0x1  }
0x493: {  	[sflag:s0] =	ssyncset.done @p0 $0x0  }
0x494: {  	[sflag:s0] =	ssyncadd.s32 @p0 $0xFFFFE000;
	p0 =	seq.s32 s2, $0x1  }
0x495: {  	s0 =	simm.s32 @p0 $0x2  }
0x496: {  	_ =	swait.ge @p0 [sflag:s0], $0x2000  }
0x497: {  	s3 =	sld [smem:$0x781];
	_ =	sdelay $0x1  }
0x498: {  	[sflag:s0] =	ssyncset.done @p0 $0x0  }
0x499: {  	[sflag:s0] =	ssyncadd.s32 @p0 $0xFFFFE000;
	p0 =	seq.s32 s3, $0x1  }
0x49a: {  	s0 =	simm.s32 @p0 $0x2  }
0x49b: {  	_ =	swait.ge @p0 [sflag:s0], $0x2000  }
0x49c: {  	[sflag:s0] =	ssyncset.done @p0 $0x0  }
0x49d: {  	[sflag:s0] =	ssyncadd.s32 @p0 $0xFFFFE000;
	s0 =	simm.s32 @p5 $0x2  }
0x49e: {  	_ =	swait.ge @p5 [sflag:s0], $0x2000  }
0x49f: {  	s4 =	sld [smem:$0x77E];
	_ =	sdelay $0x2  }
0x4a0: {  	[sflag:s0] =	ssyncset.done @p5 $0x0;
	p0 =	seq.s32 s4, $0x1  }
0x4a1: {  	[sflag:s0] =	ssyncadd.s32 @p5 $0xFFFFE000;
	s0 =	simm.s32 @p0 $0x2  }
0x4a2: {  	_ =	swait.ge @p0 [sflag:s0], $0x2000  }
0x4a3: {  	s5 =	sld [smem:$0x77D];
	_ =	sdelay $0x1  }
0x4a4: {  	[sflag:s0] =	ssyncset.done @p0 $0x0  }
0x4a5: {  	[sflag:s0] =	ssyncadd.s32 @p0 $0xFFFFE000;
	p0 =	seq.s32 s5, $0x1  }
0x4a6: {  	s0 =	simm.s32 @p0 $0x2  }
0x4a7: {  	_ =	swait.ge @p0 [sflag:s0], $0x2000  }
0x4a8: {  	s6 =	sld [smem:$0x77B];
	_ =	sdelay $0x1  }
0x4a9: {  	[sflag:s0] =	ssyncset.done @p0 $0x0  }
0x4aa: {  	[sflag:s0] =	ssyncadd.s32 @p0 $0xFFFFE000;
	p0 =	seq.s32 s6, $0x1  }
0x4ab: {  	s0 =	simm.s32 @p0 $0x2  }
0x4ac: {  	_ =	swait.ge @p0 [sflag:s0], $0x2000  }
0x4ad: {  	s8 =	sld [smem:$0x77A];
	_ =	sdelay $0x1  }
0x4ae: {  	[sflag:s0] =	ssyncset.done @p0 $0x0  }
0x4af: {  	[sflag:s0] =	ssyncadd.s32 @p0 $0xFFFFE000;
	p0 =	seq.s32 s8, $0x1  }
0x4b0: {  	s0 =	simm.s32 @p0 $0x2  }
0x4b1: {  	_ =	swait.ge @p0 [sflag:s0], $0x2000  }
0x4b2: {  	s9 =	sld [smem:$0x779];
	_ =	sdelay $0x1  }
0x4b3: {  	[sflag:s0] =	ssyncset.done @p0 $0x0  }
0x4b4: {  	[sflag:s0] =	ssyncadd.s32 @p0 $0xFFFFE000;
	p0 =	seq.s32 s9, $0x1  }
0x4b5: {  	s0 =	simm.s32 @p0 $0x2  }
0x4b6: {  	_ =	swait.ge @p0 [sflag:s0], $0x2000  }
0x4b7: {  	[sflag:s0] =	ssyncset.done @p0 $0x0  }
0x4b8: {  	[sflag:s0] =	ssyncadd.s32 @p0 $0xFFFFE000;
	s0 =	simm.s32 @p6 $0x2  }
0x4b9: {  	_ =	swait.ge @p6 [sflag:s0], $0x2000  }
0x4ba: {  	s10 =	sld [smem:$0x777];
	_ =	sdelay $0x2  }
0x4bb: {  	[sflag:s0] =	ssyncset.done @p6 $0x0;
	p0 =	seq.s32 s10, $0x1  }
0x4bc: {  	[sflag:s0] =	ssyncadd.s32 @p6 $0xFFFFE000;
	s0 =	simm.s32 @p0 $0x2  }
0x4bd: {  	_ =	swait.ge @p0 [sflag:s0], $0x2000  }
0x4be: {  	s11 =	sld [smem:$0x775];
	_ =	sdelay $0x1  }
0x4bf: {  	[sflag:s0] =	ssyncset.done @p0 $0x0  }
0x4c0: {  	[sflag:s0] =	ssyncadd.s32 @p0 $0xFFFFE000;
	p0 =	seq.s32 s11, $0x1  }
0x4c1: {  	s0 =	simm.s32 @p0 $0x2  }
0x4c2: {  	_ =	swait.ge @p0 [sflag:s0], $0x2000  }
0x4c3: {  	[sflag:s0] =	ssyncset.done @p0 $0x0  }
0x4c4: {  	[sflag:s0] =	ssyncadd.s32 @p0 $0xFFFFE000;
	s0 =	simm.s32 @p4 $0x2  }
0x4c5: {  	_ =	swait.ge @p4 [sflag:s0], $0x2000  }
0x4c6: {  	s6 =	rddreg [dreg:$0x4]  }
0x4c7: {  	s31 =	sld [smem:$0x7E1]  }
0x4c8: {  	s1 =	sld [smem:$0x7E0]  }
0x4c9: {  	s2 =	sld [smem:$0x7DD]  }
0x4ca: {  	s3 =	sld [smem:$0x7BC]  }
.Ltmp13:
0x4cb: {  	s4 =	sld [smem:$0x7BB];
	(pc) =	sbr.rel .LBB2_20-.Ltmp13, $4  }
0x4cc: {  	s8 =	sld [smem:$0x7C3]  }
0x4cd: {  	s9 =	sld [smem:$0x7D5]  }
0x4ce: {  	[sflag:s0] =	ssyncset.done @p4 $0x0;
	s10 =	sld [smem:$0x7D6]  }
0x4cf: {  	s11 =	sld [smem:$0x7D7];
	[sflag:s0] =	ssyncadd.s32 @p4 $0xFFFFE000  }
.LBB2_22:
0x4d0: {  	_ =	sfence.sel $0x180000  }
0x4d1: {  	[bflag:$0x0] =	sbarrier.arrive $0xFFFF  }
0x4d2: {  	_ =	strace $0x90000047  }
0x4d3: {  	s0 =	stileid.u32;
	[bflag:$0x2] =	sbarrier.arrive $0xFFFF  }
0x4d4: {  	p0 =	sne.s32 s0, $0x0;
	s0 =	rddreg [dreg:$0x3]  }
0x4d5: {  	s0 =	sadd.s32 @!p0 $0x100000, s0  }
0x4d6: {  	[sflag:s0] =	ssyncadd.tile.s32 @!p0 $0x1;
	_ =	shalt  }
.Lfunc_end2:
_tile_overlayer_lowered:
.L_overlay_start_2:
0x4d7: {  	(tag) =	ssettag $0x2  }
0x4d8: {  	s0 =	rddreg [dreg:$0x0];
	s2 =	stileid.u32  }
0x4d9: {  	s1 =	rddreg [dreg:$0x1];
	p0 =	sne.s32 s2, $0x0  }
0x4da: {  	s3 =	rddreg [dreg:$0x2];
	[bflag:$0x3] =	sbarrier.arrive $0xFFFF;
	s2 =	simm.s32 @!p0 $0x1C03  }
0x4db: {  	[timem:s3], [sflag:s2] =	dma.local @!p0 [hbm:s0], s1  }
0x4dc: {  	s0 =	simm.s32 @!p0 $0x3  }
0x4dd: {  	_ =	swait.ge @!p0 [sflag:s0], s1  }
0x4de: {  	s1 =	ssub.s32 @!p0 $0x0, s1;
	[sflag:s0] =	ssyncset.done @!p0 $0x0  }
0x4df: {  	[sflag:s0] =	ssyncadd.s32 @!p0 s1  }
0x4e0: {  	[bflag:$0x3] =	sbarrier.arrive $0xFFFF  }
0x4e1: {  	_ =	shalt  }

</sc_bundles>
